<compile_context>
chip_gen: v7x
topology: tpu7x:2x2x1
jax: 0.10.2.dev20260603
libtpu: 0.0.44.dev20260713+nightly
codegen_flags: <defaults>
</compile_context>

<pallas_src>
import functools

import jax
import jax.numpy as jnp
from jax import lax
from jax.experimental import pallas as pl
from jax.experimental.pallas import tpu as pltpu
from jax.experimental.pallas import tpu_sc as plsc

N_NODES = 10000
HIDDEN = 128
K_HOPS = 10
ALPHA = 0.1

_NC = 2
_NS = 16
_NW = _NC * _NS


def _make_propagate(n_edges: int, batch: int = 80):
    assert n_edges % _NW == 0
    e_per_w = n_edges // _NW
    assert e_per_w % batch == 0 and batch % 8 == 0 and batch <= 128
    n_batches = e_per_w // batch
    rows_per_sub = (N_NODES // _NS) // 8 * 8
    rows_rem = N_NODES - _NS * rows_per_sub

    mesh = plsc.VectorSubcoreMesh(core_axis_name="c", subcore_axis_name="s",
                                  num_cores=_NC, num_subcores=_NS)

    @functools.partial(
        pl.kernel,
        out_type=jax.ShapeDtypeStruct((_NC, N_NODES, HIDDEN), jnp.float32),
        mesh=mesh,
        scratch_types=[
            pltpu.VMEM((batch,), jnp.int32),
            pltpu.VMEM((batch,), jnp.int32),
            pltpu.VMEM((batch, HIDDEN), jnp.float32),
            pltpu.VMEM_SHARED((N_NODES, HIDDEN), jnp.float32),
            pltpu.SemaphoreType.DMA,
        ],
    )
    def propagate(p_hbm, src_hbm, dst_hbm, zeros_hbm, out_hbm,
                  src_v, dst_v, rows_v, acc_sh, sem):
        cid = lax.axis_index("c")
        sid = lax.axis_index("s")
        wid = sid * _NC + cid
        base = wid * e_per_w

        r0 = pl.multiple_of(sid * rows_per_sub, 8)
        rr = _NS * rows_per_sub
        pltpu.sync_copy(zeros_hbm.at[pl.ds(r0, rows_per_sub)],
                        acc_sh.at[pl.ds(r0, rows_per_sub)])
        @pl.when(sid == 0)
        def _():
            pltpu.sync_copy(zeros_hbm.at[pl.ds(rr, rows_rem)],
                            acc_sh.at[pl.ds(rr, rows_rem)])
        plsc.subcore_barrier()

        def body(b, carry):
            off = pl.multiple_of(base + b * batch, 8)
            pltpu.sync_copy(src_hbm.at[pl.ds(off, batch)], src_v)
            pltpu.sync_copy(dst_hbm.at[pl.ds(off, batch)], dst_v)
            pltpu.async_copy(p_hbm.at[src_v], rows_v, sem).wait()
            pltpu.sync_copy(rows_v, acc_sh.at[dst_v], add=True)
            return carry

        lax.fori_loop(0, n_batches, body, 0, unroll=False)
        plsc.subcore_barrier()
        pltpu.sync_copy(acc_sh.at[pl.ds(r0, rows_per_sub)],
                        out_hbm.at[cid, pl.ds(r0, rows_per_sub)])
        @pl.when(sid == 0)
        def _():
            pltpu.sync_copy(acc_sh.at[pl.ds(rr, rows_rem)],
                            out_hbm.at[cid, pl.ds(rr, rows_rem)])

    return propagate


_BI = 1000


def _prep_body(x_ref, w_ref, b_ref, d2_ref, h0_ref, p0_ref, dinv_ref):
    h0 = lax.dot_general(x_ref[...], w_ref[...],
                         (((1,), (1,)), ((), ())),
                         preferred_element_type=jnp.float32,
                         precision=lax.Precision.HIGHEST)
    h0 = h0 + b_ref[...]
    deg = d2_ref[0, :, 0:1] + d2_ref[1, :, 0:1] + 1.0
    dinv = lax.rsqrt(deg)
    h0_ref[...] = h0
    p0_ref[...] = dinv * h0
    dinv_ref[...] = dinv


def _tc_prep(x, W, b, deg2):
    grid = (N_NODES // _BI,)
    return pl.pallas_call(
        _prep_body,
        grid=grid,
        in_specs=[
            pl.BlockSpec((_BI, HIDDEN), lambda i: (i, 0)),
            pl.BlockSpec((HIDDEN, HIDDEN), lambda i: (0, 0)),
            pl.BlockSpec((1, HIDDEN), lambda i: (0, 0)),
            pl.BlockSpec((_NC, _BI, HIDDEN), lambda i: (0, i, 0)),
        ],
        out_specs=[
            pl.BlockSpec((_BI, HIDDEN), lambda i: (i, 0)),
            pl.BlockSpec((_BI, HIDDEN), lambda i: (i, 0)),
            pl.BlockSpec((_BI, 1), lambda i: (i, 0)),
        ],
        out_shape=[
            jax.ShapeDtypeStruct((N_NODES, HIDDEN), jnp.float32),
            jax.ShapeDtypeStruct((N_NODES, HIDDEN), jnp.float32),
            jax.ShapeDtypeStruct((N_NODES, 1), jnp.float32),
        ],
    )(x, W, b.reshape(1, HIDDEN), deg2)


def _blend_body(is_last, a2_ref, p_ref, h0_ref, dinv_ref, out_ref):
    dinv = dinv_ref[...]
    agg = a2_ref[0] + a2_ref[1] + p_ref[...]
    h = (1.0 - ALPHA) * (dinv * agg) + ALPHA * h0_ref[...]
    out_ref[...] = h if is_last else dinv * h


def _tc_blend(agg2, p, h0, dinv, is_last):
    grid = (N_NODES // _BI,)
    return pl.pallas_call(
        functools.partial(_blend_body, is_last),
        grid=grid,
        in_specs=[
            pl.BlockSpec((_NC, _BI, HIDDEN), lambda i: (0, i, 0)),
            pl.BlockSpec((_BI, HIDDEN), lambda i: (i, 0)),
            pl.BlockSpec((_BI, HIDDEN), lambda i: (i, 0)),
            pl.BlockSpec((_BI, 1), lambda i: (i, 0)),
        ],
        out_specs=pl.BlockSpec((_BI, HIDDEN), lambda i: (i, 0)),
        out_shape=jax.ShapeDtypeStruct((N_NODES, HIDDEN), jnp.float32),
    )(agg2, p, h0, dinv)


def kernel(x, edge_index, W, b):
    src = edge_index[0].astype(jnp.int32)
    dst = edge_index[1].astype(jnp.int32)
    n_edges = src.shape[0]

    zeros = jnp.zeros((N_NODES, HIDDEN), jnp.float32)
    ones = jnp.ones((N_NODES, HIDDEN), jnp.float32)

    propagate = _make_propagate(n_edges)

    deg2 = propagate(ones, src, dst, zeros)
    h0, p, dinv = _tc_prep(x, W, b, deg2)

    for k in range(K_HOPS):
        agg2 = propagate(p, src, dst, zeros)
        p = _tc_blend(agg2, p, h0, dinv, is_last=(k == K_HOPS - 1))
    return p

# --- scband reference (transcript-rebuilt; emitter-appended) ---
"""Pipeline reference for scband-appnpmessage-layer-37022618092150 (READ-ONLY COPY).

The authoritative reference and input builder live on the scoring server;
editing this copy changes nothing except your own understanding.
"""

import jax, jax.numpy as jnp
import numpy as np

N_NODES = 10000
HIDDEN = 128
K = 10
ALPHA = 0.1

def setup_inputs(seed: int = 0) -> dict:
    key = jax.random.key(seed)
    k1, k2, k3, k4 = jax.random.split(key, 4)
    x = jax.random.normal(k1, (N_NODES, HIDDEN), dtype=jnp.float32)
    edge_index = jax.random.randint(k2, (2, 320000), 0, N_NODES, dtype=jnp.int64)
    bound = 1.0 / np.sqrt(HIDDEN)
    W = jax.random.uniform(k3, (HIDDEN, HIDDEN), minval=-bound, maxval=bound, dtype=jnp.float32)
    b = jax.random.uniform(k4, (HIDDEN,), minval=-bound, maxval=bound, dtype=jnp.float32)
    return {"x": x, "edge_index": edge_index, "W": W, "b": b}

def _appnp_propagate(h, edge_index, num_nodes, K, alpha):
    src = edge_index[0]
    dst = edge_index[1]
    self_idx = jnp.arange(num_nodes, dtype=src.dtype)
    src = jnp.concatenate([src, self_idx])
    dst = jnp.concatenate([dst, self_idx])
    deg = jnp.zeros((num_nodes,), dtype=h.dtype).at[dst].add(1.0)
    deg_inv_sqrt = jnp.where(deg > 0, 1.0 / jnp.sqrt(deg), 0.0)
    norm = deg_inv_sqrt[src] * deg_inv_sqrt[dst]
    h0 = h
    for _ in range(K):
        msg = h[src] * norm[:, None]
        agg = jnp.zeros((num_nodes, h.shape[1]), dtype=h.dtype).at[dst].add(msg)
        h = (1.0 - alpha) * agg + alpha * h0
    return h

def reference(x, edge_index, W, b):
    hidden = x @ W.T + b
    return _appnp_propagate(hidden, edge_index, x.shape[0], K, ALPHA)

if __name__ == "__main__":
    import jax
    _d = setup_inputs()
    print(jax.jit(kernel)(*tuple(_d.values())))

</pallas_src>

<mosaic_0001>
#map = affine_map<(d0, d1) -> (0, 0)>
#map1 = affine_map<(d0, d1) -> (0)>
#map2 = affine_map<(d0, d1) -> (0, 0, 0)>
module attributes {stable_mosaic.version = 14 : i64} {
  func.func @propagate(%arg0: i32, %arg1: i32, %arg2: memref<10000x128xf32, #tpu.memory_space<hbm>>, %arg3: memref<320000xi32, #tpu.memory_space<hbm>>, %arg4: memref<320000xi32, #tpu.memory_space<hbm>>, %arg5: memref<10000x128xf32, #tpu.memory_space<hbm>>, %arg6: memref<2x10000x128xf32, #tpu.memory_space<hbm>>, %arg7: memref<80xi32, #tpu.memory_space<vmem>>, %arg8: memref<80xi32, #tpu.memory_space<vmem>>, %arg9: memref<80x128xf32, #tpu.memory_space<vmem>>, %arg10: memref<10000x128xf32, #tpu.memory_space<vmem_shared>>, %arg11: memref<!tpu.dma_semaphore, #tpu.memory_space<semaphore_mem>>) attributes {dimension_semantics = [#tpu.dimension_semantics<core_parallel>, #tpu.dimension_semantics<subcore_parallel>], iteration_bounds = array<i64: 2, 16>, scalar_prefetch = 0 : i64, scratch_operands = 5 : i64, tpu.core_type = #tpu.core_type<sc_vector_subcore>, window_params = [{transform_indices = #map}, {transform_indices = #map1}, {transform_indices = #map1}, {transform_indices = #map}, {transform_indices = #map2}]} {
    %mul3A = arith.constant 2 : i32
    %mul3A_0 = arith.muli %arg1, %mul3A : i32
    %add3A = arith.addi %mul3A_0, %arg0 : i32
    %mul3A_1 = arith.constant 10000 : i32
    %mul3A_2 = arith.muli %add3A, %mul3A_1 : i32
    %mul3A_3 = arith.constant 624 : i32
    %mul3A_4 = arith.muli %arg1, %mul3A_3 : i32
    %multiple_of3A = tpu.assume_multiple %mul3A_4, 8 : i32
    "tpu.region"() ({
      %run_scoped3A = tpu.sem_alloc : memref<!tpu.dma_semaphore, #tpu.memory_space<semaphore_mem>>
      %dma_start3A = arith.constant 0 : i32
      %dma_start3A_18 = tpu.memref_slice %arg10[%multiple_of3A, %dma_start3A] : memref<10000x128xf32, #tpu.memory_space<vmem_shared>> -> memref<624x128xf32, #tpu.memory_space<vmem_shared>>
      %dma_start3A_19 = arith.constant 0 : i32
      %dma_start3A_20 = tpu.memref_slice %arg5[%multiple_of3A, %dma_start3A_19] : memref<10000x128xf32, #tpu.memory_space<hbm>> -> memref<624x128xf32, #tpu.memory_space<hbm>>
      tpu.enqueue_dma source(%dma_start3A_20 : memref<624x128xf32, #tpu.memory_space<hbm>>) target(%dma_start3A_18 : memref<624x128xf32, #tpu.memory_space<vmem_shared>>) target_semaphore(%run_scoped3A : memref<!tpu.dma_semaphore, #tpu.memory_space<semaphore_mem>>)
      %dma_wait3A = arith.constant 0 : i32
      %dma_wait3A_21 = tpu.memref_slice %arg10[%multiple_of3A, %dma_wait3A] : memref<10000x128xf32, #tpu.memory_space<vmem_shared>> -> memref<624x128xf32, #tpu.memory_space<vmem_shared>>
      %dma_wait3A_22 = arith.constant 0 : i32
      %dma_wait3A_23 = tpu.memref_slice %arg5[%multiple_of3A, %dma_wait3A_22] : memref<10000x128xf32, #tpu.memory_space<hbm>> -> memref<624x128xf32, #tpu.memory_space<hbm>>
      tpu.wait_dma2 semaphore(%run_scoped3A : memref<!tpu.dma_semaphore, #tpu.memory_space<semaphore_mem>>) src(%dma_wait3A_23 : memref<624x128xf32, #tpu.memory_space<hbm>>) dst(%dma_wait3A_21 : memref<624x128xf32, #tpu.memory_space<vmem_shared>>)
      tpu.yield
    }) : () -> ()
    %eq3A = arith.constant 0 : i32
    %eq3A_5 = arith.cmpi eq, %arg1, %eq3A : i32
    %convert_element_type3A = arith.extui %eq3A_5 : i1 to i32
    %cond3A = arith.constant 0 : i32
    %cond3A_6 = arith.cmpi ne, %convert_element_type3A, %cond3A : i32
    scf.if %cond3A_6 {
      "tpu.region"() ({
        %run_scoped3A = tpu.sem_alloc : memref<!tpu.dma_semaphore, #tpu.memory_space<semaphore_mem>>
        %dma_start3A = arith.constant 9984 : i32
        %dma_start3A_18 = arith.constant 0 : i32
        %dma_start3A_19 = tpu.memref_slice %arg10[%dma_start3A, %dma_start3A_18] : memref<10000x128xf32, #tpu.memory_space<vmem_shared>> -> memref<16x128xf32, #tpu.memory_space<vmem_shared>>
        %dma_start3A_20 = arith.constant 9984 : i32
        %dma_start3A_21 = arith.constant 0 : i32
        %dma_start3A_22 = tpu.memref_slice %arg5[%dma_start3A_20, %dma_start3A_21] : memref<10000x128xf32, #tpu.memory_space<hbm>> -> memref<16x128xf32, #tpu.memory_space<hbm>>
        tpu.enqueue_dma source(%dma_start3A_22 : memref<16x128xf32, #tpu.memory_space<hbm>>) target(%dma_start3A_19 : memref<16x128xf32, #tpu.memory_space<vmem_shared>>) target_semaphore(%run_scoped3A : memref<!tpu.dma_semaphore, #tpu.memory_space<semaphore_mem>>)
        %dma_wait3A = arith.constant 9984 : i32
        %dma_wait3A_23 = arith.constant 0 : i32
        %dma_wait3A_24 = tpu.memref_slice %arg10[%dma_wait3A, %dma_wait3A_23] : memref<10000x128xf32, #tpu.memory_space<vmem_shared>> -> memref<16x128xf32, #tpu.memory_space<vmem_shared>>
        %dma_wait3A_25 = arith.constant 9984 : i32
        %dma_wait3A_26 = arith.constant 0 : i32
        %dma_wait3A_27 = tpu.memref_slice %arg5[%dma_wait3A_25, %dma_wait3A_26] : memref<10000x128xf32, #tpu.memory_space<hbm>> -> memref<16x128xf32, #tpu.memory_space<hbm>>
        tpu.wait_dma2 semaphore(%run_scoped3A : memref<!tpu.dma_semaphore, #tpu.memory_space<semaphore_mem>>) src(%dma_wait3A_27 : memref<16x128xf32, #tpu.memory_space<hbm>>) dst(%dma_wait3A_24 : memref<16x128xf32, #tpu.memory_space<vmem_shared>>)
        tpu.yield
      }) : () -> ()
    } else {
    }
    %barrier3A = arith.constant 0 : index
    tpu.barrier barrier_id(%barrier3A)
    %scan3A = arith.constant 0 : i32
    %scan3A_7 = arith.constant 0 : i32
    %scan3A_8 = arith.constant 125 : i32
    %scan3A_9 = arith.addi %scan3A_7, %scan3A_8 : i32
    %scan3A_10 = arith.constant 1 : i32
    scf.for %scan3A_18 = %scan3A_7 to %scan3A_9 step %scan3A_10  : i32 {
      %mul3A_19 = arith.constant 80 : i32
      %mul3A_20 = arith.muli %scan3A_18, %mul3A_19 : i32
      %add3A_21 = arith.addi %mul3A_2, %mul3A_20 : i32
      %multiple_of3A_22 = tpu.assume_multiple %add3A_21, 8 : i32
      "tpu.region"() ({
        %run_scoped3A = tpu.sem_alloc : memref<!tpu.dma_semaphore, #tpu.memory_space<semaphore_mem>>
        %dma_start3A_27 = tpu.memref_slice %arg3[%multiple_of3A_22] : memref<320000xi32, #tpu.memory_space<hbm>> -> memref<80xi32, #tpu.memory_space<hbm>>
        %dma_start3A_28 = tpu.memref_slice %arg3[%multiple_of3A_22] : memref<320000xi32, #tpu.memory_space<hbm>> -> memref<80xi32, #tpu.memory_space<hbm>>
        tpu.enqueue_dma source(%dma_start3A_28 : memref<80xi32, #tpu.memory_space<hbm>>) target(%arg7 : memref<80xi32, #tpu.memory_space<vmem>>) target_semaphore(%run_scoped3A : memref<!tpu.dma_semaphore, #tpu.memory_space<semaphore_mem>>)
        %dma_wait3A_29 = tpu.memref_slice %arg3[%multiple_of3A_22] : memref<320000xi32, #tpu.memory_space<hbm>> -> memref<80xi32, #tpu.memory_space<hbm>>
        %dma_wait3A_30 = tpu.memref_slice %arg3[%multiple_of3A_22] : memref<320000xi32, #tpu.memory_space<hbm>> -> memref<80xi32, #tpu.memory_space<hbm>>
        tpu.wait_dma2 semaphore(%run_scoped3A : memref<!tpu.dma_semaphore, #tpu.memory_space<semaphore_mem>>) src(%dma_wait3A_30 : memref<80xi32, #tpu.memory_space<hbm>>) dst(%arg7 : memref<80xi32, #tpu.memory_space<vmem>>)
        tpu.yield
      }) : () -> ()
      "tpu.region"() ({
        %run_scoped3A = tpu.sem_alloc : memref<!tpu.dma_semaphore, #tpu.memory_space<semaphore_mem>>
        %dma_start3A_27 = tpu.memref_slice %arg4[%multiple_of3A_22] : memref<320000xi32, #tpu.memory_space<hbm>> -> memref<80xi32, #tpu.memory_space<hbm>>
        %dma_start3A_28 = tpu.memref_slice %arg4[%multiple_of3A_22] : memref<320000xi32, #tpu.memory_space<hbm>> -> memref<80xi32, #tpu.memory_space<hbm>>
        tpu.enqueue_dma source(%dma_start3A_28 : memref<80xi32, #tpu.memory_space<hbm>>) target(%arg8 : memref<80xi32, #tpu.memory_space<vmem>>) target_semaphore(%run_scoped3A : memref<!tpu.dma_semaphore, #tpu.memory_space<semaphore_mem>>)
        %dma_wait3A_29 = tpu.memref_slice %arg4[%multiple_of3A_22] : memref<320000xi32, #tpu.memory_space<hbm>> -> memref<80xi32, #tpu.memory_space<hbm>>
        %dma_wait3A_30 = tpu.memref_slice %arg4[%multiple_of3A_22] : memref<320000xi32, #tpu.memory_space<hbm>> -> memref<80xi32, #tpu.memory_space<hbm>>
        tpu.wait_dma2 semaphore(%run_scoped3A : memref<!tpu.dma_semaphore, #tpu.memory_space<semaphore_mem>>) src(%dma_wait3A_30 : memref<80xi32, #tpu.memory_space<hbm>>) dst(%arg8 : memref<80xi32, #tpu.memory_space<vmem>>)
        tpu.yield
      }) : () -> ()
      %dma_start3A = arith.constant 0 : i32
      %dma_start3A_23 = arith.constant 0 : i32
      %dma_start3A_24 = tpu.memref_slice %arg2[%dma_start3A, %dma_start3A_23] : memref<10000x128xf32, #tpu.memory_space<hbm>> -> memref<10000x128xf32, #tpu.memory_space<hbm>>
      tpu.enqueue_indirect_dma source(%dma_start3A_24 : memref<10000x128xf32, #tpu.memory_space<hbm>>) target(%arg9 : memref<80x128xf32, #tpu.memory_space<vmem>>) offsets(%arg7 : memref<80xi32, #tpu.memory_space<vmem>>) semaphore(%arg11 : memref<!tpu.dma_semaphore, #tpu.memory_space<semaphore_mem>>)
      %dma_wait3A = arith.constant 0 : i32
      %dma_wait3A_25 = arith.constant 0 : i32
      %dma_wait3A_26 = tpu.memref_slice %arg2[%dma_wait3A, %dma_wait3A_25] : memref<10000x128xf32, #tpu.memory_space<hbm>> -> memref<10000x128xf32, #tpu.memory_space<hbm>>
      tpu.wait_indirect_dma semaphore(%arg11 : memref<!tpu.dma_semaphore, #tpu.memory_space<semaphore_mem>>) src(%dma_wait3A_26 : memref<10000x128xf32, #tpu.memory_space<hbm>>) dst(%arg9 : memref<80x128xf32, #tpu.memory_space<vmem>>)
      "tpu.region"() ({
        %run_scoped3A = tpu.sem_alloc : memref<!tpu.dma_semaphore, #tpu.memory_space<semaphore_mem>>
        %dma_start3A_27 = arith.constant 0 : i32
        %dma_start3A_28 = arith.constant 0 : i32
        %dma_start3A_29 = tpu.memref_slice %arg10[%dma_start3A_27, %dma_start3A_28] : memref<10000x128xf32, #tpu.memory_space<vmem_shared>> -> memref<10000x128xf32, #tpu.memory_space<vmem_shared>>
        tpu.enqueue_indirect_dma source(%arg9 : memref<80x128xf32, #tpu.memory_space<vmem>>) target(%dma_start3A_29 : memref<10000x128xf32, #tpu.memory_space<vmem_shared>>) offsets(%arg8 : memref<80xi32, #tpu.memory_space<vmem>>) semaphore(%run_scoped3A : memref<!tpu.dma_semaphore, #tpu.memory_space<semaphore_mem>>) {add = true}
        %dma_wait3A_30 = arith.constant 0 : i32
        %dma_wait3A_31 = arith.constant 0 : i32
        %dma_wait3A_32 = tpu.memref_slice %arg10[%dma_wait3A_30, %dma_wait3A_31] : memref<10000x128xf32, #tpu.memory_space<vmem_shared>> -> memref<10000x128xf32, #tpu.memory_space<vmem_shared>>
        tpu.wait_indirect_dma semaphore(%run_scoped3A : memref<!tpu.dma_semaphore, #tpu.memory_space<semaphore_mem>>) src(%arg9 : memref<80x128xf32, #tpu.memory_space<vmem>>) dst(%dma_wait3A_32 : memref<10000x128xf32, #tpu.memory_space<vmem_shared>>)
        tpu.yield
      }) : () -> ()
    }
    %scan3A_11 = arith.constant 125 : i32
    %barrier3A_12 = arith.constant 0 : index
    tpu.barrier barrier_id(%barrier3A_12)
    "tpu.region"() ({
      %run_scoped3A = tpu.sem_alloc : memref<!tpu.dma_semaphore, #tpu.memory_space<semaphore_mem>>
      %dma_start3A = arith.constant 0 : i32
      %dma_start3A_18 = tpu.memref_slice %arg6[%arg0, %multiple_of3A, %dma_start3A] : memref<2x10000x128xf32, #tpu.memory_space<hbm>> -> memref<1x624x128xf32, #tpu.memory_space<hbm>>
      %dma_start3A_19 = tpu.memref_squeeze %dma_start3A_18 : memref<1x624x128xf32, #tpu.memory_space<hbm>> -> memref<624x128xf32, #tpu.memory_space<hbm>>
      %dma_start3A_20 = arith.constant 0 : i32
      %dma_start3A_21 = tpu.memref_slice %arg10[%multiple_of3A, %dma_start3A_20] : memref<10000x128xf32, #tpu.memory_space<vmem_shared>> -> memref<624x128xf32, #tpu.memory_space<vmem_shared>>
      tpu.enqueue_dma source(%dma_start3A_21 : memref<624x128xf32, #tpu.memory_space<vmem_shared>>) target(%dma_start3A_19 : memref<624x128xf32, #tpu.memory_space<hbm>>) target_semaphore(%run_scoped3A : memref<!tpu.dma_semaphore, #tpu.memory_space<semaphore_mem>>)
      %dma_wait3A = arith.constant 0 : i32
      %dma_wait3A_22 = tpu.memref_slice %arg6[%arg0, %multiple_of3A, %dma_wait3A] : memref<2x10000x128xf32, #tpu.memory_space<hbm>> -> memref<1x624x128xf32, #tpu.memory_space<hbm>>
      %dma_wait3A_23 = tpu.memref_squeeze %dma_wait3A_22 : memref<1x624x128xf32, #tpu.memory_space<hbm>> -> memref<624x128xf32, #tpu.memory_space<hbm>>
      %dma_wait3A_24 = arith.constant 0 : i32
      %dma_wait3A_25 = tpu.memref_slice %arg10[%multiple_of3A, %dma_wait3A_24] : memref<10000x128xf32, #tpu.memory_space<vmem_shared>> -> memref<624x128xf32, #tpu.memory_space<vmem_shared>>
      tpu.wait_dma2 semaphore(%run_scoped3A : memref<!tpu.dma_semaphore, #tpu.memory_space<semaphore_mem>>) src(%dma_wait3A_25 : memref<624x128xf32, #tpu.memory_space<vmem_shared>>) dst(%dma_wait3A_23 : memref<624x128xf32, #tpu.memory_space<hbm>>)
      tpu.yield
    }) : () -> ()
    %eq3A_13 = arith.constant 0 : i32
    %eq3A_14 = arith.cmpi eq, %arg1, %eq3A_13 : i32
    %convert_element_type3A_15 = arith.extui %eq3A_14 : i1 to i32
    %cond3A_16 = arith.constant 0 : i32
    %cond3A_17 = arith.cmpi ne, %convert_element_type3A_15, %cond3A_16 : i32
    scf.if %cond3A_17 {
      "tpu.region"() ({
        %run_scoped3A = tpu.sem_alloc : memref<!tpu.dma_semaphore, #tpu.memory_space<semaphore_mem>>
        %dma_start3A = arith.constant 9984 : i32
        %dma_start3A_18 = arith.constant 0 : i32
        %dma_start3A_19 = tpu.memref_slice %arg6[%arg0, %dma_start3A, %dma_start3A_18] : memref<2x10000x128xf32, #tpu.memory_space<hbm>> -> memref<1x16x128xf32, #tpu.memory_space<hbm>>
        %dma_start3A_20 = tpu.memref_squeeze %dma_start3A_19 : memref<1x16x128xf32, #tpu.memory_space<hbm>> -> memref<16x128xf32, #tpu.memory_space<hbm>>
        %dma_start3A_21 = arith.constant 9984 : i32
        %dma_start3A_22 = arith.constant 0 : i32
        %dma_start3A_23 = tpu.memref_slice %arg10[%dma_start3A_21, %dma_start3A_22] : memref<10000x128xf32, #tpu.memory_space<vmem_shared>> -> memref<16x128xf32, #tpu.memory_space<vmem_shared>>
        tpu.enqueue_dma source(%dma_start3A_23 : memref<16x128xf32, #tpu.memory_space<vmem_shared>>) target(%dma_start3A_20 : memref<16x128xf32, #tpu.memory_space<hbm>>) target_semaphore(%run_scoped3A : memref<!tpu.dma_semaphore, #tpu.memory_space<semaphore_mem>>)
        %dma_wait3A = arith.constant 9984 : i32
        %dma_wait3A_24 = arith.constant 0 : i32
        %dma_wait3A_25 = tpu.memref_slice %arg6[%arg0, %dma_wait3A, %dma_wait3A_24] : memref<2x10000x128xf32, #tpu.memory_space<hbm>> -> memref<1x16x128xf32, #tpu.memory_space<hbm>>
        %dma_wait3A_26 = tpu.memref_squeeze %dma_wait3A_25 : memref<1x16x128xf32, #tpu.memory_space<hbm>> -> memref<16x128xf32, #tpu.memory_space<hbm>>
        %dma_wait3A_27 = arith.constant 9984 : i32
        %dma_wait3A_28 = arith.constant 0 : i32
        %dma_wait3A_29 = tpu.memref_slice %arg10[%dma_wait3A_27, %dma_wait3A_28] : memref<10000x128xf32, #tpu.memory_space<vmem_shared>> -> memref<16x128xf32, #tpu.memory_space<vmem_shared>>
        tpu.wait_dma2 semaphore(%run_scoped3A : memref<!tpu.dma_semaphore, #tpu.memory_space<semaphore_mem>>) src(%dma_wait3A_29 : memref<16x128xf32, #tpu.memory_space<vmem_shared>>) dst(%dma_wait3A_26 : memref<16x128xf32, #tpu.memory_space<hbm>>)
        tpu.yield
      }) : () -> ()
    } else {
    }
    return
  }
}

#map = affine_map<(d0, d1) -> (0, 0)>
#map1 = affine_map<(d0, d1) -> (0)>
#map2 = affine_map<(d0, d1) -> (0, 0, 0)>
module attributes {stable_mosaic.version = 14 : i64} {
  func.func @propagate(%arg0: i32, %arg1: i32, %arg2: memref<10000x128xf32, #tpu.memory_space<hbm>>, %arg3: memref<320000xi32, #tpu.memory_space<hbm>>, %arg4: memref<320000xi32, #tpu.memory_space<hbm>>, %arg5: memref<10000x128xf32, #tpu.memory_space<hbm>>, %arg6: memref<2x10000x128xf32, #tpu.memory_space<hbm>>, %arg7: memref<80xi32, #tpu.memory_space<vmem>>, %arg8: memref<80xi32, #tpu.memory_space<vmem>>, %arg9: memref<80x128xf32, #tpu.memory_space<vmem>>, %arg10: memref<10000x128xf32, #tpu.memory_space<vmem_shared>>, %arg11: memref<!tpu.dma_semaphore, #tpu.memory_space<semaphore_mem>>) attributes {dimension_semantics = [#tpu.dimension_semantics<core_parallel>, #tpu.dimension_semantics<subcore_parallel>], iteration_bounds = array<i64: 2, 16>, scalar_prefetch = 0 : i64, scratch_operands = 5 : i64, tpu.core_type = #tpu.core_type<sc_vector_subcore>, window_params = [{transform_indices = #map}, {transform_indices = #map1}, {transform_indices = #map1}, {transform_indices = #map}, {transform_indices = #map2}]} {
    %mul3A = arith.constant 2 : i32
    %mul3A_0 = arith.muli %arg1, %mul3A : i32
    %add3A = arith.addi %mul3A_0, %arg0 : i32
    %mul3A_1 = arith.constant 10000 : i32
    %mul3A_2 = arith.muli %add3A, %mul3A_1 : i32
    %mul3A_3 = arith.constant 624 : i32
    %mul3A_4 = arith.muli %arg1, %mul3A_3 : i32
    %multiple_of3A = tpu.assume_multiple %mul3A_4, 8 : i32
    "tpu.region"() ({
      %run_scoped3A = tpu.sem_alloc : memref<!tpu.dma_semaphore, #tpu.memory_space<semaphore_mem>>
      %dma_start3A = arith.constant 0 : i32
      %dma_start3A_18 = tpu.memref_slice %arg10[%multiple_of3A, %dma_start3A] : memref<10000x128xf32, #tpu.memory_space<vmem_shared>> -> memref<624x128xf32, #tpu.memory_space<vmem_shared>>
      %dma_start3A_19 = arith.constant 0 : i32
      %dma_start3A_20 = tpu.memref_slice %arg5[%multiple_of3A, %dma_start3A_19] : memref<10000x128xf32, #tpu.memory_space<hbm>> -> memref<624x128xf32, #tpu.memory_space<hbm>>
      tpu.enqueue_dma source(%dma_start3A_20 : memref<624x128xf32, #tpu.memory_space<hbm>>) target(%dma_start3A_18 : memref<624x128xf32, #tpu.memory_space<vmem_shared>>) target_semaphore(%run_scoped3A : memref<!tpu.dma_semaphore, #tpu.memory_space<semaphore_mem>>)
      %dma_wait3A = arith.constant 0 : i32
      %dma_wait3A_21 = tpu.memref_slice %arg10[%multiple_of3A, %dma_wait3A] : memref<10000x128xf32, #tpu.memory_space<vmem_shared>> -> memref<624x128xf32, #tpu.memory_space<vmem_shared>>
      %dma_wait3A_22 = arith.constant 0 : i32
      %dma_wait3A_23 = tpu.memref_slice %arg5[%multiple_of3A, %dma_wait3A_22] : memref<10000x128xf32, #tpu.memory_space<hbm>> -> memref<624x128xf32, #tpu.memory_space<hbm>>
      tpu.wait_dma2 semaphore(%run_scoped3A : memref<!tpu.dma_semaphore, #tpu.memory_space<semaphore_mem>>) src(%dma_wait3A_23 : memref<624x128xf32, #tpu.memory_space<hbm>>) dst(%dma_wait3A_21 : memref<624x128xf32, #tpu.memory_space<vmem_shared>>)
      tpu.yield
    }) : () -> ()
    %eq3A = arith.constant 0 : i32
    %eq3A_5 = arith.cmpi eq, %arg1, %eq3A : i32
    %convert_element_type3A = arith.extui %eq3A_5 : i1 to i32
    %cond3A = arith.constant 0 : i32
    %cond3A_6 = arith.cmpi ne, %convert_element_type3A, %cond3A : i32
    scf.if %cond3A_6 {
      "tpu.region"() ({
        %run_scoped3A = tpu.sem_alloc : memref<!tpu.dma_semaphore, #tpu.memory_space<semaphore_mem>>
        %dma_start3A = arith.constant 9984 : i32
        %dma_start3A_18 = arith.constant 0 : i32
        %dma_start3A_19 = tpu.memref_slice %arg10[%dma_start3A, %dma_start3A_18] : memref<10000x128xf32, #tpu.memory_space<vmem_shared>> -> memref<16x128xf32, #tpu.memory_space<vmem_shared>>
        %dma_start3A_20 = arith.constant 9984 : i32
        %dma_start3A_21 = arith.constant 0 : i32
        %dma_start3A_22 = tpu.memref_slice %arg5[%dma_start3A_20, %dma_start3A_21] : memref<10000x128xf32, #tpu.memory_space<hbm>> -> memref<16x128xf32, #tpu.memory_space<hbm>>
        tpu.enqueue_dma source(%dma_start3A_22 : memref<16x128xf32, #tpu.memory_space<hbm>>) target(%dma_start3A_19 : memref<16x128xf32, #tpu.memory_space<vmem_shared>>) target_semaphore(%run_scoped3A : memref<!tpu.dma_semaphore, #tpu.memory_space<semaphore_mem>>)
        %dma_wait3A = arith.constant 9984 : i32
        %dma_wait3A_23 = arith.constant 0 : i32
        %dma_wait3A_24 = tpu.memref_slice %arg10[%dma_wait3A, %dma_wait3A_23] : memref<10000x128xf32, #tpu.memory_space<vmem_shared>> -> memref<16x128xf32, #tpu.memory_space<vmem_shared>>
        %dma_wait3A_25 = arith.constant 9984 : i32
        %dma_wait3A_26 = arith.constant 0 : i32
        %dma_wait3A_27 = tpu.memref_slice %arg5[%dma_wait3A_25, %dma_wait3A_26] : memref<10000x128xf32, #tpu.memory_space<hbm>> -> memref<16x128xf32, #tpu.memory_space<hbm>>
        tpu.wait_dma2 semaphore(%run_scoped3A : memref<!tpu.dma_semaphore, #tpu.memory_space<semaphore_mem>>) src(%dma_wait3A_27 : memref<16x128xf32, #tpu.memory_space<hbm>>) dst(%dma_wait3A_24 : memref<16x128xf32, #tpu.memory_space<vmem_shared>>)
        tpu.yield
      }) : () -> ()
    } else {
    }
    %barrier3A = arith.constant 0 : index
    tpu.barrier barrier_id(%barrier3A)
    %scan3A = arith.constant 0 : i32
    %scan3A_7 = arith.constant 0 : i32
    %scan3A_8 = arith.constant 125 : i32
    %scan3A_9 = arith.addi %scan3A_7, %scan3A_8 : i32
    %scan3A_10 = arith.constant 1 : i32
    scf.for %scan3A_18 = %scan3A_7 to %scan3A_9 step %scan3A_10  : i32 {
      %mul3A_19 = arith.constant 80 : i32
      %mul3A_20 = arith.muli %scan3A_18, %mul3A_19 : i32
      %add3A_21 = arith.addi %mul3A_2, %mul3A_20 : i32
      %multiple_of3A_22 = tpu.assume_multiple %add3A_21, 8 : i32
      "tpu.region"() ({
        %run_scoped3A = tpu.sem_alloc : memref<!tpu.dma_semaphore, #tpu.memory_space<semaphore_mem>>
        %dma_start3A_27 = tpu.memref_slice %arg3[%multiple_of3A_22] : memref<320000xi32, #tpu.memory_space<hbm>> -> memref<80xi32, #tpu.memory_space<hbm>>
        %dma_start3A_28 = tpu.memref_slice %arg3[%multiple_of3A_22] : memref<320000xi32, #tpu.memory_space<hbm>> -> memref<80xi32, #tpu.memory_space<hbm>>
        tpu.enqueue_dma source(%dma_start3A_28 : memref<80xi32, #tpu.memory_space<hbm>>) target(%arg7 : memref<80xi32, #tpu.memory_space<vmem>>) target_semaphore(%run_scoped3A : memref<!tpu.dma_semaphore, #tpu.memory_space<semaphore_mem>>)
        %dma_wait3A_29 = tpu.memref_slice %arg3[%multiple_of3A_22] : memref<320000xi32, #tpu.memory_space<hbm>> -> memref<80xi32, #tpu.memory_space<hbm>>
        %dma_wait3A_30 = tpu.memref_slice %arg3[%multiple_of3A_22] : memref<320000xi32, #tpu.memory_space<hbm>> -> memref<80xi32, #tpu.memory_space<hbm>>
        tpu.wait_dma2 semaphore(%run_scoped3A : memref<!tpu.dma_semaphore, #tpu.memory_space<semaphore_mem>>) src(%dma_wait3A_30 : memref<80xi32, #tpu.memory_space<hbm>>) dst(%arg7 : memref<80xi32, #tpu.memory_space<vmem>>)
        tpu.yield
      }) : () -> ()
      "tpu.region"() ({
        %run_scoped3A = tpu.sem_alloc : memref<!tpu.dma_semaphore, #tpu.memory_space<semaphore_mem>>
        %dma_start3A_27 = tpu.memref_slice %arg4[%multiple_of3A_22] : memref<320000xi32, #tpu.memory_space<hbm>> -> memref<80xi32, #tpu.memory_space<hbm>>
        %dma_start3A_28 = tpu.memref_slice %arg4[%multiple_of3A_22] : memref<320000xi32, #tpu.memory_space<hbm>> -> memref<80xi32, #tpu.memory_space<hbm>>
        tpu.enqueue_dma source(%dma_start3A_28 : memref<80xi32, #tpu.memory_space<hbm>>) target(%arg8 : memref<80xi32, #tpu.memory_space<vmem>>) target_semaphore(%run_scoped3A : memref<!tpu.dma_semaphore, #tpu.memory_space<semaphore_mem>>)
        %dma_wait3A_29 = tpu.memref_slice %arg4[%multiple_of3A_22] : memref<320000xi32, #tpu.memory_space<hbm>> -> memref<80xi32, #tpu.memory_space<hbm>>
        %dma_wait3A_30 = tpu.memref_slice %arg4[%multiple_of3A_22] : memref<320000xi32, #tpu.memory_space<hbm>> -> memref<80xi32, #tpu.memory_space<hbm>>
        tpu.wait_dma2 semaphore(%run_scoped3A : memref<!tpu.dma_semaphore, #tpu.memory_space<semaphore_mem>>) src(%dma_wait3A_30 : memref<80xi32, #tpu.memory_space<hbm>>) dst(%arg8 : memref<80xi32, #tpu.memory_space<vmem>>)
        tpu.yield
      }) : () -> ()
      %dma_start3A = arith.constant 0 : i32
      %dma_start3A_23 = arith.constant 0 : i32
      %dma_start3A_24 = tpu.memref_slice %arg2[%dma_start3A, %dma_start3A_23] : memref<10000x128xf32, #tpu.memory_space<hbm>> -> memref<10000x128xf32, #tpu.memory_space<hbm>>
      tpu.enqueue_indirect_dma source(%dma_start3A_24 : memref<10000x128xf32, #tpu.memory_space<hbm>>) target(%arg9 : memref<80x128xf32, #tpu.memory_space<vmem>>) offsets(%arg7 : memref<80xi32, #tpu.memory_space<vmem>>) semaphore(%arg11 : memref<!tpu.dma_semaphore, #tpu.memory_space<semaphore_mem>>)
      %dma_wait3A = arith.constant 0 : i32
      %dma_wait3A_25 = arith.constant 0 : i32
      %dma_wait3A_26 = tpu.memref_slice %arg2[%dma_wait3A, %dma_wait3A_25] : memref<10000x128xf32, #tpu.memory_space<hbm>> -> memref<10000x128xf32, #tpu.memory_space<hbm>>
      tpu.wait_indirect_dma semaphore(%arg11 : memref<!tpu.dma_semaphore, #tpu.memory_space<semaphore_mem>>) src(%dma_wait3A_26 : memref<10000x128xf32, #tpu.memory_space<hbm>>) dst(%arg9 : memref<80x128xf32, #tpu.memory_space<vmem>>)
      "tpu.region"() ({
        %run_scoped3A = tpu.sem_alloc : memref<!tpu.dma_semaphore, #tpu.memory_space<semaphore_mem>>
        %dma_start3A_27 = arith.constant 0 : i32
        %dma_start3A_28 = arith.constant 0 : i32
        %dma_start3A_29 = tpu.memref_slice %arg10[%dma_start3A_27, %dma_start3A_28] : memref<10000x128xf32, #tpu.memory_space<vmem_shared>> -> memref<10000x128xf32, #tpu.memory_space<vmem_shared>>
        tpu.enqueue_indirect_dma source(%arg9 : memref<80x128xf32, #tpu.memory_space<vmem>>) target(%dma_start3A_29 : memref<10000x128xf32, #tpu.memory_space<vmem_shared>>) offsets(%arg8 : memref<80xi32, #tpu.memory_space<vmem>>) semaphore(%run_scoped3A : memref<!tpu.dma_semaphore, #tpu.memory_space<semaphore_mem>>) {add = true}
        %dma_wait3A_30 = arith.constant 0 : i32
        %dma_wait3A_31 = arith.constant 0 : i32
        %dma_wait3A_32 = tpu.memref_slice %arg10[%dma_wait3A_30, %dma_wait3A_31] : memref<10000x128xf32, #tpu.memory_space<vmem_shared>> -> memref<10000x128xf32, #tpu.memory_space<vmem_shared>>
        tpu.wait_indirect_dma semaphore(%run_scoped3A : memref<!tpu.dma_semaphore, #tpu.memory_space<semaphore_mem>>) src(%arg9 : memref<80x128xf32, #tpu.memory_space<vmem>>) dst(%dma_wait3A_32 : memref<10000x128xf32, #tpu.memory_space<vmem_shared>>)
        tpu.yield
      }) : () -> ()
    }
    %scan3A_11 = arith.constant 125 : i32
    %barrier3A_12 = arith.constant 0 : index
    tpu.barrier barrier_id(%barrier3A_12)
    "tpu.region"() ({
      %run_scoped3A = tpu.sem_alloc : memref<!tpu.dma_semaphore, #tpu.memory_space<semaphore_mem>>
      %dma_start3A = arith.constant 0 : i32
      %dma_start3A_18 = tpu.memref_slice %arg6[%arg0, %multiple_of3A, %dma_start3A] : memref<2x10000x128xf32, #tpu.memory_space<hbm>> -> memref<1x624x128xf32, #tpu.memory_space<hbm>>
      %dma_start3A_19 = tpu.memref_squeeze %dma_start3A_18 : memref<1x624x128xf32, #tpu.memory_space<hbm>> -> memref<624x128xf32, #tpu.memory_space<hbm>>
      %dma_start3A_20 = arith.constant 0 : i32
      %dma_start3A_21 = tpu.memref_slice %arg10[%multiple_of3A, %dma_start3A_20] : memref<10000x128xf32, #tpu.memory_space<vmem_shared>> -> memref<624x128xf32, #tpu.memory_space<vmem_shared>>
      tpu.enqueue_dma source(%dma_start3A_21 : memref<624x128xf32, #tpu.memory_space<vmem_shared>>) target(%dma_start3A_19 : memref<624x128xf32, #tpu.memory_space<hbm>>) target_semaphore(%run_scoped3A : memref<!tpu.dma_semaphore, #tpu.memory_space<semaphore_mem>>)
      %dma_wait3A = arith.constant 0 : i32
      %dma_wait3A_22 = tpu.memref_slice %arg6[%arg0, %multiple_of3A, %dma_wait3A] : memref<2x10000x128xf32, #tpu.memory_space<hbm>> -> memref<1x624x128xf32, #tpu.memory_space<hbm>>
      %dma_wait3A_23 = tpu.memref_squeeze %dma_wait3A_22 : memref<1x624x128xf32, #tpu.memory_space<hbm>> -> memref<624x128xf32, #tpu.memory_space<hbm>>
      %dma_wait3A_24 = arith.constant 0 : i32
      %dma_wait3A_25 = tpu.memref_slice %arg10[%multiple_of3A, %dma_wait3A_24] : memref<10000x128xf32, #tpu.memory_space<vmem_shared>> -> memref<624x128xf32, #tpu.memory_space<vmem_shared>>
      tpu.wait_dma2 semaphore(%run_scoped3A : memref<!tpu.dma_semaphore, #tpu.memory_space<semaphore_mem>>) src(%dma_wait3A_25 : memref<624x128xf32, #tpu.memory_space<vmem_shared>>) dst(%dma_wait3A_23 : memref<624x128xf32, #tpu.memory_space<hbm>>)
      tpu.yield
    }) : () -> ()
    %eq3A_13 = arith.constant 0 : i32
    %eq3A_14 = arith.cmpi eq, %arg1, %eq3A_13 : i32
    %convert_element_type3A_15 = arith.extui %eq3A_14 : i1 to i32
    %cond3A_16 = arith.constant 0 : i32
    %cond3A_17 = arith.cmpi ne, %convert_element_type3A_15, %cond3A_16 : i32
    scf.if %cond3A_17 {
      "tpu.region"() ({
        %run_scoped3A = tpu.sem_alloc : memref<!tpu.dma_semaphore, #tpu.memory_space<semaphore_mem>>
        %dma_start3A = arith.constant 9984 : i32
        %dma_start3A_18 = arith.constant 0 : i32
        %dma_start3A_19 = tpu.memref_slice %arg6[%arg0, %dma_start3A, %dma_start3A_18] : memref<2x10000x128xf32, #tpu.memory_space<hbm>> -> memref<1x16x128xf32, #tpu.memory_space<hbm>>
        %dma_start3A_20 = tpu.memref_squeeze %dma_start3A_19 : memref<1x16x128xf32, #tpu.memory_space<hbm>> -> memref<16x128xf32, #tpu.memory_space<hbm>>
        %dma_start3A_21 = arith.constant 9984 : i32
        %dma_start3A_22 = arith.constant 0 : i32
        %dma_start3A_23 = tpu.memref_slice %arg10[%dma_start3A_21, %dma_start3A_22] : memref<10000x128xf32, #tpu.memory_space<vmem_shared>> -> memref<16x128xf32, #tpu.memory_space<vmem_shared>>
        tpu.enqueue_dma source(%dma_start3A_23 : memref<16x128xf32, #tpu.memory_space<vmem_shared>>) target(%dma_start3A_20 : memref<16x128xf32, #tpu.memory_space<hbm>>) target_semaphore(%run_scoped3A : memref<!tpu.dma_semaphore, #tpu.memory_space<semaphore_mem>>)
        %dma_wait3A = arith.constant 9984 : i32
        %dma_wait3A_24 = arith.constant 0 : i32
        %dma_wait3A_25 = tpu.memref_slice %arg6[%arg0, %dma_wait3A, %dma_wait3A_24] : memref<2x10000x128xf32, #tpu.memory_space<hbm>> -> memref<1x16x128xf32, #tpu.memory_space<hbm>>
        %dma_wait3A_26 = tpu.memref_squeeze %dma_wait3A_25 : memref<1x16x128xf32, #tpu.memory_space<hbm>> -> memref<16x128xf32, #tpu.memory_space<hbm>>
        %dma_wait3A_27 = arith.constant 9984 : i32
        %dma_wait3A_28 = arith.constant 0 : i32
        %dma_wait3A_29 = tpu.memref_slice %arg10[%dma_wait3A_27, %dma_wait3A_28] : memref<10000x128xf32, #tpu.memory_space<vmem_shared>> -> memref<16x128xf32, #tpu.memory_space<vmem_shared>>
        tpu.wait_dma2 semaphore(%run_scoped3A : memref<!tpu.dma_semaphore, #tpu.memory_space<semaphore_mem>>) src(%dma_wait3A_29 : memref<16x128xf32, #tpu.memory_space<vmem_shared>>) dst(%dma_wait3A_26 : memref<16x128xf32, #tpu.memory_space<hbm>>)
        tpu.yield
      }) : () -> ()
    } else {
    }
    return
  }
}

#map = affine_map<(d0, d1) -> (0, 0)>
#map1 = affine_map<(d0, d1) -> (0)>
#map2 = affine_map<(d0, d1) -> (0, 0, 0)>
module attributes {stable_mosaic.version = 14 : i64} {
  func.func @propagate(%arg0: i32, %arg1: i32, %arg2: memref<10000x128xf32, #tpu.memory_space<hbm>>, %arg3: memref<320000xi32, #tpu.memory_space<hbm>>, %arg4: memref<320000xi32, #tpu.memory_space<hbm>>, %arg5: memref<10000x128xf32, #tpu.memory_space<hbm>>, %arg6: memref<2x10000x128xf32, #tpu.memory_space<hbm>>, %arg7: memref<80xi32, #tpu.memory_space<vmem>>, %arg8: memref<80xi32, #tpu.memory_space<vmem>>, %arg9: memref<80x128xf32, #tpu.memory_space<vmem>>, %arg10: memref<10000x128xf32, #tpu.memory_space<vmem_shared>>, %arg11: memref<!tpu.dma_semaphore, #tpu.memory_space<semaphore_mem>>) attributes {dimension_semantics = [#tpu.dimension_semantics<core_parallel>, #tpu.dimension_semantics<subcore_parallel>], iteration_bounds = array<i64: 2, 16>, scalar_prefetch = 0 : i64, scratch_operands = 5 : i64, tpu.core_type = #tpu.core_type<sc_vector_subcore>, window_params = [{transform_indices = #map}, {transform_indices = #map1}, {transform_indices = #map1}, {transform_indices = #map}, {transform_indices = #map2}]} {
    %mul3A = arith.constant 2 : i32
    %mul3A_0 = arith.muli %arg1, %mul3A : i32
    %add3A = arith.addi %mul3A_0, %arg0 : i32
    %mul3A_1 = arith.constant 10000 : i32
    %mul3A_2 = arith.muli %add3A, %mul3A_1 : i32
    %mul3A_3 = arith.constant 624 : i32
    %mul3A_4 = arith.muli %arg1, %mul3A_3 : i32
    %multiple_of3A = tpu.assume_multiple %mul3A_4, 8 : i32
    "tpu.region"() ({
      %run_scoped3A = tpu.sem_alloc : memref<!tpu.dma_semaphore, #tpu.memory_space<semaphore_mem>>
      %dma_start3A = arith.constant 0 : i32
      %dma_start3A_18 = tpu.memref_slice %arg10[%multiple_of3A, %dma_start3A] : memref<10000x128xf32, #tpu.memory_space<vmem_shared>> -> memref<624x128xf32, #tpu.memory_space<vmem_shared>>
      %dma_start3A_19 = arith.constant 0 : i32
      %dma_start3A_20 = tpu.memref_slice %arg5[%multiple_of3A, %dma_start3A_19] : memref<10000x128xf32, #tpu.memory_space<hbm>> -> memref<624x128xf32, #tpu.memory_space<hbm>>
      tpu.enqueue_dma source(%dma_start3A_20 : memref<624x128xf32, #tpu.memory_space<hbm>>) target(%dma_start3A_18 : memref<624x128xf32, #tpu.memory_space<vmem_shared>>) target_semaphore(%run_scoped3A : memref<!tpu.dma_semaphore, #tpu.memory_space<semaphore_mem>>)
      %dma_wait3A = arith.constant 0 : i32
      %dma_wait3A_21 = tpu.memref_slice %arg10[%multiple_of3A, %dma_wait3A] : memref<10000x128xf32, #tpu.memory_space<vmem_shared>> -> memref<624x128xf32, #tpu.memory_space<vmem_shared>>
      %dma_wait3A_22 = arith.constant 0 : i32
      %dma_wait3A_23 = tpu.memref_slice %arg5[%multiple_of3A, %dma_wait3A_22] : memref<10000x128xf32, #tpu.memory_space<hbm>> -> memref<624x128xf32, #tpu.memory_space<hbm>>
      tpu.wait_dma2 semaphore(%run_scoped3A : memref<!tpu.dma_semaphore, #tpu.memory_space<semaphore_mem>>) src(%dma_wait3A_23 : memref<624x128xf32, #tpu.memory_space<hbm>>) dst(%dma_wait3A_21 : memref<624x128xf32, #tpu.memory_space<vmem_shared>>)
      tpu.yield
    }) : () -> ()
    %eq3A = arith.constant 0 : i32
    %eq3A_5 = arith.cmpi eq, %arg1, %eq3A : i32
    %convert_element_type3A = arith.extui %eq3A_5 : i1 to i32
    %cond3A = arith.constant 0 : i32
    %cond3A_6 = arith.cmpi ne, %convert_element_type3A, %cond3A : i32
    scf.if %cond3A_6 {
      "tpu.region"() ({
        %run_scoped3A = tpu.sem_alloc : memref<!tpu.dma_semaphore, #tpu.memory_space<semaphore_mem>>
        %dma_start3A = arith.constant 9984 : i32
        %dma_start3A_18 = arith.constant 0 : i32
        %dma_start3A_19 = tpu.memref_slice %arg10[%dma_start3A, %dma_start3A_18] : memref<10000x128xf32, #tpu.memory_space<vmem_shared>> -> memref<16x128xf32, #tpu.memory_space<vmem_shared>>
        %dma_start3A_20 = arith.constant 9984 : i32
        %dma_start3A_21 = arith.constant 0 : i32
        %dma_start3A_22 = tpu.memref_slice %arg5[%dma_start3A_20, %dma_start3A_21] : memref<10000x128xf32, #tpu.memory_space<hbm>> -> memref<16x128xf32, #tpu.memory_space<hbm>>
        tpu.enqueue_dma source(%dma_start3A_22 : memref<16x128xf32, #tpu.memory_space<hbm>>) target(%dma_start3A_19 : memref<16x128xf32, #tpu.memory_space<vmem_shared>>) target_semaphore(%run_scoped3A : memref<!tpu.dma_semaphore, #tpu.memory_space<semaphore_mem>>)
        %dma_wait3A = arith.constant 9984 : i32
        %dma_wait3A_23 = arith.constant 0 : i32
        %dma_wait3A_24 = tpu.memref_slice %arg10[%dma_wait3A, %dma_wait3A_23] : memref<10000x128xf32, #tpu.memory_space<vmem_shared>> -> memref<16x128xf32, #tpu.memory_space<vmem_shared>>
        %dma_wait3A_25 = arith.constant 9984 : i32
        %dma_wait3A_26 = arith.constant 0 : i32
        %dma_wait3A_27 = tpu.memref_slice %arg5[%dma_wait3A_25, %dma_wait3A_26] : memref<10000x128xf32, #tpu.memory_space<hbm>> -> memref<16x128xf32, #tpu.memory_space<hbm>>
        tpu.wait_dma2 semaphore(%run_scoped3A : memref<!tpu.dma_semaphore, #tpu.memory_space<semaphore_mem>>) src(%dma_wait3A_27 : memref<16x128xf32, #tpu.memory_space<hbm>>) dst(%dma_wait3A_24 : memref<16x128xf32, #tpu.memory_space<vmem_shared>>)
        tpu.yield
      }) : () -> ()
    } else {
    }
    %barrier3A = arith.constant 0 : index
    tpu.barrier barrier_id(%barrier3A)
    %scan3A = arith.constant 0 : i32
    %scan3A_7 = arith.constant 0 : i32
    %scan3A_8 = arith.constant 125 : i32
    %scan3A_9 = arith.addi %scan3A_7, %scan3A_8 : i32
    %scan3A_10 = arith.constant 1 : i32
    scf.for %scan3A_18 = %scan3A_7 to %scan3A_9 step %scan3A_10  : i32 {
      %mul3A_19 = arith.constant 80 : i32
      %mul3A_20 = arith.muli %scan3A_18, %mul3A_19 : i32
      %add3A_21 = arith.addi %mul3A_2, %mul3A_20 : i32
      %multiple_of3A_22 = tpu.assume_multiple %add3A_21, 8 : i32
      "tpu.region"() ({
        %run_scoped3A = tpu.sem_alloc : memref<!tpu.dma_semaphore, #tpu.memory_space<semaphore_mem>>
        %dma_start3A_27 = tpu.memref_slice %arg3[%multiple_of3A_22] : memref<320000xi32, #tpu.memory_space<hbm>> -> memref<80xi32, #tpu.memory_space<hbm>>
        %dma_start3A_28 = tpu.memref_slice %arg3[%multiple_of3A_22] : memref<320000xi32, #tpu.memory_space<hbm>> -> memref<80xi32, #tpu.memory_space<hbm>>
        tpu.enqueue_dma source(%dma_start3A_28 : memref<80xi32, #tpu.memory_space<hbm>>) target(%arg7 : memref<80xi32, #tpu.memory_space<vmem>>) target_semaphore(%run_scoped3A : memref<!tpu.dma_semaphore, #tpu.memory_space<semaphore_mem>>)
        %dma_wait3A_29 = tpu.memref_slice %arg3[%multiple_of3A_22] : memref<320000xi32, #tpu.memory_space<hbm>> -> memref<80xi32, #tpu.memory_space<hbm>>
        %dma_wait3A_30 = tpu.memref_slice %arg3[%multiple_of3A_22] : memref<320000xi32, #tpu.memory_space<hbm>> -> memref<80xi32, #tpu.memory_space<hbm>>
        tpu.wait_dma2 semaphore(%run_scoped3A : memref<!tpu.dma_semaphore, #tpu.memory_space<semaphore_mem>>) src(%dma_wait3A_30 : memref<80xi32, #tpu.memory_space<hbm>>) dst(%arg7 : memref<80xi32, #tpu.memory_space<vmem>>)
        tpu.yield
      }) : () -> ()
      "tpu.region"() ({
        %run_scoped3A = tpu.sem_alloc : memref<!tpu.dma_semaphore, #tpu.memory_space<semaphore_mem>>
        %dma_start3A_27 = tpu.memref_slice %arg4[%multiple_of3A_22] : memref<320000xi32, #tpu.memory_space<hbm>> -> memref<80xi32, #tpu.memory_space<hbm>>
        %dma_start3A_28 = tpu.memref_slice %arg4[%multiple_of3A_22] : memref<320000xi32, #tpu.memory_space<hbm>> -> memref<80xi32, #tpu.memory_space<hbm>>
        tpu.enqueue_dma source(%dma_start3A_28 : memref<80xi32, #tpu.memory_space<hbm>>) target(%arg8 : memref<80xi32, #tpu.memory_space<vmem>>) target_semaphore(%run_scoped3A : memref<!tpu.dma_semaphore, #tpu.memory_space<semaphore_mem>>)
        %dma_wait3A_29 = tpu.memref_slice %arg4[%multiple_of3A_22] : memref<320000xi32, #tpu.memory_space<hbm>> -> memref<80xi32, #tpu.memory_space<hbm>>
        %dma_wait3A_30 = tpu.memref_slice %arg4[%multiple_of3A_22] : memref<320000xi32, #tpu.memory_space<hbm>> -> memref<80xi32, #tpu.memory_space<hbm>>
        tpu.wait_dma2 semaphore(%run_scoped3A : memref<!tpu.dma_semaphore, #tpu.memory_space<semaphore_mem>>) src(%dma_wait3A_30 : memref<80xi32, #tpu.memory_space<hbm>>) dst(%arg8 : memref<80xi32, #tpu.memory_space<vmem>>)
        tpu.yield
      }) : () -> ()
      %dma_start3A = arith.constant 0 : i32
      %dma_start3A_23 = arith.constant 0 : i32
      %dma_start3A_24 = tpu.memref_slice %arg2[%dma_start3A, %dma_start3A_23] : memref<10000x128xf32, #tpu.memory_space<hbm>> -> memref<10000x128xf32, #tpu.memory_space<hbm>>
      tpu.enqueue_indirect_dma source(%dma_start3A_24 : memref<10000x128xf32, #tpu.memory_space<hbm>>) target(%arg9 : memref<80x128xf32, #tpu.memory_space<vmem>>) offsets(%arg7 : memref<80xi32, #tpu.memory_space<vmem>>) semaphore(%arg11 : memref<!tpu.dma_semaphore, #tpu.memory_space<semaphore_mem>>)
      %dma_wait3A = arith.constant 0 : i32
      %dma_wait3A_25 = arith.constant 0 : i32
      %dma_wait3A_26 = tpu.memref_slice %arg2[%dma_wait3A, %dma_wait3A_25] : memref<10000x128xf32, #tpu.memory_space<hbm>> -> memref<10000x128xf32, #tpu.memory_space<hbm>>
      tpu.wait_indirect_dma semaphore(%arg11 : memref<!tpu.dma_semaphore, #tpu.memory_space<semaphore_mem>>) src(%dma_wait3A_26 : memref<10000x128xf32, #tpu.memory_space<hbm>>) dst(%arg9 : memref<80x128xf32, #tpu.memory_space<vmem>>)
      "tpu.region"() ({
        %run_scoped3A = tpu.sem_alloc : memref<!tpu.dma_semaphore, #tpu.memory_space<semaphore_mem>>
        %dma_start3A_27 = arith.constant 0 : i32
        %dma_start3A_28 = arith.constant 0 : i32
        %dma_start3A_29 = tpu.memref_slice %arg10[%dma_start3A_27, %dma_start3A_28] : memref<10000x128xf32, #tpu.memory_space<vmem_shared>> -> memref<10000x128xf32, #tpu.memory_space<vmem_shared>>
        tpu.enqueue_indirect_dma source(%arg9 : memref<80x128xf32, #tpu.memory_space<vmem>>) target(%dma_start3A_29 : memref<10000x128xf32, #tpu.memory_space<vmem_shared>>) offsets(%arg8 : memref<80xi32, #tpu.memory_space<vmem>>) semaphore(%run_scoped3A : memref<!tpu.dma_semaphore, #tpu.memory_space<semaphore_mem>>) {add = true}
        %dma_wait3A_30 = arith.constant 0 : i32
        %dma_wait3A_31 = arith.constant 0 : i32
        %dma_wait3A_32 = tpu.memref_slice %arg10[%dma_wait3A_30, %dma_wait3A_31] : memref<10000x128xf32, #tpu.memory_space<vmem_shared>> -> memref<10000x128xf32, #tpu.memory_space<vmem_shared>>
        tpu.wait_indirect_dma semaphore(%run_scoped3A : memref<!tpu.dma_semaphore, #tpu.memory_space<semaphore_mem>>) src(%arg9 : memref<80x128xf32, #tpu.memory_space<vmem>>) dst(%dma_wait3A_32 : memref<10000x128xf32, #tpu.memory_space<vmem_shared>>)
        tpu.yield
      }) : () -> ()
    }
    %scan3A_11 = arith.constant 125 : i32
    %barrier3A_12 = arith.constant 0 : index
    tpu.barrier barrier_id(%barrier3A_12)
    "tpu.region"() ({
      %run_scoped3A = tpu.sem_alloc : memref<!tpu.dma_semaphore, #tpu.memory_space<semaphore_mem>>
      %dma_start3A = arith.constant 0 : i32
      %dma_start3A_18 = tpu.memref_slice %arg6[%arg0, %multiple_of3A, %dma_start3A] : memref<2x10000x128xf32, #tpu.memory_space<hbm>> -> memref<1x624x128xf32, #tpu.memory_space<hbm>>
      %dma_start3A_19 = tpu.memref_squeeze %dma_start3A_18 : memref<1x624x128xf32, #tpu.memory_space<hbm>> -> memref<624x128xf32, #tpu.memory_space<hbm>>
      %dma_start3A_20 = arith.constant 0 : i32
      %dma_start3A_21 = tpu.memref_slice %arg10[%multiple_of3A, %dma_start3A_20] : memref<10000x128xf32, #tpu.memory_space<vmem_shared>> -> memref<624x128xf32, #tpu.memory_space<vmem_shared>>
      tpu.enqueue_dma source(%dma_start3A_21 : memref<624x128xf32, #tpu.memory_space<vmem_shared>>) target(%dma_start3A_19 : memref<624x128xf32, #tpu.memory_space<hbm>>) target_semaphore(%run_scoped3A : memref<!tpu.dma_semaphore, #tpu.memory_space<semaphore_mem>>)
      %dma_wait3A = arith.constant 0 : i32
      %dma_wait3A_22 = tpu.memref_slice %arg6[%arg0, %multiple_of3A, %dma_wait3A] : memref<2x10000x128xf32, #tpu.memory_space<hbm>> -> memref<1x624x128xf32, #tpu.memory_space<hbm>>
      %dma_wait3A_23 = tpu.memref_squeeze %dma_wait3A_22 : memref<1x624x128xf32, #tpu.memory_space<hbm>> -> memref<624x128xf32, #tpu.memory_space<hbm>>
      %dma_wait3A_24 = arith.constant 0 : i32
      %dma_wait3A_25 = tpu.memref_slice %arg10[%multiple_of3A, %dma_wait3A_24] : memref<10000x128xf32, #tpu.memory_space<vmem_shared>> -> memref<624x128xf32, #tpu.memory_space<vmem_shared>>
      tpu.wait_dma2 semaphore(%run_scoped3A : memref<!tpu.dma_semaphore, #tpu.memory_space<semaphore_mem>>) src(%dma_wait3A_25 : memref<624x128xf32, #tpu.memory_space<vmem_shared>>) dst(%dma_wait3A_23 : memref<624x128xf32, #tpu.memory_space<hbm>>)
      tpu.yield
    }) : () -> ()
    %eq3A_13 = arith.constant 0 : i32
    %eq3A_14 = arith.cmpi eq, %arg1, %eq3A_13 : i32
    %convert_element_type3A_15 = arith.extui %eq3A_14 : i1 to i32
    %cond3A_16 = arith.constant 0 : i32
    %cond3A_17 = arith.cmpi ne, %convert_element_type3A_15, %cond3A_16 : i32
    scf.if %cond3A_17 {
      "tpu.region"() ({
        %run_scoped3A = tpu.sem_alloc : memref<!tpu.dma_semaphore, #tpu.memory_space<semaphore_mem>>
        %dma_start3A = arith.constant 9984 : i32
        %dma_start3A_18 = arith.constant 0 : i32
        %dma_start3A_19 = tpu.memref_slice %arg6[%arg0, %dma_start3A, %dma_start3A_18] : memref<2x10000x128xf32, #tpu.memory_space<hbm>> -> memref<1x16x128xf32, #tpu.memory_space<hbm>>
        %dma_start3A_20 = tpu.memref_squeeze %dma_start3A_19 : memref<1x16x128xf32, #tpu.memory_space<hbm>> -> memref<16x128xf32, #tpu.memory_space<hbm>>
        %dma_start3A_21 = arith.constant 9984 : i32
        %dma_start3A_22 = arith.constant 0 : i32
        %dma_start3A_23 = tpu.memref_slice %arg10[%dma_start3A_21, %dma_start3A_22] : memref<10000x128xf32, #tpu.memory_space<vmem_shared>> -> memref<16x128xf32, #tpu.memory_space<vmem_shared>>
        tpu.enqueue_dma source(%dma_start3A_23 : memref<16x128xf32, #tpu.memory_space<vmem_shared>>) target(%dma_start3A_20 : memref<16x128xf32, #tpu.memory_space<hbm>>) target_semaphore(%run_scoped3A : memref<!tpu.dma_semaphore, #tpu.memory_space<semaphore_mem>>)
        %dma_wait3A = arith.constant 9984 : i32
        %dma_wait3A_24 = arith.constant 0 : i32
        %dma_wait3A_25 = tpu.memref_slice %arg6[%arg0, %dma_wait3A, %dma_wait3A_24] : memref<2x10000x128xf32, #tpu.memory_space<hbm>> -> memref<1x16x128xf32, #tpu.memory_space<hbm>>
        %dma_wait3A_26 = tpu.memref_squeeze %dma_wait3A_25 : memref<1x16x128xf32, #tpu.memory_space<hbm>> -> memref<16x128xf32, #tpu.memory_space<hbm>>
        %dma_wait3A_27 = arith.constant 9984 : i32
        %dma_wait3A_28 = arith.constant 0 : i32
        %dma_wait3A_29 = tpu.memref_slice %arg10[%dma_wait3A_27, %dma_wait3A_28] : memref<10000x128xf32, #tpu.memory_space<vmem_shared>> -> memref<16x128xf32, #tpu.memory_space<vmem_shared>>
        tpu.wait_dma2 semaphore(%run_scoped3A : memref<!tpu.dma_semaphore, #tpu.memory_space<semaphore_mem>>) src(%dma_wait3A_29 : memref<16x128xf32, #tpu.memory_space<vmem_shared>>) dst(%dma_wait3A_26 : memref<16x128xf32, #tpu.memory_space<hbm>>)
        tpu.yield
      }) : () -> ()
    } else {
    }
    return
  }
}

#map = affine_map<(d0, d1) -> (0, 0)>
#map1 = affine_map<(d0, d1) -> (0)>
#map2 = affine_map<(d0, d1) -> (0, 0, 0)>
module attributes {stable_mosaic.version = 14 : i64} {
  func.func @propagate(%arg0: i32, %arg1: i32, %arg2: memref<10000x128xf32, #tpu.memory_space<hbm>>, %arg3: memref<320000xi32, #tpu.memory_space<hbm>>, %arg4: memref<320000xi32, #tpu.memory_space<hbm>>, %arg5: memref<10000x128xf32, #tpu.memory_space<hbm>>, %arg6: memref<2x10000x128xf32, #tpu.memory_space<hbm>>, %arg7: memref<80xi32, #tpu.memory_space<vmem>>, %arg8: memref<80xi32, #tpu.memory_space<vmem>>, %arg9: memref<80x128xf32, #tpu.memory_space<vmem>>, %arg10: memref<10000x128xf32, #tpu.memory_space<vmem_shared>>, %arg11: memref<!tpu.dma_semaphore, #tpu.memory_space<semaphore_mem>>) attributes {dimension_semantics = [#tpu.dimension_semantics<core_parallel>, #tpu.dimension_semantics<subcore_parallel>], iteration_bounds = array<i64: 2, 16>, scalar_prefetch = 0 : i64, scratch_operands = 5 : i64, tpu.core_type = #tpu.core_type<sc_vector_subcore>, window_params = [{transform_indices = #map}, {transform_indices = #map1}, {transform_indices = #map1}, {transform_indices = #map}, {transform_indices = #map2}]} {
    %mul3A = arith.constant 2 : i32
    %mul3A_0 = arith.muli %arg1, %mul3A : i32
    %add3A = arith.addi %mul3A_0, %arg0 : i32
    %mul3A_1 = arith.constant 10000 : i32
    %mul3A_2 = arith.muli %add3A, %mul3A_1 : i32
    %mul3A_3 = arith.constant 624 : i32
    %mul3A_4 = arith.muli %arg1, %mul3A_3 : i32
    %multiple_of3A = tpu.assume_multiple %mul3A_4, 8 : i32
    "tpu.region"() ({
      %run_scoped3A = tpu.sem_alloc : memref<!tpu.dma_semaphore, #tpu.memory_space<semaphore_mem>>
      %dma_start3A = arith.constant 0 : i32
      %dma_start3A_18 = tpu.memref_slice %arg10[%multiple_of3A, %dma_start3A] : memref<10000x128xf32, #tpu.memory_space<vmem_shared>> -> memref<624x128xf32, #tpu.memory_space<vmem_shared>>
      %dma_start3A_19 = arith.constant 0 : i32
      %dma_start3A_20 = tpu.memref_slice %arg5[%multiple_of3A, %dma_start3A_19] : memref<10000x128xf32, #tpu.memory_space<hbm>> -> memref<624x128xf32, #tpu.memory_space<hbm>>
      tpu.enqueue_dma source(%dma_start3A_20 : memref<624x128xf32, #tpu.memory_space<hbm>>) target(%dma_start3A_18 : memref<624x128xf32, #tpu.memory_space<vmem_shared>>) target_semaphore(%run_scoped3A : memref<!tpu.dma_semaphore, #tpu.memory_space<semaphore_mem>>)
      %dma_wait3A = arith.constant 0 : i32
      %dma_wait3A_21 = tpu.memref_slice %arg10[%multiple_of3A, %dma_wait3A] : memref<10000x128xf32, #tpu.memory_space<vmem_shared>> -> memref<624x128xf32, #tpu.memory_space<vmem_shared>>
      %dma_wait3A_22 = arith.constant 0 : i32
      %dma_wait3A_23 = tpu.memref_slice %arg5[%multiple_of3A, %dma_wait3A_22] : memref<10000x128xf32, #tpu.memory_space<hbm>> -> memref<624x128xf32, #tpu.memory_space<hbm>>
      tpu.wait_dma2 semaphore(%run_scoped3A : memref<!tpu.dma_semaphore, #tpu.memory_space<semaphore_mem>>) src(%dma_wait3A_23 : memref<624x128xf32, #tpu.memory_space<hbm>>) dst(%dma_wait3A_21 : memref<624x128xf32, #tpu.memory_space<vmem_shared>>)
      tpu.yield
    }) : () -> ()
    %eq3A = arith.constant 0 : i32
    %eq3A_5 = arith.cmpi eq, %arg1, %eq3A : i32
    %convert_element_type3A = arith.extui %eq3A_5 : i1 to i32
    %cond3A = arith.constant 0 : i32
    %cond3A_6 = arith.cmpi ne, %convert_element_type3A, %cond3A : i32
    scf.if %cond3A_6 {
      "tpu.region"() ({
        %run_scoped3A = tpu.sem_alloc : memref<!tpu.dma_semaphore, #tpu.memory_space<semaphore_mem>>
        %dma_start3A = arith.constant 9984 : i32
        %dma_start3A_18 = arith.constant 0 : i32
        %dma_start3A_19 = tpu.memref_slice %arg10[%dma_start3A, %dma_start3A_18] : memref<10000x128xf32, #tpu.memory_space<vmem_shared>> -> memref<16x128xf32, #tpu.memory_space<vmem_shared>>
        %dma_start3A_20 = arith.constant 9984 : i32
        %dma_start3A_21 = arith.constant 0 : i32
        %dma_start3A_22 = tpu.memref_slice %arg5[%dma_start3A_20, %dma_start3A_21] : memref<10000x128xf32, #tpu.memory_space<hbm>> -> memref<16x128xf32, #tpu.memory_space<hbm>>
        tpu.enqueue_dma source(%dma_start3A_22 : memref<16x128xf32, #tpu.memory_space<hbm>>) target(%dma_start3A_19 : memref<16x128xf32, #tpu.memory_space<vmem_shared>>) target_semaphore(%run_scoped3A : memref<!tpu.dma_semaphore, #tpu.memory_space<semaphore_mem>>)
        %dma_wait3A = arith.constant 9984 : i32
        %dma_wait3A_23 = arith.constant 0 : i32
        %dma_wait3A_24 = tpu.memref_slice %arg10[%dma_wait3A, %dma_wait3A_23] : memref<10000x128xf32, #tpu.memory_space<vmem_shared>> -> memref<16x128xf32, #tpu.memory_space<vmem_shared>>
        %dma_wait3A_25 = arith.constant 9984 : i32
        %dma_wait3A_26 = arith.constant 0 : i32
        %dma_wait3A_27 = tpu.memref_slice %arg5[%dma_wait3A_25, %dma_wait3A_26] : memref<10000x128xf32, #tpu.memory_space<hbm>> -> memref<16x128xf32, #tpu.memory_space<hbm>>
        tpu.wait_dma2 semaphore(%run_scoped3A : memref<!tpu.dma_semaphore, #tpu.memory_space<semaphore_mem>>) src(%dma_wait3A_27 : memref<16x128xf32, #tpu.memory_space<hbm>>) dst(%dma_wait3A_24 : memref<16x128xf32, #tpu.memory_space<vmem_shared>>)
        tpu.yield
      }) : () -> ()
    } else {
    }
    %barrier3A = arith.constant 0 : index
    tpu.barrier barrier_id(%barrier3A)
    %scan3A = arith.constant 0 : i32
    %scan3A_7 = arith.constant 0 : i32
    %scan3A_8 = arith.constant 125 : i32
    %scan3A_9 = arith.addi %scan3A_7, %scan3A_8 : i32
    %scan3A_10 = arith.constant 1 : i32
    scf.for %scan3A_18 = %scan3A_7 to %scan3A_9 step %scan3A_10  : i32 {
      %mul3A_19 = arith.constant 80 : i32
      %mul3A_20 = arith.muli %scan3A_18, %mul3A_19 : i32
      %add3A_21 = arith.addi %mul3A_2, %mul3A_20 : i32
      %multiple_of3A_22 = tpu.assume_multiple %add3A_21, 8 : i32
      "tpu.region"() ({
        %run_scoped3A = tpu.sem_alloc : memref<!tpu.dma_semaphore, #tpu.memory_space<semaphore_mem>>
        %dma_start3A_27 = tpu.memref_slice %arg3[%multiple_of3A_22] : memref<320000xi32, #tpu.memory_space<hbm>> -> memref<80xi32, #tpu.memory_space<hbm>>
        %dma_start3A_28 = tpu.memref_slice %arg3[%multiple_of3A_22] : memref<320000xi32, #tpu.memory_space<hbm>> -> memref<80xi32, #tpu.memory_space<hbm>>
        tpu.enqueue_dma source(%dma_start3A_28 : memref<80xi32, #tpu.memory_space<hbm>>) target(%arg7 : memref<80xi32, #tpu.memory_space<vmem>>) target_semaphore(%run_scoped3A : memref<!tpu.dma_semaphore, #tpu.memory_space<semaphore_mem>>)
        %dma_wait3A_29 = tpu.memref_slice %arg3[%multiple_of3A_22] : memref<320000xi32, #tpu.memory_space<hbm>> -> memref<80xi32, #tpu.memory_space<hbm>>
        %dma_wait3A_30 = tpu.memref_slice %arg3[%multiple_of3A_22] : memref<320000xi32, #tpu.memory_space<hbm>> -> memref<80xi32, #tpu.memory_space<hbm>>
        tpu.wait_dma2 semaphore(%run_scoped3A : memref<!tpu.dma_semaphore, #tpu.memory_space<semaphore_mem>>) src(%dma_wait3A_30 : memref<80xi32, #tpu.memory_space<hbm>>) dst(%arg7 : memref<80xi32, #tpu.memory_space<vmem>>)
        tpu.yield
      }) : () -> ()
      "tpu.region"() ({
        %run_scoped3A = tpu.sem_alloc : memref<!tpu.dma_semaphore, #tpu.memory_space<semaphore_mem>>
        %dma_start3A_27 = tpu.memref_slice %arg4[%multiple_of3A_22] : memref<320000xi32, #tpu.memory_space<hbm>> -> memref<80xi32, #tpu.memory_space<hbm>>
        %dma_start3A_28 = tpu.memref_slice %arg4[%multiple_of3A_22] : memref<320000xi32, #tpu.memory_space<hbm>> -> memref<80xi32, #tpu.memory_space<hbm>>
        tpu.enqueue_dma source(%dma_start3A_28 : memref<80xi32, #tpu.memory_space<hbm>>) target(%arg8 : memref<80xi32, #tpu.memory_space<vmem>>) target_semaphore(%run_scoped3A : memref<!tpu.dma_semaphore, #tpu.memory_space<semaphore_mem>>)
        %dma_wait3A_29 = tpu.memref_slice %arg4[%multiple_of3A_22] : memref<320000xi32, #tpu.memory_space<hbm>> -> memref<80xi32, #tpu.memory_space<hbm>>
        %dma_wait3A_30 = tpu.memref_slice %arg4[%multiple_of3A_22] : memref<320000xi32, #tpu.memory_space<hbm>> -> memref<80xi32, #tpu.memory_space<hbm>>
        tpu.wait_dma2 semaphore(%run_scoped3A : memref<!tpu.dma_semaphore, #tpu.memory_space<semaphore_mem>>) src(%dma_wait3A_30 : memref<80xi32, #tpu.memory_space<hbm>>) dst(%arg8 : memref<80xi32, #tpu.memory_space<vmem>>)
        tpu.yield
      }) : () -> ()
      %dma_start3A = arith.constant 0 : i32
      %dma_start3A_23 = arith.constant 0 : i32
      %dma_start3A_24 = tpu.memref_slice %arg2[%dma_start3A, %dma_start3A_23] : memref<10000x128xf32, #tpu.memory_space<hbm>> -> memref<10000x128xf32, #tpu.memory_space<hbm>>
      tpu.enqueue_indirect_dma source(%dma_start3A_24 : memref<10000x128xf32, #tpu.memory_space<hbm>>) target(%arg9 : memref<80x128xf32, #tpu.memory_space<vmem>>) offsets(%arg7 : memref<80xi32, #tpu.memory_space<vmem>>) semaphore(%arg11 : memref<!tpu.dma_semaphore, #tpu.memory_space<semaphore_mem>>)
      %dma_wait3A = arith.constant 0 : i32
      %dma_wait3A_25 = arith.constant 0 : i32
      %dma_wait3A_26 = tpu.memref_slice %arg2[%dma_wait3A, %dma_wait3A_25] : memref<10000x128xf32, #tpu.memory_space<hbm>> -> memref<10000x128xf32, #tpu.memory_space<hbm>>
      tpu.wait_indirect_dma semaphore(%arg11 : memref<!tpu.dma_semaphore, #tpu.memory_space<semaphore_mem>>) src(%dma_wait3A_26 : memref<10000x128xf32, #tpu.memory_space<hbm>>) dst(%arg9 : memref<80x128xf32, #tpu.memory_space<vmem>>)
      "tpu.region"() ({
        %run_scoped3A = tpu.sem_alloc : memref<!tpu.dma_semaphore, #tpu.memory_space<semaphore_mem>>
        %dma_start3A_27 = arith.constant 0 : i32
        %dma_start3A_28 = arith.constant 0 : i32
        %dma_start3A_29 = tpu.memref_slice %arg10[%dma_start3A_27, %dma_start3A_28] : memref<10000x128xf32, #tpu.memory_space<vmem_shared>> -> memref<10000x128xf32, #tpu.memory_space<vmem_shared>>
        tpu.enqueue_indirect_dma source(%arg9 : memref<80x128xf32, #tpu.memory_space<vmem>>) target(%dma_start3A_29 : memref<10000x128xf32, #tpu.memory_space<vmem_shared>>) offsets(%arg8 : memref<80xi32, #tpu.memory_space<vmem>>) semaphore(%run_scoped3A : memref<!tpu.dma_semaphore, #tpu.memory_space<semaphore_mem>>) {add = true}
        %dma_wait3A_30 = arith.constant 0 : i32
        %dma_wait3A_31 = arith.constant 0 : i32
        %dma_wait3A_32 = tpu.memref_slice %arg10[%dma_wait3A_30, %dma_wait3A_31] : memref<10000x128xf32, #tpu.memory_space<vmem_shared>> -> memref<10000x128xf32, #tpu.memory_space<vmem_shared>>
        tpu.wait_indirect_dma semaphore(%run_scoped3A : memref<!tpu.dma_semaphore, #tpu.memory_space<semaphore_mem>>) src(%arg9 : memref<80x128xf32, #tpu.memory_space<vmem>>) dst(%dma_wait3A_32 : memref<10000x128xf32, #tpu.memory_space<vmem_shared>>)
        tpu.yield
      }) : () -> ()
    }
    %scan3A_11 = arith.constant 125 : i32
    %barrier3A_12 = arith.constant 0 : index
    tpu.barrier barrier_id(%barrier3A_12)
    "tpu.region"() ({
      %run_scoped3A = tpu.sem_alloc : memref<!tpu.dma_semaphore, #tpu.memory_space<semaphore_mem>>
      %dma_start3A = arith.constant 0 : i32
      %dma_start3A_18 = tpu.memref_slice %arg6[%arg0, %multiple_of3A, %dma_start3A] : memref<2x10000x128xf32, #tpu.memory_space<hbm>> -> memref<1x624x128xf32, #tpu.memory_space<hbm>>
      %dma_start3A_19 = tpu.memref_squeeze %dma_start3A_18 : memref<1x624x128xf32, #tpu.memory_space<hbm>> -> memref<624x128xf32, #tpu.memory_space<hbm>>
      %dma_start3A_20 = arith.constant 0 : i32
      %dma_start3A_21 = tpu.memref_slice %arg10[%multiple_of3A, %dma_start3A_20] : memref<10000x128xf32, #tpu.memory_space<vmem_shared>> -> memref<624x128xf32, #tpu.memory_space<vmem_shared>>
      tpu.enqueue_dma source(%dma_start3A_21 : memref<624x128xf32, #tpu.memory_space<vmem_shared>>) target(%dma_start3A_19 : memref<624x128xf32, #tpu.memory_space<hbm>>) target_semaphore(%run_scoped3A : memref<!tpu.dma_semaphore, #tpu.memory_space<semaphore_mem>>)
      %dma_wait3A = arith.constant 0 : i32
      %dma_wait3A_22 = tpu.memref_slice %arg6[%arg0, %multiple_of3A, %dma_wait3A] : memref<2x10000x128xf32, #tpu.memory_space<hbm>> -> memref<1x624x128xf32, #tpu.memory_space<hbm>>
      %dma_wait3A_23 = tpu.memref_squeeze %dma_wait3A_22 : memref<1x624x128xf32, #tpu.memory_space<hbm>> -> memref<624x128xf32, #tpu.memory_space<hbm>>
      %dma_wait3A_24 = arith.constant 0 : i32
      %dma_wait3A_25 = tpu.memref_slice %arg10[%multiple_of3A, %dma_wait3A_24] : memref<10000x128xf32, #tpu.memory_space<vmem_shared>> -> memref<624x128xf32, #tpu.memory_space<vmem_shared>>
      tpu.wait_dma2 semaphore(%run_scoped3A : memref<!tpu.dma_semaphore, #tpu.memory_space<semaphore_mem>>) src(%dma_wait3A_25 : memref<624x128xf32, #tpu.memory_space<vmem_shared>>) dst(%dma_wait3A_23 : memref<624x128xf32, #tpu.memory_space<hbm>>)
      tpu.yield
    }) : () -> ()
    %eq3A_13 = arith.constant 0 : i32
    %eq3A_14 = arith.cmpi eq, %arg1, %eq3A_13 : i32
    %convert_element_type3A_15 = arith.extui %eq3A_14 : i1 to i32
    %cond3A_16 = arith.constant 0 : i32
    %cond3A_17 = arith.cmpi ne, %convert_element_type3A_15, %cond3A_16 : i32
    scf.if %cond3A_17 {
      "tpu.region"() ({
        %run_scoped3A = tpu.sem_alloc : memref<!tpu.dma_semaphore, #tpu.memory_space<semaphore_mem>>
        %dma_start3A = arith.constant 9984 : i32
        %dma_start3A_18 = arith.constant 0 : i32
        %dma_start3A_19 = tpu.memref_slice %arg6[%arg0, %dma_start3A, %dma_start3A_18] : memref<2x10000x128xf32, #tpu.memory_space<hbm>> -> memref<1x16x128xf32, #tpu.memory_space<hbm>>
        %dma_start3A_20 = tpu.memref_squeeze %dma_start3A_19 : memref<1x16x128xf32, #tpu.memory_space<hbm>> -> memref<16x128xf32, #tpu.memory_space<hbm>>
        %dma_start3A_21 = arith.constant 9984 : i32
        %dma_start3A_22 = arith.constant 0 : i32
        %dma_start3A_23 = tpu.memref_slice %arg10[%dma_start3A_21, %dma_start3A_22] : memref<10000x128xf32, #tpu.memory_space<vmem_shared>> -> memref<16x128xf32, #tpu.memory_space<vmem_shared>>
        tpu.enqueue_dma source(%dma_start3A_23 : memref<16x128xf32, #tpu.memory_space<vmem_shared>>) target(%dma_start3A_20 : memref<16x128xf32, #tpu.memory_space<hbm>>) target_semaphore(%run_scoped3A : memref<!tpu.dma_semaphore, #tpu.memory_space<semaphore_mem>>)
        %dma_wait3A = arith.constant 9984 : i32
        %dma_wait3A_24 = arith.constant 0 : i32
        %dma_wait3A_25 = tpu.memref_slice %arg6[%arg0, %dma_wait3A, %dma_wait3A_24] : memref<2x10000x128xf32, #tpu.memory_space<hbm>> -> memref<1x16x128xf32, #tpu.memory_space<hbm>>
        %dma_wait3A_26 = tpu.memref_squeeze %dma_wait3A_25 : memref<1x16x128xf32, #tpu.memory_space<hbm>> -> memref<16x128xf32, #tpu.memory_space<hbm>>
        %dma_wait3A_27 = arith.constant 9984 : i32
        %dma_wait3A_28 = arith.constant 0 : i32
        %dma_wait3A_29 = tpu.memref_slice %arg10[%dma_wait3A_27, %dma_wait3A_28] : memref<10000x128xf32, #tpu.memory_space<vmem_shared>> -> memref<16x128xf32, #tpu.memory_space<vmem_shared>>
        tpu.wait_dma2 semaphore(%run_scoped3A : memref<!tpu.dma_semaphore, #tpu.memory_space<semaphore_mem>>) src(%dma_wait3A_29 : memref<16x128xf32, #tpu.memory_space<vmem_shared>>) dst(%dma_wait3A_26 : memref<16x128xf32, #tpu.memory_space<hbm>>)
        tpu.yield
      }) : () -> ()
    } else {
    }
    return
  }
}

#map = affine_map<(d0, d1) -> (0, 0)>
#map1 = affine_map<(d0, d1) -> (0)>
#map2 = affine_map<(d0, d1) -> (0, 0, 0)>
module attributes {stable_mosaic.version = 14 : i64} {
  func.func @propagate(%arg0: i32, %arg1: i32, %arg2: memref<10000x128xf32, #tpu.memory_space<hbm>>, %arg3: memref<320000xi32, #tpu.memory_space<hbm>>, %arg4: memref<320000xi32, #tpu.memory_space<hbm>>, %arg5: memref<10000x128xf32, #tpu.memory_space<hbm>>, %arg6: memref<2x10000x128xf32, #tpu.memory_space<hbm>>, %arg7: memref<80xi32, #tpu.memory_space<vmem>>, %arg8: memref<80xi32, #tpu.memory_space<vmem>>, %arg9: memref<80x128xf32, #tpu.memory_space<vmem>>, %arg10: memref<10000x128xf32, #tpu.memory_space<vmem_shared>>, %arg11: memref<!tpu.dma_semaphore, #tpu.memory_space<semaphore_mem>>) attributes {dimension_semantics = [#tpu.dimension_semantics<core_parallel>, #tpu.dimension_semantics<subcore_parallel>], iteration_bounds = array<i64: 2, 16>, scalar_prefetch = 0 : i64, scratch_operands = 5 : i64, tpu.core_type = #tpu.core_type<sc_vector_subcore>, window_params = [{transform_indices = #map}, {transform_indices = #map1}, {transform_indices = #map1}, {transform_indices = #map}, {transform_indices = #map2}]} {
    %mul3A = arith.constant 2 : i32
    %mul3A_0 = arith.muli %arg1, %mul3A : i32
    %add3A = arith.addi %mul3A_0, %arg0 : i32
    %mul3A_1 = arith.constant 10000 : i32
    %mul3A_2 = arith.muli %add3A, %mul3A_1 : i32
    %mul3A_3 = arith.constant 624 : i32
    %mul3A_4 = arith.muli %arg1, %mul3A_3 : i32
    %multiple_of3A = tpu.assume_multiple %mul3A_4, 8 : i32
    "tpu.region"() ({
      %run_scoped3A = tpu.sem_alloc : memref<!tpu.dma_semaphore, #tpu.memory_space<semaphore_mem>>
      %dma_start3A = arith.constant 0 : i32
      %dma_start3A_18 = tpu.memref_slice %arg10[%multiple_of3A, %dma_start3A] : memref<10000x128xf32, #tpu.memory_space<vmem_shared>> -> memref<624x128xf32, #tpu.memory_space<vmem_shared>>
      %dma_start3A_19 = arith.constant 0 : i32
      %dma_start3A_20 = tpu.memref_slice %arg5[%multiple_of3A, %dma_start3A_19] : memref<10000x128xf32, #tpu.memory_space<hbm>> -> memref<624x128xf32, #tpu.memory_space<hbm>>
      tpu.enqueue_dma source(%dma_start3A_20 : memref<624x128xf32, #tpu.memory_space<hbm>>) target(%dma_start3A_18 : memref<624x128xf32, #tpu.memory_space<vmem_shared>>) target_semaphore(%run_scoped3A : memref<!tpu.dma_semaphore, #tpu.memory_space<semaphore_mem>>)
      %dma_wait3A = arith.constant 0 : i32
      %dma_wait3A_21 = tpu.memref_slice %arg10[%multiple_of3A, %dma_wait3A] : memref<10000x128xf32, #tpu.memory_space<vmem_shared>> -> memref<624x128xf32, #tpu.memory_space<vmem_shared>>
      %dma_wait3A_22 = arith.constant 0 : i32
      %dma_wait3A_23 = tpu.memref_slice %arg5[%multiple_of3A, %dma_wait3A_22] : memref<10000x128xf32, #tpu.memory_space<hbm>> -> memref<624x128xf32, #tpu.memory_space<hbm>>
      tpu.wait_dma2 semaphore(%run_scoped3A : memref<!tpu.dma_semaphore, #tpu.memory_space<semaphore_mem>>) src(%dma_wait3A_23 : memref<624x128xf32, #tpu.memory_space<hbm>>) dst(%dma_wait3A_21 : memref<624x128xf32, #tpu.memory_space<vmem_shared>>)
      tpu.yield
    }) : () -> ()
    %eq3A = arith.constant 0 : i32
    %eq3A_5 = arith.cmpi eq, %arg1, %eq3A : i32
    %convert_element_type3A = arith.extui %eq3A_5 : i1 to i32
    %cond3A = arith.constant 0 : i32
    %cond3A_6 = arith.cmpi ne, %convert_element_type3A, %cond3A : i32
    scf.if %cond3A_6 {
      "tpu.region"() ({
        %run_scoped3A = tpu.sem_alloc : memref<!tpu.dma_semaphore, #tpu.memory_space<semaphore_mem>>
        %dma_start3A = arith.constant 9984 : i32
        %dma_start3A_18 = arith.constant 0 : i32
        %dma_start3A_19 = tpu.memref_slice %arg10[%dma_start3A, %dma_start3A_18] : memref<10000x128xf32, #tpu.memory_space<vmem_shared>> -> memref<16x128xf32, #tpu.memory_space<vmem_shared>>
        %dma_start3A_20 = arith.constant 9984 : i32
        %dma_start3A_21 = arith.constant 0 : i32
        %dma_start3A_22 = tpu.memref_slice %arg5[%dma_start3A_20, %dma_start3A_21] : memref<10000x128xf32, #tpu.memory_space<hbm>> -> memref<16x128xf32, #tpu.memory_space<hbm>>
        tpu.enqueue_dma source(%dma_start3A_22 : memref<16x128xf32, #tpu.memory_space<hbm>>) target(%dma_start3A_19 : memref<16x128xf32, #tpu.memory_space<vmem_shared>>) target_semaphore(%run_scoped3A : memref<!tpu.dma_semaphore, #tpu.memory_space<semaphore_mem>>)
        %dma_wait3A = arith.constant 9984 : i32
        %dma_wait3A_23 = arith.constant 0 : i32
        %dma_wait3A_24 = tpu.memref_slice %arg10[%dma_wait3A, %dma_wait3A_23] : memref<10000x128xf32, #tpu.memory_space<vmem_shared>> -> memref<16x128xf32, #tpu.memory_space<vmem_shared>>
        %dma_wait3A_25 = arith.constant 9984 : i32
        %dma_wait3A_26 = arith.constant 0 : i32
        %dma_wait3A_27 = tpu.memref_slice %arg5[%dma_wait3A_25, %dma_wait3A_26] : memref<10000x128xf32, #tpu.memory_space<hbm>> -> memref<16x128xf32, #tpu.memory_space<hbm>>
        tpu.wait_dma2 semaphore(%run_scoped3A : memref<!tpu.dma_semaphore, #tpu.memory_space<semaphore_mem>>) src(%dma_wait3A_27 : memref<16x128xf32, #tpu.memory_space<hbm>>) dst(%dma_wait3A_24 : memref<16x128xf32, #tpu.memory_space<vmem_shared>>)
        tpu.yield
      }) : () -> ()
    } else {
    }
    %barrier3A = arith.constant 0 : index
    tpu.barrier barrier_id(%barrier3A)
    %scan3A = arith.constant 0 : i32
    %scan3A_7 = arith.constant 0 : i32
    %scan3A_8 = arith.constant 125 : i32
    %scan3A_9 = arith.addi %scan3A_7, %scan3A_8 : i32
    %scan3A_10 = arith.constant 1 : i32
    scf.for %scan3A_18 = %scan3A_7 to %scan3A_9 step %scan3A_10  : i32 {
      %mul3A_19 = arith.constant 80 : i32
      %mul3A_20 = arith.muli %scan3A_18, %mul3A_19 : i32
      %add3A_21 = arith.addi %mul3A_2, %mul3A_20 : i32
      %multiple_of3A_22 = tpu.assume_multiple %add3A_21, 8 : i32
      "tpu.region"() ({
        %run_scoped3A = tpu.sem_alloc : memref<!tpu.dma_semaphore, #tpu.memory_space<semaphore_mem>>
        %dma_start3A_27 = tpu.memref_slice %arg3[%multiple_of3A_22] : memref<320000xi32, #tpu.memory_space<hbm>> -> memref<80xi32, #tpu.memory_space<hbm>>
        %dma_start3A_28 = tpu.memref_slice %arg3[%multiple_of3A_22] : memref<320000xi32, #tpu.memory_space<hbm>> -> memref<80xi32, #tpu.memory_space<hbm>>
        tpu.enqueue_dma source(%dma_start3A_28 : memref<80xi32, #tpu.memory_space<hbm>>) target(%arg7 : memref<80xi32, #tpu.memory_space<vmem>>) target_semaphore(%run_scoped3A : memref<!tpu.dma_semaphore, #tpu.memory_space<semaphore_mem>>)
        %dma_wait3A_29 = tpu.memref_slice %arg3[%multiple_of3A_22] : memref<320000xi32, #tpu.memory_space<hbm>> -> memref<80xi32, #tpu.memory_space<hbm>>
        %dma_wait3A_30 = tpu.memref_slice %arg3[%multiple_of3A_22] : memref<320000xi32, #tpu.memory_space<hbm>> -> memref<80xi32, #tpu.memory_space<hbm>>
        tpu.wait_dma2 semaphore(%run_scoped3A : memref<!tpu.dma_semaphore, #tpu.memory_space<semaphore_mem>>) src(%dma_wait3A_30 : memref<80xi32, #tpu.memory_space<hbm>>) dst(%arg7 : memref<80xi32, #tpu.memory_space<vmem>>)
        tpu.yield
      }) : () -> ()
      "tpu.region"() ({
        %run_scoped3A = tpu.sem_alloc : memref<!tpu.dma_semaphore, #tpu.memory_space<semaphore_mem>>
        %dma_start3A_27 = tpu.memref_slice %arg4[%multiple_of3A_22] : memref<320000xi32, #tpu.memory_space<hbm>> -> memref<80xi32, #tpu.memory_space<hbm>>
        %dma_start3A_28 = tpu.memref_slice %arg4[%multiple_of3A_22] : memref<320000xi32, #tpu.memory_space<hbm>> -> memref<80xi32, #tpu.memory_space<hbm>>
        tpu.enqueue_dma source(%dma_start3A_28 : memref<80xi32, #tpu.memory_space<hbm>>) target(%arg8 : memref<80xi32, #tpu.memory_space<vmem>>) target_semaphore(%run_scoped3A : memref<!tpu.dma_semaphore, #tpu.memory_space<semaphore_mem>>)
        %dma_wait3A_29 = tpu.memref_slice %arg4[%multiple_of3A_22] : memref<320000xi32, #tpu.memory_space<hbm>> -> memref<80xi32, #tpu.memory_space<hbm>>
        %dma_wait3A_30 = tpu.memref_slice %arg4[%multiple_of3A_22] : memref<320000xi32, #tpu.memory_space<hbm>> -> memref<80xi32, #tpu.memory_space<hbm>>
        tpu.wait_dma2 semaphore(%run_scoped3A : memref<!tpu.dma_semaphore, #tpu.memory_space<semaphore_mem>>) src(%dma_wait3A_30 : memref<80xi32, #tpu.memory_space<hbm>>) dst(%arg8 : memref<80xi32, #tpu.memory_space<vmem>>)
        tpu.yield
      }) : () -> ()
      %dma_start3A = arith.constant 0 : i32
      %dma_start3A_23 = arith.constant 0 : i32
      %dma_start3A_24 = tpu.memref_slice %arg2[%dma_start3A, %dma_start3A_23] : memref<10000x128xf32, #tpu.memory_space<hbm>> -> memref<10000x128xf32, #tpu.memory_space<hbm>>
      tpu.enqueue_indirect_dma source(%dma_start3A_24 : memref<10000x128xf32, #tpu.memory_space<hbm>>) target(%arg9 : memref<80x128xf32, #tpu.memory_space<vmem>>) offsets(%arg7 : memref<80xi32, #tpu.memory_space<vmem>>) semaphore(%arg11 : memref<!tpu.dma_semaphore, #tpu.memory_space<semaphore_mem>>)
      %dma_wait3A = arith.constant 0 : i32
      %dma_wait3A_25 = arith.constant 0 : i32
      %dma_wait3A_26 = tpu.memref_slice %arg2[%dma_wait3A, %dma_wait3A_25] : memref<10000x128xf32, #tpu.memory_space<hbm>> -> memref<10000x128xf32, #tpu.memory_space<hbm>>
      tpu.wait_indirect_dma semaphore(%arg11 : memref<!tpu.dma_semaphore, #tpu.memory_space<semaphore_mem>>) src(%dma_wait3A_26 : memref<10000x128xf32, #tpu.memory_space<hbm>>) dst(%arg9 : memref<80x128xf32, #tpu.memory_space<vmem>>)
      "tpu.region"() ({
        %run_scoped3A = tpu.sem_alloc : memref<!tpu.dma_semaphore, #tpu.memory_space<semaphore_mem>>
        %dma_start3A_27 = arith.constant 0 : i32
        %dma_start3A_28 = arith.constant 0 : i32
        %dma_start3A_29 = tpu.memref_slice %arg10[%dma_start3A_27, %dma_start3A_28] : memref<10000x128xf32, #tpu.memory_space<vmem_shared>> -> memref<10000x128xf32, #tpu.memory_space<vmem_shared>>
        tpu.enqueue_indirect_dma source(%arg9 : memref<80x128xf32, #tpu.memory_space<vmem>>) target(%dma_start3A_29 : memref<10000x128xf32, #tpu.memory_space<vmem_shared>>) offsets(%arg8 : memref<80xi32, #tpu.memory_space<vmem>>) semaphore(%run_scoped3A : memref<!tpu.dma_semaphore, #tpu.memory_space<semaphore_mem>>) {add = true}
        %dma_wait3A_30 = arith.constant 0 : i32
        %dma_wait3A_31 = arith.constant 0 : i32
        %dma_wait3A_32 = tpu.memref_slice %arg10[%dma_wait3A_30, %dma_wait3A_31] : memref<10000x128xf32, #tpu.memory_space<vmem_shared>> -> memref<10000x128xf32, #tpu.memory_space<vmem_shared>>
        tpu.wait_indirect_dma semaphore(%run_scoped3A : memref<!tpu.dma_semaphore, #tpu.memory_space<semaphore_mem>>) src(%arg9 : memref<80x128xf32, #tpu.memory_space<vmem>>) dst(%dma_wait3A_32 : memref<10000x128xf32, #tpu.memory_space<vmem_shared>>)
        tpu.yield
      }) : () -> ()
    }
    %scan3A_11 = arith.constant 125 : i32
    %barrier3A_12 = arith.constant 0 : index
    tpu.barrier barrier_id(%barrier3A_12)
    "tpu.region"() ({
      %run_scoped3A = tpu.sem_alloc : memref<!tpu.dma_semaphore, #tpu.memory_space<semaphore_mem>>
      %dma_start3A = arith.constant 0 : i32
      %dma_start3A_18 = tpu.memref_slice %arg6[%arg0, %multiple_of3A, %dma_start3A] : memref<2x10000x128xf32, #tpu.memory_space<hbm>> -> memref<1x624x128xf32, #tpu.memory_space<hbm>>
      %dma_start3A_19 = tpu.memref_squeeze %dma_start3A_18 : memref<1x624x128xf32, #tpu.memory_space<hbm>> -> memref<624x128xf32, #tpu.memory_space<hbm>>
      %dma_start3A_20 = arith.constant 0 : i32
      %dma_start3A_21 = tpu.memref_slice %arg10[%multiple_of3A, %dma_start3A_20] : memref<10000x128xf32, #tpu.memory_space<vmem_shared>> -> memref<624x128xf32, #tpu.memory_space<vmem_shared>>
      tpu.enqueue_dma source(%dma_start3A_21 : memref<624x128xf32, #tpu.memory_space<vmem_shared>>) target(%dma_start3A_19 : memref<624x128xf32, #tpu.memory_space<hbm>>) target_semaphore(%run_scoped3A : memref<!tpu.dma_semaphore, #tpu.memory_space<semaphore_mem>>)
      %dma_wait3A = arith.constant 0 : i32
      %dma_wait3A_22 = tpu.memref_slice %arg6[%arg0, %multiple_of3A, %dma_wait3A] : memref<2x10000x128xf32, #tpu.memory_space<hbm>> -> memref<1x624x128xf32, #tpu.memory_space<hbm>>
      %dma_wait3A_23 = tpu.memref_squeeze %dma_wait3A_22 : memref<1x624x128xf32, #tpu.memory_space<hbm>> -> memref<624x128xf32, #tpu.memory_space<hbm>>
      %dma_wait3A_24 = arith.constant 0 : i32
      %dma_wait3A_25 = tpu.memref_slice %arg10[%multiple_of3A, %dma_wait3A_24] : memref<10000x128xf32, #tpu.memory_space<vmem_shared>> -> memref<624x128xf32, #tpu.memory_space<vmem_shared>>
      tpu.wait_dma2 semaphore(%run_scoped3A : memref<!tpu.dma_semaphore, #tpu.memory_space<semaphore_mem>>) src(%dma_wait3A_25 : memref<624x128xf32, #tpu.memory_space<vmem_shared>>) dst(%dma_wait3A_23 : memref<624x128xf32, #tpu.memory_space<hbm>>)
      tpu.yield
    }) : () -> ()
    %eq3A_13 = arith.constant 0 : i32
    %eq3A_14 = arith.cmpi eq, %arg1, %eq3A_13 : i32
    %convert_element_type3A_15 = arith.extui %eq3A_14 : i1 to i32
    %cond3A_16 = arith.constant 0 : i32
    %cond3A_17 = arith.cmpi ne, %convert_element_type3A_15, %cond3A_16 : i32
    scf.if %cond3A_17 {
      "tpu.region"() ({
        %run_scoped3A = tpu.sem_alloc : memref<!tpu.dma_semaphore, #tpu.memory_space<semaphore_mem>>
        %dma_start3A = arith.constant 9984 : i32
        %dma_start3A_18 = arith.constant 0 : i32
        %dma_start3A_19 = tpu.memref_slice %arg6[%arg0, %dma_start3A, %dma_start3A_18] : memref<2x10000x128xf32, #tpu.memory_space<hbm>> -> memref<1x16x128xf32, #tpu.memory_space<hbm>>
        %dma_start3A_20 = tpu.memref_squeeze %dma_start3A_19 : memref<1x16x128xf32, #tpu.memory_space<hbm>> -> memref<16x128xf32, #tpu.memory_space<hbm>>
        %dma_start3A_21 = arith.constant 9984 : i32
        %dma_start3A_22 = arith.constant 0 : i32
        %dma_start3A_23 = tpu.memref_slice %arg10[%dma_start3A_21, %dma_start3A_22] : memref<10000x128xf32, #tpu.memory_space<vmem_shared>> -> memref<16x128xf32, #tpu.memory_space<vmem_shared>>
        tpu.enqueue_dma source(%dma_start3A_23 : memref<16x128xf32, #tpu.memory_space<vmem_shared>>) target(%dma_start3A_20 : memref<16x128xf32, #tpu.memory_space<hbm>>) target_semaphore(%run_scoped3A : memref<!tpu.dma_semaphore, #tpu.memory_space<semaphore_mem>>)
        %dma_wait3A = arith.constant 9984 : i32
        %dma_wait3A_24 = arith.constant 0 : i32
        %dma_wait3A_25 = tpu.memref_slice %arg6[%arg0, %dma_wait3A, %dma_wait3A_24] : memref<2x10000x128xf32, #tpu.memory_space<hbm>> -> memref<1x16x128xf32, #tpu.memory_space<hbm>>
        %dma_wait3A_26 = tpu.memref_squeeze %dma_wait3A_25 : memref<1x16x128xf32, #tpu.memory_space<hbm>> -> memref<16x128xf32, #tpu.memory_space<hbm>>
        %dma_wait3A_27 = arith.constant 9984 : i32
        %dma_wait3A_28 = arith.constant 0 : i32
        %dma_wait3A_29 = tpu.memref_slice %arg10[%dma_wait3A_27, %dma_wait3A_28] : memref<10000x128xf32, #tpu.memory_space<vmem_shared>> -> memref<16x128xf32, #tpu.memory_space<vmem_shared>>
        tpu.wait_dma2 semaphore(%run_scoped3A : memref<!tpu.dma_semaphore, #tpu.memory_space<semaphore_mem>>) src(%dma_wait3A_29 : memref<16x128xf32, #tpu.memory_space<vmem_shared>>) dst(%dma_wait3A_26 : memref<16x128xf32, #tpu.memory_space<hbm>>)
        tpu.yield
      }) : () -> ()
    } else {
    }
    return
  }
}

#map = affine_map<(d0, d1) -> (0, 0)>
#map1 = affine_map<(d0, d1) -> (0)>
#map2 = affine_map<(d0, d1) -> (0, 0, 0)>
module attributes {stable_mosaic.version = 14 : i64} {
  func.func @propagate(%arg0: i32, %arg1: i32, %arg2: memref<10000x128xf32, #tpu.memory_space<hbm>>, %arg3: memref<320000xi32, #tpu.memory_space<hbm>>, %arg4: memref<320000xi32, #tpu.memory_space<hbm>>, %arg5: memref<10000x128xf32, #tpu.memory_space<hbm>>, %arg6: memref<2x10000x128xf32, #tpu.memory_space<hbm>>, %arg7: memref<80xi32, #tpu.memory_space<vmem>>, %arg8: memref<80xi32, #tpu.memory_space<vmem>>, %arg9: memref<80x128xf32, #tpu.memory_space<vmem>>, %arg10: memref<10000x128xf32, #tpu.memory_space<vmem_shared>>, %arg11: memref<!tpu.dma_semaphore, #tpu.memory_space<semaphore_mem>>) attributes {dimension_semantics = [#tpu.dimension_semantics<core_parallel>, #tpu.dimension_semantics<subcore_parallel>], iteration_bounds = array<i64: 2, 16>, scalar_prefetch = 0 : i64, scratch_operands = 5 : i64, tpu.core_type = #tpu.core_type<sc_vector_subcore>, window_params = [{transform_indices = #map}, {transform_indices = #map1}, {transform_indices = #map1}, {transform_indices = #map}, {transform_indices = #map2}]} {
    %mul3A = arith.constant 2 : i32
    %mul3A_0 = arith.muli %arg1, %mul3A : i32
    %add3A = arith.addi %mul3A_0, %arg0 : i32
    %mul3A_1 = arith.constant 10000 : i32
    %mul3A_2 = arith.muli %add3A, %mul3A_1 : i32
    %mul3A_3 = arith.constant 624 : i32
    %mul3A_4 = arith.muli %arg1, %mul3A_3 : i32
    %multiple_of3A = tpu.assume_multiple %mul3A_4, 8 : i32
    "tpu.region"() ({
      %run_scoped3A = tpu.sem_alloc : memref<!tpu.dma_semaphore, #tpu.memory_space<semaphore_mem>>
      %dma_start3A = arith.constant 0 : i32
      %dma_start3A_18 = tpu.memref_slice %arg10[%multiple_of3A, %dma_start3A] : memref<10000x128xf32, #tpu.memory_space<vmem_shared>> -> memref<624x128xf32, #tpu.memory_space<vmem_shared>>
      %dma_start3A_19 = arith.constant 0 : i32
      %dma_start3A_20 = tpu.memref_slice %arg5[%multiple_of3A, %dma_start3A_19] : memref<10000x128xf32, #tpu.memory_space<hbm>> -> memref<624x128xf32, #tpu.memory_space<hbm>>
      tpu.enqueue_dma source(%dma_start3A_20 : memref<624x128xf32, #tpu.memory_space<hbm>>) target(%dma_start3A_18 : memref<624x128xf32, #tpu.memory_space<vmem_shared>>) target_semaphore(%run_scoped3A : memref<!tpu.dma_semaphore, #tpu.memory_space<semaphore_mem>>)
      %dma_wait3A = arith.constant 0 : i32
      %dma_wait3A_21 = tpu.memref_slice %arg10[%multiple_of3A, %dma_wait3A] : memref<10000x128xf32, #tpu.memory_space<vmem_shared>> -> memref<624x128xf32, #tpu.memory_space<vmem_shared>>
      %dma_wait3A_22 = arith.constant 0 : i32
      %dma_wait3A_23 = tpu.memref_slice %arg5[%multiple_of3A, %dma_wait3A_22] : memref<10000x128xf32, #tpu.memory_space<hbm>> -> memref<624x128xf32, #tpu.memory_space<hbm>>
      tpu.wait_dma2 semaphore(%run_scoped3A : memref<!tpu.dma_semaphore, #tpu.memory_space<semaphore_mem>>) src(%dma_wait3A_23 : memref<624x128xf32, #tpu.memory_space<hbm>>) dst(%dma_wait3A_21 : memref<624x128xf32, #tpu.memory_space<vmem_shared>>)
      tpu.yield
    }) : () -> ()
    %eq3A = arith.constant 0 : i32
    %eq3A_5 = arith.cmpi eq, %arg1, %eq3A : i32
    %convert_element_type3A = arith.extui %eq3A_5 : i1 to i32
    %cond3A = arith.constant 0 : i32
    %cond3A_6 = arith.cmpi ne, %convert_element_type3A, %cond3A : i32
    scf.if %cond3A_6 {
      "tpu.region"() ({
        %run_scoped3A = tpu.sem_alloc : memref<!tpu.dma_semaphore, #tpu.memory_space<semaphore_mem>>
        %dma_start3A = arith.constant 9984 : i32
        %dma_start3A_18 = arith.constant 0 : i32
        %dma_start3A_19 = tpu.memref_slice %arg10[%dma_start3A, %dma_start3A_18] : memref<10000x128xf32, #tpu.memory_space<vmem_shared>> -> memref<16x128xf32, #tpu.memory_space<vmem_shared>>
        %dma_start3A_20 = arith.constant 9984 : i32
        %dma_start3A_21 = arith.constant 0 : i32
        %dma_start3A_22 = tpu.memref_slice %arg5[%dma_start3A_20, %dma_start3A_21] : memref<10000x128xf32, #tpu.memory_space<hbm>> -> memref<16x128xf32, #tpu.memory_space<hbm>>
        tpu.enqueue_dma source(%dma_start3A_22 : memref<16x128xf32, #tpu.memory_space<hbm>>) target(%dma_start3A_19 : memref<16x128xf32, #tpu.memory_space<vmem_shared>>) target_semaphore(%run_scoped3A : memref<!tpu.dma_semaphore, #tpu.memory_space<semaphore_mem>>)
        %dma_wait3A = arith.constant 9984 : i32
        %dma_wait3A_23 = arith.constant 0 : i32
        %dma_wait3A_24 = tpu.memref_slice %arg10[%dma_wait3A, %dma_wait3A_23] : memref<10000x128xf32, #tpu.memory_space<vmem_shared>> -> memref<16x128xf32, #tpu.memory_space<vmem_shared>>
        %dma_wait3A_25 = arith.constant 9984 : i32
        %dma_wait3A_26 = arith.constant 0 : i32
        %dma_wait3A_27 = tpu.memref_slice %arg5[%dma_wait3A_25, %dma_wait3A_26] : memref<10000x128xf32, #tpu.memory_space<hbm>> -> memref<16x128xf32, #tpu.memory_space<hbm>>
        tpu.wait_dma2 semaphore(%run_scoped3A : memref<!tpu.dma_semaphore, #tpu.memory_space<semaphore_mem>>) src(%dma_wait3A_27 : memref<16x128xf32, #tpu.memory_space<hbm>>) dst(%dma_wait3A_24 : memref<16x128xf32, #tpu.memory_space<vmem_shared>>)
        tpu.yield
      }) : () -> ()
    } else {
    }
    %barrier3A = arith.constant 0 : index
    tpu.barrier barrier_id(%barrier3A)
    %scan3A = arith.constant 0 : i32
    %scan3A_7 = arith.constant 0 : i32
    %scan3A_8 = arith.constant 125 : i32
    %scan3A_9 = arith.addi %scan3A_7, %scan3A_8 : i32
    %scan3A_10 = arith.constant 1 : i32
    scf.for %scan3A_18 = %scan3A_7 to %scan3A_9 step %scan3A_10  : i32 {
      %mul3A_19 = arith.constant 80 : i32
      %mul3A_20 = arith.muli %scan3A_18, %mul3A_19 : i32
      %add3A_21 = arith.addi %mul3A_2, %mul3A_20 : i32
      %multiple_of3A_22 = tpu.assume_multiple %add3A_21, 8 : i32
      "tpu.region"() ({
        %run_scoped3A = tpu.sem_alloc : memref<!tpu.dma_semaphore, #tpu.memory_space<semaphore_mem>>
        %dma_start3A_27 = tpu.memref_slice %arg3[%multiple_of3A_22] : memref<320000xi32, #tpu.memory_space<hbm>> -> memref<80xi32, #tpu.memory_space<hbm>>
        %dma_start3A_28 = tpu.memref_slice %arg3[%multiple_of3A_22] : memref<320000xi32, #tpu.memory_space<hbm>> -> memref<80xi32, #tpu.memory_space<hbm>>
        tpu.enqueue_dma source(%dma_start3A_28 : memref<80xi32, #tpu.memory_space<hbm>>) target(%arg7 : memref<80xi32, #tpu.memory_space<vmem>>) target_semaphore(%run_scoped3A : memref<!tpu.dma_semaphore, #tpu.memory_space<semaphore_mem>>)
        %dma_wait3A_29 = tpu.memref_slice %arg3[%multiple_of3A_22] : memref<320000xi32, #tpu.memory_space<hbm>> -> memref<80xi32, #tpu.memory_space<hbm>>
        %dma_wait3A_30 = tpu.memref_slice %arg3[%multiple_of3A_22] : memref<320000xi32, #tpu.memory_space<hbm>> -> memref<80xi32, #tpu.memory_space<hbm>>
        tpu.wait_dma2 semaphore(%run_scoped3A : memref<!tpu.dma_semaphore, #tpu.memory_space<semaphore_mem>>) src(%dma_wait3A_30 : memref<80xi32, #tpu.memory_space<hbm>>) dst(%arg7 : memref<80xi32, #tpu.memory_space<vmem>>)
        tpu.yield
      }) : () -> ()
      "tpu.region"() ({
        %run_scoped3A = tpu.sem_alloc : memref<!tpu.dma_semaphore, #tpu.memory_space<semaphore_mem>>
        %dma_start3A_27 = tpu.memref_slice %arg4[%multiple_of3A_22] : memref<320000xi32, #tpu.memory_space<hbm>> -> memref<80xi32, #tpu.memory_space<hbm>>
        %dma_start3A_28 = tpu.memref_slice %arg4[%multiple_of3A_22] : memref<320000xi32, #tpu.memory_space<hbm>> -> memref<80xi32, #tpu.memory_space<hbm>>
        tpu.enqueue_dma source(%dma_start3A_28 : memref<80xi32, #tpu.memory_space<hbm>>) target(%arg8 : memref<80xi32, #tpu.memory_space<vmem>>) target_semaphore(%run_scoped3A : memref<!tpu.dma_semaphore, #tpu.memory_space<semaphore_mem>>)
        %dma_wait3A_29 = tpu.memref_slice %arg4[%multiple_of3A_22] : memref<320000xi32, #tpu.memory_space<hbm>> -> memref<80xi32, #tpu.memory_space<hbm>>
        %dma_wait3A_30 = tpu.memref_slice %arg4[%multiple_of3A_22] : memref<320000xi32, #tpu.memory_space<hbm>> -> memref<80xi32, #tpu.memory_space<hbm>>
        tpu.wait_dma2 semaphore(%run_scoped3A : memref<!tpu.dma_semaphore, #tpu.memory_space<semaphore_mem>>) src(%dma_wait3A_30 : memref<80xi32, #tpu.memory_space<hbm>>) dst(%arg8 : memref<80xi32, #tpu.memory_space<vmem>>)
        tpu.yield
      }) : () -> ()
      %dma_start3A = arith.constant 0 : i32
      %dma_start3A_23 = arith.constant 0 : i32
      %dma_start3A_24 = tpu.memref_slice %arg2[%dma_start3A, %dma_start3A_23] : memref<10000x128xf32, #tpu.memory_space<hbm>> -> memref<10000x128xf32, #tpu.memory_space<hbm>>
      tpu.enqueue_indirect_dma source(%dma_start3A_24 : memref<10000x128xf32, #tpu.memory_space<hbm>>) target(%arg9 : memref<80x128xf32, #tpu.memory_space<vmem>>) offsets(%arg7 : memref<80xi32, #tpu.memory_space<vmem>>) semaphore(%arg11 : memref<!tpu.dma_semaphore, #tpu.memory_space<semaphore_mem>>)
      %dma_wait3A = arith.constant 0 : i32
      %dma_wait3A_25 = arith.constant 0 : i32
      %dma_wait3A_26 = tpu.memref_slice %arg2[%dma_wait3A, %dma_wait3A_25] : memref<10000x128xf32, #tpu.memory_space<hbm>> -> memref<10000x128xf32, #tpu.memory_space<hbm>>
      tpu.wait_indirect_dma semaphore(%arg11 : memref<!tpu.dma_semaphore, #tpu.memory_space<semaphore_mem>>) src(%dma_wait3A_26 : memref<10000x128xf32, #tpu.memory_space<hbm>>) dst(%arg9 : memref<80x128xf32, #tpu.memory_space<vmem>>)
      "tpu.region"() ({
        %run_scoped3A = tpu.sem_alloc : memref<!tpu.dma_semaphore, #tpu.memory_space<semaphore_mem>>
        %dma_start3A_27 = arith.constant 0 : i32
        %dma_start3A_28 = arith.constant 0 : i32
        %dma_start3A_29 = tpu.memref_slice %arg10[%dma_start3A_27, %dma_start3A_28] : memref<10000x128xf32, #tpu.memory_space<vmem_shared>> -> memref<10000x128xf32, #tpu.memory_space<vmem_shared>>
        tpu.enqueue_indirect_dma source(%arg9 : memref<80x128xf32, #tpu.memory_space<vmem>>) target(%dma_start3A_29 : memref<10000x128xf32, #tpu.memory_space<vmem_shared>>) offsets(%arg8 : memref<80xi32, #tpu.memory_space<vmem>>) semaphore(%run_scoped3A : memref<!tpu.dma_semaphore, #tpu.memory_space<semaphore_mem>>) {add = true}
        %dma_wait3A_30 = arith.constant 0 : i32
        %dma_wait3A_31 = arith.constant 0 : i32
        %dma_wait3A_32 = tpu.memref_slice %arg10[%dma_wait3A_30, %dma_wait3A_31] : memref<10000x128xf32, #tpu.memory_space<vmem_shared>> -> memref<10000x128xf32, #tpu.memory_space<vmem_shared>>
        tpu.wait_indirect_dma semaphore(%run_scoped3A : memref<!tpu.dma_semaphore, #tpu.memory_space<semaphore_mem>>) src(%arg9 : memref<80x128xf32, #tpu.memory_space<vmem>>) dst(%dma_wait3A_32 : memref<10000x128xf32, #tpu.memory_space<vmem_shared>>)
        tpu.yield
      }) : () -> ()
    }
    %scan3A_11 = arith.constant 125 : i32
    %barrier3A_12 = arith.constant 0 : index
    tpu.barrier barrier_id(%barrier3A_12)
    "tpu.region"() ({
      %run_scoped3A = tpu.sem_alloc : memref<!tpu.dma_semaphore, #tpu.memory_space<semaphore_mem>>
      %dma_start3A = arith.constant 0 : i32
      %dma_start3A_18 = tpu.memref_slice %arg6[%arg0, %multiple_of3A, %dma_start3A] : memref<2x10000x128xf32, #tpu.memory_space<hbm>> -> memref<1x624x128xf32, #tpu.memory_space<hbm>>
      %dma_start3A_19 = tpu.memref_squeeze %dma_start3A_18 : memref<1x624x128xf32, #tpu.memory_space<hbm>> -> memref<624x128xf32, #tpu.memory_space<hbm>>
      %dma_start3A_20 = arith.constant 0 : i32
      %dma_start3A_21 = tpu.memref_slice %arg10[%multiple_of3A, %dma_start3A_20] : memref<10000x128xf32, #tpu.memory_space<vmem_shared>> -> memref<624x128xf32, #tpu.memory_space<vmem_shared>>
      tpu.enqueue_dma source(%dma_start3A_21 : memref<624x128xf32, #tpu.memory_space<vmem_shared>>) target(%dma_start3A_19 : memref<624x128xf32, #tpu.memory_space<hbm>>) target_semaphore(%run_scoped3A : memref<!tpu.dma_semaphore, #tpu.memory_space<semaphore_mem>>)
      %dma_wait3A = arith.constant 0 : i32
      %dma_wait3A_22 = tpu.memref_slice %arg6[%arg0, %multiple_of3A, %dma_wait3A] : memref<2x10000x128xf32, #tpu.memory_space<hbm>> -> memref<1x624x128xf32, #tpu.memory_space<hbm>>
      %dma_wait3A_23 = tpu.memref_squeeze %dma_wait3A_22 : memref<1x624x128xf32, #tpu.memory_space<hbm>> -> memref<624x128xf32, #tpu.memory_space<hbm>>
      %dma_wait3A_24 = arith.constant 0 : i32
      %dma_wait3A_25 = tpu.memref_slice %arg10[%multiple_of3A, %dma_wait3A_24] : memref<10000x128xf32, #tpu.memory_space<vmem_shared>> -> memref<624x128xf32, #tpu.memory_space<vmem_shared>>
      tpu.wait_dma2 semaphore(%run_scoped3A : memref<!tpu.dma_semaphore, #tpu.memory_space<semaphore_mem>>) src(%dma_wait3A_25 : memref<624x128xf32, #tpu.memory_space<vmem_shared>>) dst(%dma_wait3A_23 : memref<624x128xf32, #tpu.memory_space<hbm>>)
      tpu.yield
    }) : () -> ()
    %eq3A_13 = arith.constant 0 : i32
    %eq3A_14 = arith.cmpi eq, %arg1, %eq3A_13 : i32
    %convert_element_type3A_15 = arith.extui %eq3A_14 : i1 to i32
    %cond3A_16 = arith.constant 0 : i32
    %cond3A_17 = arith.cmpi ne, %convert_element_type3A_15, %cond3A_16 : i32
    scf.if %cond3A_17 {
      "tpu.region"() ({
        %run_scoped3A = tpu.sem_alloc : memref<!tpu.dma_semaphore, #tpu.memory_space<semaphore_mem>>
        %dma_start3A = arith.constant 9984 : i32
        %dma_start3A_18 = arith.constant 0 : i32
        %dma_start3A_19 = tpu.memref_slice %arg6[%arg0, %dma_start3A, %dma_start3A_18] : memref<2x10000x128xf32, #tpu.memory_space<hbm>> -> memref<1x16x128xf32, #tpu.memory_space<hbm>>
        %dma_start3A_20 = tpu.memref_squeeze %dma_start3A_19 : memref<1x16x128xf32, #tpu.memory_space<hbm>> -> memref<16x128xf32, #tpu.memory_space<hbm>>
        %dma_start3A_21 = arith.constant 9984 : i32
        %dma_start3A_22 = arith.constant 0 : i32
        %dma_start3A_23 = tpu.memref_slice %arg10[%dma_start3A_21, %dma_start3A_22] : memref<10000x128xf32, #tpu.memory_space<vmem_shared>> -> memref<16x128xf32, #tpu.memory_space<vmem_shared>>
        tpu.enqueue_dma source(%dma_start3A_23 : memref<16x128xf32, #tpu.memory_space<vmem_shared>>) target(%dma_start3A_20 : memref<16x128xf32, #tpu.memory_space<hbm>>) target_semaphore(%run_scoped3A : memref<!tpu.dma_semaphore, #tpu.memory_space<semaphore_mem>>)
        %dma_wait3A = arith.constant 9984 : i32
        %dma_wait3A_24 = arith.constant 0 : i32
        %dma_wait3A_25 = tpu.memref_slice %arg6[%arg0, %dma_wait3A, %dma_wait3A_24] : memref<2x10000x128xf32, #tpu.memory_space<hbm>> -> memref<1x16x128xf32, #tpu.memory_space<hbm>>
        %dma_wait3A_26 = tpu.memref_squeeze %dma_wait3A_25 : memref<1x16x128xf32, #tpu.memory_space<hbm>> -> memref<16x128xf32, #tpu.memory_space<hbm>>
        %dma_wait3A_27 = arith.constant 9984 : i32
        %dma_wait3A_28 = arith.constant 0 : i32
        %dma_wait3A_29 = tpu.memref_slice %arg10[%dma_wait3A_27, %dma_wait3A_28] : memref<10000x128xf32, #tpu.memory_space<vmem_shared>> -> memref<16x128xf32, #tpu.memory_space<vmem_shared>>
        tpu.wait_dma2 semaphore(%run_scoped3A : memref<!tpu.dma_semaphore, #tpu.memory_space<semaphore_mem>>) src(%dma_wait3A_29 : memref<16x128xf32, #tpu.memory_space<vmem_shared>>) dst(%dma_wait3A_26 : memref<16x128xf32, #tpu.memory_space<hbm>>)
        tpu.yield
      }) : () -> ()
    } else {
    }
    return
  }
}

#map = affine_map<(d0, d1) -> (0, 0)>
#map1 = affine_map<(d0, d1) -> (0)>
#map2 = affine_map<(d0, d1) -> (0, 0, 0)>
module attributes {stable_mosaic.version = 14 : i64} {
  func.func @propagate(%arg0: i32, %arg1: i32, %arg2: memref<10000x128xf32, #tpu.memory_space<hbm>>, %arg3: memref<320000xi32, #tpu.memory_space<hbm>>, %arg4: memref<320000xi32, #tpu.memory_space<hbm>>, %arg5: memref<10000x128xf32, #tpu.memory_space<hbm>>, %arg6: memref<2x10000x128xf32, #tpu.memory_space<hbm>>, %arg7: memref<80xi32, #tpu.memory_space<vmem>>, %arg8: memref<80xi32, #tpu.memory_space<vmem>>, %arg9: memref<80x128xf32, #tpu.memory_space<vmem>>, %arg10: memref<10000x128xf32, #tpu.memory_space<vmem_shared>>, %arg11: memref<!tpu.dma_semaphore, #tpu.memory_space<semaphore_mem>>) attributes {dimension_semantics = [#tpu.dimension_semantics<core_parallel>, #tpu.dimension_semantics<subcore_parallel>], iteration_bounds = array<i64: 2, 16>, scalar_prefetch = 0 : i64, scratch_operands = 5 : i64, tpu.core_type = #tpu.core_type<sc_vector_subcore>, window_params = [{transform_indices = #map}, {transform_indices = #map1}, {transform_indices = #map1}, {transform_indices = #map}, {transform_indices = #map2}]} {
    %mul3A = arith.constant 2 : i32
    %mul3A_0 = arith.muli %arg1, %mul3A : i32
    %add3A = arith.addi %mul3A_0, %arg0 : i32
    %mul3A_1 = arith.constant 10000 : i32
    %mul3A_2 = arith.muli %add3A, %mul3A_1 : i32
    %mul3A_3 = arith.constant 624 : i32
    %mul3A_4 = arith.muli %arg1, %mul3A_3 : i32
    %multiple_of3A = tpu.assume_multiple %mul3A_4, 8 : i32
    "tpu.region"() ({
      %run_scoped3A = tpu.sem_alloc : memref<!tpu.dma_semaphore, #tpu.memory_space<semaphore_mem>>
      %dma_start3A = arith.constant 0 : i32
      %dma_start3A_18 = tpu.memref_slice %arg10[%multiple_of3A, %dma_start3A] : memref<10000x128xf32, #tpu.memory_space<vmem_shared>> -> memref<624x128xf32, #tpu.memory_space<vmem_shared>>
      %dma_start3A_19 = arith.constant 0 : i32
      %dma_start3A_20 = tpu.memref_slice %arg5[%multiple_of3A, %dma_start3A_19] : memref<10000x128xf32, #tpu.memory_space<hbm>> -> memref<624x128xf32, #tpu.memory_space<hbm>>
      tpu.enqueue_dma source(%dma_start3A_20 : memref<624x128xf32, #tpu.memory_space<hbm>>) target(%dma_start3A_18 : memref<624x128xf32, #tpu.memory_space<vmem_shared>>) target_semaphore(%run_scoped3A : memref<!tpu.dma_semaphore, #tpu.memory_space<semaphore_mem>>)
      %dma_wait3A = arith.constant 0 : i32
      %dma_wait3A_21 = tpu.memref_slice %arg10[%multiple_of3A, %dma_wait3A] : memref<10000x128xf32, #tpu.memory_space<vmem_shared>> -> memref<624x128xf32, #tpu.memory_space<vmem_shared>>
      %dma_wait3A_22 = arith.constant 0 : i32
      %dma_wait3A_23 = tpu.memref_slice %arg5[%multiple_of3A, %dma_wait3A_22] : memref<10000x128xf32, #tpu.memory_space<hbm>> -> memref<624x128xf32, #tpu.memory_space<hbm>>
      tpu.wait_dma2 semaphore(%run_scoped3A : memref<!tpu.dma_semaphore, #tpu.memory_space<semaphore_mem>>) src(%dma_wait3A_23 : memref<624x128xf32, #tpu.memory_space<hbm>>) dst(%dma_wait3A_21 : memref<624x128xf32, #tpu.memory_space<vmem_shared>>)
      tpu.yield
    }) : () -> ()
    %eq3A = arith.constant 0 : i32
    %eq3A_5 = arith.cmpi eq, %arg1, %eq3A : i32
    %convert_element_type3A = arith.extui %eq3A_5 : i1 to i32
    %cond3A = arith.constant 0 : i32
    %cond3A_6 = arith.cmpi ne, %convert_element_type3A, %cond3A : i32
    scf.if %cond3A_6 {
      "tpu.region"() ({
        %run_scoped3A = tpu.sem_alloc : memref<!tpu.dma_semaphore, #tpu.memory_space<semaphore_mem>>
        %dma_start3A = arith.constant 9984 : i32
        %dma_start3A_18 = arith.constant 0 : i32
        %dma_start3A_19 = tpu.memref_slice %arg10[%dma_start3A, %dma_start3A_18] : memref<10000x128xf32, #tpu.memory_space<vmem_shared>> -> memref<16x128xf32, #tpu.memory_space<vmem_shared>>
        %dma_start3A_20 = arith.constant 9984 : i32
        %dma_start3A_21 = arith.constant 0 : i32
        %dma_start3A_22 = tpu.memref_slice %arg5[%dma_start3A_20, %dma_start3A_21] : memref<10000x128xf32, #tpu.memory_space<hbm>> -> memref<16x128xf32, #tpu.memory_space<hbm>>
        tpu.enqueue_dma source(%dma_start3A_22 : memref<16x128xf32, #tpu.memory_space<hbm>>) target(%dma_start3A_19 : memref<16x128xf32, #tpu.memory_space<vmem_shared>>) target_semaphore(%run_scoped3A : memref<!tpu.dma_semaphore, #tpu.memory_space<semaphore_mem>>)
        %dma_wait3A = arith.constant 9984 : i32
        %dma_wait3A_23 = arith.constant 0 : i32
        %dma_wait3A_24 = tpu.memref_slice %arg10[%dma_wait3A, %dma_wait3A_23] : memref<10000x128xf32, #tpu.memory_space<vmem_shared>> -> memref<16x128xf32, #tpu.memory_space<vmem_shared>>
        %dma_wait3A_25 = arith.constant 9984 : i32
        %dma_wait3A_26 = arith.constant 0 : i32
        %dma_wait3A_27 = tpu.memref_slice %arg5[%dma_wait3A_25, %dma_wait3A_26] : memref<10000x128xf32, #tpu.memory_space<hbm>> -> memref<16x128xf32, #tpu.memory_space<hbm>>
        tpu.wait_dma2 semaphore(%run_scoped3A : memref<!tpu.dma_semaphore, #tpu.memory_space<semaphore_mem>>) src(%dma_wait3A_27 : memref<16x128xf32, #tpu.memory_space<hbm>>) dst(%dma_wait3A_24 : memref<16x128xf32, #tpu.memory_space<vmem_shared>>)
        tpu.yield
      }) : () -> ()
    } else {
    }
    %barrier3A = arith.constant 0 : index
    tpu.barrier barrier_id(%barrier3A)
    %scan3A = arith.constant 0 : i32
    %scan3A_7 = arith.constant 0 : i32
    %scan3A_8 = arith.constant 125 : i32
    %scan3A_9 = arith.addi %scan3A_7, %scan3A_8 : i32
    %scan3A_10 = arith.constant 1 : i32
    scf.for %scan3A_18 = %scan3A_7 to %scan3A_9 step %scan3A_10  : i32 {
      %mul3A_19 = arith.constant 80 : i32
      %mul3A_20 = arith.muli %scan3A_18, %mul3A_19 : i32
      %add3A_21 = arith.addi %mul3A_2, %mul3A_20 : i32
      %multiple_of3A_22 = tpu.assume_multiple %add3A_21, 8 : i32
      "tpu.region"() ({
        %run_scoped3A = tpu.sem_alloc : memref<!tpu.dma_semaphore, #tpu.memory_space<semaphore_mem>>
        %dma_start3A_27 = tpu.memref_slice %arg3[%multiple_of3A_22] : memref<320000xi32, #tpu.memory_space<hbm>> -> memref<80xi32, #tpu.memory_space<hbm>>
        %dma_start3A_28 = tpu.memref_slice %arg3[%multiple_of3A_22] : memref<320000xi32, #tpu.memory_space<hbm>> -> memref<80xi32, #tpu.memory_space<hbm>>
        tpu.enqueue_dma source(%dma_start3A_28 : memref<80xi32, #tpu.memory_space<hbm>>) target(%arg7 : memref<80xi32, #tpu.memory_space<vmem>>) target_semaphore(%run_scoped3A : memref<!tpu.dma_semaphore, #tpu.memory_space<semaphore_mem>>)
        %dma_wait3A_29 = tpu.memref_slice %arg3[%multiple_of3A_22] : memref<320000xi32, #tpu.memory_space<hbm>> -> memref<80xi32, #tpu.memory_space<hbm>>
        %dma_wait3A_30 = tpu.memref_slice %arg3[%multiple_of3A_22] : memref<320000xi32, #tpu.memory_space<hbm>> -> memref<80xi32, #tpu.memory_space<hbm>>
        tpu.wait_dma2 semaphore(%run_scoped3A : memref<!tpu.dma_semaphore, #tpu.memory_space<semaphore_mem>>) src(%dma_wait3A_30 : memref<80xi32, #tpu.memory_space<hbm>>) dst(%arg7 : memref<80xi32, #tpu.memory_space<vmem>>)
        tpu.yield
      }) : () -> ()
      "tpu.region"() ({
        %run_scoped3A = tpu.sem_alloc : memref<!tpu.dma_semaphore, #tpu.memory_space<semaphore_mem>>
        %dma_start3A_27 = tpu.memref_slice %arg4[%multiple_of3A_22] : memref<320000xi32, #tpu.memory_space<hbm>> -> memref<80xi32, #tpu.memory_space<hbm>>
        %dma_start3A_28 = tpu.memref_slice %arg4[%multiple_of3A_22] : memref<320000xi32, #tpu.memory_space<hbm>> -> memref<80xi32, #tpu.memory_space<hbm>>
        tpu.enqueue_dma source(%dma_start3A_28 : memref<80xi32, #tpu.memory_space<hbm>>) target(%arg8 : memref<80xi32, #tpu.memory_space<vmem>>) target_semaphore(%run_scoped3A : memref<!tpu.dma_semaphore, #tpu.memory_space<semaphore_mem>>)
        %dma_wait3A_29 = tpu.memref_slice %arg4[%multiple_of3A_22] : memref<320000xi32, #tpu.memory_space<hbm>> -> memref<80xi32, #tpu.memory_space<hbm>>
        %dma_wait3A_30 = tpu.memref_slice %arg4[%multiple_of3A_22] : memref<320000xi32, #tpu.memory_space<hbm>> -> memref<80xi32, #tpu.memory_space<hbm>>
        tpu.wait_dma2 semaphore(%run_scoped3A : memref<!tpu.dma_semaphore, #tpu.memory_space<semaphore_mem>>) src(%dma_wait3A_30 : memref<80xi32, #tpu.memory_space<hbm>>) dst(%arg8 : memref<80xi32, #tpu.memory_space<vmem>>)
        tpu.yield
      }) : () -> ()
      %dma_start3A = arith.constant 0 : i32
      %dma_start3A_23 = arith.constant 0 : i32
      %dma_start3A_24 = tpu.memref_slice %arg2[%dma_start3A, %dma_start3A_23] : memref<10000x128xf32, #tpu.memory_space<hbm>> -> memref<10000x128xf32, #tpu.memory_space<hbm>>
      tpu.enqueue_indirect_dma source(%dma_start3A_24 : memref<10000x128xf32, #tpu.memory_space<hbm>>) target(%arg9 : memref<80x128xf32, #tpu.memory_space<vmem>>) offsets(%arg7 : memref<80xi32, #tpu.memory_space<vmem>>) semaphore(%arg11 : memref<!tpu.dma_semaphore, #tpu.memory_space<semaphore_mem>>)
      %dma_wait3A = arith.constant 0 : i32
      %dma_wait3A_25 = arith.constant 0 : i32
      %dma_wait3A_26 = tpu.memref_slice %arg2[%dma_wait3A, %dma_wait3A_25] : memref<10000x128xf32, #tpu.memory_space<hbm>> -> memref<10000x128xf32, #tpu.memory_space<hbm>>
      tpu.wait_indirect_dma semaphore(%arg11 : memref<!tpu.dma_semaphore, #tpu.memory_space<semaphore_mem>>) src(%dma_wait3A_26 : memref<10000x128xf32, #tpu.memory_space<hbm>>) dst(%arg9 : memref<80x128xf32, #tpu.memory_space<vmem>>)
      "tpu.region"() ({
        %run_scoped3A = tpu.sem_alloc : memref<!tpu.dma_semaphore, #tpu.memory_space<semaphore_mem>>
        %dma_start3A_27 = arith.constant 0 : i32
        %dma_start3A_28 = arith.constant 0 : i32
        %dma_start3A_29 = tpu.memref_slice %arg10[%dma_start3A_27, %dma_start3A_28] : memref<10000x128xf32, #tpu.memory_space<vmem_shared>> -> memref<10000x128xf32, #tpu.memory_space<vmem_shared>>
        tpu.enqueue_indirect_dma source(%arg9 : memref<80x128xf32, #tpu.memory_space<vmem>>) target(%dma_start3A_29 : memref<10000x128xf32, #tpu.memory_space<vmem_shared>>) offsets(%arg8 : memref<80xi32, #tpu.memory_space<vmem>>) semaphore(%run_scoped3A : memref<!tpu.dma_semaphore, #tpu.memory_space<semaphore_mem>>) {add = true}
        %dma_wait3A_30 = arith.constant 0 : i32
        %dma_wait3A_31 = arith.constant 0 : i32
        %dma_wait3A_32 = tpu.memref_slice %arg10[%dma_wait3A_30, %dma_wait3A_31] : memref<10000x128xf32, #tpu.memory_space<vmem_shared>> -> memref<10000x128xf32, #tpu.memory_space<vmem_shared>>
        tpu.wait_indirect_dma semaphore(%run_scoped3A : memref<!tpu.dma_semaphore, #tpu.memory_space<semaphore_mem>>) src(%arg9 : memref<80x128xf32, #tpu.memory_space<vmem>>) dst(%dma_wait3A_32 : memref<10000x128xf32, #tpu.memory_space<vmem_shared>>)
        tpu.yield
      }) : () -> ()
    }
    %scan3A_11 = arith.constant 125 : i32
    %barrier3A_12 = arith.constant 0 : index
    tpu.barrier barrier_id(%barrier3A_12)
    "tpu.region"() ({
      %run_scoped3A = tpu.sem_alloc : memref<!tpu.dma_semaphore, #tpu.memory_space<semaphore_mem>>
      %dma_start3A = arith.constant 0 : i32
      %dma_start3A_18 = tpu.memref_slice %arg6[%arg0, %multiple_of3A, %dma_start3A] : memref<2x10000x128xf32, #tpu.memory_space<hbm>> -> memref<1x624x128xf32, #tpu.memory_space<hbm>>
      %dma_start3A_19 = tpu.memref_squeeze %dma_start3A_18 : memref<1x624x128xf32, #tpu.memory_space<hbm>> -> memref<624x128xf32, #tpu.memory_space<hbm>>
      %dma_start3A_20 = arith.constant 0 : i32
      %dma_start3A_21 = tpu.memref_slice %arg10[%multiple_of3A, %dma_start3A_20] : memref<10000x128xf32, #tpu.memory_space<vmem_shared>> -> memref<624x128xf32, #tpu.memory_space<vmem_shared>>
      tpu.enqueue_dma source(%dma_start3A_21 : memref<624x128xf32, #tpu.memory_space<vmem_shared>>) target(%dma_start3A_19 : memref<624x128xf32, #tpu.memory_space<hbm>>) target_semaphore(%run_scoped3A : memref<!tpu.dma_semaphore, #tpu.memory_space<semaphore_mem>>)
      %dma_wait3A = arith.constant 0 : i32
      %dma_wait3A_22 = tpu.memref_slice %arg6[%arg0, %multiple_of3A, %dma_wait3A] : memref<2x10000x128xf32, #tpu.memory_space<hbm>> -> memref<1x624x128xf32, #tpu.memory_space<hbm>>
      %dma_wait3A_23 = tpu.memref_squeeze %dma_wait3A_22 : memref<1x624x128xf32, #tpu.memory_space<hbm>> -> memref<624x128xf32, #tpu.memory_space<hbm>>
      %dma_wait3A_24 = arith.constant 0 : i32
      %dma_wait3A_25 = tpu.memref_slice %arg10[%multiple_of3A, %dma_wait3A_24] : memref<10000x128xf32, #tpu.memory_space<vmem_shared>> -> memref<624x128xf32, #tpu.memory_space<vmem_shared>>
      tpu.wait_dma2 semaphore(%run_scoped3A : memref<!tpu.dma_semaphore, #tpu.memory_space<semaphore_mem>>) src(%dma_wait3A_25 : memref<624x128xf32, #tpu.memory_space<vmem_shared>>) dst(%dma_wait3A_23 : memref<624x128xf32, #tpu.memory_space<hbm>>)
      tpu.yield
    }) : () -> ()
    %eq3A_13 = arith.constant 0 : i32
    %eq3A_14 = arith.cmpi eq, %arg1, %eq3A_13 : i32
    %convert_element_type3A_15 = arith.extui %eq3A_14 : i1 to i32
    %cond3A_16 = arith.constant 0 : i32
    %cond3A_17 = arith.cmpi ne, %convert_element_type3A_15, %cond3A_16 : i32
    scf.if %cond3A_17 {
      "tpu.region"() ({
        %run_scoped3A = tpu.sem_alloc : memref<!tpu.dma_semaphore, #tpu.memory_space<semaphore_mem>>
        %dma_start3A = arith.constant 9984 : i32
        %dma_start3A_18 = arith.constant 0 : i32
        %dma_start3A_19 = tpu.memref_slice %arg6[%arg0, %dma_start3A, %dma_start3A_18] : memref<2x10000x128xf32, #tpu.memory_space<hbm>> -> memref<1x16x128xf32, #tpu.memory_space<hbm>>
        %dma_start3A_20 = tpu.memref_squeeze %dma_start3A_19 : memref<1x16x128xf32, #tpu.memory_space<hbm>> -> memref<16x128xf32, #tpu.memory_space<hbm>>
        %dma_start3A_21 = arith.constant 9984 : i32
        %dma_start3A_22 = arith.constant 0 : i32
        %dma_start3A_23 = tpu.memref_slice %arg10[%dma_start3A_21, %dma_start3A_22] : memref<10000x128xf32, #tpu.memory_space<vmem_shared>> -> memref<16x128xf32, #tpu.memory_space<vmem_shared>>
        tpu.enqueue_dma source(%dma_start3A_23 : memref<16x128xf32, #tpu.memory_space<vmem_shared>>) target(%dma_start3A_20 : memref<16x128xf32, #tpu.memory_space<hbm>>) target_semaphore(%run_scoped3A : memref<!tpu.dma_semaphore, #tpu.memory_space<semaphore_mem>>)
        %dma_wait3A = arith.constant 9984 : i32
        %dma_wait3A_24 = arith.constant 0 : i32
        %dma_wait3A_25 = tpu.memref_slice %arg6[%arg0, %dma_wait3A, %dma_wait3A_24] : memref<2x10000x128xf32, #tpu.memory_space<hbm>> -> memref<1x16x128xf32, #tpu.memory_space<hbm>>
        %dma_wait3A_26 = tpu.memref_squeeze %dma_wait3A_25 : memref<1x16x128xf32, #tpu.memory_space<hbm>> -> memref<16x128xf32, #tpu.memory_space<hbm>>
        %dma_wait3A_27 = arith.constant 9984 : i32
        %dma_wait3A_28 = arith.constant 0 : i32
        %dma_wait3A_29 = tpu.memref_slice %arg10[%dma_wait3A_27, %dma_wait3A_28] : memref<10000x128xf32, #tpu.memory_space<vmem_shared>> -> memref<16x128xf32, #tpu.memory_space<vmem_shared>>
        tpu.wait_dma2 semaphore(%run_scoped3A : memref<!tpu.dma_semaphore, #tpu.memory_space<semaphore_mem>>) src(%dma_wait3A_29 : memref<16x128xf32, #tpu.memory_space<vmem_shared>>) dst(%dma_wait3A_26 : memref<16x128xf32, #tpu.memory_space<hbm>>)
        tpu.yield
      }) : () -> ()
    } else {
    }
    return
  }
}

#map = affine_map<(d0, d1) -> (0, 0)>
#map1 = affine_map<(d0, d1) -> (0)>
#map2 = affine_map<(d0, d1) -> (0, 0, 0)>
module attributes {stable_mosaic.version = 14 : i64} {
  func.func @propagate(%arg0: i32, %arg1: i32, %arg2: memref<10000x128xf32, #tpu.memory_space<hbm>>, %arg3: memref<320000xi32, #tpu.memory_space<hbm>>, %arg4: memref<320000xi32, #tpu.memory_space<hbm>>, %arg5: memref<10000x128xf32, #tpu.memory_space<hbm>>, %arg6: memref<2x10000x128xf32, #tpu.memory_space<hbm>>, %arg7: memref<80xi32, #tpu.memory_space<vmem>>, %arg8: memref<80xi32, #tpu.memory_space<vmem>>, %arg9: memref<80x128xf32, #tpu.memory_space<vmem>>, %arg10: memref<10000x128xf32, #tpu.memory_space<vmem_shared>>, %arg11: memref<!tpu.dma_semaphore, #tpu.memory_space<semaphore_mem>>) attributes {dimension_semantics = [#tpu.dimension_semantics<core_parallel>, #tpu.dimension_semantics<subcore_parallel>], iteration_bounds = array<i64: 2, 16>, scalar_prefetch = 0 : i64, scratch_operands = 5 : i64, tpu.core_type = #tpu.core_type<sc_vector_subcore>, window_params = [{transform_indices = #map}, {transform_indices = #map1}, {transform_indices = #map1}, {transform_indices = #map}, {transform_indices = #map2}]} {
    %mul3A = arith.constant 2 : i32
    %mul3A_0 = arith.muli %arg1, %mul3A : i32
    %add3A = arith.addi %mul3A_0, %arg0 : i32
    %mul3A_1 = arith.constant 10000 : i32
    %mul3A_2 = arith.muli %add3A, %mul3A_1 : i32
    %mul3A_3 = arith.constant 624 : i32
    %mul3A_4 = arith.muli %arg1, %mul3A_3 : i32
    %multiple_of3A = tpu.assume_multiple %mul3A_4, 8 : i32
    "tpu.region"() ({
      %run_scoped3A = tpu.sem_alloc : memref<!tpu.dma_semaphore, #tpu.memory_space<semaphore_mem>>
      %dma_start3A = arith.constant 0 : i32
      %dma_start3A_18 = tpu.memref_slice %arg10[%multiple_of3A, %dma_start3A] : memref<10000x128xf32, #tpu.memory_space<vmem_shared>> -> memref<624x128xf32, #tpu.memory_space<vmem_shared>>
      %dma_start3A_19 = arith.constant 0 : i32
      %dma_start3A_20 = tpu.memref_slice %arg5[%multiple_of3A, %dma_start3A_19] : memref<10000x128xf32, #tpu.memory_space<hbm>> -> memref<624x128xf32, #tpu.memory_space<hbm>>
      tpu.enqueue_dma source(%dma_start3A_20 : memref<624x128xf32, #tpu.memory_space<hbm>>) target(%dma_start3A_18 : memref<624x128xf32, #tpu.memory_space<vmem_shared>>) target_semaphore(%run_scoped3A : memref<!tpu.dma_semaphore, #tpu.memory_space<semaphore_mem>>)
      %dma_wait3A = arith.constant 0 : i32
      %dma_wait3A_21 = tpu.memref_slice %arg10[%multiple_of3A, %dma_wait3A] : memref<10000x128xf32, #tpu.memory_space<vmem_shared>> -> memref<624x128xf32, #tpu.memory_space<vmem_shared>>
      %dma_wait3A_22 = arith.constant 0 : i32
      %dma_wait3A_23 = tpu.memref_slice %arg5[%multiple_of3A, %dma_wait3A_22] : memref<10000x128xf32, #tpu.memory_space<hbm>> -> memref<624x128xf32, #tpu.memory_space<hbm>>
      tpu.wait_dma2 semaphore(%run_scoped3A : memref<!tpu.dma_semaphore, #tpu.memory_space<semaphore_mem>>) src(%dma_wait3A_23 : memref<624x128xf32, #tpu.memory_space<hbm>>) dst(%dma_wait3A_21 : memref<624x128xf32, #tpu.memory_space<vmem_shared>>)
      tpu.yield
    }) : () -> ()
    %eq3A = arith.constant 0 : i32
    %eq3A_5 = arith.cmpi eq, %arg1, %eq3A : i32
    %convert_element_type3A = arith.extui %eq3A_5 : i1 to i32
    %cond3A = arith.constant 0 : i32
    %cond3A_6 = arith.cmpi ne, %convert_element_type3A, %cond3A : i32
    scf.if %cond3A_6 {
      "tpu.region"() ({
        %run_scoped3A = tpu.sem_alloc : memref<!tpu.dma_semaphore, #tpu.memory_space<semaphore_mem>>
        %dma_start3A = arith.constant 9984 : i32
        %dma_start3A_18 = arith.constant 0 : i32
        %dma_start3A_19 = tpu.memref_slice %arg10[%dma_start3A, %dma_start3A_18] : memref<10000x128xf32, #tpu.memory_space<vmem_shared>> -> memref<16x128xf32, #tpu.memory_space<vmem_shared>>
        %dma_start3A_20 = arith.constant 9984 : i32
        %dma_start3A_21 = arith.constant 0 : i32
        %dma_start3A_22 = tpu.memref_slice %arg5[%dma_start3A_20, %dma_start3A_21] : memref<10000x128xf32, #tpu.memory_space<hbm>> -> memref<16x128xf32, #tpu.memory_space<hbm>>
        tpu.enqueue_dma source(%dma_start3A_22 : memref<16x128xf32, #tpu.memory_space<hbm>>) target(%dma_start3A_19 : memref<16x128xf32, #tpu.memory_space<vmem_shared>>) target_semaphore(%run_scoped3A : memref<!tpu.dma_semaphore, #tpu.memory_space<semaphore_mem>>)
        %dma_wait3A = arith.constant 9984 : i32
        %dma_wait3A_23 = arith.constant 0 : i32
        %dma_wait3A_24 = tpu.memref_slice %arg10[%dma_wait3A, %dma_wait3A_23] : memref<10000x128xf32, #tpu.memory_space<vmem_shared>> -> memref<16x128xf32, #tpu.memory_space<vmem_shared>>
        %dma_wait3A_25 = arith.constant 9984 : i32
        %dma_wait3A_26 = arith.constant 0 : i32
        %dma_wait3A_27 = tpu.memref_slice %arg5[%dma_wait3A_25, %dma_wait3A_26] : memref<10000x128xf32, #tpu.memory_space<hbm>> -> memref<16x128xf32, #tpu.memory_space<hbm>>
        tpu.wait_dma2 semaphore(%run_scoped3A : memref<!tpu.dma_semaphore, #tpu.memory_space<semaphore_mem>>) src(%dma_wait3A_27 : memref<16x128xf32, #tpu.memory_space<hbm>>) dst(%dma_wait3A_24 : memref<16x128xf32, #tpu.memory_space<vmem_shared>>)
        tpu.yield
      }) : () -> ()
    } else {
    }
    %barrier3A = arith.constant 0 : index
    tpu.barrier barrier_id(%barrier3A)
    %scan3A = arith.constant 0 : i32
    %scan3A_7 = arith.constant 0 : i32
    %scan3A_8 = arith.constant 125 : i32
    %scan3A_9 = arith.addi %scan3A_7, %scan3A_8 : i32
    %scan3A_10 = arith.constant 1 : i32
    scf.for %scan3A_18 = %scan3A_7 to %scan3A_9 step %scan3A_10  : i32 {
      %mul3A_19 = arith.constant 80 : i32
      %mul3A_20 = arith.muli %scan3A_18, %mul3A_19 : i32
      %add3A_21 = arith.addi %mul3A_2, %mul3A_20 : i32
      %multiple_of3A_22 = tpu.assume_multiple %add3A_21, 8 : i32
      "tpu.region"() ({
        %run_scoped3A = tpu.sem_alloc : memref<!tpu.dma_semaphore, #tpu.memory_space<semaphore_mem>>
        %dma_start3A_27 = tpu.memref_slice %arg3[%multiple_of3A_22] : memref<320000xi32, #tpu.memory_space<hbm>> -> memref<80xi32, #tpu.memory_space<hbm>>
        %dma_start3A_28 = tpu.memref_slice %arg3[%multiple_of3A_22] : memref<320000xi32, #tpu.memory_space<hbm>> -> memref<80xi32, #tpu.memory_space<hbm>>
        tpu.enqueue_dma source(%dma_start3A_28 : memref<80xi32, #tpu.memory_space<hbm>>) target(%arg7 : memref<80xi32, #tpu.memory_space<vmem>>) target_semaphore(%run_scoped3A : memref<!tpu.dma_semaphore, #tpu.memory_space<semaphore_mem>>)
        %dma_wait3A_29 = tpu.memref_slice %arg3[%multiple_of3A_22] : memref<320000xi32, #tpu.memory_space<hbm>> -> memref<80xi32, #tpu.memory_space<hbm>>
        %dma_wait3A_30 = tpu.memref_slice %arg3[%multiple_of3A_22] : memref<320000xi32, #tpu.memory_space<hbm>> -> memref<80xi32, #tpu.memory_space<hbm>>
        tpu.wait_dma2 semaphore(%run_scoped3A : memref<!tpu.dma_semaphore, #tpu.memory_space<semaphore_mem>>) src(%dma_wait3A_30 : memref<80xi32, #tpu.memory_space<hbm>>) dst(%arg7 : memref<80xi32, #tpu.memory_space<vmem>>)
        tpu.yield
      }) : () -> ()
      "tpu.region"() ({
        %run_scoped3A = tpu.sem_alloc : memref<!tpu.dma_semaphore, #tpu.memory_space<semaphore_mem>>
        %dma_start3A_27 = tpu.memref_slice %arg4[%multiple_of3A_22] : memref<320000xi32, #tpu.memory_space<hbm>> -> memref<80xi32, #tpu.memory_space<hbm>>
        %dma_start3A_28 = tpu.memref_slice %arg4[%multiple_of3A_22] : memref<320000xi32, #tpu.memory_space<hbm>> -> memref<80xi32, #tpu.memory_space<hbm>>
        tpu.enqueue_dma source(%dma_start3A_28 : memref<80xi32, #tpu.memory_space<hbm>>) target(%arg8 : memref<80xi32, #tpu.memory_space<vmem>>) target_semaphore(%run_scoped3A : memref<!tpu.dma_semaphore, #tpu.memory_space<semaphore_mem>>)
        %dma_wait3A_29 = tpu.memref_slice %arg4[%multiple_of3A_22] : memref<320000xi32, #tpu.memory_space<hbm>> -> memref<80xi32, #tpu.memory_space<hbm>>
        %dma_wait3A_30 = tpu.memref_slice %arg4[%multiple_of3A_22] : memref<320000xi32, #tpu.memory_space<hbm>> -> memref<80xi32, #tpu.memory_space<hbm>>
        tpu.wait_dma2 semaphore(%run_scoped3A : memref<!tpu.dma_semaphore, #tpu.memory_space<semaphore_mem>>) src(%dma_wait3A_30 : memref<80xi32, #tpu.memory_space<hbm>>) dst(%arg8 : memref<80xi32, #tpu.memory_space<vmem>>)
        tpu.yield
      }) : () -> ()
      %dma_start3A = arith.constant 0 : i32
      %dma_start3A_23 = arith.constant 0 : i32
      %dma_start3A_24 = tpu.memref_slice %arg2[%dma_start3A, %dma_start3A_23] : memref<10000x128xf32, #tpu.memory_space<hbm>> -> memref<10000x128xf32, #tpu.memory_space<hbm>>
      tpu.enqueue_indirect_dma source(%dma_start3A_24 : memref<10000x128xf32, #tpu.memory_space<hbm>>) target(%arg9 : memref<80x128xf32, #tpu.memory_space<vmem>>) offsets(%arg7 : memref<80xi32, #tpu.memory_space<vmem>>) semaphore(%arg11 : memref<!tpu.dma_semaphore, #tpu.memory_space<semaphore_mem>>)
      %dma_wait3A = arith.constant 0 : i32
      %dma_wait3A_25 = arith.constant 0 : i32
      %dma_wait3A_26 = tpu.memref_slice %arg2[%dma_wait3A, %dma_wait3A_25] : memref<10000x128xf32, #tpu.memory_space<hbm>> -> memref<10000x128xf32, #tpu.memory_space<hbm>>
      tpu.wait_indirect_dma semaphore(%arg11 : memref<!tpu.dma_semaphore, #tpu.memory_space<semaphore_mem>>) src(%dma_wait3A_26 : memref<10000x128xf32, #tpu.memory_space<hbm>>) dst(%arg9 : memref<80x128xf32, #tpu.memory_space<vmem>>)
      "tpu.region"() ({
        %run_scoped3A = tpu.sem_alloc : memref<!tpu.dma_semaphore, #tpu.memory_space<semaphore_mem>>
        %dma_start3A_27 = arith.constant 0 : i32
        %dma_start3A_28 = arith.constant 0 : i32
        %dma_start3A_29 = tpu.memref_slice %arg10[%dma_start3A_27, %dma_start3A_28] : memref<10000x128xf32, #tpu.memory_space<vmem_shared>> -> memref<10000x128xf32, #tpu.memory_space<vmem_shared>>
        tpu.enqueue_indirect_dma source(%arg9 : memref<80x128xf32, #tpu.memory_space<vmem>>) target(%dma_start3A_29 : memref<10000x128xf32, #tpu.memory_space<vmem_shared>>) offsets(%arg8 : memref<80xi32, #tpu.memory_space<vmem>>) semaphore(%run_scoped3A : memref<!tpu.dma_semaphore, #tpu.memory_space<semaphore_mem>>) {add = true}
        %dma_wait3A_30 = arith.constant 0 : i32
        %dma_wait3A_31 = arith.constant 0 : i32
        %dma_wait3A_32 = tpu.memref_slice %arg10[%dma_wait3A_30, %dma_wait3A_31] : memref<10000x128xf32, #tpu.memory_space<vmem_shared>> -> memref<10000x128xf32, #tpu.memory_space<vmem_shared>>
        tpu.wait_indirect_dma semaphore(%run_scoped3A : memref<!tpu.dma_semaphore, #tpu.memory_space<semaphore_mem>>) src(%arg9 : memref<80x128xf32, #tpu.memory_space<vmem>>) dst(%dma_wait3A_32 : memref<10000x128xf32, #tpu.memory_space<vmem_shared>>)
        tpu.yield
      }) : () -> ()
    }
    %scan3A_11 = arith.constant 125 : i32
    %barrier3A_12 = arith.constant 0 : index
    tpu.barrier barrier_id(%barrier3A_12)
    "tpu.region"() ({
      %run_scoped3A = tpu.sem_alloc : memref<!tpu.dma_semaphore, #tpu.memory_space<semaphore_mem>>
      %dma_start3A = arith.constant 0 : i32
      %dma_start3A_18 = tpu.memref_slice %arg6[%arg0, %multiple_of3A, %dma_start3A] : memref<2x10000x128xf32, #tpu.memory_space<hbm>> -> memref<1x624x128xf32, #tpu.memory_space<hbm>>
      %dma_start3A_19 = tpu.memref_squeeze %dma_start3A_18 : memref<1x624x128xf32, #tpu.memory_space<hbm>> -> memref<624x128xf32, #tpu.memory_space<hbm>>
      %dma_start3A_20 = arith.constant 0 : i32
      %dma_start3A_21 = tpu.memref_slice %arg10[%multiple_of3A, %dma_start3A_20] : memref<10000x128xf32, #tpu.memory_space<vmem_shared>> -> memref<624x128xf32, #tpu.memory_space<vmem_shared>>
      tpu.enqueue_dma source(%dma_start3A_21 : memref<624x128xf32, #tpu.memory_space<vmem_shared>>) target(%dma_start3A_19 : memref<624x128xf32, #tpu.memory_space<hbm>>) target_semaphore(%run_scoped3A : memref<!tpu.dma_semaphore, #tpu.memory_space<semaphore_mem>>)
      %dma_wait3A = arith.constant 0 : i32
      %dma_wait3A_22 = tpu.memref_slice %arg6[%arg0, %multiple_of3A, %dma_wait3A] : memref<2x10000x128xf32, #tpu.memory_space<hbm>> -> memref<1x624x128xf32, #tpu.memory_space<hbm>>
      %dma_wait3A_23 = tpu.memref_squeeze %dma_wait3A_22 : memref<1x624x128xf32, #tpu.memory_space<hbm>> -> memref<624x128xf32, #tpu.memory_space<hbm>>
      %dma_wait3A_24 = arith.constant 0 : i32
      %dma_wait3A_25 = tpu.memref_slice %arg10[%multiple_of3A, %dma_wait3A_24] : memref<10000x128xf32, #tpu.memory_space<vmem_shared>> -> memref<624x128xf32, #tpu.memory_space<vmem_shared>>
      tpu.wait_dma2 semaphore(%run_scoped3A : memref<!tpu.dma_semaphore, #tpu.memory_space<semaphore_mem>>) src(%dma_wait3A_25 : memref<624x128xf32, #tpu.memory_space<vmem_shared>>) dst(%dma_wait3A_23 : memref<624x128xf32, #tpu.memory_space<hbm>>)
      tpu.yield
    }) : () -> ()
    %eq3A_13 = arith.constant 0 : i32
    %eq3A_14 = arith.cmpi eq, %arg1, %eq3A_13 : i32
    %convert_element_type3A_15 = arith.extui %eq3A_14 : i1 to i32
    %cond3A_16 = arith.constant 0 : i32
    %cond3A_17 = arith.cmpi ne, %convert_element_type3A_15, %cond3A_16 : i32
    scf.if %cond3A_17 {
      "tpu.region"() ({
        %run_scoped3A = tpu.sem_alloc : memref<!tpu.dma_semaphore, #tpu.memory_space<semaphore_mem>>
        %dma_start3A = arith.constant 9984 : i32
        %dma_start3A_18 = arith.constant 0 : i32
        %dma_start3A_19 = tpu.memref_slice %arg6[%arg0, %dma_start3A, %dma_start3A_18] : memref<2x10000x128xf32, #tpu.memory_space<hbm>> -> memref<1x16x128xf32, #tpu.memory_space<hbm>>
        %dma_start3A_20 = tpu.memref_squeeze %dma_start3A_19 : memref<1x16x128xf32, #tpu.memory_space<hbm>> -> memref<16x128xf32, #tpu.memory_space<hbm>>
        %dma_start3A_21 = arith.constant 9984 : i32
        %dma_start3A_22 = arith.constant 0 : i32
        %dma_start3A_23 = tpu.memref_slice %arg10[%dma_start3A_21, %dma_start3A_22] : memref<10000x128xf32, #tpu.memory_space<vmem_shared>> -> memref<16x128xf32, #tpu.memory_space<vmem_shared>>
        tpu.enqueue_dma source(%dma_start3A_23 : memref<16x128xf32, #tpu.memory_space<vmem_shared>>) target(%dma_start3A_20 : memref<16x128xf32, #tpu.memory_space<hbm>>) target_semaphore(%run_scoped3A : memref<!tpu.dma_semaphore, #tpu.memory_space<semaphore_mem>>)
        %dma_wait3A = arith.constant 9984 : i32
        %dma_wait3A_24 = arith.constant 0 : i32
        %dma_wait3A_25 = tpu.memref_slice %arg6[%arg0, %dma_wait3A, %dma_wait3A_24] : memref<2x10000x128xf32, #tpu.memory_space<hbm>> -> memref<1x16x128xf32, #tpu.memory_space<hbm>>
        %dma_wait3A_26 = tpu.memref_squeeze %dma_wait3A_25 : memref<1x16x128xf32, #tpu.memory_space<hbm>> -> memref<16x128xf32, #tpu.memory_space<hbm>>
        %dma_wait3A_27 = arith.constant 9984 : i32
        %dma_wait3A_28 = arith.constant 0 : i32
        %dma_wait3A_29 = tpu.memref_slice %arg10[%dma_wait3A_27, %dma_wait3A_28] : memref<10000x128xf32, #tpu.memory_space<vmem_shared>> -> memref<16x128xf32, #tpu.memory_space<vmem_shared>>
        tpu.wait_dma2 semaphore(%run_scoped3A : memref<!tpu.dma_semaphore, #tpu.memory_space<semaphore_mem>>) src(%dma_wait3A_29 : memref<16x128xf32, #tpu.memory_space<vmem_shared>>) dst(%dma_wait3A_26 : memref<16x128xf32, #tpu.memory_space<hbm>>)
        tpu.yield
      }) : () -> ()
    } else {
    }
    return
  }
}

#map = affine_map<(d0, d1) -> (0, 0)>
#map1 = affine_map<(d0, d1) -> (0)>
#map2 = affine_map<(d0, d1) -> (0, 0, 0)>
module attributes {stable_mosaic.version = 14 : i64} {
  func.func @propagate(%arg0: i32, %arg1: i32, %arg2: memref<10000x128xf32, #tpu.memory_space<hbm>>, %arg3: memref<320000xi32, #tpu.memory_space<hbm>>, %arg4: memref<320000xi32, #tpu.memory_space<hbm>>, %arg5: memref<10000x128xf32, #tpu.memory_space<hbm>>, %arg6: memref<2x10000x128xf32, #tpu.memory_space<hbm>>, %arg7: memref<80xi32, #tpu.memory_space<vmem>>, %arg8: memref<80xi32, #tpu.memory_space<vmem>>, %arg9: memref<80x128xf32, #tpu.memory_space<vmem>>, %arg10: memref<10000x128xf32, #tpu.memory_space<vmem_shared>>, %arg11: memref<!tpu.dma_semaphore, #tpu.memory_space<semaphore_mem>>) attributes {dimension_semantics = [#tpu.dimension_semantics<core_parallel>, #tpu.dimension_semantics<subcore_parallel>], iteration_bounds = array<i64: 2, 16>, scalar_prefetch = 0 : i64, scratch_operands = 5 : i64, tpu.core_type = #tpu.core_type<sc_vector_subcore>, window_params = [{transform_indices = #map}, {transform_indices = #map1}, {transform_indices = #map1}, {transform_indices = #map}, {transform_indices = #map2}]} {
    %mul3A = arith.constant 2 : i32
    %mul3A_0 = arith.muli %arg1, %mul3A : i32
    %add3A = arith.addi %mul3A_0, %arg0 : i32
    %mul3A_1 = arith.constant 10000 : i32
    %mul3A_2 = arith.muli %add3A, %mul3A_1 : i32
    %mul3A_3 = arith.constant 624 : i32
    %mul3A_4 = arith.muli %arg1, %mul3A_3 : i32
    %multiple_of3A = tpu.assume_multiple %mul3A_4, 8 : i32
    "tpu.region"() ({
      %run_scoped3A = tpu.sem_alloc : memref<!tpu.dma_semaphore, #tpu.memory_space<semaphore_mem>>
      %dma_start3A = arith.constant 0 : i32
      %dma_start3A_18 = tpu.memref_slice %arg10[%multiple_of3A, %dma_start3A] : memref<10000x128xf32, #tpu.memory_space<vmem_shared>> -> memref<624x128xf32, #tpu.memory_space<vmem_shared>>
      %dma_start3A_19 = arith.constant 0 : i32
      %dma_start3A_20 = tpu.memref_slice %arg5[%multiple_of3A, %dma_start3A_19] : memref<10000x128xf32, #tpu.memory_space<hbm>> -> memref<624x128xf32, #tpu.memory_space<hbm>>
      tpu.enqueue_dma source(%dma_start3A_20 : memref<624x128xf32, #tpu.memory_space<hbm>>) target(%dma_start3A_18 : memref<624x128xf32, #tpu.memory_space<vmem_shared>>) target_semaphore(%run_scoped3A : memref<!tpu.dma_semaphore, #tpu.memory_space<semaphore_mem>>)
      %dma_wait3A = arith.constant 0 : i32
      %dma_wait3A_21 = tpu.memref_slice %arg10[%multiple_of3A, %dma_wait3A] : memref<10000x128xf32, #tpu.memory_space<vmem_shared>> -> memref<624x128xf32, #tpu.memory_space<vmem_shared>>
      %dma_wait3A_22 = arith.constant 0 : i32
      %dma_wait3A_23 = tpu.memref_slice %arg5[%multiple_of3A, %dma_wait3A_22] : memref<10000x128xf32, #tpu.memory_space<hbm>> -> memref<624x128xf32, #tpu.memory_space<hbm>>
      tpu.wait_dma2 semaphore(%run_scoped3A : memref<!tpu.dma_semaphore, #tpu.memory_space<semaphore_mem>>) src(%dma_wait3A_23 : memref<624x128xf32, #tpu.memory_space<hbm>>) dst(%dma_wait3A_21 : memref<624x128xf32, #tpu.memory_space<vmem_shared>>)
      tpu.yield
    }) : () -> ()
    %eq3A = arith.constant 0 : i32
    %eq3A_5 = arith.cmpi eq, %arg1, %eq3A : i32
    %convert_element_type3A = arith.extui %eq3A_5 : i1 to i32
    %cond3A = arith.constant 0 : i32
    %cond3A_6 = arith.cmpi ne, %convert_element_type3A, %cond3A : i32
    scf.if %cond3A_6 {
      "tpu.region"() ({
        %run_scoped3A = tpu.sem_alloc : memref<!tpu.dma_semaphore, #tpu.memory_space<semaphore_mem>>
        %dma_start3A = arith.constant 9984 : i32
        %dma_start3A_18 = arith.constant 0 : i32
        %dma_start3A_19 = tpu.memref_slice %arg10[%dma_start3A, %dma_start3A_18] : memref<10000x128xf32, #tpu.memory_space<vmem_shared>> -> memref<16x128xf32, #tpu.memory_space<vmem_shared>>
        %dma_start3A_20 = arith.constant 9984 : i32
        %dma_start3A_21 = arith.constant 0 : i32
        %dma_start3A_22 = tpu.memref_slice %arg5[%dma_start3A_20, %dma_start3A_21] : memref<10000x128xf32, #tpu.memory_space<hbm>> -> memref<16x128xf32, #tpu.memory_space<hbm>>
        tpu.enqueue_dma source(%dma_start3A_22 : memref<16x128xf32, #tpu.memory_space<hbm>>) target(%dma_start3A_19 : memref<16x128xf32, #tpu.memory_space<vmem_shared>>) target_semaphore(%run_scoped3A : memref<!tpu.dma_semaphore, #tpu.memory_space<semaphore_mem>>)
        %dma_wait3A = arith.constant 9984 : i32
        %dma_wait3A_23 = arith.constant 0 : i32
        %dma_wait3A_24 = tpu.memref_slice %arg10[%dma_wait3A, %dma_wait3A_23] : memref<10000x128xf32, #tpu.memory_space<vmem_shared>> -> memref<16x128xf32, #tpu.memory_space<vmem_shared>>
        %dma_wait3A_25 = arith.constant 9984 : i32
        %dma_wait3A_26 = arith.constant 0 : i32
        %dma_wait3A_27 = tpu.memref_slice %arg5[%dma_wait3A_25, %dma_wait3A_26] : memref<10000x128xf32, #tpu.memory_space<hbm>> -> memref<16x128xf32, #tpu.memory_space<hbm>>
        tpu.wait_dma2 semaphore(%run_scoped3A : memref<!tpu.dma_semaphore, #tpu.memory_space<semaphore_mem>>) src(%dma_wait3A_27 : memref<16x128xf32, #tpu.memory_space<hbm>>) dst(%dma_wait3A_24 : memref<16x128xf32, #tpu.memory_space<vmem_shared>>)
        tpu.yield
      }) : () -> ()
    } else {
    }
    %barrier3A = arith.constant 0 : index
    tpu.barrier barrier_id(%barrier3A)
    %scan3A = arith.constant 0 : i32
    %scan3A_7 = arith.constant 0 : i32
    %scan3A_8 = arith.constant 125 : i32
    %scan3A_9 = arith.addi %scan3A_7, %scan3A_8 : i32
    %scan3A_10 = arith.constant 1 : i32
    scf.for %scan3A_18 = %scan3A_7 to %scan3A_9 step %scan3A_10  : i32 {
      %mul3A_19 = arith.constant 80 : i32
      %mul3A_20 = arith.muli %scan3A_18, %mul3A_19 : i32
      %add3A_21 = arith.addi %mul3A_2, %mul3A_20 : i32
      %multiple_of3A_22 = tpu.assume_multiple %add3A_21, 8 : i32
      "tpu.region"() ({
        %run_scoped3A = tpu.sem_alloc : memref<!tpu.dma_semaphore, #tpu.memory_space<semaphore_mem>>
        %dma_start3A_27 = tpu.memref_slice %arg3[%multiple_of3A_22] : memref<320000xi32, #tpu.memory_space<hbm>> -> memref<80xi32, #tpu.memory_space<hbm>>
        %dma_start3A_28 = tpu.memref_slice %arg3[%multiple_of3A_22] : memref<320000xi32, #tpu.memory_space<hbm>> -> memref<80xi32, #tpu.memory_space<hbm>>
        tpu.enqueue_dma source(%dma_start3A_28 : memref<80xi32, #tpu.memory_space<hbm>>) target(%arg7 : memref<80xi32, #tpu.memory_space<vmem>>) target_semaphore(%run_scoped3A : memref<!tpu.dma_semaphore, #tpu.memory_space<semaphore_mem>>)
        %dma_wait3A_29 = tpu.memref_slice %arg3[%multiple_of3A_22] : memref<320000xi32, #tpu.memory_space<hbm>> -> memref<80xi32, #tpu.memory_space<hbm>>
        %dma_wait3A_30 = tpu.memref_slice %arg3[%multiple_of3A_22] : memref<320000xi32, #tpu.memory_space<hbm>> -> memref<80xi32, #tpu.memory_space<hbm>>
        tpu.wait_dma2 semaphore(%run_scoped3A : memref<!tpu.dma_semaphore, #tpu.memory_space<semaphore_mem>>) src(%dma_wait3A_30 : memref<80xi32, #tpu.memory_space<hbm>>) dst(%arg7 : memref<80xi32, #tpu.memory_space<vmem>>)
        tpu.yield
      }) : () -> ()
      "tpu.region"() ({
        %run_scoped3A = tpu.sem_alloc : memref<!tpu.dma_semaphore, #tpu.memory_space<semaphore_mem>>
        %dma_start3A_27 = tpu.memref_slice %arg4[%multiple_of3A_22] : memref<320000xi32, #tpu.memory_space<hbm>> -> memref<80xi32, #tpu.memory_space<hbm>>
        %dma_start3A_28 = tpu.memref_slice %arg4[%multiple_of3A_22] : memref<320000xi32, #tpu.memory_space<hbm>> -> memref<80xi32, #tpu.memory_space<hbm>>
        tpu.enqueue_dma source(%dma_start3A_28 : memref<80xi32, #tpu.memory_space<hbm>>) target(%arg8 : memref<80xi32, #tpu.memory_space<vmem>>) target_semaphore(%run_scoped3A : memref<!tpu.dma_semaphore, #tpu.memory_space<semaphore_mem>>)
        %dma_wait3A_29 = tpu.memref_slice %arg4[%multiple_of3A_22] : memref<320000xi32, #tpu.memory_space<hbm>> -> memref<80xi32, #tpu.memory_space<hbm>>
        %dma_wait3A_30 = tpu.memref_slice %arg4[%multiple_of3A_22] : memref<320000xi32, #tpu.memory_space<hbm>> -> memref<80xi32, #tpu.memory_space<hbm>>
        tpu.wait_dma2 semaphore(%run_scoped3A : memref<!tpu.dma_semaphore, #tpu.memory_space<semaphore_mem>>) src(%dma_wait3A_30 : memref<80xi32, #tpu.memory_space<hbm>>) dst(%arg8 : memref<80xi32, #tpu.memory_space<vmem>>)
        tpu.yield
      }) : () -> ()
      %dma_start3A = arith.constant 0 : i32
      %dma_start3A_23 = arith.constant 0 : i32
      %dma_start3A_24 = tpu.memref_slice %arg2[%dma_start3A, %dma_start3A_23] : memref<10000x128xf32, #tpu.memory_space<hbm>> -> memref<10000x128xf32, #tpu.memory_space<hbm>>
      tpu.enqueue_indirect_dma source(%dma_start3A_24 : memref<10000x128xf32, #tpu.memory_space<hbm>>) target(%arg9 : memref<80x128xf32, #tpu.memory_space<vmem>>) offsets(%arg7 : memref<80xi32, #tpu.memory_space<vmem>>) semaphore(%arg11 : memref<!tpu.dma_semaphore, #tpu.memory_space<semaphore_mem>>)
      %dma_wait3A = arith.constant 0 : i32
      %dma_wait3A_25 = arith.constant 0 : i32
      %dma_wait3A_26 = tpu.memref_slice %arg2[%dma_wait3A, %dma_wait3A_25] : memref<10000x128xf32, #tpu.memory_space<hbm>> -> memref<10000x128xf32, #tpu.memory_space<hbm>>
      tpu.wait_indirect_dma semaphore(%arg11 : memref<!tpu.dma_semaphore, #tpu.memory_space<semaphore_mem>>) src(%dma_wait3A_26 : memref<10000x128xf32, #tpu.memory_space<hbm>>) dst(%arg9 : memref<80x128xf32, #tpu.memory_space<vmem>>)
      "tpu.region"() ({
        %run_scoped3A = tpu.sem_alloc : memref<!tpu.dma_semaphore, #tpu.memory_space<semaphore_mem>>
        %dma_start3A_27 = arith.constant 0 : i32
        %dma_start3A_28 = arith.constant 0 : i32
        %dma_start3A_29 = tpu.memref_slice %arg10[%dma_start3A_27, %dma_start3A_28] : memref<10000x128xf32, #tpu.memory_space<vmem_shared>> -> memref<10000x128xf32, #tpu.memory_space<vmem_shared>>
        tpu.enqueue_indirect_dma source(%arg9 : memref<80x128xf32, #tpu.memory_space<vmem>>) target(%dma_start3A_29 : memref<10000x128xf32, #tpu.memory_space<vmem_shared>>) offsets(%arg8 : memref<80xi32, #tpu.memory_space<vmem>>) semaphore(%run_scoped3A : memref<!tpu.dma_semaphore, #tpu.memory_space<semaphore_mem>>) {add = true}
        %dma_wait3A_30 = arith.constant 0 : i32
        %dma_wait3A_31 = arith.constant 0 : i32
        %dma_wait3A_32 = tpu.memref_slice %arg10[%dma_wait3A_30, %dma_wait3A_31] : memref<10000x128xf32, #tpu.memory_space<vmem_shared>> -> memref<10000x128xf32, #tpu.memory_space<vmem_shared>>
        tpu.wait_indirect_dma semaphore(%run_scoped3A : memref<!tpu.dma_semaphore, #tpu.memory_space<semaphore_mem>>) src(%arg9 : memref<80x128xf32, #tpu.memory_space<vmem>>) dst(%dma_wait3A_32 : memref<10000x128xf32, #tpu.memory_space<vmem_shared>>)
        tpu.yield
      }) : () -> ()
    }
    %scan3A_11 = arith.constant 125 : i32
    %barrier3A_12 = arith.constant 0 : index
    tpu.barrier barrier_id(%barrier3A_12)
    "tpu.region"() ({
      %run_scoped3A = tpu.sem_alloc : memref<!tpu.dma_semaphore, #tpu.memory_space<semaphore_mem>>
      %dma_start3A = arith.constant 0 : i32
      %dma_start3A_18 = tpu.memref_slice %arg6[%arg0, %multiple_of3A, %dma_start3A] : memref<2x10000x128xf32, #tpu.memory_space<hbm>> -> memref<1x624x128xf32, #tpu.memory_space<hbm>>
      %dma_start3A_19 = tpu.memref_squeeze %dma_start3A_18 : memref<1x624x128xf32, #tpu.memory_space<hbm>> -> memref<624x128xf32, #tpu.memory_space<hbm>>
      %dma_start3A_20 = arith.constant 0 : i32
      %dma_start3A_21 = tpu.memref_slice %arg10[%multiple_of3A, %dma_start3A_20] : memref<10000x128xf32, #tpu.memory_space<vmem_shared>> -> memref<624x128xf32, #tpu.memory_space<vmem_shared>>
      tpu.enqueue_dma source(%dma_start3A_21 : memref<624x128xf32, #tpu.memory_space<vmem_shared>>) target(%dma_start3A_19 : memref<624x128xf32, #tpu.memory_space<hbm>>) target_semaphore(%run_scoped3A : memref<!tpu.dma_semaphore, #tpu.memory_space<semaphore_mem>>)
      %dma_wait3A = arith.constant 0 : i32
      %dma_wait3A_22 = tpu.memref_slice %arg6[%arg0, %multiple_of3A, %dma_wait3A] : memref<2x10000x128xf32, #tpu.memory_space<hbm>> -> memref<1x624x128xf32, #tpu.memory_space<hbm>>
      %dma_wait3A_23 = tpu.memref_squeeze %dma_wait3A_22 : memref<1x624x128xf32, #tpu.memory_space<hbm>> -> memref<624x128xf32, #tpu.memory_space<hbm>>
      %dma_wait3A_24 = arith.constant 0 : i32
      %dma_wait3A_25 = tpu.memref_slice %arg10[%multiple_of3A, %dma_wait3A_24] : memref<10000x128xf32, #tpu.memory_space<vmem_shared>> -> memref<624x128xf32, #tpu.memory_space<vmem_shared>>
      tpu.wait_dma2 semaphore(%run_scoped3A : memref<!tpu.dma_semaphore, #tpu.memory_space<semaphore_mem>>) src(%dma_wait3A_25 : memref<624x128xf32, #tpu.memory_space<vmem_shared>>) dst(%dma_wait3A_23 : memref<624x128xf32, #tpu.memory_space<hbm>>)
      tpu.yield
    }) : () -> ()
    %eq3A_13 = arith.constant 0 : i32
    %eq3A_14 = arith.cmpi eq, %arg1, %eq3A_13 : i32
    %convert_element_type3A_15 = arith.extui %eq3A_14 : i1 to i32
    %cond3A_16 = arith.constant 0 : i32
    %cond3A_17 = arith.cmpi ne, %convert_element_type3A_15, %cond3A_16 : i32
    scf.if %cond3A_17 {
      "tpu.region"() ({
        %run_scoped3A = tpu.sem_alloc : memref<!tpu.dma_semaphore, #tpu.memory_space<semaphore_mem>>
        %dma_start3A = arith.constant 9984 : i32
        %dma_start3A_18 = arith.constant 0 : i32
        %dma_start3A_19 = tpu.memref_slice %arg6[%arg0, %dma_start3A, %dma_start3A_18] : memref<2x10000x128xf32, #tpu.memory_space<hbm>> -> memref<1x16x128xf32, #tpu.memory_space<hbm>>
        %dma_start3A_20 = tpu.memref_squeeze %dma_start3A_19 : memref<1x16x128xf32, #tpu.memory_space<hbm>> -> memref<16x128xf32, #tpu.memory_space<hbm>>
        %dma_start3A_21 = arith.constant 9984 : i32
        %dma_start3A_22 = arith.constant 0 : i32
        %dma_start3A_23 = tpu.memref_slice %arg10[%dma_start3A_21, %dma_start3A_22] : memref<10000x128xf32, #tpu.memory_space<vmem_shared>> -> memref<16x128xf32, #tpu.memory_space<vmem_shared>>
        tpu.enqueue_dma source(%dma_start3A_23 : memref<16x128xf32, #tpu.memory_space<vmem_shared>>) target(%dma_start3A_20 : memref<16x128xf32, #tpu.memory_space<hbm>>) target_semaphore(%run_scoped3A : memref<!tpu.dma_semaphore, #tpu.memory_space<semaphore_mem>>)
        %dma_wait3A = arith.constant 9984 : i32
        %dma_wait3A_24 = arith.constant 0 : i32
        %dma_wait3A_25 = tpu.memref_slice %arg6[%arg0, %dma_wait3A, %dma_wait3A_24] : memref<2x10000x128xf32, #tpu.memory_space<hbm>> -> memref<1x16x128xf32, #tpu.memory_space<hbm>>
        %dma_wait3A_26 = tpu.memref_squeeze %dma_wait3A_25 : memref<1x16x128xf32, #tpu.memory_space<hbm>> -> memref<16x128xf32, #tpu.memory_space<hbm>>
        %dma_wait3A_27 = arith.constant 9984 : i32
        %dma_wait3A_28 = arith.constant 0 : i32
        %dma_wait3A_29 = tpu.memref_slice %arg10[%dma_wait3A_27, %dma_wait3A_28] : memref<10000x128xf32, #tpu.memory_space<vmem_shared>> -> memref<16x128xf32, #tpu.memory_space<vmem_shared>>
        tpu.wait_dma2 semaphore(%run_scoped3A : memref<!tpu.dma_semaphore, #tpu.memory_space<semaphore_mem>>) src(%dma_wait3A_29 : memref<16x128xf32, #tpu.memory_space<vmem_shared>>) dst(%dma_wait3A_26 : memref<16x128xf32, #tpu.memory_space<hbm>>)
        tpu.yield
      }) : () -> ()
    } else {
    }
    return
  }
}

#map = affine_map<(d0, d1) -> (0, 0)>
#map1 = affine_map<(d0, d1) -> (0)>
#map2 = affine_map<(d0, d1) -> (0, 0, 0)>
module attributes {stable_mosaic.version = 14 : i64} {
  func.func @propagate(%arg0: i32, %arg1: i32, %arg2: memref<10000x128xf32, #tpu.memory_space<hbm>>, %arg3: memref<320000xi32, #tpu.memory_space<hbm>>, %arg4: memref<320000xi32, #tpu.memory_space<hbm>>, %arg5: memref<10000x128xf32, #tpu.memory_space<hbm>>, %arg6: memref<2x10000x128xf32, #tpu.memory_space<hbm>>, %arg7: memref<80xi32, #tpu.memory_space<vmem>>, %arg8: memref<80xi32, #tpu.memory_space<vmem>>, %arg9: memref<80x128xf32, #tpu.memory_space<vmem>>, %arg10: memref<10000x128xf32, #tpu.memory_space<vmem_shared>>, %arg11: memref<!tpu.dma_semaphore, #tpu.memory_space<semaphore_mem>>) attributes {dimension_semantics = [#tpu.dimension_semantics<core_parallel>, #tpu.dimension_semantics<subcore_parallel>], iteration_bounds = array<i64: 2, 16>, scalar_prefetch = 0 : i64, scratch_operands = 5 : i64, tpu.core_type = #tpu.core_type<sc_vector_subcore>, window_params = [{transform_indices = #map}, {transform_indices = #map1}, {transform_indices = #map1}, {transform_indices = #map}, {transform_indices = #map2}]} {
    %mul3A = arith.constant 2 : i32
    %mul3A_0 = arith.muli %arg1, %mul3A : i32
    %add3A = arith.addi %mul3A_0, %arg0 : i32
    %mul3A_1 = arith.constant 10000 : i32
    %mul3A_2 = arith.muli %add3A, %mul3A_1 : i32
    %mul3A_3 = arith.constant 624 : i32
    %mul3A_4 = arith.muli %arg1, %mul3A_3 : i32
    %multiple_of3A = tpu.assume_multiple %mul3A_4, 8 : i32
    "tpu.region"() ({
      %run_scoped3A = tpu.sem_alloc : memref<!tpu.dma_semaphore, #tpu.memory_space<semaphore_mem>>
      %dma_start3A = arith.constant 0 : i32
      %dma_start3A_18 = tpu.memref_slice %arg10[%multiple_of3A, %dma_start3A] : memref<10000x128xf32, #tpu.memory_space<vmem_shared>> -> memref<624x128xf32, #tpu.memory_space<vmem_shared>>
      %dma_start3A_19 = arith.constant 0 : i32
      %dma_start3A_20 = tpu.memref_slice %arg5[%multiple_of3A, %dma_start3A_19] : memref<10000x128xf32, #tpu.memory_space<hbm>> -> memref<624x128xf32, #tpu.memory_space<hbm>>
      tpu.enqueue_dma source(%dma_start3A_20 : memref<624x128xf32, #tpu.memory_space<hbm>>) target(%dma_start3A_18 : memref<624x128xf32, #tpu.memory_space<vmem_shared>>) target_semaphore(%run_scoped3A : memref<!tpu.dma_semaphore, #tpu.memory_space<semaphore_mem>>)
      %dma_wait3A = arith.constant 0 : i32
      %dma_wait3A_21 = tpu.memref_slice %arg10[%multiple_of3A, %dma_wait3A] : memref<10000x128xf32, #tpu.memory_space<vmem_shared>> -> memref<624x128xf32, #tpu.memory_space<vmem_shared>>
      %dma_wait3A_22 = arith.constant 0 : i32
      %dma_wait3A_23 = tpu.memref_slice %arg5[%multiple_of3A, %dma_wait3A_22] : memref<10000x128xf32, #tpu.memory_space<hbm>> -> memref<624x128xf32, #tpu.memory_space<hbm>>
      tpu.wait_dma2 semaphore(%run_scoped3A : memref<!tpu.dma_semaphore, #tpu.memory_space<semaphore_mem>>) src(%dma_wait3A_23 : memref<624x128xf32, #tpu.memory_space<hbm>>) dst(%dma_wait3A_21 : memref<624x128xf32, #tpu.memory_space<vmem_shared>>)
      tpu.yield
    }) : () -> ()
    %eq3A = arith.constant 0 : i32
    %eq3A_5 = arith.cmpi eq, %arg1, %eq3A : i32
    %convert_element_type3A = arith.extui %eq3A_5 : i1 to i32
    %cond3A = arith.constant 0 : i32
    %cond3A_6 = arith.cmpi ne, %convert_element_type3A, %cond3A : i32
    scf.if %cond3A_6 {
      "tpu.region"() ({
        %run_scoped3A = tpu.sem_alloc : memref<!tpu.dma_semaphore, #tpu.memory_space<semaphore_mem>>
        %dma_start3A = arith.constant 9984 : i32
        %dma_start3A_18 = arith.constant 0 : i32
        %dma_start3A_19 = tpu.memref_slice %arg10[%dma_start3A, %dma_start3A_18] : memref<10000x128xf32, #tpu.memory_space<vmem_shared>> -> memref<16x128xf32, #tpu.memory_space<vmem_shared>>
        %dma_start3A_20 = arith.constant 9984 : i32
        %dma_start3A_21 = arith.constant 0 : i32
        %dma_start3A_22 = tpu.memref_slice %arg5[%dma_start3A_20, %dma_start3A_21] : memref<10000x128xf32, #tpu.memory_space<hbm>> -> memref<16x128xf32, #tpu.memory_space<hbm>>
        tpu.enqueue_dma source(%dma_start3A_22 : memref<16x128xf32, #tpu.memory_space<hbm>>) target(%dma_start3A_19 : memref<16x128xf32, #tpu.memory_space<vmem_shared>>) target_semaphore(%run_scoped3A : memref<!tpu.dma_semaphore, #tpu.memory_space<semaphore_mem>>)
        %dma_wait3A = arith.constant 9984 : i32
        %dma_wait3A_23 = arith.constant 0 : i32
        %dma_wait3A_24 = tpu.memref_slice %arg10[%dma_wait3A, %dma_wait3A_23] : memref<10000x128xf32, #tpu.memory_space<vmem_shared>> -> memref<16x128xf32, #tpu.memory_space<vmem_shared>>
        %dma_wait3A_25 = arith.constant 9984 : i32
        %dma_wait3A_26 = arith.constant 0 : i32
        %dma_wait3A_27 = tpu.memref_slice %arg5[%dma_wait3A_25, %dma_wait3A_26] : memref<10000x128xf32, #tpu.memory_space<hbm>> -> memref<16x128xf32, #tpu.memory_space<hbm>>
        tpu.wait_dma2 semaphore(%run_scoped3A : memref<!tpu.dma_semaphore, #tpu.memory_space<semaphore_mem>>) src(%dma_wait3A_27 : memref<16x128xf32, #tpu.memory_space<hbm>>) dst(%dma_wait3A_24 : memref<16x128xf32, #tpu.memory_space<vmem_shared>>)
        tpu.yield
      }) : () -> ()
    } else {
    }
    %barrier3A = arith.constant 0 : index
    tpu.barrier barrier_id(%barrier3A)
    %scan3A = arith.constant 0 : i32
    %scan3A_7 = arith.constant 0 : i32
    %scan3A_8 = arith.constant 125 : i32
    %scan3A_9 = arith.addi %scan3A_7, %scan3A_8 : i32
    %scan3A_10 = arith.constant 1 : i32
    scf.for %scan3A_18 = %scan3A_7 to %scan3A_9 step %scan3A_10  : i32 {
      %mul3A_19 = arith.constant 80 : i32
      %mul3A_20 = arith.muli %scan3A_18, %mul3A_19 : i32
      %add3A_21 = arith.addi %mul3A_2, %mul3A_20 : i32
      %multiple_of3A_22 = tpu.assume_multiple %add3A_21, 8 : i32
      "tpu.region"() ({
        %run_scoped3A = tpu.sem_alloc : memref<!tpu.dma_semaphore, #tpu.memory_space<semaphore_mem>>
        %dma_start3A_27 = tpu.memref_slice %arg3[%multiple_of3A_22] : memref<320000xi32, #tpu.memory_space<hbm>> -> memref<80xi32, #tpu.memory_space<hbm>>
        %dma_start3A_28 = tpu.memref_slice %arg3[%multiple_of3A_22] : memref<320000xi32, #tpu.memory_space<hbm>> -> memref<80xi32, #tpu.memory_space<hbm>>
        tpu.enqueue_dma source(%dma_start3A_28 : memref<80xi32, #tpu.memory_space<hbm>>) target(%arg7 : memref<80xi32, #tpu.memory_space<vmem>>) target_semaphore(%run_scoped3A : memref<!tpu.dma_semaphore, #tpu.memory_space<semaphore_mem>>)
        %dma_wait3A_29 = tpu.memref_slice %arg3[%multiple_of3A_22] : memref<320000xi32, #tpu.memory_space<hbm>> -> memref<80xi32, #tpu.memory_space<hbm>>
        %dma_wait3A_30 = tpu.memref_slice %arg3[%multiple_of3A_22] : memref<320000xi32, #tpu.memory_space<hbm>> -> memref<80xi32, #tpu.memory_space<hbm>>
        tpu.wait_dma2 semaphore(%run_scoped3A : memref<!tpu.dma_semaphore, #tpu.memory_space<semaphore_mem>>) src(%dma_wait3A_30 : memref<80xi32, #tpu.memory_space<hbm>>) dst(%arg7 : memref<80xi32, #tpu.memory_space<vmem>>)
        tpu.yield
      }) : () -> ()
      "tpu.region"() ({
        %run_scoped3A = tpu.sem_alloc : memref<!tpu.dma_semaphore, #tpu.memory_space<semaphore_mem>>
        %dma_start3A_27 = tpu.memref_slice %arg4[%multiple_of3A_22] : memref<320000xi32, #tpu.memory_space<hbm>> -> memref<80xi32, #tpu.memory_space<hbm>>
        %dma_start3A_28 = tpu.memref_slice %arg4[%multiple_of3A_22] : memref<320000xi32, #tpu.memory_space<hbm>> -> memref<80xi32, #tpu.memory_space<hbm>>
        tpu.enqueue_dma source(%dma_start3A_28 : memref<80xi32, #tpu.memory_space<hbm>>) target(%arg8 : memref<80xi32, #tpu.memory_space<vmem>>) target_semaphore(%run_scoped3A : memref<!tpu.dma_semaphore, #tpu.memory_space<semaphore_mem>>)
        %dma_wait3A_29 = tpu.memref_slice %arg4[%multiple_of3A_22] : memref<320000xi32, #tpu.memory_space<hbm>> -> memref<80xi32, #tpu.memory_space<hbm>>
        %dma_wait3A_30 = tpu.memref_slice %arg4[%multiple_of3A_22] : memref<320000xi32, #tpu.memory_space<hbm>> -> memref<80xi32, #tpu.memory_space<hbm>>
        tpu.wait_dma2 semaphore(%run_scoped3A : memref<!tpu.dma_semaphore, #tpu.memory_space<semaphore_mem>>) src(%dma_wait3A_30 : memref<80xi32, #tpu.memory_space<hbm>>) dst(%arg8 : memref<80xi32, #tpu.memory_space<vmem>>)
        tpu.yield
      }) : () -> ()
      %dma_start3A = arith.constant 0 : i32
      %dma_start3A_23 = arith.constant 0 : i32
      %dma_start3A_24 = tpu.memref_slice %arg2[%dma_start3A, %dma_start3A_23] : memref<10000x128xf32, #tpu.memory_space<hbm>> -> memref<10000x128xf32, #tpu.memory_space<hbm>>
      tpu.enqueue_indirect_dma source(%dma_start3A_24 : memref<10000x128xf32, #tpu.memory_space<hbm>>) target(%arg9 : memref<80x128xf32, #tpu.memory_space<vmem>>) offsets(%arg7 : memref<80xi32, #tpu.memory_space<vmem>>) semaphore(%arg11 : memref<!tpu.dma_semaphore, #tpu.memory_space<semaphore_mem>>)
      %dma_wait3A = arith.constant 0 : i32
      %dma_wait3A_25 = arith.constant 0 : i32
      %dma_wait3A_26 = tpu.memref_slice %arg2[%dma_wait3A, %dma_wait3A_25] : memref<10000x128xf32, #tpu.memory_space<hbm>> -> memref<10000x128xf32, #tpu.memory_space<hbm>>
      tpu.wait_indirect_dma semaphore(%arg11 : memref<!tpu.dma_semaphore, #tpu.memory_space<semaphore_mem>>) src(%dma_wait3A_26 : memref<10000x128xf32, #tpu.memory_space<hbm>>) dst(%arg9 : memref<80x128xf32, #tpu.memory_space<vmem>>)
      "tpu.region"() ({
        %run_scoped3A = tpu.sem_alloc : memref<!tpu.dma_semaphore, #tpu.memory_space<semaphore_mem>>
        %dma_start3A_27 = arith.constant 0 : i32
        %dma_start3A_28 = arith.constant 0 : i32
        %dma_start3A_29 = tpu.memref_slice %arg10[%dma_start3A_27, %dma_start3A_28] : memref<10000x128xf32, #tpu.memory_space<vmem_shared>> -> memref<10000x128xf32, #tpu.memory_space<vmem_shared>>
        tpu.enqueue_indirect_dma source(%arg9 : memref<80x128xf32, #tpu.memory_space<vmem>>) target(%dma_start3A_29 : memref<10000x128xf32, #tpu.memory_space<vmem_shared>>) offsets(%arg8 : memref<80xi32, #tpu.memory_space<vmem>>) semaphore(%run_scoped3A : memref<!tpu.dma_semaphore, #tpu.memory_space<semaphore_mem>>) {add = true}
        %dma_wait3A_30 = arith.constant 0 : i32
        %dma_wait3A_31 = arith.constant 0 : i32
        %dma_wait3A_32 = tpu.memref_slice %arg10[%dma_wait3A_30, %dma_wait3A_31] : memref<10000x128xf32, #tpu.memory_space<vmem_shared>> -> memref<10000x128xf32, #tpu.memory_space<vmem_shared>>
        tpu.wait_indirect_dma semaphore(%run_scoped3A : memref<!tpu.dma_semaphore, #tpu.memory_space<semaphore_mem>>) src(%arg9 : memref<80x128xf32, #tpu.memory_space<vmem>>) dst(%dma_wait3A_32 : memref<10000x128xf32, #tpu.memory_space<vmem_shared>>)
        tpu.yield
      }) : () -> ()
    }
    %scan3A_11 = arith.constant 125 : i32
    %barrier3A_12 = arith.constant 0 : index
    tpu.barrier barrier_id(%barrier3A_12)
    "tpu.region"() ({
      %run_scoped3A = tpu.sem_alloc : memref<!tpu.dma_semaphore, #tpu.memory_space<semaphore_mem>>
      %dma_start3A = arith.constant 0 : i32
      %dma_start3A_18 = tpu.memref_slice %arg6[%arg0, %multiple_of3A, %dma_start3A] : memref<2x10000x128xf32, #tpu.memory_space<hbm>> -> memref<1x624x128xf32, #tpu.memory_space<hbm>>
      %dma_start3A_19 = tpu.memref_squeeze %dma_start3A_18 : memref<1x624x128xf32, #tpu.memory_space<hbm>> -> memref<624x128xf32, #tpu.memory_space<hbm>>
      %dma_start3A_20 = arith.constant 0 : i32
      %dma_start3A_21 = tpu.memref_slice %arg10[%multiple_of3A, %dma_start3A_20] : memref<10000x128xf32, #tpu.memory_space<vmem_shared>> -> memref<624x128xf32, #tpu.memory_space<vmem_shared>>
      tpu.enqueue_dma source(%dma_start3A_21 : memref<624x128xf32, #tpu.memory_space<vmem_shared>>) target(%dma_start3A_19 : memref<624x128xf32, #tpu.memory_space<hbm>>) target_semaphore(%run_scoped3A : memref<!tpu.dma_semaphore, #tpu.memory_space<semaphore_mem>>)
      %dma_wait3A = arith.constant 0 : i32
      %dma_wait3A_22 = tpu.memref_slice %arg6[%arg0, %multiple_of3A, %dma_wait3A] : memref<2x10000x128xf32, #tpu.memory_space<hbm>> -> memref<1x624x128xf32, #tpu.memory_space<hbm>>
      %dma_wait3A_23 = tpu.memref_squeeze %dma_wait3A_22 : memref<1x624x128xf32, #tpu.memory_space<hbm>> -> memref<624x128xf32, #tpu.memory_space<hbm>>
      %dma_wait3A_24 = arith.constant 0 : i32
      %dma_wait3A_25 = tpu.memref_slice %arg10[%multiple_of3A, %dma_wait3A_24] : memref<10000x128xf32, #tpu.memory_space<vmem_shared>> -> memref<624x128xf32, #tpu.memory_space<vmem_shared>>
      tpu.wait_dma2 semaphore(%run_scoped3A : memref<!tpu.dma_semaphore, #tpu.memory_space<semaphore_mem>>) src(%dma_wait3A_25 : memref<624x128xf32, #tpu.memory_space<vmem_shared>>) dst(%dma_wait3A_23 : memref<624x128xf32, #tpu.memory_space<hbm>>)
      tpu.yield
    }) : () -> ()
    %eq3A_13 = arith.constant 0 : i32
    %eq3A_14 = arith.cmpi eq, %arg1, %eq3A_13 : i32
    %convert_element_type3A_15 = arith.extui %eq3A_14 : i1 to i32
    %cond3A_16 = arith.constant 0 : i32
    %cond3A_17 = arith.cmpi ne, %convert_element_type3A_15, %cond3A_16 : i32
    scf.if %cond3A_17 {
      "tpu.region"() ({
        %run_scoped3A = tpu.sem_alloc : memref<!tpu.dma_semaphore, #tpu.memory_space<semaphore_mem>>
        %dma_start3A = arith.constant 9984 : i32
        %dma_start3A_18 = arith.constant 0 : i32
        %dma_start3A_19 = tpu.memref_slice %arg6[%arg0, %dma_start3A, %dma_start3A_18] : memref<2x10000x128xf32, #tpu.memory_space<hbm>> -> memref<1x16x128xf32, #tpu.memory_space<hbm>>
        %dma_start3A_20 = tpu.memref_squeeze %dma_start3A_19 : memref<1x16x128xf32, #tpu.memory_space<hbm>> -> memref<16x128xf32, #tpu.memory_space<hbm>>
        %dma_start3A_21 = arith.constant 9984 : i32
        %dma_start3A_22 = arith.constant 0 : i32
        %dma_start3A_23 = tpu.memref_slice %arg10[%dma_start3A_21, %dma_start3A_22] : memref<10000x128xf32, #tpu.memory_space<vmem_shared>> -> memref<16x128xf32, #tpu.memory_space<vmem_shared>>
        tpu.enqueue_dma source(%dma_start3A_23 : memref<16x128xf32, #tpu.memory_space<vmem_shared>>) target(%dma_start3A_20 : memref<16x128xf32, #tpu.memory_space<hbm>>) target_semaphore(%run_scoped3A : memref<!tpu.dma_semaphore, #tpu.memory_space<semaphore_mem>>)
        %dma_wait3A = arith.constant 9984 : i32
        %dma_wait3A_24 = arith.constant 0 : i32
        %dma_wait3A_25 = tpu.memref_slice %arg6[%arg0, %dma_wait3A, %dma_wait3A_24] : memref<2x10000x128xf32, #tpu.memory_space<hbm>> -> memref<1x16x128xf32, #tpu.memory_space<hbm>>
        %dma_wait3A_26 = tpu.memref_squeeze %dma_wait3A_25 : memref<1x16x128xf32, #tpu.memory_space<hbm>> -> memref<16x128xf32, #tpu.memory_space<hbm>>
        %dma_wait3A_27 = arith.constant 9984 : i32
        %dma_wait3A_28 = arith.constant 0 : i32
        %dma_wait3A_29 = tpu.memref_slice %arg10[%dma_wait3A_27, %dma_wait3A_28] : memref<10000x128xf32, #tpu.memory_space<vmem_shared>> -> memref<16x128xf32, #tpu.memory_space<vmem_shared>>
        tpu.wait_dma2 semaphore(%run_scoped3A : memref<!tpu.dma_semaphore, #tpu.memory_space<semaphore_mem>>) src(%dma_wait3A_29 : memref<16x128xf32, #tpu.memory_space<vmem_shared>>) dst(%dma_wait3A_26 : memref<16x128xf32, #tpu.memory_space<hbm>>)
        tpu.yield
      }) : () -> ()
    } else {
    }
    return
  }
}

#map = affine_map<(d0, d1) -> (0, 0)>
#map1 = affine_map<(d0, d1) -> (0)>
#map2 = affine_map<(d0, d1) -> (0, 0, 0)>
module attributes {stable_mosaic.version = 14 : i64} {
  func.func @propagate(%arg0: i32, %arg1: i32, %arg2: memref<10000x128xf32, #tpu.memory_space<hbm>>, %arg3: memref<320000xi32, #tpu.memory_space<hbm>>, %arg4: memref<320000xi32, #tpu.memory_space<hbm>>, %arg5: memref<10000x128xf32, #tpu.memory_space<hbm>>, %arg6: memref<2x10000x128xf32, #tpu.memory_space<hbm>>, %arg7: memref<80xi32, #tpu.memory_space<vmem>>, %arg8: memref<80xi32, #tpu.memory_space<vmem>>, %arg9: memref<80x128xf32, #tpu.memory_space<vmem>>, %arg10: memref<10000x128xf32, #tpu.memory_space<vmem_shared>>, %arg11: memref<!tpu.dma_semaphore, #tpu.memory_space<semaphore_mem>>) attributes {dimension_semantics = [#tpu.dimension_semantics<core_parallel>, #tpu.dimension_semantics<subcore_parallel>], iteration_bounds = array<i64: 2, 16>, scalar_prefetch = 0 : i64, scratch_operands = 5 : i64, tpu.core_type = #tpu.core_type<sc_vector_subcore>, window_params = [{transform_indices = #map}, {transform_indices = #map1}, {transform_indices = #map1}, {transform_indices = #map}, {transform_indices = #map2}]} {
    %mul3A = arith.constant 2 : i32
    %mul3A_0 = arith.muli %arg1, %mul3A : i32
    %add3A = arith.addi %mul3A_0, %arg0 : i32
    %mul3A_1 = arith.constant 10000 : i32
    %mul3A_2 = arith.muli %add3A, %mul3A_1 : i32
    %mul3A_3 = arith.constant 624 : i32
    %mul3A_4 = arith.muli %arg1, %mul3A_3 : i32
    %multiple_of3A = tpu.assume_multiple %mul3A_4, 8 : i32
    "tpu.region"() ({
      %run_scoped3A = tpu.sem_alloc : memref<!tpu.dma_semaphore, #tpu.memory_space<semaphore_mem>>
      %dma_start3A = arith.constant 0 : i32
      %dma_start3A_18 = tpu.memref_slice %arg10[%multiple_of3A, %dma_start3A] : memref<10000x128xf32, #tpu.memory_space<vmem_shared>> -> memref<624x128xf32, #tpu.memory_space<vmem_shared>>
      %dma_start3A_19 = arith.constant 0 : i32
      %dma_start3A_20 = tpu.memref_slice %arg5[%multiple_of3A, %dma_start3A_19] : memref<10000x128xf32, #tpu.memory_space<hbm>> -> memref<624x128xf32, #tpu.memory_space<hbm>>
      tpu.enqueue_dma source(%dma_start3A_20 : memref<624x128xf32, #tpu.memory_space<hbm>>) target(%dma_start3A_18 : memref<624x128xf32, #tpu.memory_space<vmem_shared>>) target_semaphore(%run_scoped3A : memref<!tpu.dma_semaphore, #tpu.memory_space<semaphore_mem>>)
      %dma_wait3A = arith.constant 0 : i32
      %dma_wait3A_21 = tpu.memref_slice %arg10[%multiple_of3A, %dma_wait3A] : memref<10000x128xf32, #tpu.memory_space<vmem_shared>> -> memref<624x128xf32, #tpu.memory_space<vmem_shared>>
      %dma_wait3A_22 = arith.constant 0 : i32
      %dma_wait3A_23 = tpu.memref_slice %arg5[%multiple_of3A, %dma_wait3A_22] : memref<10000x128xf32, #tpu.memory_space<hbm>> -> memref<624x128xf32, #tpu.memory_space<hbm>>
      tpu.wait_dma2 semaphore(%run_scoped3A : memref<!tpu.dma_semaphore, #tpu.memory_space<semaphore_mem>>) src(%dma_wait3A_23 : memref<624x128xf32, #tpu.memory_space<hbm>>) dst(%dma_wait3A_21 : memref<624x128xf32, #tpu.memory_space<vmem_shared>>)
      tpu.yield
    }) : () -> ()
    %eq3A = arith.constant 0 : i32
    %eq3A_5 = arith.cmpi eq, %arg1, %eq3A : i32
    %convert_element_type3A = arith.extui %eq3A_5 : i1 to i32
    %cond3A = arith.constant 0 : i32
    %cond3A_6 = arith.cmpi ne, %convert_element_type3A, %cond3A : i32
    scf.if %cond3A_6 {
      "tpu.region"() ({
        %run_scoped3A = tpu.sem_alloc : memref<!tpu.dma_semaphore, #tpu.memory_space<semaphore_mem>>
        %dma_start3A = arith.constant 9984 : i32
        %dma_start3A_18 = arith.constant 0 : i32
        %dma_start3A_19 = tpu.memref_slice %arg10[%dma_start3A, %dma_start3A_18] : memref<10000x128xf32, #tpu.memory_space<vmem_shared>> -> memref<16x128xf32, #tpu.memory_space<vmem_shared>>
        %dma_start3A_20 = arith.constant 9984 : i32
        %dma_start3A_21 = arith.constant 0 : i32
        %dma_start3A_22 = tpu.memref_slice %arg5[%dma_start3A_20, %dma_start3A_21] : memref<10000x128xf32, #tpu.memory_space<hbm>> -> memref<16x128xf32, #tpu.memory_space<hbm>>
        tpu.enqueue_dma source(%dma_start3A_22 : memref<16x128xf32, #tpu.memory_space<hbm>>) target(%dma_start3A_19 : memref<16x128xf32, #tpu.memory_space<vmem_shared>>) target_semaphore(%run_scoped3A : memref<!tpu.dma_semaphore, #tpu.memory_space<semaphore_mem>>)
        %dma_wait3A = arith.constant 9984 : i32
        %dma_wait3A_23 = arith.constant 0 : i32
        %dma_wait3A_24 = tpu.memref_slice %arg10[%dma_wait3A, %dma_wait3A_23] : memref<10000x128xf32, #tpu.memory_space<vmem_shared>> -> memref<16x128xf32, #tpu.memory_space<vmem_shared>>
        %dma_wait3A_25 = arith.constant 9984 : i32
        %dma_wait3A_26 = arith.constant 0 : i32
        %dma_wait3A_27 = tpu.memref_slice %arg5[%dma_wait3A_25, %dma_wait3A_26] : memref<10000x128xf32, #tpu.memory_space<hbm>> -> memref<16x128xf32, #tpu.memory_space<hbm>>
        tpu.wait_dma2 semaphore(%run_scoped3A : memref<!tpu.dma_semaphore, #tpu.memory_space<semaphore_mem>>) src(%dma_wait3A_27 : memref<16x128xf32, #tpu.memory_space<hbm>>) dst(%dma_wait3A_24 : memref<16x128xf32, #tpu.memory_space<vmem_shared>>)
        tpu.yield
      }) : () -> ()
    } else {
    }
    %barrier3A = arith.constant 0 : index
    tpu.barrier barrier_id(%barrier3A)
    %scan3A = arith.constant 0 : i32
    %scan3A_7 = arith.constant 0 : i32
    %scan3A_8 = arith.constant 125 : i32
    %scan3A_9 = arith.addi %scan3A_7, %scan3A_8 : i32
    %scan3A_10 = arith.constant 1 : i32
    scf.for %scan3A_18 = %scan3A_7 to %scan3A_9 step %scan3A_10  : i32 {
      %mul3A_19 = arith.constant 80 : i32
      %mul3A_20 = arith.muli %scan3A_18, %mul3A_19 : i32
      %add3A_21 = arith.addi %mul3A_2, %mul3A_20 : i32
      %multiple_of3A_22 = tpu.assume_multiple %add3A_21, 8 : i32
      "tpu.region"() ({
        %run_scoped3A = tpu.sem_alloc : memref<!tpu.dma_semaphore, #tpu.memory_space<semaphore_mem>>
        %dma_start3A_27 = tpu.memref_slice %arg3[%multiple_of3A_22] : memref<320000xi32, #tpu.memory_space<hbm>> -> memref<80xi32, #tpu.memory_space<hbm>>
        %dma_start3A_28 = tpu.memref_slice %arg3[%multiple_of3A_22] : memref<320000xi32, #tpu.memory_space<hbm>> -> memref<80xi32, #tpu.memory_space<hbm>>
        tpu.enqueue_dma source(%dma_start3A_28 : memref<80xi32, #tpu.memory_space<hbm>>) target(%arg7 : memref<80xi32, #tpu.memory_space<vmem>>) target_semaphore(%run_scoped3A : memref<!tpu.dma_semaphore, #tpu.memory_space<semaphore_mem>>)
        %dma_wait3A_29 = tpu.memref_slice %arg3[%multiple_of3A_22] : memref<320000xi32, #tpu.memory_space<hbm>> -> memref<80xi32, #tpu.memory_space<hbm>>
        %dma_wait3A_30 = tpu.memref_slice %arg3[%multiple_of3A_22] : memref<320000xi32, #tpu.memory_space<hbm>> -> memref<80xi32, #tpu.memory_space<hbm>>
        tpu.wait_dma2 semaphore(%run_scoped3A : memref<!tpu.dma_semaphore, #tpu.memory_space<semaphore_mem>>) src(%dma_wait3A_30 : memref<80xi32, #tpu.memory_space<hbm>>) dst(%arg7 : memref<80xi32, #tpu.memory_space<vmem>>)
        tpu.yield
      }) : () -> ()
      "tpu.region"() ({
        %run_scoped3A = tpu.sem_alloc : memref<!tpu.dma_semaphore, #tpu.memory_space<semaphore_mem>>
        %dma_start3A_27 = tpu.memref_slice %arg4[%multiple_of3A_22] : memref<320000xi32, #tpu.memory_space<hbm>> -> memref<80xi32, #tpu.memory_space<hbm>>
        %dma_start3A_28 = tpu.memref_slice %arg4[%multiple_of3A_22] : memref<320000xi32, #tpu.memory_space<hbm>> -> memref<80xi32, #tpu.memory_space<hbm>>
        tpu.enqueue_dma source(%dma_start3A_28 : memref<80xi32, #tpu.memory_space<hbm>>) target(%arg8 : memref<80xi32, #tpu.memory_space<vmem>>) target_semaphore(%run_scoped3A : memref<!tpu.dma_semaphore, #tpu.memory_space<semaphore_mem>>)
        %dma_wait3A_29 = tpu.memref_slice %arg4[%multiple_of3A_22] : memref<320000xi32, #tpu.memory_space<hbm>> -> memref<80xi32, #tpu.memory_space<hbm>>
        %dma_wait3A_30 = tpu.memref_slice %arg4[%multiple_of3A_22] : memref<320000xi32, #tpu.memory_space<hbm>> -> memref<80xi32, #tpu.memory_space<hbm>>
        tpu.wait_dma2 semaphore(%run_scoped3A : memref<!tpu.dma_semaphore, #tpu.memory_space<semaphore_mem>>) src(%dma_wait3A_30 : memref<80xi32, #tpu.memory_space<hbm>>) dst(%arg8 : memref<80xi32, #tpu.memory_space<vmem>>)
        tpu.yield
      }) : () -> ()
      %dma_start3A = arith.constant 0 : i32
      %dma_start3A_23 = arith.constant 0 : i32
      %dma_start3A_24 = tpu.memref_slice %arg2[%dma_start3A, %dma_start3A_23] : memref<10000x128xf32, #tpu.memory_space<hbm>> -> memref<10000x128xf32, #tpu.memory_space<hbm>>
      tpu.enqueue_indirect_dma source(%dma_start3A_24 : memref<10000x128xf32, #tpu.memory_space<hbm>>) target(%arg9 : memref<80x128xf32, #tpu.memory_space<vmem>>) offsets(%arg7 : memref<80xi32, #tpu.memory_space<vmem>>) semaphore(%arg11 : memref<!tpu.dma_semaphore, #tpu.memory_space<semaphore_mem>>)
      %dma_wait3A = arith.constant 0 : i32
      %dma_wait3A_25 = arith.constant 0 : i32
      %dma_wait3A_26 = tpu.memref_slice %arg2[%dma_wait3A, %dma_wait3A_25] : memref<10000x128xf32, #tpu.memory_space<hbm>> -> memref<10000x128xf32, #tpu.memory_space<hbm>>
      tpu.wait_indirect_dma semaphore(%arg11 : memref<!tpu.dma_semaphore, #tpu.memory_space<semaphore_mem>>) src(%dma_wait3A_26 : memref<10000x128xf32, #tpu.memory_space<hbm>>) dst(%arg9 : memref<80x128xf32, #tpu.memory_space<vmem>>)
      "tpu.region"() ({
        %run_scoped3A = tpu.sem_alloc : memref<!tpu.dma_semaphore, #tpu.memory_space<semaphore_mem>>
        %dma_start3A_27 = arith.constant 0 : i32
        %dma_start3A_28 = arith.constant 0 : i32
        %dma_start3A_29 = tpu.memref_slice %arg10[%dma_start3A_27, %dma_start3A_28] : memref<10000x128xf32, #tpu.memory_space<vmem_shared>> -> memref<10000x128xf32, #tpu.memory_space<vmem_shared>>
        tpu.enqueue_indirect_dma source(%arg9 : memref<80x128xf32, #tpu.memory_space<vmem>>) target(%dma_start3A_29 : memref<10000x128xf32, #tpu.memory_space<vmem_shared>>) offsets(%arg8 : memref<80xi32, #tpu.memory_space<vmem>>) semaphore(%run_scoped3A : memref<!tpu.dma_semaphore, #tpu.memory_space<semaphore_mem>>) {add = true}
        %dma_wait3A_30 = arith.constant 0 : i32
        %dma_wait3A_31 = arith.constant 0 : i32
        %dma_wait3A_32 = tpu.memref_slice %arg10[%dma_wait3A_30, %dma_wait3A_31] : memref<10000x128xf32, #tpu.memory_space<vmem_shared>> -> memref<10000x128xf32, #tpu.memory_space<vmem_shared>>
        tpu.wait_indirect_dma semaphore(%run_scoped3A : memref<!tpu.dma_semaphore, #tpu.memory_space<semaphore_mem>>) src(%arg9 : memref<80x128xf32, #tpu.memory_space<vmem>>) dst(%dma_wait3A_32 : memref<10000x128xf32, #tpu.memory_space<vmem_shared>>)
        tpu.yield
      }) : () -> ()
    }
    %scan3A_11 = arith.constant 125 : i32
    %barrier3A_12 = arith.constant 0 : index
    tpu.barrier barrier_id(%barrier3A_12)
    "tpu.region"() ({
      %run_scoped3A = tpu.sem_alloc : memref<!tpu.dma_semaphore, #tpu.memory_space<semaphore_mem>>
      %dma_start3A = arith.constant 0 : i32
      %dma_start3A_18 = tpu.memref_slice %arg6[%arg0, %multiple_of3A, %dma_start3A] : memref<2x10000x128xf32, #tpu.memory_space<hbm>> -> memref<1x624x128xf32, #tpu.memory_space<hbm>>
      %dma_start3A_19 = tpu.memref_squeeze %dma_start3A_18 : memref<1x624x128xf32, #tpu.memory_space<hbm>> -> memref<624x128xf32, #tpu.memory_space<hbm>>
      %dma_start3A_20 = arith.constant 0 : i32
      %dma_start3A_21 = tpu.memref_slice %arg10[%multiple_of3A, %dma_start3A_20] : memref<10000x128xf32, #tpu.memory_space<vmem_shared>> -> memref<624x128xf32, #tpu.memory_space<vmem_shared>>
      tpu.enqueue_dma source(%dma_start3A_21 : memref<624x128xf32, #tpu.memory_space<vmem_shared>>) target(%dma_start3A_19 : memref<624x128xf32, #tpu.memory_space<hbm>>) target_semaphore(%run_scoped3A : memref<!tpu.dma_semaphore, #tpu.memory_space<semaphore_mem>>)
      %dma_wait3A = arith.constant 0 : i32
      %dma_wait3A_22 = tpu.memref_slice %arg6[%arg0, %multiple_of3A, %dma_wait3A] : memref<2x10000x128xf32, #tpu.memory_space<hbm>> -> memref<1x624x128xf32, #tpu.memory_space<hbm>>
      %dma_wait3A_23 = tpu.memref_squeeze %dma_wait3A_22 : memref<1x624x128xf32, #tpu.memory_space<hbm>> -> memref<624x128xf32, #tpu.memory_space<hbm>>
      %dma_wait3A_24 = arith.constant 0 : i32
      %dma_wait3A_25 = tpu.memref_slice %arg10[%multiple_of3A, %dma_wait3A_24] : memref<10000x128xf32, #tpu.memory_space<vmem_shared>> -> memref<624x128xf32, #tpu.memory_space<vmem_shared>>
      tpu.wait_dma2 semaphore(%run_scoped3A : memref<!tpu.dma_semaphore, #tpu.memory_space<semaphore_mem>>) src(%dma_wait3A_25 : memref<624x128xf32, #tpu.memory_space<vmem_shared>>) dst(%dma_wait3A_23 : memref<624x128xf32, #tpu.memory_space<hbm>>)
      tpu.yield
    }) : () -> ()
    %eq3A_13 = arith.constant 0 : i32
    %eq3A_14 = arith.cmpi eq, %arg1, %eq3A_13 : i32
    %convert_element_type3A_15 = arith.extui %eq3A_14 : i1 to i32
    %cond3A_16 = arith.constant 0 : i32
    %cond3A_17 = arith.cmpi ne, %convert_element_type3A_15, %cond3A_16 : i32
    scf.if %cond3A_17 {
      "tpu.region"() ({
        %run_scoped3A = tpu.sem_alloc : memref<!tpu.dma_semaphore, #tpu.memory_space<semaphore_mem>>
        %dma_start3A = arith.constant 9984 : i32
        %dma_start3A_18 = arith.constant 0 : i32
        %dma_start3A_19 = tpu.memref_slice %arg6[%arg0, %dma_start3A, %dma_start3A_18] : memref<2x10000x128xf32, #tpu.memory_space<hbm>> -> memref<1x16x128xf32, #tpu.memory_space<hbm>>
        %dma_start3A_20 = tpu.memref_squeeze %dma_start3A_19 : memref<1x16x128xf32, #tpu.memory_space<hbm>> -> memref<16x128xf32, #tpu.memory_space<hbm>>
        %dma_start3A_21 = arith.constant 9984 : i32
        %dma_start3A_22 = arith.constant 0 : i32
        %dma_start3A_23 = tpu.memref_slice %arg10[%dma_start3A_21, %dma_start3A_22] : memref<10000x128xf32, #tpu.memory_space<vmem_shared>> -> memref<16x128xf32, #tpu.memory_space<vmem_shared>>
        tpu.enqueue_dma source(%dma_start3A_23 : memref<16x128xf32, #tpu.memory_space<vmem_shared>>) target(%dma_start3A_20 : memref<16x128xf32, #tpu.memory_space<hbm>>) target_semaphore(%run_scoped3A : memref<!tpu.dma_semaphore, #tpu.memory_space<semaphore_mem>>)
        %dma_wait3A = arith.constant 9984 : i32
        %dma_wait3A_24 = arith.constant 0 : i32
        %dma_wait3A_25 = tpu.memref_slice %arg6[%arg0, %dma_wait3A, %dma_wait3A_24] : memref<2x10000x128xf32, #tpu.memory_space<hbm>> -> memref<1x16x128xf32, #tpu.memory_space<hbm>>
        %dma_wait3A_26 = tpu.memref_squeeze %dma_wait3A_25 : memref<1x16x128xf32, #tpu.memory_space<hbm>> -> memref<16x128xf32, #tpu.memory_space<hbm>>
        %dma_wait3A_27 = arith.constant 9984 : i32
        %dma_wait3A_28 = arith.constant 0 : i32
        %dma_wait3A_29 = tpu.memref_slice %arg10[%dma_wait3A_27, %dma_wait3A_28] : memref<10000x128xf32, #tpu.memory_space<vmem_shared>> -> memref<16x128xf32, #tpu.memory_space<vmem_shared>>
        tpu.wait_dma2 semaphore(%run_scoped3A : memref<!tpu.dma_semaphore, #tpu.memory_space<semaphore_mem>>) src(%dma_wait3A_29 : memref<16x128xf32, #tpu.memory_space<vmem_shared>>) dst(%dma_wait3A_26 : memref<16x128xf32, #tpu.memory_space<hbm>>)
        tpu.yield
      }) : () -> ()
    } else {
    }
    return
  }
}

module attributes {stable_mosaic.version = 14 : i64} {
  func.func @_blend_body(%arg0: i32, %arg1: memref<2x1000x128xf32, #tpu.memory_space<vmem>>, %arg2: memref<1000x128xf32, #tpu.memory_space<vmem>>, %arg3: memref<1000x128xf32, #tpu.memory_space<vmem>>, %arg4: memref<1000x1xf32, #tpu.memory_space<vmem>>, %arg5: memref<1000x128xf32, #tpu.memory_space<vmem>>) attributes {dimension_semantics = [#tpu.dimension_semantics<arbitrary>], iteration_bounds = array<i64: 10>, scalar_prefetch = 0 : i64, scratch_operands = 0 : i64, tpu.core_type = #tpu.core_type<tc>, window_params = [{transform_indices = @transform_0, window_bounds = array<i64: 2, 1000, 128>}, {transform_indices = @transform_1, window_bounds = array<i64: 1000, 128>}, {transform_indices = @transform_2, window_bounds = array<i64: 1000, 128>}, {transform_indices = @transform_3, window_bounds = array<i64: 1000, 1>}, {transform_indices = @transform_4, window_bounds = array<i64: 1000, 128>}]} {
    %get3A = arith.constant 0 : index
    %get3A_0 = arith.constant 0 : index
    %get3A_1 = vector.load %arg4[%get3A, %get3A_0] : memref<1000x1xf32, #tpu.memory_space<vmem>>, vector<1000x1xf32>
    %get3A_2 = arith.constant 0 : index
    %get3A_3 = arith.constant 0 : index
    %get3A_4 = arith.constant 0 : index
    %get3A_5 = vector.load %arg1[%get3A_2, %get3A_3, %get3A_4] : memref<2x1000x128xf32, #tpu.memory_space<vmem>>, vector<1x1000x128xf32>
    %get3A_6 = vector.shape_cast %get3A_5 : vector<1x1000x128xf32> to vector<1000x128xf32>
    %get3A_7 = arith.constant 1 : index
    %get3A_8 = arith.constant 0 : index
    %get3A_9 = arith.constant 0 : index
    %get3A_10 = vector.load %arg1[%get3A_7, %get3A_8, %get3A_9] : memref<2x1000x128xf32, #tpu.memory_space<vmem>>, vector<1x1000x128xf32>
    %get3A_11 = vector.shape_cast %get3A_10 : vector<1x1000x128xf32> to vector<1000x128xf32>
    %add3A = arith.addf %get3A_6, %get3A_11 : vector<1000x128xf32>
    %get3A_12 = arith.constant 0 : index
    %get3A_13 = arith.constant 0 : index
    %get3A_14 = vector.load %arg2[%get3A_12, %get3A_13] : memref<1000x128xf32, #tpu.memory_space<vmem>>, vector<1000x128xf32>
    %add3A_15 = arith.addf %add3A, %get3A_14 : vector<1000x128xf32>
    %mul3A = vector.broadcast %get3A_1 : vector<1000x1xf32> to vector<1000x128xf32>
    %mul3A_16 = arith.mulf %mul3A, %add3A_15 : vector<1000x128xf32>
    %mul3A_17 = arith.constant 0.899999976 : f32
    %mul3A_18 = vector.broadcast %mul3A_17 : f32 to vector<1000x128xf32>
    %mul3A_19 = arith.mulf %mul3A_18, %mul3A_16 : vector<1000x128xf32>
    %get3A_20 = arith.constant 0 : index
    %get3A_21 = arith.constant 0 : index
    %get3A_22 = vector.load %arg3[%get3A_20, %get3A_21] : memref<1000x128xf32, #tpu.memory_space<vmem>>, vector<1000x128xf32>
    %mul3A_23 = arith.constant 1.000000e-01 : f32
    %mul3A_24 = vector.broadcast %mul3A_23 : f32 to vector<1000x128xf32>
    %mul3A_25 = arith.mulf %mul3A_24, %get3A_22 : vector<1000x128xf32>
    %add3A_26 = arith.addf %mul3A_19, %mul3A_25 : vector<1000x128xf32>
    %mul3A_27 = vector.broadcast %get3A_1 : vector<1000x1xf32> to vector<1000x128xf32>
    %mul3A_28 = arith.mulf %mul3A_27, %add3A_26 : vector<1000x128xf32>
    %swap3A = arith.constant 0 : index
    %swap3A_29 = arith.constant 0 : index
    %swap3A_30 = vector.load %arg5[%swap3A, %swap3A_29] : memref<1000x128xf32, #tpu.memory_space<vmem>>, vector<1000x128xf32>
    tpu.vector_store %arg5[%swap3A, %swap3A_29], %mul3A_28 {strides = array<i32>} : memref<1000x128xf32, #tpu.memory_space<vmem>>, vector<1000x128xf32>,
    return
  }
  func.func @transform_0(%arg0: i32) -> (i32, i32, i32) {
    %c0_i32 = arith.constant 0 : i32
    %c0_i32_0 = arith.constant 0 : i32
    %c0_i32_1 = arith.constant 0 : i32
    return %c0_i32, %arg0, %c0_i32_0 : i32, i32, i32
  }
  func.func @transform_1(%arg0: i32) -> (i32, i32) {
    %c0_i32 = arith.constant 0 : i32
    %c0_i32_0 = arith.constant 0 : i32
    return %arg0, %c0_i32 : i32, i32
  }
  func.func @transform_2(%arg0: i32) -> (i32, i32) {
    %c0_i32 = arith.constant 0 : i32
    %c0_i32_0 = arith.constant 0 : i32
    return %arg0, %c0_i32 : i32, i32
  }
  func.func @transform_3(%arg0: i32) -> (i32, i32) {
    %c0_i32 = arith.constant 0 : i32
    %c0_i32_0 = arith.constant 0 : i32
    return %arg0, %c0_i32 : i32, i32
  }
  func.func @transform_4(%arg0: i32) -> (i32, i32) {
    %c0_i32 = arith.constant 0 : i32
    %c0_i32_0 = arith.constant 0 : i32
    return %arg0, %c0_i32 : i32, i32
  }
}

module attributes {stable_mosaic.version = 14 : i64} {
  func.func @_prep_body(%arg0: i32, %arg1: memref<1000x128xf32, #tpu.memory_space<vmem>>, %arg2: memref<128x128xf32, #tpu.memory_space<vmem>>, %arg3: memref<1x128xf32, #tpu.memory_space<vmem>>, %arg4: memref<2x1000x128xf32, #tpu.memory_space<vmem>>, %arg5: memref<1000x128xf32, #tpu.memory_space<vmem>>, %arg6: memref<1000x128xf32, #tpu.memory_space<vmem>>, %arg7: memref<1000x1xf32, #tpu.memory_space<vmem>>) attributes {dimension_semantics = [#tpu.dimension_semantics<arbitrary>], iteration_bounds = array<i64: 10>, scalar_prefetch = 0 : i64, scratch_operands = 0 : i64, tpu.core_type = #tpu.core_type<tc>, window_params = [{transform_indices = @transform_0, window_bounds = array<i64: 1000, 128>}, {pipeline_mode = #tpu.pipeline_mode<synchronous>, transform_indices = @transform_1, window_bounds = array<i64: 128, 128>}, {pipeline_mode = #tpu.pipeline_mode<synchronous>, transform_indices = @transform_2, window_bounds = array<i64: 1, 128>}, {transform_indices = @transform_3, window_bounds = array<i64: 2, 1000, 128>}, {transform_indices = @transform_4, window_bounds = array<i64: 1000, 128>}, {transform_indices = @transform_5, window_bounds = array<i64: 1000, 128>}, {transform_indices = @transform_6, window_bounds = array<i64: 1000, 1>}]} {
    %get3A = arith.constant 0 : index
    %get3A_0 = arith.constant 0 : index
    %get3A_1 = vector.load %arg1[%get3A, %get3A_0] : memref<1000x128xf32, #tpu.memory_space<vmem>>, vector<1000x128xf32>
    %get3A_2 = arith.constant 0 : index
    %get3A_3 = arith.constant 0 : index
    %get3A_4 = vector.load %arg2[%get3A_2, %get3A_3] : memref<128x128xf32, #tpu.memory_space<vmem>>, vector<128x128xf32>
    %dot_general3A = arith.constant dense<0.000000e+00> : vector<1000x128xf32>
    %dot_general3A_5 = tpu.matmul %get3A_1, %get3A_4, %dot_general3A {dimension_numbers = #tpu.dot_dimension_numbers<[1], [1], [0], [0], [0, 0, 1, 0], [], []>, precision = #tpu.contract_precision<fp32>, transpose_lhs_hint = false} : vector<1000x128xf32>, vector<128x128xf32>, vector<1000x128xf32> -> vector<1000x128xf32>
    %get3A_6 = arith.constant 0 : index
    %get3A_7 = arith.constant 0 : index
    %get3A_8 = vector.load %arg3[%get3A_6, %get3A_7] : memref<1x128xf32, #tpu.memory_space<vmem>>, vector<1x128xf32>
    %add3A = vector.broadcast %get3A_8 : vector<1x128xf32> to vector<1000x128xf32>
    %add3A_9 = arith.addf %dot_general3A_5, %add3A : vector<1000x128xf32>
    %get3A_10 = arith.constant 0 : index
    %get3A_11 = arith.constant 0 : index
    %get3A_12 = arith.constant 0 : index
    %get3A_13 = vector.load %arg4[%get3A_10, %get3A_11, %get3A_12] : memref<2x1000x128xf32, #tpu.memory_space<vmem>>, vector<1x1000x1xf32>
    %get3A_14 = vector.shape_cast %get3A_13 : vector<1x1000x1xf32> to vector<1000x1xf32>
    %get3A_15 = arith.constant 1 : index
    %get3A_16 = arith.constant 0 : index
    %get3A_17 = arith.constant 0 : index
    %get3A_18 = vector.load %arg4[%get3A_15, %get3A_16, %get3A_17] : memref<2x1000x128xf32, #tpu.memory_space<vmem>>, vector<1x1000x1xf32>
    %get3A_19 = vector.shape_cast %get3A_18 : vector<1x1000x1xf32> to vector<1000x1xf32>
    %add3A_20 = arith.addf %get3A_14, %get3A_19 : vector<1000x1xf32>
    %add3A_21 = arith.constant 1.000000e+00 : f32
    %add3A_22 = vector.broadcast %add3A_21 : f32 to vector<1000x1xf32>
    %add3A_23 = arith.addf %add3A_20, %add3A_22 : vector<1000x1xf32>
    %rsqrt3A = math.rsqrt %add3A_23 : vector<1000x1xf32>
    %swap3A = arith.constant 0 : index
    %swap3A_24 = arith.constant 0 : index
    %swap3A_25 = vector.load %arg5[%swap3A, %swap3A_24] : memref<1000x128xf32, #tpu.memory_space<vmem>>, vector<1000x128xf32>
    tpu.vector_store %arg5[%swap3A, %swap3A_24], %add3A_9 {strides = array<i32>} : memref<1000x128xf32, #tpu.memory_space<vmem>>, vector<1000x128xf32>,
    %mul3A = vector.broadcast %rsqrt3A : vector<1000x1xf32> to vector<1000x128xf32>
    %mul3A_26 = arith.mulf %mul3A, %add3A_9 : vector<1000x128xf32>
    %swap3A_27 = arith.constant 0 : index
    %swap3A_28 = arith.constant 0 : index
    %swap3A_29 = vector.load %arg6[%swap3A_27, %swap3A_28] : memref<1000x128xf32, #tpu.memory_space<vmem>>, vector<1000x128xf32>
    tpu.vector_store %arg6[%swap3A_27, %swap3A_28], %mul3A_26 {strides = array<i32>} : memref<1000x128xf32, #tpu.memory_space<vmem>>, vector<1000x128xf32>,
    %swap3A_30 = arith.constant 0 : index
    %swap3A_31 = arith.constant 0 : index
    %swap3A_32 = vector.load %arg7[%swap3A_30, %swap3A_31] : memref<1000x1xf32, #tpu.memory_space<vmem>>, vector<1000x1xf32>
    tpu.vector_store %arg7[%swap3A_30, %swap3A_31], %rsqrt3A {strides = array<i32>} : memref<1000x1xf32, #tpu.memory_space<vmem>>, vector<1000x1xf32>,
    return
  }
  func.func @transform_0(%arg0: i32) -> (i32, i32) {
    %c0_i32 = arith.constant 0 : i32
    %c0_i32_0 = arith.constant 0 : i32
    return %arg0, %c0_i32 : i32, i32
  }
  func.func @transform_1(%arg0: i32) -> (i32, i32) {
    %c0_i32 = arith.constant 0 : i32
    %c0_i32_0 = arith.constant 0 : i32
    %c0_i32_1 = arith.constant 0 : i32
    return %c0_i32, %c0_i32_0 : i32, i32
  }
  func.func @transform_2(%arg0: i32) -> (i32, i32) {
    %c0_i32 = arith.constant 0 : i32
    %c0_i32_0 = arith.constant 0 : i32
    %c0_i32_1 = arith.constant 0 : i32
    return %c0_i32, %c0_i32_0 : i32, i32
  }
  func.func @transform_3(%arg0: i32) -> (i32, i32, i32) {
    %c0_i32 = arith.constant 0 : i32
    %c0_i32_0 = arith.constant 0 : i32
    %c0_i32_1 = arith.constant 0 : i32
    return %c0_i32, %arg0, %c0_i32_0 : i32, i32, i32
  }
  func.func @transform_4(%arg0: i32) -> (i32, i32) {
    %c0_i32 = arith.constant 0 : i32
    %c0_i32_0 = arith.constant 0 : i32
    return %arg0, %c0_i32 : i32, i32
  }
  func.func @transform_5(%arg0: i32) -> (i32, i32) {
    %c0_i32 = arith.constant 0 : i32
    %c0_i32_0 = arith.constant 0 : i32
    return %arg0, %c0_i32 : i32, i32
  }
  func.func @transform_6(%arg0: i32) -> (i32, i32) {
    %c0_i32 = arith.constant 0 : i32
    %c0_i32_0 = arith.constant 0 : i32
    return %arg0, %c0_i32 : i32, i32
  }
}

module attributes {stable_mosaic.version = 14 : i64} {
  func.func @_blend_body(%arg0: i32, %arg1: memref<2x1000x128xf32, #tpu.memory_space<vmem>>, %arg2: memref<1000x128xf32, #tpu.memory_space<vmem>>, %arg3: memref<1000x128xf32, #tpu.memory_space<vmem>>, %arg4: memref<1000x1xf32, #tpu.memory_space<vmem>>, %arg5: memref<1000x128xf32, #tpu.memory_space<vmem>>) attributes {dimension_semantics = [#tpu.dimension_semantics<arbitrary>], iteration_bounds = array<i64: 10>, scalar_prefetch = 0 : i64, scratch_operands = 0 : i64, tpu.core_type = #tpu.core_type<tc>, window_params = [{transform_indices = @transform_0, window_bounds = array<i64: 2, 1000, 128>}, {transform_indices = @transform_1, window_bounds = array<i64: 1000, 128>}, {transform_indices = @transform_2, window_bounds = array<i64: 1000, 128>}, {transform_indices = @transform_3, window_bounds = array<i64: 1000, 1>}, {transform_indices = @transform_4, window_bounds = array<i64: 1000, 128>}]} {
    %get3A = arith.constant 0 : index
    %get3A_0 = arith.constant 0 : index
    %get3A_1 = vector.load %arg4[%get3A, %get3A_0] : memref<1000x1xf32, #tpu.memory_space<vmem>>, vector<1000x1xf32>
    %get3A_2 = arith.constant 0 : index
    %get3A_3 = arith.constant 0 : index
    %get3A_4 = arith.constant 0 : index
    %get3A_5 = vector.load %arg1[%get3A_2, %get3A_3, %get3A_4] : memref<2x1000x128xf32, #tpu.memory_space<vmem>>, vector<1x1000x128xf32>
    %get3A_6 = vector.shape_cast %get3A_5 : vector<1x1000x128xf32> to vector<1000x128xf32>
    %get3A_7 = arith.constant 1 : index
    %get3A_8 = arith.constant 0 : index
    %get3A_9 = arith.constant 0 : index
    %get3A_10 = vector.load %arg1[%get3A_7, %get3A_8, %get3A_9] : memref<2x1000x128xf32, #tpu.memory_space<vmem>>, vector<1x1000x128xf32>
    %get3A_11 = vector.shape_cast %get3A_10 : vector<1x1000x128xf32> to vector<1000x128xf32>
    %add3A = arith.addf %get3A_6, %get3A_11 : vector<1000x128xf32>
    %get3A_12 = arith.constant 0 : index
    %get3A_13 = arith.constant 0 : index
    %get3A_14 = vector.load %arg2[%get3A_12, %get3A_13] : memref<1000x128xf32, #tpu.memory_space<vmem>>, vector<1000x128xf32>
    %add3A_15 = arith.addf %add3A, %get3A_14 : vector<1000x128xf32>
    %mul3A = vector.broadcast %get3A_1 : vector<1000x1xf32> to vector<1000x128xf32>
    %mul3A_16 = arith.mulf %mul3A, %add3A_15 : vector<1000x128xf32>
    %mul3A_17 = arith.constant 0.899999976 : f32
    %mul3A_18 = vector.broadcast %mul3A_17 : f32 to vector<1000x128xf32>
    %mul3A_19 = arith.mulf %mul3A_18, %mul3A_16 : vector<1000x128xf32>
    %get3A_20 = arith.constant 0 : index
    %get3A_21 = arith.constant 0 : index
    %get3A_22 = vector.load %arg3[%get3A_20, %get3A_21] : memref<1000x128xf32, #tpu.memory_space<vmem>>, vector<1000x128xf32>
    %mul3A_23 = arith.constant 1.000000e-01 : f32
    %mul3A_24 = vector.broadcast %mul3A_23 : f32 to vector<1000x128xf32>
    %mul3A_25 = arith.mulf %mul3A_24, %get3A_22 : vector<1000x128xf32>
    %add3A_26 = arith.addf %mul3A_19, %mul3A_25 : vector<1000x128xf32>
    %swap3A = arith.constant 0 : index
    %swap3A_27 = arith.constant 0 : index
    %swap3A_28 = vector.load %arg5[%swap3A, %swap3A_27] : memref<1000x128xf32, #tpu.memory_space<vmem>>, vector<1000x128xf32>
    tpu.vector_store %arg5[%swap3A, %swap3A_27], %add3A_26 {strides = array<i32>} : memref<1000x128xf32, #tpu.memory_space<vmem>>, vector<1000x128xf32>,
    return
  }
  func.func @transform_0(%arg0: i32) -> (i32, i32, i32) {
    %c0_i32 = arith.constant 0 : i32
    %c0_i32_0 = arith.constant 0 : i32
    %c0_i32_1 = arith.constant 0 : i32
    return %c0_i32, %arg0, %c0_i32_0 : i32, i32, i32
  }
  func.func @transform_1(%arg0: i32) -> (i32, i32) {
    %c0_i32 = arith.constant 0 : i32
    %c0_i32_0 = arith.constant 0 : i32
    return %arg0, %c0_i32 : i32, i32
  }
  func.func @transform_2(%arg0: i32) -> (i32, i32) {
    %c0_i32 = arith.constant 0 : i32
    %c0_i32_0 = arith.constant 0 : i32
    return %arg0, %c0_i32 : i32, i32
  }
  func.func @transform_3(%arg0: i32) -> (i32, i32) {
    %c0_i32 = arith.constant 0 : i32
    %c0_i32_0 = arith.constant 0 : i32
    return %arg0, %c0_i32 : i32, i32
  }
  func.func @transform_4(%arg0: i32) -> (i32, i32) {
    %c0_i32 = arith.constant 0 : i32
    %c0_i32_0 = arith.constant 0 : i32
    return %arg0, %c0_i32 : i32, i32
  }
}

</mosaic_0001>

<sc_bundles>
// kernel: kernel.24.cloned.1.call-start
scs
__scs_entry_jumppad:
0x0: {  	(pc) =	sbr.rel $0x88, $3  }
0x1: {  	(tag) =	ssettag $0x0;
	lr =	simm.s32 $0x1  }
0x2: {  	[smem:$0x3F9D] =	sst lr;
	_ =	strace $0xD0000000  }
0x3: {  	_ = 	snop  }
0x4: {  	_ = 	snop  }
0x5: {  	_ = 	snop  }
0x6: {  	_ = 	snop  }
0x7: {  	_ = 	snop  }
__scs_overlays_trampoline_lowered:
0x8: {  	[smem:$0x3FAC] =	sst s0  }
0x9: {  	[smem:$0x3FAD] =	sst s1  }
0xa: {  	[smem:$0x3FAE] =	sst s2  }
0xb: {  	[smem:$0x3FAF] =	sst s3  }
0xc: {  	[smem:$0x3FB0] =	sst s4  }
0xd: {  	[smem:$0x3FB1] =	sst s5  }
0xe: {  	[smem:$0x3FB2] =	sst s6  }
0xf: {  	[smem:$0x3FB3] =	sst s7  }
0x10: {  	[smem:$0x3FB4] =	sst s8  }
0x11: {  	[smem:$0x3FB5] =	sst s9;
	s0 =	simm.s32 @!p0 $0x0  }
0x12: {  	s1 =	sld [smem:$0x3F9B];
	s0 =	simm.s32 @p0 $0x1  }
0x13: {  	[smem:$0x3FB6] =	sst s0;
	s0 =	simm.s32 @!p1 $0x0  }
0x14: {  	s2 =	sld [smem:$0x3F9A];
	s0 =	simm.s32 @p1 $0x1  }
0x15: {  	[smem:$0x3FB7] =	sst s0;
	s0 =	simm.s32 @!p2 $0x0  }
0x16: {  	s3 =	sld [smem:$0x3FDB];
	s0 =	simm.s32 @p2 $0x1  }
0x17: {  	s4 =	simm.s32 $0x1BF5;
	[smem:$0x3FB9] =	sst s0  }
0x18: {  	s0 =	sld [smem:$0x3F9C];
	_ =	swait.ge [sflag:s4], $0x0  }
0x19: {  	s7 =	sld [smem:$0x3F9D]  }
0x1a: {  	s8 =	sadd.s32 $0xFFFFE003, lr  }
0x1b: {  	s9 =	sadd.s32 $0xFFFFFEF7, lr;
	s5 =	simm.s32 $0xFFFFFFFF;
	p2 =	slt.u32 s8, $0xFFFFF086  }
0x1c: {  	p1 =	slt.u32 s9, $0xF7A;
	s5 =	simm.s32 @!p2 $0x0  }
0x1d: {  	s5 =	simm.s32 @p1 $0x1;
	p0 =	seq.s32 s7, s2  }
0x1e: {  	s7 =	smul.u32 @!p0 $0xF7A, s2;
	p2 =	seq.s32 @!p0 s5, $0x0  }
0x1f: {  	s9 =	smul.u32 $0xF7A, s1;
	s8 =	simm.s32 @!p0 $0x1BF5;
	p2 =	por !p2, p0  }
0x20: {  	[sflag:s8] =	ssyncset.s32 @!p0 $0xFFFFF086;
	s6 =	sadd.s32 @!p0 s3, s7;
	s7 =	simm.s32 @!p0 $0x108  }
0x21: {  	s3 =	sadd.s32 s3, s9;
	s6 =	sadd.s32 @!p0 $0x88, s6;
	s7 =	simm.s32 @p2 $0x1082  }
0x22: {  	[simem:s7], [sflag:s8] =	dma.local @!p0 [hbm:s6], $0xF7A  }
0x23: {  	s9 =	sor.u32 $0xD0000000, s2;
	s6 =	simm.s32 $0x108;
	_ =	swait.ge @!p0 [sflag:s8], $0x0  }
0x24: {  	s3 =	sadd.s32 $0x88, s3;
	s6 =	simm.s32 @!p1 $0x1082;
	[sflag:s4] =	ssyncset.s32 $0xFFFFF086  }
0x25: {  	[simem:s6], [sflag:s4] =	dma.local [hbm:s3], $0xF7A  }
0x26: {  	[smem:$0x3F9D] =	sst s1;
	(tag) =	ssettag s2;
	_ =	strace s9  }
0x27: {  	s1 =	sld [smem:$0x3FAD]  }
0x28: {  	s2 =	sld [smem:$0x3FAE]  }
0x29: {  	s4 =	sld [smem:$0x3FB0]  }
0x2a: {  	p0 =	seq.s32 s5, $0x0;
	s5 =	sld [smem:$0x3FB1]  }
0x2b: {  	s6 =	sld [smem:$0x3FB2]  }
0x2c: {  	s7 =	sld [smem:$0x3FB3]  }
0x2d: {  	s3 =	simm.s32 $0x108;
	s8 =	sld [smem:$0x3FB4]  }
0x2e: {  	s3 =	simm.s32 @!p0 $0x1082;
	s9 =	sld [smem:$0x3FB5]  }
0x2f: {  	lr =	sadd.s32 s0, s3;
	s0 =	sld [smem:$0x3FAC]  }
0x30: {  	s3 =	sld [smem:$0x3FAF]  }
0x31: {  	[smem:$0x3FB8] =	sst s10  }
0x32: {  	s10 =	sld [smem:$0x3FB6];
	_ =	sdelay $0x3  }
0x33: {  	p0 =	seq.s32 s10, $0x1;
	s10 =	sld [smem:$0x3FB8];
	_ =	sdelay $0x3  }
0x34: {  	[smem:$0x3FB8] =	sst s10  }
0x35: {  	s10 =	sld [smem:$0x3FB7];
	_ =	sdelay $0x3  }
0x36: {  	p1 =	seq.s32 s10, $0x1;
	s10 =	sld [smem:$0x3FB8];
	_ =	sdelay $0x3  }
0x37: {  	[smem:$0x3FB8] =	sst s10  }
0x38: {  	s10 =	sld [smem:$0x3FB9]  }
0x39: {  	_ = 	snop;
	(pc) =	sbr.ind lr, $3  }
0x3a: {  	_ = 	snop  }
0x3b: {  	_ = 	snop  }
0x3c: {  	p2 =	seq.s32 s10, $0x1;
	s10 =	sld [smem:$0x3FB8]  }
0x3d: {  	_ =	shalt  }
0x3e: {  	_ =	shalt  }
0x3f: {  	_ =	shalt  }
0x40: {  	_ =	shalt  }
0x41: {  	_ =	shalt  }
0x42: {  	_ =	shalt  }
0x43: {  	_ =	shalt  }
0x44: {  	_ =	shalt  }
0x45: {  	_ =	shalt  }
0x46: {  	_ =	shalt  }
0x47: {  	_ =	shalt  }
0x48: {  	_ =	shalt  }
0x49: {  	_ =	shalt  }
0x4a: {  	_ =	shalt  }
0x4b: {  	_ =	shalt  }
0x4c: {  	_ =	shalt  }
0x4d: {  	_ =	shalt  }
0x4e: {  	_ =	shalt  }
0x4f: {  	_ =	shalt  }
0x50: {  	_ =	shalt  }
0x51: {  	_ =	shalt  }
0x52: {  	_ =	shalt  }
0x53: {  	_ =	shalt  }
0x54: {  	_ =	shalt  }
0x55: {  	_ =	shalt  }
0x56: {  	_ =	shalt  }
0x57: {  	_ =	shalt  }
0x58: {  	_ =	shalt  }
0x59: {  	_ =	shalt  }
0x5a: {  	_ =	shalt  }
0x5b: {  	_ =	shalt  }
0x5c: {  	_ =	shalt  }
0x5d: {  	_ =	shalt  }
0x5e: {  	_ =	shalt  }
0x5f: {  	_ =	shalt  }
0x60: {  	_ =	shalt  }
0x61: {  	_ =	shalt  }
0x62: {  	_ =	shalt  }
0x63: {  	_ =	shalt  }
0x64: {  	_ =	shalt  }
0x65: {  	_ =	shalt  }
0x66: {  	_ =	shalt  }
0x67: {  	_ =	shalt  }
0x68: {  	_ =	shalt  }
0x69: {  	_ =	shalt  }
0x6a: {  	_ =	shalt  }
0x6b: {  	_ =	shalt  }
0x6c: {  	_ =	shalt  }
0x6d: {  	_ =	shalt  }
0x6e: {  	_ =	shalt  }
0x6f: {  	_ =	shalt  }
0x70: {  	_ =	shalt  }
0x71: {  	_ =	shalt  }
0x72: {  	_ =	shalt  }
0x73: {  	_ =	shalt  }
0x74: {  	_ =	shalt  }
0x75: {  	_ =	shalt  }
0x76: {  	_ =	shalt  }
0x77: {  	_ =	shalt  }
0x78: {  	_ =	shalt  }
0x79: {  	_ =	shalt  }
0x7a: {  	_ =	shalt  }
0x7b: {  	_ =	shalt  }
0x7c: {  	_ =	shalt  }
0x7d: {  	_ =	shalt  }
0x7e: {  	_ =	shalt  }
0x7f: {  	_ =	shalt  }
0x80: {  	_ =	shalt  }
0x81: {  	_ =	shalt  }
0x82: {  	_ =	shalt  }
0x83: {  	_ =	shalt  }
0x84: {  	_ =	shalt  }
0x85: {  	_ =	shalt  }
0x86: {  	_ =	shalt  }
0x87: {  	_ =	shalt  }
.Lfunc_end0:
.L_simem_size_0:
called_computation_lowered:
.L_overlay_start_0:
0x88: {  	s2 =	sld [smem:$0x3FD9]  }
0x89: {  	s3 =	sld [smem:$0x3FFE];
	_ =	sdelay $0x1  }
0x8a: {  	s1 =	srdreg.scid  }
0x8b: {  	s0 =	sand.u32 $0x1, s1  }
0x8c: {  	s17 =	sshll.u32 s0, $0xA;
	s2 =	sadd.s32 s3, s2  }
0x8d: {  	s2 =	sadd.s32 s2, s17  }
0x8e: {  	[smem:$0x3FC4] =	sst s2  }
0x8f: {  	_ = 	snop  }
0x90: {  	s2 =	sld [smem:$0x3FD0];
	(tm) =	ssettm $0x1  }
0x91: {  	s18 =	sld [smem:$0x3FFB];
	_ =	sdelay $0x3  }
0x92: {  	_ =	strace s18  }
0x93: {  	s3 =	sld [smem:$0x3FFC];
	_ =	sdelay $0x3  }
0x94: {  	_ =	strace s3  }
0x95: {  	s3 =	sld [smem:$0x3FFD];
	_ =	sdelay $0x3  }
0x96: {  	_ =	strace s3  }
0x97: {  	_ =	strace $0x8FFFFFFF  }
0x98: {  	s19 =	sld [smem:$0x3FDB];
	_ =	sdelay $0x1  }
0x99: {  	s4 =	simm.s32 $_scs_section_size  }
0x9a: {  	s5 =	simm.s32 $_size__tile_overlayer_lowered;
	s6 =	simm.s32 $_tile_overlayer_lowered  }
0x9b: {  	s22 =	simm.s32 $0x1BFF;
	s21 =	sshll.u32 s6, $0x1;
	s3 =	sadd.s32 s4, s19  }
0x9c: {  	s7 =	simm.s32 $0x0;
	s20 =	sshll.u32 s5, $0x1;
	s5 =	sadd.s32 s21, s3  }
0x9d: {  	[timem:s7], [sflag:s22] =	dma.local [hbm:s5], s20  }
0x9e: {  	_ =	swait.ge [sflag:s22], s20  }
0x9f: {  	s4 =	ssub.s32 $0x0, s20;
	[sflag:s22] =	ssyncset.done $0x0  }
0xa0: {  	[sflag:s22] =	ssyncadd.s32 s4;
	_ =	sdelay $0x1  }
0xa1: {  	s23 =	simm.s32 $0x1B8B  }
0xa2: {  	_ =	swait.ge [sflag:s23], $0x1  }
0xa3: {  	[sflag:s23] =	ssyncset.done $0x0  }
0xa4: {  	s25 =	simm.s32 $0x1B8E;
	s24 =	sld [smem:$0x3FFE];
	[sflag:s23] =	ssyncadd.s32 $0xFFFFFFFF  }
0xa5: {  	s26 =	simm.s32 $execute0_lowered;
	[smem:$0x3FD2] =	sst s25  }
0xa6: {  	s5 =	sshll.u32 s26, $0x1;
	_ =	strace $0x80000046;
	[dreg:$0x1] =	wrdreg $0xFFFFFFFF  }
0xa7: {  	s28 =	simm.s32 $_size_execute0_lowered;
	s3 =	sadd.s32 s3, s5;
	[dreg:$0x0] =	wrdreg $0x0  }
0xa8: {  	s5 =	sshll.u32 s28, $0x1;
	[dreg:$0x2] =	wrdreg s3  }
0xa9: {  	[dreg:$0x3] =	wrdreg s5  }
0xaa: {  	[dreg:$0x4] =	wrdreg $0xC0  }
0xab: {  	_ =	task [dreg:s7], $0x5FFFF  }
0xac: {  	[dreg:$0x1] =	wrdreg $0xFFFFFFFF  }
0xad: {  	[dreg:$0x0] =	wrdreg $0x60  }
0xae: {  	[dreg:$0x2] =	wrdreg s2  }
0xaf: {  	[dreg:$0x3] =	wrdreg s24  }
0xb0: {  	[dreg:$0x4] =	wrdreg $0x29000  }
0xb1: {  	[dreg:$0x5] =	wrdreg $0x9  }
0xb2: {  	_ =	task.clear_ibuf [dreg:s7], $0x6FFFF;
	_ =	strace $0x90000046  }
0xb3: {  	s29 =	simm.s32 $0x9;
	_ =	strace $0x80000048  }
0xb4: {  	_ =	swait.ge [sflag:s29], $0x1  }
0xb5: {  	[sflag:s29] =	ssyncadd.s32 $0xFFFFFFFF  }
0xb6: {  	_ =	strace $0x90000048  }
0xb7: {  	_ =	sfence  }
0xb8: {  	s30 =	sld [smem:$0x0];
	_ =	sdelay $0x2  }
0xb9: {  	s31 =	sshll.u32 s1, $0xD;
	s1 =	sshrl.u32 s1, $0x2  }
0xba: {  	s3 =	sand.u32 $0x4000, s31;
	s1 =	sadd.s32 s1, s30  }
0xbb: {  	s0 =	sor.u32 s3, s0;
	s1 =	sshll.u32 s1, $0x11  }
0xbc: {  	s0 =	sor.u32 s1, s0  }
0xbd: {  	s0 =	sadd.s32 $0x8F2B, s0  }
0xbe: {  	[sflag:s0] =	ssyncadd.remote.s32 $0x1  }
0xbf: {  	_ =	sfence.sel $0xFFFF  }
0xc0: {  	[dreg:$0x0] =	wrdreg $0xFFFFFFFF;
	(pc) =	sbr.abs _section_cstart, $3  }
0xc1: {  	[dreg:$0x1] =	wrdreg $0xFFFFFFFF  }
0xc2: {  	_ =	task.clear_ibuf [dreg:s7], $0x2FFFF;
	_ =	strace $0x9FFFFFFF  }
0xc3: {  	(tm) =	ssettm $0x7FFFFFFF  }
tec
execute0_lowered:
.L_overlay_start_1:
0x0: {  	(tag) =	ssettag $0x1  }
0x1: {  	s1 =	srdreg.scid;
	s0 =	rddreg [dreg:$0x0]  }
0x2: {  	s12 =	stileid.u32;
	s6 =	rddreg [dreg:$0x1]  }
0x3: {  	s2 =	rddreg [dreg:$0x2];
	s3 =	simm.s32 $0x0;
	s16 =	simm.s32 $0x50  }
0x4: {  	s17 =	simm.s32 $0x100;
	s18 =	simm.s32 $0x1;
	s5 =	smul.u32 $0x4E20, s12  }
0x5: {  	s4 =	sand.u32 $0x1, s1;
	s1 =	rddreg [dreg:$0x3];
	s25 =	smul.u32 $0x13800, s12  }
0x6: {  	s19 =	simm.s32 $0x0;
	[smem:$0x7FF] =	sst s3;
	s9 =	smul.u32 $0x4E000, s12  }
0x7: {  	s10 =	sadd.s32 $0x40800, s6;
	s30 =	sshll.u32 s12, $0x6;
	s15 =	sadd.s32 $0x138000, s2  }
0x8: {  	p0 =	sne.s32 s12, $0x0;
	s7 =	smul.u32 $0x2710, s4;
	_ =	strace $0x80000047  }
0x9: {  	s8 =	ssub.s32 $0x2, s4;
	s29 =	smul.u32 $0x138800, s4;
	s26 =	sshrl.u32 s25, $0x3  }
0xa: {  	s13 =	sshrl.u32 s8, $0x1;
	s28 =	sshrl.u32 s9, $0x2;
	s5 =	sadd.s32 s7, s5  }
0xb: {  	s13 =	ssub.s32 s8, s13;
	s14 =	sadd.s32 s28, s2;
	s7 =	sadd.s32 s25, s29  }
0xc: {  	s31 =	sshrl.u32 s29, $0x3;
	s5 =	sshrl.u32 s5, $0x3;
	s7 =	sshrl.u32 s7, $0x3  }
0xd: {  	s8 =	sadd.s32 s10, s31;
	s9 =	smax.u32 s13, $0x1;
	s12 =	sshrl.u32 s14, $0x3  }
0xe: {  	s13 =	simm.s32 $0x2;
	s14 =	sshrl.u32 @!p0 s15, $0x3;
	s15 =	simm.s32 $0x80  }
0xf: {  	s11 =	sadd.s32 s5, s6;
	s5 =	sadd.s32 s26, s6;
	s6 =	sadd.s32 $0x40600, s6  }
0x10: {  	s7 =	sadd.s32 s10, s7;
	s8 =	sadd.s32 $0x27000, s8;
	s4 =	sadd.s32 $0x19600, s5  }
0x11: {  	s5 =	sor.u32 $0x1C02, s30;
	s10 =	sadd.s32 $0x5A00, s11;
	s11 =	sadd.s32 $0xF800, s11  }
.LBB2_1:
0x12: {  	[spmem:s12], [sflag:s5] =	dma.local [hbm:s4], $0x2700  }
0x13: {  	_ =	swait.ge [sflag:s13], $0x2700  }
0x14: {  	[sflag:s13] =	ssyncset.done $0x0  }
0x15: {  	s20 =	simm.s32 @!p0 $0x2;
	[sflag:s13] =	ssyncadd.s32 $0xFFFFD900  }
0x16: {  	[spmem:s14], [sflag:s5] =	dma.local @!p0 [hbm:s6], $0x100  }
0x17: {  	_ =	swait.ge @!p0 [sflag:s20], $0x100  }
0x18: {  	[sflag:s20] =	ssyncset.done @!p0 $0x0  }
0x19: {  	[sflag:s20] =	ssyncadd.s32 @!p0 $0xFFFFFF00  }
0x1a: {  	s30 =	sadd.s32 $0x0, s11;
	[bflag:$0x0] =	sbarrier.arrive $0xFFFF  }
0x1b: {  	[tilespmem:s3], [sflag:$0x2] =	stream.linear.gather [hbm4b:s30+s3], $0x50, $0x38;
	[tilespmem:$0x16180] =	vst v63  }
0x1c: {  	_ =	swait.ge [sflag:s13], $0x50  }
0x1d: {  	[sflag:s13] =	ssyncset.done $0x0  }
0x1e: {  	s31 =	sadd.s32 $0x0, s10;
	[sflag:s13] =	ssyncadd.s32 $0xFFFFFFB0  }
0x1f: {  	[tilespmem:s15], [sflag:$0x2] =	stream.linear.gather [hbm4b:s31+s3], $0x50, $0x38;
	[tilespmem:$0x16180] =	vst v63  }
0x20: {  	_ =	swait.ge [sflag:s13], $0x50  }
0x21: {  	[sflag:s13] =	ssyncset.done $0x0  }
0x22: {  	[sflag:s13] =	ssyncadd.s32 $0xFFFFFFB0  }
0x23: {  	[tilespmem:s17], [sflag:$0x1] =	stream.indirect.gather [hbm4b:s0+s16], $0x80, s3, s16, $0xb8;
	[tilespmem:$0x16180] =	vst v63  }
0x24: {  	_ =	swait.ge [sflag:s18], $0x2800  }
0x25: {  	[sflag:s18] =	ssyncset.done $0x0  }
0x26: {  	[sflag:s18] =	ssyncadd.s32 $0xFFFFD800  }
0x27: {  	[spmem:s2] =	stream.indirect.scatter.add.f32 [tilespmem:s17], [sflag:$0x2], $0x80, s15, s16, $0xb8;
	[tilespmem:$0x16180] =	vst v63  }
0x28: {  	_ =	swait.ge [sflag:s13], $0x2800  }
0x29: {  	s21 =	simm.s32 $0x14;
	s20 =	simm.s32 $0xA;
	[sflag:s13] =	ssyncset.done $0x0  }
.LBB2_2:
0x2a: {  	s22 =	sadd.s32 s20, s11  }
0x2b: {  	[sflag:s13] =	ssyncadd.s32 $0xFFFFD800;
	s23 =	smov.u32 s21;
	s24 =	sadd.s32 $0xA, s21  }
0x2c: {  	[tilespmem:s3], [sflag:$0x2] =	stream.linear.gather [hbm4b:s22+s3], $0x50, $0x38;
	[tilespmem:$0x16180] =	vst v63  }
0x2d: {  	p1 =	sne.s32 s21, $0x4D8;
	_ =	swait.ge [sflag:s13], $0x50  }
0x2e: {  	[sflag:s13] =	ssyncset.done $0x0  }
0x2f: {  	s21 =	sadd.s32 s20, s10;
	s20 =	smov.u32 s23;
	[sflag:s13] =	ssyncadd.s32 $0xFFFFFFB0  }
0x30: {  	[tilespmem:s15], [sflag:$0x2] =	stream.linear.gather [hbm4b:s21+s3], $0x50, $0x38;
	[tilespmem:$0x16180] =	vst v63  }
0x31: {  	_ =	swait.ge [sflag:s13], $0x50  }
0x32: {  	[sflag:s13] =	ssyncset.done $0x0  }
0x33: {  	[sflag:s13] =	ssyncadd.s32 $0xFFFFFFB0  }
0x34: {  	[tilespmem:s17], [sflag:$0x1] =	stream.indirect.gather [hbm4b:s0+s16], $0x80, s3, s16, $0xb8;
	[tilespmem:$0x16180] =	vst v63  }
0x35: {  	_ =	swait.ge [sflag:s18], $0x2800  }
.Ltmp0:
0x36: {  	[sflag:s18] =	ssyncset.done $0x0;
	(pc) =	sbr.rel @p1 .LBB2_2-.Ltmp0, $4  }
0x37: {  	[sflag:s18] =	ssyncadd.s32 $0xFFFFD800  }
0x38: {  	[spmem:s2] =	stream.indirect.scatter.add.f32 [tilespmem:s17], [sflag:$0x2], $0x80, s15, s16, $0xb8;
	[tilespmem:$0x16180] =	vst v63  }
0x39: {  	_ =	swait.ge [sflag:s13], $0x2800  }
0x3a: {  	s21 =	smov.u32 s24;
	[sflag:s13] =	ssyncset.done $0x0  }
0x3b: {  	s21 =	sadd.s32 s20, s11;
	[sflag:s13] =	ssyncadd.s32 $0xFFFFD800  }
0x3c: {  	[tilespmem:s3], [sflag:$0x2] =	stream.linear.gather [hbm4b:s21+s3], $0x50, $0x38;
	[tilespmem:$0x16180] =	vst v63  }
0x3d: {  	_ =	swait.ge [sflag:s13], $0x50  }
0x3e: {  	[sflag:s13] =	ssyncset.done $0x0  }
0x3f: {  	s31 =	sadd.s32 s20, s10;
	[sflag:s13] =	ssyncadd.s32 $0xFFFFFFB0  }
0x40: {  	[tilespmem:s15], [sflag:$0x2] =	stream.linear.gather [hbm4b:s31+s3], $0x50, $0x38;
	[tilespmem:$0x16180] =	vst v63  }
0x41: {  	_ =	swait.ge [sflag:s13], $0x50  }
0x42: {  	[sflag:s13] =	ssyncset.done $0x0  }
0x43: {  	[sflag:s13] =	ssyncadd.s32 $0xFFFFFFB0  }
0x44: {  	[tilespmem:s17], [sflag:$0x1] =	stream.indirect.gather [hbm4b:s0+s16], $0x80, s3, s16, $0xb8;
	[tilespmem:$0x16180] =	vst v63  }
0x45: {  	_ =	swait.ge [sflag:s18], $0x2800  }
0x46: {  	[sflag:s18] =	ssyncset.done $0x0  }
0x47: {  	[sflag:s18] =	ssyncadd.s32 $0xFFFFD800  }
0x48: {  	[spmem:s2] =	stream.indirect.scatter.add.f32 [tilespmem:s17], [sflag:$0x2], $0x80, s15, s16, $0xb8;
	[tilespmem:$0x16180] =	vst v63  }
0x49: {  	_ =	swait.ge [sflag:s13], $0x2800  }
0x4a: {  	[sflag:s13] =	ssyncset.done $0x0  }
0x4b: {  	[sflag:s13] =	ssyncadd.s32 $0xFFFFD800  }
0x4c: {  	[bflag:$0x0] =	sbarrier.arrive $0xFFFF  }
0x4d: {  	[hbm:s7], [sflag:s5] =	dma.local [spmem:s12], $0x2700  }
0x4e: {  	s19 =	sadd.s32 $0x1, s19;
	_ =	swait.ge [sflag:s13], $0x2700  }
0x4f: {  	p1 =	sne.s32 s19, s9;
	[sflag:s13] =	ssyncset.done $0x0  }
.Ltmp1:
0x50: {  	s20 =	simm.s32 @!p0 $0x2;
	[sflag:s13] =	ssyncadd.s32 $0xFFFFD900;
	(pc) =	sbr.rel @p1 .LBB2_1-.Ltmp1, $4  }
0x51: {  	[hbm:s8], [sflag:s5] =	dma.local @!p0 [spmem:s14], $0x100  }
0x52: {  	_ =	swait.ge @!p0 [sflag:s20], $0x100  }
0x53: {  	[sflag:s20] =	ssyncset.done @!p0 $0x0  }
0x54: {  	[sflag:s20] =	ssyncadd.s32 @!p0 $0xFFFFFF00  }
0x55: {  	_ =	sfence.sel $0x180000  }
0x56: {  	[bflag:$0x0] =	sbarrier.arrive $0xFFFF  }
0x57: {  	_ =	strace $0x90000047  }
0x58: {  	s0 =	sadd.s32 @!p0 $0x100000, s1;
	[bflag:$0x2] =	sbarrier.arrive $0xFFFF  }
0x59: {  	[sflag:s0] =	ssyncadd.tile.s32 @!p0 $0x1;
	_ =	shalt  }
.Lfunc_end2:
_tile_overlayer_lowered:
.L_overlay_start_2:
0x5a: {  	(tag) =	ssettag $0x2  }
0x5b: {  	s0 =	rddreg [dreg:$0x0];
	s2 =	stileid.u32  }
0x5c: {  	s1 =	rddreg [dreg:$0x1];
	p0 =	sne.s32 s2, $0x0  }
0x5d: {  	s3 =	rddreg [dreg:$0x2];
	[bflag:$0x3] =	sbarrier.arrive $0xFFFF;
	s2 =	simm.s32 @!p0 $0x1C02  }
0x5e: {  	[timem:s3], [sflag:s2] =	dma.local @!p0 [hbm:s0], s1  }
0x5f: {  	s0 =	simm.s32 @!p0 $0x2  }
0x60: {  	_ =	swait.ge @!p0 [sflag:s0], s1  }
0x61: {  	s1 =	ssub.s32 @!p0 $0x0, s1;
	[sflag:s0] =	ssyncset.done @!p0 $0x0  }
0x62: {  	[sflag:s0] =	ssyncadd.s32 @!p0 s1  }
0x63: {  	[bflag:$0x3] =	sbarrier.arrive $0xFFFF  }
0x64: {  	_ =	shalt  }

// kernel: kernel.27.cloned.1.call-start
scs
__scs_entry_jumppad:
0x0: {  	(pc) =	sbr.rel $0x88, $3  }
0x1: {  	(tag) =	ssettag $0x0;
	lr =	simm.s32 $0x1  }
0x2: {  	[smem:$0x3F9D] =	sst lr;
	_ =	strace $0xD0000000  }
0x3: {  	_ = 	snop  }
0x4: {  	_ = 	snop  }
0x5: {  	_ = 	snop  }
0x6: {  	_ = 	snop  }
0x7: {  	_ = 	snop  }
__scs_overlays_trampoline_lowered:
0x8: {  	[smem:$0x3FAC] =	sst s0  }
0x9: {  	[smem:$0x3FAD] =	sst s1  }
0xa: {  	[smem:$0x3FAE] =	sst s2  }
0xb: {  	[smem:$0x3FAF] =	sst s3  }
0xc: {  	[smem:$0x3FB0] =	sst s4  }
0xd: {  	[smem:$0x3FB1] =	sst s5  }
0xe: {  	[smem:$0x3FB2] =	sst s6  }
0xf: {  	[smem:$0x3FB3] =	sst s7  }
0x10: {  	[smem:$0x3FB4] =	sst s8  }
0x11: {  	[smem:$0x3FB5] =	sst s9;
	s0 =	simm.s32 @!p0 $0x0  }
0x12: {  	s1 =	sld [smem:$0x3F9B];
	s0 =	simm.s32 @p0 $0x1  }
0x13: {  	[smem:$0x3FB6] =	sst s0;
	s0 =	simm.s32 @!p1 $0x0  }
0x14: {  	s2 =	sld [smem:$0x3F9A];
	s0 =	simm.s32 @p1 $0x1  }
0x15: {  	[smem:$0x3FB7] =	sst s0;
	s0 =	simm.s32 @!p2 $0x0  }
0x16: {  	s3 =	sld [smem:$0x3FDB];
	s0 =	simm.s32 @p2 $0x1  }
0x17: {  	s4 =	simm.s32 $0x1BF5;
	[smem:$0x3FB9] =	sst s0  }
0x18: {  	s0 =	sld [smem:$0x3F9C];
	_ =	swait.ge [sflag:s4], $0x0  }
0x19: {  	s7 =	sld [smem:$0x3F9D]  }
0x1a: {  	s8 =	sadd.s32 $0xFFFFE003, lr  }
0x1b: {  	s9 =	sadd.s32 $0xFFFFFEF7, lr;
	s5 =	simm.s32 $0xFFFFFFFF;
	p2 =	slt.u32 s8, $0xFFFFF086  }
0x1c: {  	p1 =	slt.u32 s9, $0xF7A;
	s5 =	simm.s32 @!p2 $0x0  }
0x1d: {  	s5 =	simm.s32 @p1 $0x1;
	p0 =	seq.s32 s7, s2  }
0x1e: {  	s7 =	smul.u32 @!p0 $0xF7A, s2;
	p2 =	seq.s32 @!p0 s5, $0x0  }
0x1f: {  	s9 =	smul.u32 $0xF7A, s1;
	s8 =	simm.s32 @!p0 $0x1BF5;
	p2 =	por !p2, p0  }
0x20: {  	[sflag:s8] =	ssyncset.s32 @!p0 $0xFFFFF086;
	s6 =	sadd.s32 @!p0 s3, s7;
	s7 =	simm.s32 @!p0 $0x108  }
0x21: {  	s3 =	sadd.s32 s3, s9;
	s6 =	sadd.s32 @!p0 $0x88, s6;
	s7 =	simm.s32 @p2 $0x1082  }
0x22: {  	[simem:s7], [sflag:s8] =	dma.local @!p0 [hbm:s6], $0xF7A  }
0x23: {  	s9 =	sor.u32 $0xD0000000, s2;
	s6 =	simm.s32 $0x108;
	_ =	swait.ge @!p0 [sflag:s8], $0x0  }
0x24: {  	s3 =	sadd.s32 $0x88, s3;
	s6 =	simm.s32 @!p1 $0x1082;
	[sflag:s4] =	ssyncset.s32 $0xFFFFF086  }
0x25: {  	[simem:s6], [sflag:s4] =	dma.local [hbm:s3], $0xF7A  }
0x26: {  	[smem:$0x3F9D] =	sst s1;
	(tag) =	ssettag s2;
	_ =	strace s9  }
0x27: {  	s1 =	sld [smem:$0x3FAD]  }
0x28: {  	s2 =	sld [smem:$0x3FAE]  }
0x29: {  	s4 =	sld [smem:$0x3FB0]  }
0x2a: {  	p0 =	seq.s32 s5, $0x0;
	s5 =	sld [smem:$0x3FB1]  }
0x2b: {  	s6 =	sld [smem:$0x3FB2]  }
0x2c: {  	s7 =	sld [smem:$0x3FB3]  }
0x2d: {  	s3 =	simm.s32 $0x108;
	s8 =	sld [smem:$0x3FB4]  }
0x2e: {  	s3 =	simm.s32 @!p0 $0x1082;
	s9 =	sld [smem:$0x3FB5]  }
0x2f: {  	lr =	sadd.s32 s0, s3;
	s0 =	sld [smem:$0x3FAC]  }
0x30: {  	s3 =	sld [smem:$0x3FAF]  }
0x31: {  	[smem:$0x3FB8] =	sst s10  }
0x32: {  	s10 =	sld [smem:$0x3FB6];
	_ =	sdelay $0x3  }
0x33: {  	p0 =	seq.s32 s10, $0x1;
	s10 =	sld [smem:$0x3FB8];
	_ =	sdelay $0x3  }
0x34: {  	[smem:$0x3FB8] =	sst s10  }
0x35: {  	s10 =	sld [smem:$0x3FB7];
	_ =	sdelay $0x3  }
0x36: {  	p1 =	seq.s32 s10, $0x1;
	s10 =	sld [smem:$0x3FB8];
	_ =	sdelay $0x3  }
0x37: {  	[smem:$0x3FB8] =	sst s10  }
0x38: {  	s10 =	sld [smem:$0x3FB9]  }
0x39: {  	_ = 	snop;
	(pc) =	sbr.ind lr, $3  }
0x3a: {  	_ = 	snop  }
0x3b: {  	_ = 	snop  }
0x3c: {  	p2 =	seq.s32 s10, $0x1;
	s10 =	sld [smem:$0x3FB8]  }
0x3d: {  	_ =	shalt  }
0x3e: {  	_ =	shalt  }
0x3f: {  	_ =	shalt  }
0x40: {  	_ =	shalt  }
0x41: {  	_ =	shalt  }
0x42: {  	_ =	shalt  }
0x43: {  	_ =	shalt  }
0x44: {  	_ =	shalt  }
0x45: {  	_ =	shalt  }
0x46: {  	_ =	shalt  }
0x47: {  	_ =	shalt  }
0x48: {  	_ =	shalt  }
0x49: {  	_ =	shalt  }
0x4a: {  	_ =	shalt  }
0x4b: {  	_ =	shalt  }
0x4c: {  	_ =	shalt  }
0x4d: {  	_ =	shalt  }
0x4e: {  	_ =	shalt  }
0x4f: {  	_ =	shalt  }
0x50: {  	_ =	shalt  }
0x51: {  	_ =	shalt  }
0x52: {  	_ =	shalt  }
0x53: {  	_ =	shalt  }
0x54: {  	_ =	shalt  }
0x55: {  	_ =	shalt  }
0x56: {  	_ =	shalt  }
0x57: {  	_ =	shalt  }
0x58: {  	_ =	shalt  }
0x59: {  	_ =	shalt  }
0x5a: {  	_ =	shalt  }
0x5b: {  	_ =	shalt  }
0x5c: {  	_ =	shalt  }
0x5d: {  	_ =	shalt  }
0x5e: {  	_ =	shalt  }
0x5f: {  	_ =	shalt  }
0x60: {  	_ =	shalt  }
0x61: {  	_ =	shalt  }
0x62: {  	_ =	shalt  }
0x63: {  	_ =	shalt  }
0x64: {  	_ =	shalt  }
0x65: {  	_ =	shalt  }
0x66: {  	_ =	shalt  }
0x67: {  	_ =	shalt  }
0x68: {  	_ =	shalt  }
0x69: {  	_ =	shalt  }
0x6a: {  	_ =	shalt  }
0x6b: {  	_ =	shalt  }
0x6c: {  	_ =	shalt  }
0x6d: {  	_ =	shalt  }
0x6e: {  	_ =	shalt  }
0x6f: {  	_ =	shalt  }
0x70: {  	_ =	shalt  }
0x71: {  	_ =	shalt  }
0x72: {  	_ =	shalt  }
0x73: {  	_ =	shalt  }
0x74: {  	_ =	shalt  }
0x75: {  	_ =	shalt  }
0x76: {  	_ =	shalt  }
0x77: {  	_ =	shalt  }
0x78: {  	_ =	shalt  }
0x79: {  	_ =	shalt  }
0x7a: {  	_ =	shalt  }
0x7b: {  	_ =	shalt  }
0x7c: {  	_ =	shalt  }
0x7d: {  	_ =	shalt  }
0x7e: {  	_ =	shalt  }
0x7f: {  	_ =	shalt  }
0x80: {  	_ =	shalt  }
0x81: {  	_ =	shalt  }
0x82: {  	_ =	shalt  }
0x83: {  	_ =	shalt  }
0x84: {  	_ =	shalt  }
0x85: {  	_ =	shalt  }
0x86: {  	_ =	shalt  }
0x87: {  	_ =	shalt  }
.Lfunc_end0:
.L_simem_size_0:
called_computation.1_lowered:
.L_overlay_start_0:
0x88: {  	s2 =	sld [smem:$0x3FD9]  }
0x89: {  	s3 =	sld [smem:$0x3FFE];
	_ =	sdelay $0x1  }
0x8a: {  	s1 =	srdreg.scid  }
0x8b: {  	s0 =	sand.u32 $0x1, s1  }
0x8c: {  	s17 =	sshll.u32 s0, $0xA;
	s2 =	sadd.s32 s3, s2  }
0x8d: {  	s2 =	sadd.s32 s2, s17  }
0x8e: {  	[smem:$0x3FC4] =	sst s2  }
0x8f: {  	_ = 	snop  }
0x90: {  	s2 =	sld [smem:$0x3FD0];
	(tm) =	ssettm $0x1  }
0x91: {  	s18 =	sld [smem:$0x3FFB];
	_ =	sdelay $0x3  }
0x92: {  	_ =	strace s18  }
0x93: {  	s3 =	sld [smem:$0x3FFC];
	_ =	sdelay $0x3  }
0x94: {  	_ =	strace s3  }
0x95: {  	s3 =	sld [smem:$0x3FFD];
	_ =	sdelay $0x3  }
0x96: {  	_ =	strace s3  }
0x97: {  	_ =	strace $0x8FFFFFFF  }
0x98: {  	s19 =	sld [smem:$0x3FDB];
	_ =	sdelay $0x1  }
0x99: {  	s4 =	simm.s32 $_scs_section_size  }
0x9a: {  	s5 =	simm.s32 $_size__tile_overlayer_lowered;
	s6 =	simm.s32 $_tile_overlayer_lowered  }
0x9b: {  	s22 =	simm.s32 $0x1BFF;
	s21 =	sshll.u32 s6, $0x1;
	s3 =	sadd.s32 s4, s19  }
0x9c: {  	s7 =	simm.s32 $0x0;
	s20 =	sshll.u32 s5, $0x1;
	s5 =	sadd.s32 s21, s3  }
0x9d: {  	[timem:s7], [sflag:s22] =	dma.local [hbm:s5], s20  }
0x9e: {  	_ =	swait.ge [sflag:s22], s20  }
0x9f: {  	s4 =	ssub.s32 $0x0, s20;
	[sflag:s22] =	ssyncset.done $0x0  }
0xa0: {  	[sflag:s22] =	ssyncadd.s32 s4;
	_ =	sdelay $0x1  }
0xa1: {  	s23 =	simm.s32 $0x1B8B  }
0xa2: {  	_ =	swait.ge [sflag:s23], $0x1  }
0xa3: {  	[sflag:s23] =	ssyncset.done $0x0  }
0xa4: {  	s25 =	simm.s32 $0x1B8E;
	s24 =	sld [smem:$0x3FFE];
	[sflag:s23] =	ssyncadd.s32 $0xFFFFFFFF  }
0xa5: {  	s26 =	simm.s32 $execute0_lowered;
	[smem:$0x3FD2] =	sst s25  }
0xa6: {  	s5 =	sshll.u32 s26, $0x1;
	_ =	strace $0x80000049;
	[dreg:$0x1] =	wrdreg $0xFFFFFFFF  }
0xa7: {  	s28 =	simm.s32 $_size_execute0_lowered;
	s3 =	sadd.s32 s3, s5;
	[dreg:$0x0] =	wrdreg $0x0  }
0xa8: {  	s5 =	sshll.u32 s28, $0x1;
	[dreg:$0x2] =	wrdreg s3  }
0xa9: {  	[dreg:$0x3] =	wrdreg s5  }
0xaa: {  	[dreg:$0x4] =	wrdreg $0xC0  }
0xab: {  	_ =	task [dreg:s7], $0x5FFFF  }
0xac: {  	[dreg:$0x1] =	wrdreg $0xFFFFFFFF  }
0xad: {  	[dreg:$0x0] =	wrdreg $0x60  }
0xae: {  	[dreg:$0x2] =	wrdreg s2  }
0xaf: {  	[dreg:$0x3] =	wrdreg s24  }
0xb0: {  	[dreg:$0x4] =	wrdreg $0x29000  }
0xb1: {  	[dreg:$0x5] =	wrdreg $0x9  }
0xb2: {  	_ =	task.clear_ibuf [dreg:s7], $0x6FFFF;
	_ =	strace $0x90000049  }
0xb3: {  	s29 =	simm.s32 $0x9;
	_ =	strace $0x8000004B  }
0xb4: {  	_ =	swait.ge [sflag:s29], $0x1  }
0xb5: {  	[sflag:s29] =	ssyncadd.s32 $0xFFFFFFFF  }
0xb6: {  	_ =	strace $0x9000004B  }
0xb7: {  	_ =	sfence  }
0xb8: {  	s30 =	sld [smem:$0x0];
	_ =	sdelay $0x2  }
0xb9: {  	s31 =	sshll.u32 s1, $0xD;
	s1 =	sshrl.u32 s1, $0x2  }
0xba: {  	s3 =	sand.u32 $0x4000, s31;
	s1 =	sadd.s32 s1, s30  }
0xbb: {  	s0 =	sor.u32 s3, s0;
	s1 =	sshll.u32 s1, $0x11  }
0xbc: {  	s0 =	sor.u32 s1, s0  }
0xbd: {  	s0 =	sadd.s32 $0x8F2B, s0  }
0xbe: {  	[sflag:s0] =	ssyncadd.remote.s32 $0x1  }
0xbf: {  	_ =	sfence.sel $0xFFFF  }
0xc0: {  	[dreg:$0x0] =	wrdreg $0xFFFFFFFF;
	(pc) =	sbr.abs _section_cstart, $3  }
0xc1: {  	[dreg:$0x1] =	wrdreg $0xFFFFFFFF  }
0xc2: {  	_ =	task.clear_ibuf [dreg:s7], $0x2FFFF;
	_ =	strace $0x9FFFFFFF  }
0xc3: {  	(tm) =	ssettm $0x7FFFFFFF  }
tec
execute0_lowered:
.L_overlay_start_1:
0x0: {  	(tag) =	ssettag $0x1  }
0x1: {  	s1 =	srdreg.scid;
	s0 =	rddreg [dreg:$0x0]  }
0x2: {  	s12 =	stileid.u32;
	s6 =	rddreg [dreg:$0x1]  }
0x3: {  	s2 =	rddreg [dreg:$0x2];
	s3 =	simm.s32 $0x0;
	s16 =	simm.s32 $0x50  }
0x4: {  	s17 =	simm.s32 $0x100;
	s18 =	simm.s32 $0x1;
	s5 =	smul.u32 $0x4E20, s12  }
0x5: {  	s4 =	sand.u32 $0x1, s1;
	s1 =	rddreg [dreg:$0x3];
	s25 =	smul.u32 $0x13800, s12  }
0x6: {  	s19 =	simm.s32 $0x0;
	[smem:$0x7FF] =	sst s3;
	s9 =	smul.u32 $0x4E000, s12  }
0x7: {  	s10 =	sadd.s32 $0x40800, s6;
	s30 =	sshll.u32 s12, $0x6;
	s15 =	sadd.s32 $0x138000, s2  }
0x8: {  	p0 =	sne.s32 s12, $0x0;
	s7 =	smul.u32 $0x2710, s4;
	_ =	strace $0x8000004A  }
0x9: {  	s8 =	ssub.s32 $0x2, s4;
	s29 =	smul.u32 $0x138800, s4;
	s26 =	sshrl.u32 s25, $0x3  }
0xa: {  	s13 =	sshrl.u32 s8, $0x1;
	s28 =	sshrl.u32 s9, $0x2;
	s5 =	sadd.s32 s7, s5  }
0xb: {  	s13 =	ssub.s32 s8, s13;
	s14 =	sadd.s32 s28, s2;
	s7 =	sadd.s32 s25, s29  }
0xc: {  	s31 =	sshrl.u32 s29, $0x3;
	s5 =	sshrl.u32 s5, $0x3;
	s7 =	sshrl.u32 s7, $0x3  }
0xd: {  	s8 =	sadd.s32 s10, s31;
	s9 =	smax.u32 s13, $0x1;
	s12 =	sshrl.u32 s14, $0x3  }
0xe: {  	s13 =	simm.s32 $0x2;
	s14 =	sshrl.u32 @!p0 s15, $0x3;
	s15 =	simm.s32 $0x80  }
0xf: {  	s11 =	sadd.s32 s5, s6;
	s5 =	sadd.s32 s26, s6;
	s6 =	sadd.s32 $0x40600, s6  }
0x10: {  	s7 =	sadd.s32 s10, s7;
	s8 =	sadd.s32 $0x27000, s8;
	s4 =	sadd.s32 $0x19600, s5  }
0x11: {  	s5 =	sor.u32 $0x1C02, s30;
	s10 =	sadd.s32 $0x5A00, s11;
	s11 =	sadd.s32 $0xF800, s11  }
.LBB2_1:
0x12: {  	[spmem:s12], [sflag:s5] =	dma.local [hbm:s4], $0x2700  }
0x13: {  	_ =	swait.ge [sflag:s13], $0x2700  }
0x14: {  	[sflag:s13] =	ssyncset.done $0x0  }
0x15: {  	s20 =	simm.s32 @!p0 $0x2;
	[sflag:s13] =	ssyncadd.s32 $0xFFFFD900  }
0x16: {  	[spmem:s14], [sflag:s5] =	dma.local @!p0 [hbm:s6], $0x100  }
0x17: {  	_ =	swait.ge @!p0 [sflag:s20], $0x100  }
0x18: {  	[sflag:s20] =	ssyncset.done @!p0 $0x0  }
0x19: {  	[sflag:s20] =	ssyncadd.s32 @!p0 $0xFFFFFF00  }
0x1a: {  	s30 =	sadd.s32 $0x0, s11;
	[bflag:$0x0] =	sbarrier.arrive $0xFFFF  }
0x1b: {  	[tilespmem:s3], [sflag:$0x2] =	stream.linear.gather [hbm4b:s30+s3], $0x50, $0x38;
	[tilespmem:$0x16180] =	vst v63  }
0x1c: {  	_ =	swait.ge [sflag:s13], $0x50  }
0x1d: {  	[sflag:s13] =	ssyncset.done $0x0  }
0x1e: {  	s31 =	sadd.s32 $0x0, s10;
	[sflag:s13] =	ssyncadd.s32 $0xFFFFFFB0  }
0x1f: {  	[tilespmem:s15], [sflag:$0x2] =	stream.linear.gather [hbm4b:s31+s3], $0x50, $0x38;
	[tilespmem:$0x16180] =	vst v63  }
0x20: {  	_ =	swait.ge [sflag:s13], $0x50  }
0x21: {  	[sflag:s13] =	ssyncset.done $0x0  }
0x22: {  	[sflag:s13] =	ssyncadd.s32 $0xFFFFFFB0  }
0x23: {  	[tilespmem:s17], [sflag:$0x1] =	stream.indirect.gather [hbm4b:s0+s16], $0x80, s3, s16, $0xb8;
	[tilespmem:$0x16180] =	vst v63  }
0x24: {  	_ =	swait.ge [sflag:s18], $0x2800  }
0x25: {  	[sflag:s18] =	ssyncset.done $0x0  }
0x26: {  	[sflag:s18] =	ssyncadd.s32 $0xFFFFD800  }
0x27: {  	[spmem:s2] =	stream.indirect.scatter.add.f32 [tilespmem:s17], [sflag:$0x2], $0x80, s15, s16, $0xb8;
	[tilespmem:$0x16180] =	vst v63  }
0x28: {  	_ =	swait.ge [sflag:s13], $0x2800  }
0x29: {  	s21 =	simm.s32 $0x14;
	s20 =	simm.s32 $0xA;
	[sflag:s13] =	ssyncset.done $0x0  }
.LBB2_2:
0x2a: {  	s22 =	sadd.s32 s20, s11  }
0x2b: {  	[sflag:s13] =	ssyncadd.s32 $0xFFFFD800;
	s23 =	smov.u32 s21;
	s24 =	sadd.s32 $0xA, s21  }
0x2c: {  	[tilespmem:s3], [sflag:$0x2] =	stream.linear.gather [hbm4b:s22+s3], $0x50, $0x38;
	[tilespmem:$0x16180] =	vst v63  }
0x2d: {  	p1 =	sne.s32 s21, $0x4D8;
	_ =	swait.ge [sflag:s13], $0x50  }
0x2e: {  	[sflag:s13] =	ssyncset.done $0x0  }
0x2f: {  	s21 =	sadd.s32 s20, s10;
	s20 =	smov.u32 s23;
	[sflag:s13] =	ssyncadd.s32 $0xFFFFFFB0  }
0x30: {  	[tilespmem:s15], [sflag:$0x2] =	stream.linear.gather [hbm4b:s21+s3], $0x50, $0x38;
	[tilespmem:$0x16180] =	vst v63  }
0x31: {  	_ =	swait.ge [sflag:s13], $0x50  }
0x32: {  	[sflag:s13] =	ssyncset.done $0x0  }
0x33: {  	[sflag:s13] =	ssyncadd.s32 $0xFFFFFFB0  }
0x34: {  	[tilespmem:s17], [sflag:$0x1] =	stream.indirect.gather [hbm4b:s0+s16], $0x80, s3, s16, $0xb8;
	[tilespmem:$0x16180] =	vst v63  }
0x35: {  	_ =	swait.ge [sflag:s18], $0x2800  }
.Ltmp0:
0x36: {  	[sflag:s18] =	ssyncset.done $0x0;
	(pc) =	sbr.rel @p1 .LBB2_2-.Ltmp0, $4  }
0x37: {  	[sflag:s18] =	ssyncadd.s32 $0xFFFFD800  }
0x38: {  	[spmem:s2] =	stream.indirect.scatter.add.f32 [tilespmem:s17], [sflag:$0x2], $0x80, s15, s16, $0xb8;
	[tilespmem:$0x16180] =	vst v63  }
0x39: {  	_ =	swait.ge [sflag:s13], $0x2800  }
0x3a: {  	s21 =	smov.u32 s24;
	[sflag:s13] =	ssyncset.done $0x0  }
0x3b: {  	s21 =	sadd.s32 s20, s11;
	[sflag:s13] =	ssyncadd.s32 $0xFFFFD800  }
0x3c: {  	[tilespmem:s3], [sflag:$0x2] =	stream.linear.gather [hbm4b:s21+s3], $0x50, $0x38;
	[tilespmem:$0x16180] =	vst v63  }
0x3d: {  	_ =	swait.ge [sflag:s13], $0x50  }
0x3e: {  	[sflag:s13] =	ssyncset.done $0x0  }
0x3f: {  	s31 =	sadd.s32 s20, s10;
	[sflag:s13] =	ssyncadd.s32 $0xFFFFFFB0  }
0x40: {  	[tilespmem:s15], [sflag:$0x2] =	stream.linear.gather [hbm4b:s31+s3], $0x50, $0x38;
	[tilespmem:$0x16180] =	vst v63  }
0x41: {  	_ =	swait.ge [sflag:s13], $0x50  }
0x42: {  	[sflag:s13] =	ssyncset.done $0x0  }
0x43: {  	[sflag:s13] =	ssyncadd.s32 $0xFFFFFFB0  }
0x44: {  	[tilespmem:s17], [sflag:$0x1] =	stream.indirect.gather [hbm4b:s0+s16], $0x80, s3, s16, $0xb8;
	[tilespmem:$0x16180] =	vst v63  }
0x45: {  	_ =	swait.ge [sflag:s18], $0x2800  }
0x46: {  	[sflag:s18] =	ssyncset.done $0x0  }
0x47: {  	[sflag:s18] =	ssyncadd.s32 $0xFFFFD800  }
0x48: {  	[spmem:s2] =	stream.indirect.scatter.add.f32 [tilespmem:s17], [sflag:$0x2], $0x80, s15, s16, $0xb8;
	[tilespmem:$0x16180] =	vst v63  }
0x49: {  	_ =	swait.ge [sflag:s13], $0x2800  }
0x4a: {  	[sflag:s13] =	ssyncset.done $0x0  }
0x4b: {  	[sflag:s13] =	ssyncadd.s32 $0xFFFFD800  }
0x4c: {  	[bflag:$0x0] =	sbarrier.arrive $0xFFFF  }
0x4d: {  	[hbm:s7], [sflag:s5] =	dma.local [spmem:s12], $0x2700  }
0x4e: {  	s19 =	sadd.s32 $0x1, s19;
	_ =	swait.ge [sflag:s13], $0x2700  }
0x4f: {  	p1 =	sne.s32 s19, s9;
	[sflag:s13] =	ssyncset.done $0x0  }
.Ltmp1:
0x50: {  	s20 =	simm.s32 @!p0 $0x2;
	[sflag:s13] =	ssyncadd.s32 $0xFFFFD900;
	(pc) =	sbr.rel @p1 .LBB2_1-.Ltmp1, $4  }
0x51: {  	[hbm:s8], [sflag:s5] =	dma.local @!p0 [spmem:s14], $0x100  }
0x52: {  	_ =	swait.ge @!p0 [sflag:s20], $0x100  }
0x53: {  	[sflag:s20] =	ssyncset.done @!p0 $0x0  }
0x54: {  	[sflag:s20] =	ssyncadd.s32 @!p0 $0xFFFFFF00  }
0x55: {  	_ =	sfence.sel $0x180000  }
0x56: {  	[bflag:$0x0] =	sbarrier.arrive $0xFFFF  }
0x57: {  	_ =	strace $0x9000004A  }
0x58: {  	s0 =	sadd.s32 @!p0 $0x100000, s1;
	[bflag:$0x2] =	sbarrier.arrive $0xFFFF  }
0x59: {  	[sflag:s0] =	ssyncadd.tile.s32 @!p0 $0x1;
	_ =	shalt  }
.Lfunc_end2:
_tile_overlayer_lowered:
.L_overlay_start_2:
0x5a: {  	(tag) =	ssettag $0x2  }
0x5b: {  	s0 =	rddreg [dreg:$0x0];
	s2 =	stileid.u32  }
0x5c: {  	s1 =	rddreg [dreg:$0x1];
	p0 =	sne.s32 s2, $0x0  }
0x5d: {  	s3 =	rddreg [dreg:$0x2];
	[bflag:$0x3] =	sbarrier.arrive $0xFFFF;
	s2 =	simm.s32 @!p0 $0x1C02  }
0x5e: {  	[timem:s3], [sflag:s2] =	dma.local @!p0 [hbm:s0], s1  }
0x5f: {  	s0 =	simm.s32 @!p0 $0x2  }
0x60: {  	_ =	swait.ge @!p0 [sflag:s0], s1  }
0x61: {  	s1 =	ssub.s32 @!p0 $0x0, s1;
	[sflag:s0] =	ssyncset.done @!p0 $0x0  }
0x62: {  	[sflag:s0] =	ssyncadd.s32 @!p0 s1  }
0x63: {  	[bflag:$0x3] =	sbarrier.arrive $0xFFFF  }
0x64: {  	_ =	shalt  }

// kernel: kernel.30.cloned.1.call-start
scs
__scs_entry_jumppad:
0x0: {  	(pc) =	sbr.rel $0x88, $3  }
0x1: {  	(tag) =	ssettag $0x0;
	lr =	simm.s32 $0x1  }
0x2: {  	[smem:$0x3F9D] =	sst lr;
	_ =	strace $0xD0000000  }
0x3: {  	_ = 	snop  }
0x4: {  	_ = 	snop  }
0x5: {  	_ = 	snop  }
0x6: {  	_ = 	snop  }
0x7: {  	_ = 	snop  }
__scs_overlays_trampoline_lowered:
0x8: {  	[smem:$0x3FAC] =	sst s0  }
0x9: {  	[smem:$0x3FAD] =	sst s1  }
0xa: {  	[smem:$0x3FAE] =	sst s2  }
0xb: {  	[smem:$0x3FAF] =	sst s3  }
0xc: {  	[smem:$0x3FB0] =	sst s4  }
0xd: {  	[smem:$0x3FB1] =	sst s5  }
0xe: {  	[smem:$0x3FB2] =	sst s6  }
0xf: {  	[smem:$0x3FB3] =	sst s7  }
0x10: {  	[smem:$0x3FB4] =	sst s8  }
0x11: {  	[smem:$0x3FB5] =	sst s9;
	s0 =	simm.s32 @!p0 $0x0  }
0x12: {  	s1 =	sld [smem:$0x3F9B];
	s0 =	simm.s32 @p0 $0x1  }
0x13: {  	[smem:$0x3FB6] =	sst s0;
	s0 =	simm.s32 @!p1 $0x0  }
0x14: {  	s2 =	sld [smem:$0x3F9A];
	s0 =	simm.s32 @p1 $0x1  }
0x15: {  	[smem:$0x3FB7] =	sst s0;
	s0 =	simm.s32 @!p2 $0x0  }
0x16: {  	s3 =	sld [smem:$0x3FDB];
	s0 =	simm.s32 @p2 $0x1  }
0x17: {  	s4 =	simm.s32 $0x1BF5;
	[smem:$0x3FB9] =	sst s0  }
0x18: {  	s0 =	sld [smem:$0x3F9C];
	_ =	swait.ge [sflag:s4], $0x0  }
0x19: {  	s7 =	sld [smem:$0x3F9D]  }
0x1a: {  	s8 =	sadd.s32 $0xFFFFE003, lr  }
0x1b: {  	s9 =	sadd.s32 $0xFFFFFEF7, lr;
	s5 =	simm.s32 $0xFFFFFFFF;
	p2 =	slt.u32 s8, $0xFFFFF086  }
0x1c: {  	p1 =	slt.u32 s9, $0xF7A;
	s5 =	simm.s32 @!p2 $0x0  }
0x1d: {  	s5 =	simm.s32 @p1 $0x1;
	p0 =	seq.s32 s7, s2  }
0x1e: {  	s7 =	smul.u32 @!p0 $0xF7A, s2;
	p2 =	seq.s32 @!p0 s5, $0x0  }
0x1f: {  	s9 =	smul.u32 $0xF7A, s1;
	s8 =	simm.s32 @!p0 $0x1BF5;
	p2 =	por !p2, p0  }
0x20: {  	[sflag:s8] =	ssyncset.s32 @!p0 $0xFFFFF086;
	s6 =	sadd.s32 @!p0 s3, s7;
	s7 =	simm.s32 @!p0 $0x108  }
0x21: {  	s3 =	sadd.s32 s3, s9;
	s6 =	sadd.s32 @!p0 $0x88, s6;
	s7 =	simm.s32 @p2 $0x1082  }
0x22: {  	[simem:s7], [sflag:s8] =	dma.local @!p0 [hbm:s6], $0xF7A  }
0x23: {  	s9 =	sor.u32 $0xD0000000, s2;
	s6 =	simm.s32 $0x108;
	_ =	swait.ge @!p0 [sflag:s8], $0x0  }
0x24: {  	s3 =	sadd.s32 $0x88, s3;
	s6 =	simm.s32 @!p1 $0x1082;
	[sflag:s4] =	ssyncset.s32 $0xFFFFF086  }
0x25: {  	[simem:s6], [sflag:s4] =	dma.local [hbm:s3], $0xF7A  }
0x26: {  	[smem:$0x3F9D] =	sst s1;
	(tag) =	ssettag s2;
	_ =	strace s9  }
0x27: {  	s1 =	sld [smem:$0x3FAD]  }
0x28: {  	s2 =	sld [smem:$0x3FAE]  }
0x29: {  	s4 =	sld [smem:$0x3FB0]  }
0x2a: {  	p0 =	seq.s32 s5, $0x0;
	s5 =	sld [smem:$0x3FB1]  }
0x2b: {  	s6 =	sld [smem:$0x3FB2]  }
0x2c: {  	s7 =	sld [smem:$0x3FB3]  }
0x2d: {  	s3 =	simm.s32 $0x108;
	s8 =	sld [smem:$0x3FB4]  }
0x2e: {  	s3 =	simm.s32 @!p0 $0x1082;
	s9 =	sld [smem:$0x3FB5]  }
0x2f: {  	lr =	sadd.s32 s0, s3;
	s0 =	sld [smem:$0x3FAC]  }
0x30: {  	s3 =	sld [smem:$0x3FAF]  }
0x31: {  	[smem:$0x3FB8] =	sst s10  }
0x32: {  	s10 =	sld [smem:$0x3FB6];
	_ =	sdelay $0x3  }
0x33: {  	p0 =	seq.s32 s10, $0x1;
	s10 =	sld [smem:$0x3FB8];
	_ =	sdelay $0x3  }
0x34: {  	[smem:$0x3FB8] =	sst s10  }
0x35: {  	s10 =	sld [smem:$0x3FB7];
	_ =	sdelay $0x3  }
0x36: {  	p1 =	seq.s32 s10, $0x1;
	s10 =	sld [smem:$0x3FB8];
	_ =	sdelay $0x3  }
0x37: {  	[smem:$0x3FB8] =	sst s10  }
0x38: {  	s10 =	sld [smem:$0x3FB9]  }
0x39: {  	_ = 	snop;
	(pc) =	sbr.ind lr, $3  }
0x3a: {  	_ = 	snop  }
0x3b: {  	_ = 	snop  }
0x3c: {  	p2 =	seq.s32 s10, $0x1;
	s10 =	sld [smem:$0x3FB8]  }
0x3d: {  	_ =	shalt  }
0x3e: {  	_ =	shalt  }
0x3f: {  	_ =	shalt  }
0x40: {  	_ =	shalt  }
0x41: {  	_ =	shalt  }
0x42: {  	_ =	shalt  }
0x43: {  	_ =	shalt  }
0x44: {  	_ =	shalt  }
0x45: {  	_ =	shalt  }
0x46: {  	_ =	shalt  }
0x47: {  	_ =	shalt  }
0x48: {  	_ =	shalt  }
0x49: {  	_ =	shalt  }
0x4a: {  	_ =	shalt  }
0x4b: {  	_ =	shalt  }
0x4c: {  	_ =	shalt  }
0x4d: {  	_ =	shalt  }
0x4e: {  	_ =	shalt  }
0x4f: {  	_ =	shalt  }
0x50: {  	_ =	shalt  }
0x51: {  	_ =	shalt  }
0x52: {  	_ =	shalt  }
0x53: {  	_ =	shalt  }
0x54: {  	_ =	shalt  }
0x55: {  	_ =	shalt  }
0x56: {  	_ =	shalt  }
0x57: {  	_ =	shalt  }
0x58: {  	_ =	shalt  }
0x59: {  	_ =	shalt  }
0x5a: {  	_ =	shalt  }
0x5b: {  	_ =	shalt  }
0x5c: {  	_ =	shalt  }
0x5d: {  	_ =	shalt  }
0x5e: {  	_ =	shalt  }
0x5f: {  	_ =	shalt  }
0x60: {  	_ =	shalt  }
0x61: {  	_ =	shalt  }
0x62: {  	_ =	shalt  }
0x63: {  	_ =	shalt  }
0x64: {  	_ =	shalt  }
0x65: {  	_ =	shalt  }
0x66: {  	_ =	shalt  }
0x67: {  	_ =	shalt  }
0x68: {  	_ =	shalt  }
0x69: {  	_ =	shalt  }
0x6a: {  	_ =	shalt  }
0x6b: {  	_ =	shalt  }
0x6c: {  	_ =	shalt  }
0x6d: {  	_ =	shalt  }
0x6e: {  	_ =	shalt  }
0x6f: {  	_ =	shalt  }
0x70: {  	_ =	shalt  }
0x71: {  	_ =	shalt  }
0x72: {  	_ =	shalt  }
0x73: {  	_ =	shalt  }
0x74: {  	_ =	shalt  }
0x75: {  	_ =	shalt  }
0x76: {  	_ =	shalt  }
0x77: {  	_ =	shalt  }
0x78: {  	_ =	shalt  }
0x79: {  	_ =	shalt  }
0x7a: {  	_ =	shalt  }
0x7b: {  	_ =	shalt  }
0x7c: {  	_ =	shalt  }
0x7d: {  	_ =	shalt  }
0x7e: {  	_ =	shalt  }
0x7f: {  	_ =	shalt  }
0x80: {  	_ =	shalt  }
0x81: {  	_ =	shalt  }
0x82: {  	_ =	shalt  }
0x83: {  	_ =	shalt  }
0x84: {  	_ =	shalt  }
0x85: {  	_ =	shalt  }
0x86: {  	_ =	shalt  }
0x87: {  	_ =	shalt  }
.Lfunc_end0:
.L_simem_size_0:
called_computation.2_lowered:
.L_overlay_start_0:
0x88: {  	s2 =	sld [smem:$0x3FD9]  }
0x89: {  	s3 =	sld [smem:$0x3FFE];
	_ =	sdelay $0x1  }
0x8a: {  	s1 =	srdreg.scid  }
0x8b: {  	s0 =	sand.u32 $0x1, s1  }
0x8c: {  	s17 =	sshll.u32 s0, $0xA;
	s2 =	sadd.s32 s3, s2  }
0x8d: {  	s2 =	sadd.s32 s2, s17  }
0x8e: {  	[smem:$0x3FC4] =	sst s2  }
0x8f: {  	_ = 	snop  }
0x90: {  	s2 =	sld [smem:$0x3FD0];
	(tm) =	ssettm $0x1  }
0x91: {  	s18 =	sld [smem:$0x3FFB];
	_ =	sdelay $0x3  }
0x92: {  	_ =	strace s18  }
0x93: {  	s3 =	sld [smem:$0x3FFC];
	_ =	sdelay $0x3  }
0x94: {  	_ =	strace s3  }
0x95: {  	s3 =	sld [smem:$0x3FFD];
	_ =	sdelay $0x3  }
0x96: {  	_ =	strace s3  }
0x97: {  	_ =	strace $0x8FFFFFFF  }
0x98: {  	s19 =	sld [smem:$0x3FDB];
	_ =	sdelay $0x1  }
0x99: {  	s4 =	simm.s32 $_scs_section_size  }
0x9a: {  	s5 =	simm.s32 $_size__tile_overlayer_lowered;
	s6 =	simm.s32 $_tile_overlayer_lowered  }
0x9b: {  	s22 =	simm.s32 $0x1BFF;
	s21 =	sshll.u32 s6, $0x1;
	s3 =	sadd.s32 s4, s19  }
0x9c: {  	s7 =	simm.s32 $0x0;
	s20 =	sshll.u32 s5, $0x1;
	s5 =	sadd.s32 s21, s3  }
0x9d: {  	[timem:s7], [sflag:s22] =	dma.local [hbm:s5], s20  }
0x9e: {  	_ =	swait.ge [sflag:s22], s20  }
0x9f: {  	s4 =	ssub.s32 $0x0, s20;
	[sflag:s22] =	ssyncset.done $0x0  }
0xa0: {  	[sflag:s22] =	ssyncadd.s32 s4;
	_ =	sdelay $0x1  }
0xa1: {  	s23 =	simm.s32 $0x1B8B  }
0xa2: {  	_ =	swait.ge [sflag:s23], $0x1  }
0xa3: {  	[sflag:s23] =	ssyncset.done $0x0  }
0xa4: {  	s25 =	simm.s32 $0x1B8E;
	s24 =	sld [smem:$0x3FFE];
	[sflag:s23] =	ssyncadd.s32 $0xFFFFFFFF  }
0xa5: {  	s26 =	simm.s32 $execute0_lowered;
	[smem:$0x3FD2] =	sst s25  }
0xa6: {  	s5 =	sshll.u32 s26, $0x1;
	_ =	strace $0x8000004C;
	[dreg:$0x1] =	wrdreg $0xFFFFFFFF  }
0xa7: {  	s28 =	simm.s32 $_size_execute0_lowered;
	s3 =	sadd.s32 s3, s5;
	[dreg:$0x0] =	wrdreg $0x0  }
0xa8: {  	s5 =	sshll.u32 s28, $0x1;
	[dreg:$0x2] =	wrdreg s3  }
0xa9: {  	[dreg:$0x3] =	wrdreg s5  }
0xaa: {  	[dreg:$0x4] =	wrdreg $0xC0  }
0xab: {  	_ =	task [dreg:s7], $0x5FFFF  }
0xac: {  	[dreg:$0x1] =	wrdreg $0xFFFFFFFF  }
0xad: {  	[dreg:$0x0] =	wrdreg $0x60  }
0xae: {  	[dreg:$0x2] =	wrdreg s2  }
0xaf: {  	[dreg:$0x3] =	wrdreg s24  }
0xb0: {  	[dreg:$0x4] =	wrdreg $0x29000  }
0xb1: {  	[dreg:$0x5] =	wrdreg $0x9  }
0xb2: {  	_ =	task.clear_ibuf [dreg:s7], $0x6FFFF;
	_ =	strace $0x9000004C  }
0xb3: {  	s29 =	simm.s32 $0x9;
	_ =	strace $0x8000004E  }
0xb4: {  	_ =	swait.ge [sflag:s29], $0x1  }
0xb5: {  	[sflag:s29] =	ssyncadd.s32 $0xFFFFFFFF  }
0xb6: {  	_ =	strace $0x9000004E  }
0xb7: {  	_ =	sfence  }
0xb8: {  	s30 =	sld [smem:$0x0];
	_ =	sdelay $0x2  }
0xb9: {  	s31 =	sshll.u32 s1, $0xD;
	s1 =	sshrl.u32 s1, $0x2  }
0xba: {  	s3 =	sand.u32 $0x4000, s31;
	s1 =	sadd.s32 s1, s30  }
0xbb: {  	s0 =	sor.u32 s3, s0;
	s1 =	sshll.u32 s1, $0x11  }
0xbc: {  	s0 =	sor.u32 s1, s0  }
0xbd: {  	s0 =	sadd.s32 $0x8F2B, s0  }
0xbe: {  	[sflag:s0] =	ssyncadd.remote.s32 $0x1  }
0xbf: {  	_ =	sfence.sel $0xFFFF  }
0xc0: {  	[dreg:$0x0] =	wrdreg $0xFFFFFFFF;
	(pc) =	sbr.abs _section_cstart, $3  }
0xc1: {  	[dreg:$0x1] =	wrdreg $0xFFFFFFFF  }
0xc2: {  	_ =	task.clear_ibuf [dreg:s7], $0x2FFFF;
	_ =	strace $0x9FFFFFFF  }
0xc3: {  	(tm) =	ssettm $0x7FFFFFFF  }
tec
execute0_lowered:
.L_overlay_start_1:
0x0: {  	(tag) =	ssettag $0x1  }
0x1: {  	s1 =	srdreg.scid;
	s0 =	rddreg [dreg:$0x0]  }
0x2: {  	s12 =	stileid.u32;
	s6 =	rddreg [dreg:$0x1]  }
0x3: {  	s2 =	rddreg [dreg:$0x2];
	s3 =	simm.s32 $0x0;
	s16 =	simm.s32 $0x50  }
0x4: {  	s17 =	simm.s32 $0x100;
	s18 =	simm.s32 $0x1;
	s5 =	smul.u32 $0x4E20, s12  }
0x5: {  	s4 =	sand.u32 $0x1, s1;
	s1 =	rddreg [dreg:$0x3];
	s25 =	smul.u32 $0x13800, s12  }
0x6: {  	s19 =	simm.s32 $0x0;
	[smem:$0x7FF] =	sst s3;
	s9 =	smul.u32 $0x4E000, s12  }
0x7: {  	s10 =	sadd.s32 $0x40800, s6;
	s30 =	sshll.u32 s12, $0x6;
	s15 =	sadd.s32 $0x138000, s2  }
0x8: {  	p0 =	sne.s32 s12, $0x0;
	s7 =	smul.u32 $0x2710, s4;
	_ =	strace $0x8000004D  }
0x9: {  	s8 =	ssub.s32 $0x2, s4;
	s29 =	smul.u32 $0x138800, s4;
	s26 =	sshrl.u32 s25, $0x3  }
0xa: {  	s13 =	sshrl.u32 s8, $0x1;
	s28 =	sshrl.u32 s9, $0x2;
	s5 =	sadd.s32 s7, s5  }
0xb: {  	s13 =	ssub.s32 s8, s13;
	s14 =	sadd.s32 s28, s2;
	s7 =	sadd.s32 s25, s29  }
0xc: {  	s31 =	sshrl.u32 s29, $0x3;
	s5 =	sshrl.u32 s5, $0x3;
	s7 =	sshrl.u32 s7, $0x3  }
0xd: {  	s8 =	sadd.s32 s10, s31;
	s9 =	smax.u32 s13, $0x1;
	s12 =	sshrl.u32 s14, $0x3  }
0xe: {  	s13 =	simm.s32 $0x2;
	s14 =	sshrl.u32 @!p0 s15, $0x3;
	s15 =	simm.s32 $0x80  }
0xf: {  	s11 =	sadd.s32 s5, s6;
	s5 =	sadd.s32 s26, s6;
	s6 =	sadd.s32 $0x40600, s6  }
0x10: {  	s7 =	sadd.s32 s10, s7;
	s8 =	sadd.s32 $0x27000, s8;
	s4 =	sadd.s32 $0x19600, s5  }
0x11: {  	s5 =	sor.u32 $0x1C02, s30;
	s10 =	sadd.s32 $0x5A00, s11;
	s11 =	sadd.s32 $0xF800, s11  }
.LBB2_1:
0x12: {  	[spmem:s12], [sflag:s5] =	dma.local [hbm:s4], $0x2700  }
0x13: {  	_ =	swait.ge [sflag:s13], $0x2700  }
0x14: {  	[sflag:s13] =	ssyncset.done $0x0  }
0x15: {  	s20 =	simm.s32 @!p0 $0x2;
	[sflag:s13] =	ssyncadd.s32 $0xFFFFD900  }
0x16: {  	[spmem:s14], [sflag:s5] =	dma.local @!p0 [hbm:s6], $0x100  }
0x17: {  	_ =	swait.ge @!p0 [sflag:s20], $0x100  }
0x18: {  	[sflag:s20] =	ssyncset.done @!p0 $0x0  }
0x19: {  	[sflag:s20] =	ssyncadd.s32 @!p0 $0xFFFFFF00  }
0x1a: {  	s30 =	sadd.s32 $0x0, s11;
	[bflag:$0x0] =	sbarrier.arrive $0xFFFF  }
0x1b: {  	[tilespmem:s3], [sflag:$0x2] =	stream.linear.gather [hbm4b:s30+s3], $0x50, $0x38;
	[tilespmem:$0x16180] =	vst v63  }
0x1c: {  	_ =	swait.ge [sflag:s13], $0x50  }
0x1d: {  	[sflag:s13] =	ssyncset.done $0x0  }
0x1e: {  	s31 =	sadd.s32 $0x0, s10;
	[sflag:s13] =	ssyncadd.s32 $0xFFFFFFB0  }
0x1f: {  	[tilespmem:s15], [sflag:$0x2] =	stream.linear.gather [hbm4b:s31+s3], $0x50, $0x38;
	[tilespmem:$0x16180] =	vst v63  }
0x20: {  	_ =	swait.ge [sflag:s13], $0x50  }
0x21: {  	[sflag:s13] =	ssyncset.done $0x0  }
0x22: {  	[sflag:s13] =	ssyncadd.s32 $0xFFFFFFB0  }
0x23: {  	[tilespmem:s17], [sflag:$0x1] =	stream.indirect.gather [hbm4b:s0+s16], $0x80, s3, s16, $0xb8;
	[tilespmem:$0x16180] =	vst v63  }
0x24: {  	_ =	swait.ge [sflag:s18], $0x2800  }
0x25: {  	[sflag:s18] =	ssyncset.done $0x0  }
0x26: {  	[sflag:s18] =	ssyncadd.s32 $0xFFFFD800  }
0x27: {  	[spmem:s2] =	stream.indirect.scatter.add.f32 [tilespmem:s17], [sflag:$0x2], $0x80, s15, s16, $0xb8;
	[tilespmem:$0x16180] =	vst v63  }
0x28: {  	_ =	swait.ge [sflag:s13], $0x2800  }
0x29: {  	s21 =	simm.s32 $0x14;
	s20 =	simm.s32 $0xA;
	[sflag:s13] =	ssyncset.done $0x0  }
.LBB2_2:
0x2a: {  	s22 =	sadd.s32 s20, s11  }
0x2b: {  	[sflag:s13] =	ssyncadd.s32 $0xFFFFD800;
	s23 =	smov.u32 s21;
	s24 =	sadd.s32 $0xA, s21  }
0x2c: {  	[tilespmem:s3], [sflag:$0x2] =	stream.linear.gather [hbm4b:s22+s3], $0x50, $0x38;
	[tilespmem:$0x16180] =	vst v63  }
0x2d: {  	p1 =	sne.s32 s21, $0x4D8;
	_ =	swait.ge [sflag:s13], $0x50  }
0x2e: {  	[sflag:s13] =	ssyncset.done $0x0  }
0x2f: {  	s21 =	sadd.s32 s20, s10;
	s20 =	smov.u32 s23;
	[sflag:s13] =	ssyncadd.s32 $0xFFFFFFB0  }
0x30: {  	[tilespmem:s15], [sflag:$0x2] =	stream.linear.gather [hbm4b:s21+s3], $0x50, $0x38;
	[tilespmem:$0x16180] =	vst v63  }
0x31: {  	_ =	swait.ge [sflag:s13], $0x50  }
0x32: {  	[sflag:s13] =	ssyncset.done $0x0  }
0x33: {  	[sflag:s13] =	ssyncadd.s32 $0xFFFFFFB0  }
0x34: {  	[tilespmem:s17], [sflag:$0x1] =	stream.indirect.gather [hbm4b:s0+s16], $0x80, s3, s16, $0xb8;
	[tilespmem:$0x16180] =	vst v63  }
0x35: {  	_ =	swait.ge [sflag:s18], $0x2800  }
.Ltmp0:
0x36: {  	[sflag:s18] =	ssyncset.done $0x0;
	(pc) =	sbr.rel @p1 .LBB2_2-.Ltmp0, $4  }
0x37: {  	[sflag:s18] =	ssyncadd.s32 $0xFFFFD800  }
0x38: {  	[spmem:s2] =	stream.indirect.scatter.add.f32 [tilespmem:s17], [sflag:$0x2], $0x80, s15, s16, $0xb8;
	[tilespmem:$0x16180] =	vst v63  }
0x39: {  	_ =	swait.ge [sflag:s13], $0x2800  }
0x3a: {  	s21 =	smov.u32 s24;
	[sflag:s13] =	ssyncset.done $0x0  }
0x3b: {  	s21 =	sadd.s32 s20, s11;
	[sflag:s13] =	ssyncadd.s32 $0xFFFFD800  }
0x3c: {  	[tilespmem:s3], [sflag:$0x2] =	stream.linear.gather [hbm4b:s21+s3], $0x50, $0x38;
	[tilespmem:$0x16180] =	vst v63  }
0x3d: {  	_ =	swait.ge [sflag:s13], $0x50  }
0x3e: {  	[sflag:s13] =	ssyncset.done $0x0  }
0x3f: {  	s31 =	sadd.s32 s20, s10;
	[sflag:s13] =	ssyncadd.s32 $0xFFFFFFB0  }
0x40: {  	[tilespmem:s15], [sflag:$0x2] =	stream.linear.gather [hbm4b:s31+s3], $0x50, $0x38;
	[tilespmem:$0x16180] =	vst v63  }
0x41: {  	_ =	swait.ge [sflag:s13], $0x50  }
0x42: {  	[sflag:s13] =	ssyncset.done $0x0  }
0x43: {  	[sflag:s13] =	ssyncadd.s32 $0xFFFFFFB0  }
0x44: {  	[tilespmem:s17], [sflag:$0x1] =	stream.indirect.gather [hbm4b:s0+s16], $0x80, s3, s16, $0xb8;
	[tilespmem:$0x16180] =	vst v63  }
0x45: {  	_ =	swait.ge [sflag:s18], $0x2800  }
0x46: {  	[sflag:s18] =	ssyncset.done $0x0  }
0x47: {  	[sflag:s18] =	ssyncadd.s32 $0xFFFFD800  }
0x48: {  	[spmem:s2] =	stream.indirect.scatter.add.f32 [tilespmem:s17], [sflag:$0x2], $0x80, s15, s16, $0xb8;
	[tilespmem:$0x16180] =	vst v63  }
0x49: {  	_ =	swait.ge [sflag:s13], $0x2800  }
0x4a: {  	[sflag:s13] =	ssyncset.done $0x0  }
0x4b: {  	[sflag:s13] =	ssyncadd.s32 $0xFFFFD800  }
0x4c: {  	[bflag:$0x0] =	sbarrier.arrive $0xFFFF  }
0x4d: {  	[hbm:s7], [sflag:s5] =	dma.local [spmem:s12], $0x2700  }
0x4e: {  	s19 =	sadd.s32 $0x1, s19;
	_ =	swait.ge [sflag:s13], $0x2700  }
0x4f: {  	p1 =	sne.s32 s19, s9;
	[sflag:s13] =	ssyncset.done $0x0  }
.Ltmp1:
0x50: {  	s20 =	simm.s32 @!p0 $0x2;
	[sflag:s13] =	ssyncadd.s32 $0xFFFFD900;
	(pc) =	sbr.rel @p1 .LBB2_1-.Ltmp1, $4  }
0x51: {  	[hbm:s8], [sflag:s5] =	dma.local @!p0 [spmem:s14], $0x100  }
0x52: {  	_ =	swait.ge @!p0 [sflag:s20], $0x100  }
0x53: {  	[sflag:s20] =	ssyncset.done @!p0 $0x0  }
0x54: {  	[sflag:s20] =	ssyncadd.s32 @!p0 $0xFFFFFF00  }
0x55: {  	_ =	sfence.sel $0x180000  }
0x56: {  	[bflag:$0x0] =	sbarrier.arrive $0xFFFF  }
0x57: {  	_ =	strace $0x9000004D  }
0x58: {  	s0 =	sadd.s32 @!p0 $0x100000, s1;
	[bflag:$0x2] =	sbarrier.arrive $0xFFFF  }
0x59: {  	[sflag:s0] =	ssyncadd.tile.s32 @!p0 $0x1;
	_ =	shalt  }
.Lfunc_end2:
_tile_overlayer_lowered:
.L_overlay_start_2:
0x5a: {  	(tag) =	ssettag $0x2  }
0x5b: {  	s0 =	rddreg [dreg:$0x0];
	s2 =	stileid.u32  }
0x5c: {  	s1 =	rddreg [dreg:$0x1];
	p0 =	sne.s32 s2, $0x0  }
0x5d: {  	s3 =	rddreg [dreg:$0x2];
	[bflag:$0x3] =	sbarrier.arrive $0xFFFF;
	s2 =	simm.s32 @!p0 $0x1C02  }
0x5e: {  	[timem:s3], [sflag:s2] =	dma.local @!p0 [hbm:s0], s1  }
0x5f: {  	s0 =	simm.s32 @!p0 $0x2  }
0x60: {  	_ =	swait.ge @!p0 [sflag:s0], s1  }
0x61: {  	s1 =	ssub.s32 @!p0 $0x0, s1;
	[sflag:s0] =	ssyncset.done @!p0 $0x0  }
0x62: {  	[sflag:s0] =	ssyncadd.s32 @!p0 s1  }
0x63: {  	[bflag:$0x3] =	sbarrier.arrive $0xFFFF  }
0x64: {  	_ =	shalt  }

// kernel: kernel.33.cloned.1.call-start
scs
__scs_entry_jumppad:
0x0: {  	(pc) =	sbr.rel $0x88, $3  }
0x1: {  	(tag) =	ssettag $0x0;
	lr =	simm.s32 $0x1  }
0x2: {  	[smem:$0x3F9D] =	sst lr;
	_ =	strace $0xD0000000  }
0x3: {  	_ = 	snop  }
0x4: {  	_ = 	snop  }
0x5: {  	_ = 	snop  }
0x6: {  	_ = 	snop  }
0x7: {  	_ = 	snop  }
__scs_overlays_trampoline_lowered:
0x8: {  	[smem:$0x3FAC] =	sst s0  }
0x9: {  	[smem:$0x3FAD] =	sst s1  }
0xa: {  	[smem:$0x3FAE] =	sst s2  }
0xb: {  	[smem:$0x3FAF] =	sst s3  }
0xc: {  	[smem:$0x3FB0] =	sst s4  }
0xd: {  	[smem:$0x3FB1] =	sst s5  }
0xe: {  	[smem:$0x3FB2] =	sst s6  }
0xf: {  	[smem:$0x3FB3] =	sst s7  }
0x10: {  	[smem:$0x3FB4] =	sst s8  }
0x11: {  	[smem:$0x3FB5] =	sst s9;
	s0 =	simm.s32 @!p0 $0x0  }
0x12: {  	s1 =	sld [smem:$0x3F9B];
	s0 =	simm.s32 @p0 $0x1  }
0x13: {  	[smem:$0x3FB6] =	sst s0;
	s0 =	simm.s32 @!p1 $0x0  }
0x14: {  	s2 =	sld [smem:$0x3F9A];
	s0 =	simm.s32 @p1 $0x1  }
0x15: {  	[smem:$0x3FB7] =	sst s0;
	s0 =	simm.s32 @!p2 $0x0  }
0x16: {  	s3 =	sld [smem:$0x3FDB];
	s0 =	simm.s32 @p2 $0x1  }
0x17: {  	s4 =	simm.s32 $0x1BF5;
	[smem:$0x3FB9] =	sst s0  }
0x18: {  	s0 =	sld [smem:$0x3F9C];
	_ =	swait.ge [sflag:s4], $0x0  }
0x19: {  	s7 =	sld [smem:$0x3F9D]  }
0x1a: {  	s8 =	sadd.s32 $0xFFFFE003, lr  }
0x1b: {  	s9 =	sadd.s32 $0xFFFFFEF7, lr;
	s5 =	simm.s32 $0xFFFFFFFF;
	p2 =	slt.u32 s8, $0xFFFFF086  }
0x1c: {  	p1 =	slt.u32 s9, $0xF7A;
	s5 =	simm.s32 @!p2 $0x0  }
0x1d: {  	s5 =	simm.s32 @p1 $0x1;
	p0 =	seq.s32 s7, s2  }
0x1e: {  	s7 =	smul.u32 @!p0 $0xF7A, s2;
	p2 =	seq.s32 @!p0 s5, $0x0  }
0x1f: {  	s9 =	smul.u32 $0xF7A, s1;
	s8 =	simm.s32 @!p0 $0x1BF5;
	p2 =	por !p2, p0  }
0x20: {  	[sflag:s8] =	ssyncset.s32 @!p0 $0xFFFFF086;
	s6 =	sadd.s32 @!p0 s3, s7;
	s7 =	simm.s32 @!p0 $0x108  }
0x21: {  	s3 =	sadd.s32 s3, s9;
	s6 =	sadd.s32 @!p0 $0x88, s6;
	s7 =	simm.s32 @p2 $0x1082  }
0x22: {  	[simem:s7], [sflag:s8] =	dma.local @!p0 [hbm:s6], $0xF7A  }
0x23: {  	s9 =	sor.u32 $0xD0000000, s2;
	s6 =	simm.s32 $0x108;
	_ =	swait.ge @!p0 [sflag:s8], $0x0  }
0x24: {  	s3 =	sadd.s32 $0x88, s3;
	s6 =	simm.s32 @!p1 $0x1082;
	[sflag:s4] =	ssyncset.s32 $0xFFFFF086  }
0x25: {  	[simem:s6], [sflag:s4] =	dma.local [hbm:s3], $0xF7A  }
0x26: {  	[smem:$0x3F9D] =	sst s1;
	(tag) =	ssettag s2;
	_ =	strace s9  }
0x27: {  	s1 =	sld [smem:$0x3FAD]  }
0x28: {  	s2 =	sld [smem:$0x3FAE]  }
0x29: {  	s4 =	sld [smem:$0x3FB0]  }
0x2a: {  	p0 =	seq.s32 s5, $0x0;
	s5 =	sld [smem:$0x3FB1]  }
0x2b: {  	s6 =	sld [smem:$0x3FB2]  }
0x2c: {  	s7 =	sld [smem:$0x3FB3]  }
0x2d: {  	s3 =	simm.s32 $0x108;
	s8 =	sld [smem:$0x3FB4]  }
0x2e: {  	s3 =	simm.s32 @!p0 $0x1082;
	s9 =	sld [smem:$0x3FB5]  }
0x2f: {  	lr =	sadd.s32 s0, s3;
	s0 =	sld [smem:$0x3FAC]  }
0x30: {  	s3 =	sld [smem:$0x3FAF]  }
0x31: {  	[smem:$0x3FB8] =	sst s10  }
0x32: {  	s10 =	sld [smem:$0x3FB6];
	_ =	sdelay $0x3  }
0x33: {  	p0 =	seq.s32 s10, $0x1;
	s10 =	sld [smem:$0x3FB8];
	_ =	sdelay $0x3  }
0x34: {  	[smem:$0x3FB8] =	sst s10  }
0x35: {  	s10 =	sld [smem:$0x3FB7];
	_ =	sdelay $0x3  }
0x36: {  	p1 =	seq.s32 s10, $0x1;
	s10 =	sld [smem:$0x3FB8];
	_ =	sdelay $0x3  }
0x37: {  	[smem:$0x3FB8] =	sst s10  }
0x38: {  	s10 =	sld [smem:$0x3FB9]  }
0x39: {  	_ = 	snop;
	(pc) =	sbr.ind lr, $3  }
0x3a: {  	_ = 	snop  }
0x3b: {  	_ = 	snop  }
0x3c: {  	p2 =	seq.s32 s10, $0x1;
	s10 =	sld [smem:$0x3FB8]  }
0x3d: {  	_ =	shalt  }
0x3e: {  	_ =	shalt  }
0x3f: {  	_ =	shalt  }
0x40: {  	_ =	shalt  }
0x41: {  	_ =	shalt  }
0x42: {  	_ =	shalt  }
0x43: {  	_ =	shalt  }
0x44: {  	_ =	shalt  }
0x45: {  	_ =	shalt  }
0x46: {  	_ =	shalt  }
0x47: {  	_ =	shalt  }
0x48: {  	_ =	shalt  }
0x49: {  	_ =	shalt  }
0x4a: {  	_ =	shalt  }
0x4b: {  	_ =	shalt  }
0x4c: {  	_ =	shalt  }
0x4d: {  	_ =	shalt  }
0x4e: {  	_ =	shalt  }
0x4f: {  	_ =	shalt  }
0x50: {  	_ =	shalt  }
0x51: {  	_ =	shalt  }
0x52: {  	_ =	shalt  }
0x53: {  	_ =	shalt  }
0x54: {  	_ =	shalt  }
0x55: {  	_ =	shalt  }
0x56: {  	_ =	shalt  }
0x57: {  	_ =	shalt  }
0x58: {  	_ =	shalt  }
0x59: {  	_ =	shalt  }
0x5a: {  	_ =	shalt  }
0x5b: {  	_ =	shalt  }
0x5c: {  	_ =	shalt  }
0x5d: {  	_ =	shalt  }
0x5e: {  	_ =	shalt  }
0x5f: {  	_ =	shalt  }
0x60: {  	_ =	shalt  }
0x61: {  	_ =	shalt  }
0x62: {  	_ =	shalt  }
0x63: {  	_ =	shalt  }
0x64: {  	_ =	shalt  }
0x65: {  	_ =	shalt  }
0x66: {  	_ =	shalt  }
0x67: {  	_ =	shalt  }
0x68: {  	_ =	shalt  }
0x69: {  	_ =	shalt  }
0x6a: {  	_ =	shalt  }
0x6b: {  	_ =	shalt  }
0x6c: {  	_ =	shalt  }
0x6d: {  	_ =	shalt  }
0x6e: {  	_ =	shalt  }
0x6f: {  	_ =	shalt  }
0x70: {  	_ =	shalt  }
0x71: {  	_ =	shalt  }
0x72: {  	_ =	shalt  }
0x73: {  	_ =	shalt  }
0x74: {  	_ =	shalt  }
0x75: {  	_ =	shalt  }
0x76: {  	_ =	shalt  }
0x77: {  	_ =	shalt  }
0x78: {  	_ =	shalt  }
0x79: {  	_ =	shalt  }
0x7a: {  	_ =	shalt  }
0x7b: {  	_ =	shalt  }
0x7c: {  	_ =	shalt  }
0x7d: {  	_ =	shalt  }
0x7e: {  	_ =	shalt  }
0x7f: {  	_ =	shalt  }
0x80: {  	_ =	shalt  }
0x81: {  	_ =	shalt  }
0x82: {  	_ =	shalt  }
0x83: {  	_ =	shalt  }
0x84: {  	_ =	shalt  }
0x85: {  	_ =	shalt  }
0x86: {  	_ =	shalt  }
0x87: {  	_ =	shalt  }
.Lfunc_end0:
.L_simem_size_0:
called_computation.3_lowered:
.L_overlay_start_0:
0x88: {  	s2 =	sld [smem:$0x3FD9]  }
0x89: {  	s3 =	sld [smem:$0x3FFE];
	_ =	sdelay $0x1  }
0x8a: {  	s1 =	srdreg.scid  }
0x8b: {  	s0 =	sand.u32 $0x1, s1  }
0x8c: {  	s17 =	sshll.u32 s0, $0xA;
	s2 =	sadd.s32 s3, s2  }
0x8d: {  	s2 =	sadd.s32 s2, s17  }
0x8e: {  	[smem:$0x3FC4] =	sst s2  }
0x8f: {  	_ = 	snop  }
0x90: {  	s2 =	sld [smem:$0x3FD0];
	(tm) =	ssettm $0x1  }
0x91: {  	s18 =	sld [smem:$0x3FFB];
	_ =	sdelay $0x3  }
0x92: {  	_ =	strace s18  }
0x93: {  	s3 =	sld [smem:$0x3FFC];
	_ =	sdelay $0x3  }
0x94: {  	_ =	strace s3  }
0x95: {  	s3 =	sld [smem:$0x3FFD];
	_ =	sdelay $0x3  }
0x96: {  	_ =	strace s3  }
0x97: {  	_ =	strace $0x8FFFFFFF  }
0x98: {  	s19 =	sld [smem:$0x3FDB];
	_ =	sdelay $0x1  }
0x99: {  	s4 =	simm.s32 $_scs_section_size  }
0x9a: {  	s5 =	simm.s32 $_size__tile_overlayer_lowered;
	s6 =	simm.s32 $_tile_overlayer_lowered  }
0x9b: {  	s22 =	simm.s32 $0x1BFF;
	s21 =	sshll.u32 s6, $0x1;
	s3 =	sadd.s32 s4, s19  }
0x9c: {  	s7 =	simm.s32 $0x0;
	s20 =	sshll.u32 s5, $0x1;
	s5 =	sadd.s32 s21, s3  }
0x9d: {  	[timem:s7], [sflag:s22] =	dma.local [hbm:s5], s20  }
0x9e: {  	_ =	swait.ge [sflag:s22], s20  }
0x9f: {  	s4 =	ssub.s32 $0x0, s20;
	[sflag:s22] =	ssyncset.done $0x0  }
0xa0: {  	[sflag:s22] =	ssyncadd.s32 s4;
	_ =	sdelay $0x1  }
0xa1: {  	s23 =	simm.s32 $0x1B8B  }
0xa2: {  	_ =	swait.ge [sflag:s23], $0x1  }
0xa3: {  	[sflag:s23] =	ssyncset.done $0x0  }
0xa4: {  	s25 =	simm.s32 $0x1B8E;
	s24 =	sld [smem:$0x3FFE];
	[sflag:s23] =	ssyncadd.s32 $0xFFFFFFFF  }
0xa5: {  	s26 =	simm.s32 $execute0_lowered;
	[smem:$0x3FD2] =	sst s25  }
0xa6: {  	s5 =	sshll.u32 s26, $0x1;
	_ =	strace $0x8000004F;
	[dreg:$0x1] =	wrdreg $0xFFFFFFFF  }
0xa7: {  	s28 =	simm.s32 $_size_execute0_lowered;
	s3 =	sadd.s32 s3, s5;
	[dreg:$0x0] =	wrdreg $0x0  }
0xa8: {  	s5 =	sshll.u32 s28, $0x1;
	[dreg:$0x2] =	wrdreg s3  }
0xa9: {  	[dreg:$0x3] =	wrdreg s5  }
0xaa: {  	[dreg:$0x4] =	wrdreg $0xC0  }
0xab: {  	_ =	task [dreg:s7], $0x5FFFF  }
0xac: {  	[dreg:$0x1] =	wrdreg $0xFFFFFFFF  }
0xad: {  	[dreg:$0x0] =	wrdreg $0x60  }
0xae: {  	[dreg:$0x2] =	wrdreg s2  }
0xaf: {  	[dreg:$0x3] =	wrdreg s24  }
0xb0: {  	[dreg:$0x4] =	wrdreg $0x29000  }
0xb1: {  	[dreg:$0x5] =	wrdreg $0x9  }
0xb2: {  	_ =	task.clear_ibuf [dreg:s7], $0x6FFFF;
	_ =	strace $0x9000004F  }
0xb3: {  	s29 =	simm.s32 $0x9;
	_ =	strace $0x80000051  }
0xb4: {  	_ =	swait.ge [sflag:s29], $0x1  }
0xb5: {  	[sflag:s29] =	ssyncadd.s32 $0xFFFFFFFF  }
0xb6: {  	_ =	strace $0x90000051  }
0xb7: {  	_ =	sfence  }
0xb8: {  	s30 =	sld [smem:$0x0];
	_ =	sdelay $0x2  }
0xb9: {  	s31 =	sshll.u32 s1, $0xD;
	s1 =	sshrl.u32 s1, $0x2  }
0xba: {  	s3 =	sand.u32 $0x4000, s31;
	s1 =	sadd.s32 s1, s30  }
0xbb: {  	s0 =	sor.u32 s3, s0;
	s1 =	sshll.u32 s1, $0x11  }
0xbc: {  	s0 =	sor.u32 s1, s0  }
0xbd: {  	s0 =	sadd.s32 $0x8F2B, s0  }
0xbe: {  	[sflag:s0] =	ssyncadd.remote.s32 $0x1  }
0xbf: {  	_ =	sfence.sel $0xFFFF  }
0xc0: {  	[dreg:$0x0] =	wrdreg $0xFFFFFFFF;
	(pc) =	sbr.abs _section_cstart, $3  }
0xc1: {  	[dreg:$0x1] =	wrdreg $0xFFFFFFFF  }
0xc2: {  	_ =	task.clear_ibuf [dreg:s7], $0x2FFFF;
	_ =	strace $0x9FFFFFFF  }
0xc3: {  	(tm) =	ssettm $0x7FFFFFFF  }
tec
execute0_lowered:
.L_overlay_start_1:
0x0: {  	(tag) =	ssettag $0x1  }
0x1: {  	s1 =	srdreg.scid;
	s0 =	rddreg [dreg:$0x0]  }
0x2: {  	s12 =	stileid.u32;
	s6 =	rddreg [dreg:$0x1]  }
0x3: {  	s2 =	rddreg [dreg:$0x2];
	s3 =	simm.s32 $0x0;
	s16 =	simm.s32 $0x50  }
0x4: {  	s17 =	simm.s32 $0x100;
	s18 =	simm.s32 $0x1;
	s5 =	smul.u32 $0x4E20, s12  }
0x5: {  	s4 =	sand.u32 $0x1, s1;
	s1 =	rddreg [dreg:$0x3];
	s25 =	smul.u32 $0x13800, s12  }
0x6: {  	s19 =	simm.s32 $0x0;
	[smem:$0x7FF] =	sst s3;
	s9 =	smul.u32 $0x4E000, s12  }
0x7: {  	s10 =	sadd.s32 $0x40800, s6;
	s30 =	sshll.u32 s12, $0x6;
	s15 =	sadd.s32 $0x138000, s2  }
0x8: {  	p0 =	sne.s32 s12, $0x0;
	s7 =	smul.u32 $0x2710, s4;
	_ =	strace $0x80000050  }
0x9: {  	s8 =	ssub.s32 $0x2, s4;
	s29 =	smul.u32 $0x138800, s4;
	s26 =	sshrl.u32 s25, $0x3  }
0xa: {  	s13 =	sshrl.u32 s8, $0x1;
	s28 =	sshrl.u32 s9, $0x2;
	s5 =	sadd.s32 s7, s5  }
0xb: {  	s13 =	ssub.s32 s8, s13;
	s14 =	sadd.s32 s28, s2;
	s7 =	sadd.s32 s25, s29  }
0xc: {  	s31 =	sshrl.u32 s29, $0x3;
	s5 =	sshrl.u32 s5, $0x3;
	s7 =	sshrl.u32 s7, $0x3  }
0xd: {  	s8 =	sadd.s32 s10, s31;
	s9 =	smax.u32 s13, $0x1;
	s12 =	sshrl.u32 s14, $0x3  }
0xe: {  	s13 =	simm.s32 $0x2;
	s14 =	sshrl.u32 @!p0 s15, $0x3;
	s15 =	simm.s32 $0x80  }
0xf: {  	s11 =	sadd.s32 s5, s6;
	s5 =	sadd.s32 s26, s6;
	s6 =	sadd.s32 $0x40600, s6  }
0x10: {  	s7 =	sadd.s32 s10, s7;
	s8 =	sadd.s32 $0x27000, s8;
	s4 =	sadd.s32 $0x19600, s5  }
0x11: {  	s5 =	sor.u32 $0x1C02, s30;
	s10 =	sadd.s32 $0x5A00, s11;
	s11 =	sadd.s32 $0xF800, s11  }
.LBB2_1:
0x12: {  	[spmem:s12], [sflag:s5] =	dma.local [hbm:s4], $0x2700  }
0x13: {  	_ =	swait.ge [sflag:s13], $0x2700  }
0x14: {  	[sflag:s13] =	ssyncset.done $0x0  }
0x15: {  	s20 =	simm.s32 @!p0 $0x2;
	[sflag:s13] =	ssyncadd.s32 $0xFFFFD900  }
0x16: {  	[spmem:s14], [sflag:s5] =	dma.local @!p0 [hbm:s6], $0x100  }
0x17: {  	_ =	swait.ge @!p0 [sflag:s20], $0x100  }
0x18: {  	[sflag:s20] =	ssyncset.done @!p0 $0x0  }
0x19: {  	[sflag:s20] =	ssyncadd.s32 @!p0 $0xFFFFFF00  }
0x1a: {  	s30 =	sadd.s32 $0x0, s11;
	[bflag:$0x0] =	sbarrier.arrive $0xFFFF  }
0x1b: {  	[tilespmem:s3], [sflag:$0x2] =	stream.linear.gather [hbm4b:s30+s3], $0x50, $0x38;
	[tilespmem:$0x16180] =	vst v63  }
0x1c: {  	_ =	swait.ge [sflag:s13], $0x50  }
0x1d: {  	[sflag:s13] =	ssyncset.done $0x0  }
0x1e: {  	s31 =	sadd.s32 $0x0, s10;
	[sflag:s13] =	ssyncadd.s32 $0xFFFFFFB0  }
0x1f: {  	[tilespmem:s15], [sflag:$0x2] =	stream.linear.gather [hbm4b:s31+s3], $0x50, $0x38;
	[tilespmem:$0x16180] =	vst v63  }
0x20: {  	_ =	swait.ge [sflag:s13], $0x50  }
0x21: {  	[sflag:s13] =	ssyncset.done $0x0  }
0x22: {  	[sflag:s13] =	ssyncadd.s32 $0xFFFFFFB0  }
0x23: {  	[tilespmem:s17], [sflag:$0x1] =	stream.indirect.gather [hbm4b:s0+s16], $0x80, s3, s16, $0xb8;
	[tilespmem:$0x16180] =	vst v63  }
0x24: {  	_ =	swait.ge [sflag:s18], $0x2800  }
0x25: {  	[sflag:s18] =	ssyncset.done $0x0  }
0x26: {  	[sflag:s18] =	ssyncadd.s32 $0xFFFFD800  }
0x27: {  	[spmem:s2] =	stream.indirect.scatter.add.f32 [tilespmem:s17], [sflag:$0x2], $0x80, s15, s16, $0xb8;
	[tilespmem:$0x16180] =	vst v63  }
0x28: {  	_ =	swait.ge [sflag:s13], $0x2800  }
0x29: {  	s21 =	simm.s32 $0x14;
	s20 =	simm.s32 $0xA;
	[sflag:s13] =	ssyncset.done $0x0  }
.LBB2_2:
0x2a: {  	s22 =	sadd.s32 s20, s11  }
0x2b: {  	[sflag:s13] =	ssyncadd.s32 $0xFFFFD800;
	s23 =	smov.u32 s21;
	s24 =	sadd.s32 $0xA, s21  }
0x2c: {  	[tilespmem:s3], [sflag:$0x2] =	stream.linear.gather [hbm4b:s22+s3], $0x50, $0x38;
	[tilespmem:$0x16180] =	vst v63  }
0x2d: {  	p1 =	sne.s32 s21, $0x4D8;
	_ =	swait.ge [sflag:s13], $0x50  }
0x2e: {  	[sflag:s13] =	ssyncset.done $0x0  }
0x2f: {  	s21 =	sadd.s32 s20, s10;
	s20 =	smov.u32 s23;
	[sflag:s13] =	ssyncadd.s32 $0xFFFFFFB0  }
0x30: {  	[tilespmem:s15], [sflag:$0x2] =	stream.linear.gather [hbm4b:s21+s3], $0x50, $0x38;
	[tilespmem:$0x16180] =	vst v63  }
0x31: {  	_ =	swait.ge [sflag:s13], $0x50  }
0x32: {  	[sflag:s13] =	ssyncset.done $0x0  }
0x33: {  	[sflag:s13] =	ssyncadd.s32 $0xFFFFFFB0  }
0x34: {  	[tilespmem:s17], [sflag:$0x1] =	stream.indirect.gather [hbm4b:s0+s16], $0x80, s3, s16, $0xb8;
	[tilespmem:$0x16180] =	vst v63  }
0x35: {  	_ =	swait.ge [sflag:s18], $0x2800  }
.Ltmp0:
0x36: {  	[sflag:s18] =	ssyncset.done $0x0;
	(pc) =	sbr.rel @p1 .LBB2_2-.Ltmp0, $4  }
0x37: {  	[sflag:s18] =	ssyncadd.s32 $0xFFFFD800  }
0x38: {  	[spmem:s2] =	stream.indirect.scatter.add.f32 [tilespmem:s17], [sflag:$0x2], $0x80, s15, s16, $0xb8;
	[tilespmem:$0x16180] =	vst v63  }
0x39: {  	_ =	swait.ge [sflag:s13], $0x2800  }
0x3a: {  	s21 =	smov.u32 s24;
	[sflag:s13] =	ssyncset.done $0x0  }
0x3b: {  	s21 =	sadd.s32 s20, s11;
	[sflag:s13] =	ssyncadd.s32 $0xFFFFD800  }
0x3c: {  	[tilespmem:s3], [sflag:$0x2] =	stream.linear.gather [hbm4b:s21+s3], $0x50, $0x38;
	[tilespmem:$0x16180] =	vst v63  }
0x3d: {  	_ =	swait.ge [sflag:s13], $0x50  }
0x3e: {  	[sflag:s13] =	ssyncset.done $0x0  }
0x3f: {  	s31 =	sadd.s32 s20, s10;
	[sflag:s13] =	ssyncadd.s32 $0xFFFFFFB0  }
0x40: {  	[tilespmem:s15], [sflag:$0x2] =	stream.linear.gather [hbm4b:s31+s3], $0x50, $0x38;
	[tilespmem:$0x16180] =	vst v63  }
0x41: {  	_ =	swait.ge [sflag:s13], $0x50  }
0x42: {  	[sflag:s13] =	ssyncset.done $0x0  }
0x43: {  	[sflag:s13] =	ssyncadd.s32 $0xFFFFFFB0  }
0x44: {  	[tilespmem:s17], [sflag:$0x1] =	stream.indirect.gather [hbm4b:s0+s16], $0x80, s3, s16, $0xb8;
	[tilespmem:$0x16180] =	vst v63  }
0x45: {  	_ =	swait.ge [sflag:s18], $0x2800  }
0x46: {  	[sflag:s18] =	ssyncset.done $0x0  }
0x47: {  	[sflag:s18] =	ssyncadd.s32 $0xFFFFD800  }
0x48: {  	[spmem:s2] =	stream.indirect.scatter.add.f32 [tilespmem:s17], [sflag:$0x2], $0x80, s15, s16, $0xb8;
	[tilespmem:$0x16180] =	vst v63  }
0x49: {  	_ =	swait.ge [sflag:s13], $0x2800  }
0x4a: {  	[sflag:s13] =	ssyncset.done $0x0  }
0x4b: {  	[sflag:s13] =	ssyncadd.s32 $0xFFFFD800  }
0x4c: {  	[bflag:$0x0] =	sbarrier.arrive $0xFFFF  }
0x4d: {  	[hbm:s7], [sflag:s5] =	dma.local [spmem:s12], $0x2700  }
0x4e: {  	s19 =	sadd.s32 $0x1, s19;
	_ =	swait.ge [sflag:s13], $0x2700  }
0x4f: {  	p1 =	sne.s32 s19, s9;
	[sflag:s13] =	ssyncset.done $0x0  }
.Ltmp1:
0x50: {  	s20 =	simm.s32 @!p0 $0x2;
	[sflag:s13] =	ssyncadd.s32 $0xFFFFD900;
	(pc) =	sbr.rel @p1 .LBB2_1-.Ltmp1, $4  }
0x51: {  	[hbm:s8], [sflag:s5] =	dma.local @!p0 [spmem:s14], $0x100  }
0x52: {  	_ =	swait.ge @!p0 [sflag:s20], $0x100  }
0x53: {  	[sflag:s20] =	ssyncset.done @!p0 $0x0  }
0x54: {  	[sflag:s20] =	ssyncadd.s32 @!p0 $0xFFFFFF00  }
0x55: {  	_ =	sfence.sel $0x180000  }
0x56: {  	[bflag:$0x0] =	sbarrier.arrive $0xFFFF  }
0x57: {  	_ =	strace $0x90000050  }
0x58: {  	s0 =	sadd.s32 @!p0 $0x100000, s1;
	[bflag:$0x2] =	sbarrier.arrive $0xFFFF  }
0x59: {  	[sflag:s0] =	ssyncadd.tile.s32 @!p0 $0x1;
	_ =	shalt  }
.Lfunc_end2:
_tile_overlayer_lowered:
.L_overlay_start_2:
0x5a: {  	(tag) =	ssettag $0x2  }
0x5b: {  	s0 =	rddreg [dreg:$0x0];
	s2 =	stileid.u32  }
0x5c: {  	s1 =	rddreg [dreg:$0x1];
	p0 =	sne.s32 s2, $0x0  }
0x5d: {  	s3 =	rddreg [dreg:$0x2];
	[bflag:$0x3] =	sbarrier.arrive $0xFFFF;
	s2 =	simm.s32 @!p0 $0x1C02  }
0x5e: {  	[timem:s3], [sflag:s2] =	dma.local @!p0 [hbm:s0], s1  }
0x5f: {  	s0 =	simm.s32 @!p0 $0x2  }
0x60: {  	_ =	swait.ge @!p0 [sflag:s0], s1  }
0x61: {  	s1 =	ssub.s32 @!p0 $0x0, s1;
	[sflag:s0] =	ssyncset.done @!p0 $0x0  }
0x62: {  	[sflag:s0] =	ssyncadd.s32 @!p0 s1  }
0x63: {  	[bflag:$0x3] =	sbarrier.arrive $0xFFFF  }
0x64: {  	_ =	shalt  }

// kernel: kernel.36.cloned.1.call-start
scs
__scs_entry_jumppad:
0x0: {  	(pc) =	sbr.rel $0x88, $3  }
0x1: {  	(tag) =	ssettag $0x0;
	lr =	simm.s32 $0x1  }
0x2: {  	[smem:$0x3F9D] =	sst lr;
	_ =	strace $0xD0000000  }
0x3: {  	_ = 	snop  }
0x4: {  	_ = 	snop  }
0x5: {  	_ = 	snop  }
0x6: {  	_ = 	snop  }
0x7: {  	_ = 	snop  }
__scs_overlays_trampoline_lowered:
0x8: {  	[smem:$0x3FAC] =	sst s0  }
0x9: {  	[smem:$0x3FAD] =	sst s1  }
0xa: {  	[smem:$0x3FAE] =	sst s2  }
0xb: {  	[smem:$0x3FAF] =	sst s3  }
0xc: {  	[smem:$0x3FB0] =	sst s4  }
0xd: {  	[smem:$0x3FB1] =	sst s5  }
0xe: {  	[smem:$0x3FB2] =	sst s6  }
0xf: {  	[smem:$0x3FB3] =	sst s7  }
0x10: {  	[smem:$0x3FB4] =	sst s8  }
0x11: {  	[smem:$0x3FB5] =	sst s9;
	s0 =	simm.s32 @!p0 $0x0  }
0x12: {  	s1 =	sld [smem:$0x3F9B];
	s0 =	simm.s32 @p0 $0x1  }
0x13: {  	[smem:$0x3FB6] =	sst s0;
	s0 =	simm.s32 @!p1 $0x0  }
0x14: {  	s2 =	sld [smem:$0x3F9A];
	s0 =	simm.s32 @p1 $0x1  }
0x15: {  	[smem:$0x3FB7] =	sst s0;
	s0 =	simm.s32 @!p2 $0x0  }
0x16: {  	s3 =	sld [smem:$0x3FDB];
	s0 =	simm.s32 @p2 $0x1  }
0x17: {  	s4 =	simm.s32 $0x1BF5;
	[smem:$0x3FB9] =	sst s0  }
0x18: {  	s0 =	sld [smem:$0x3F9C];
	_ =	swait.ge [sflag:s4], $0x0  }
0x19: {  	s7 =	sld [smem:$0x3F9D]  }
0x1a: {  	s8 =	sadd.s32 $0xFFFFE003, lr  }
0x1b: {  	s9 =	sadd.s32 $0xFFFFFEF7, lr;
	s5 =	simm.s32 $0xFFFFFFFF;
	p2 =	slt.u32 s8, $0xFFFFF086  }
0x1c: {  	p1 =	slt.u32 s9, $0xF7A;
	s5 =	simm.s32 @!p2 $0x0  }
0x1d: {  	s5 =	simm.s32 @p1 $0x1;
	p0 =	seq.s32 s7, s2  }
0x1e: {  	s7 =	smul.u32 @!p0 $0xF7A, s2;
	p2 =	seq.s32 @!p0 s5, $0x0  }
0x1f: {  	s9 =	smul.u32 $0xF7A, s1;
	s8 =	simm.s32 @!p0 $0x1BF5;
	p2 =	por !p2, p0  }
0x20: {  	[sflag:s8] =	ssyncset.s32 @!p0 $0xFFFFF086;
	s6 =	sadd.s32 @!p0 s3, s7;
	s7 =	simm.s32 @!p0 $0x108  }
0x21: {  	s3 =	sadd.s32 s3, s9;
	s6 =	sadd.s32 @!p0 $0x88, s6;
	s7 =	simm.s32 @p2 $0x1082  }
0x22: {  	[simem:s7], [sflag:s8] =	dma.local @!p0 [hbm:s6], $0xF7A  }
0x23: {  	s9 =	sor.u32 $0xD0000000, s2;
	s6 =	simm.s32 $0x108;
	_ =	swait.ge @!p0 [sflag:s8], $0x0  }
0x24: {  	s3 =	sadd.s32 $0x88, s3;
	s6 =	simm.s32 @!p1 $0x1082;
	[sflag:s4] =	ssyncset.s32 $0xFFFFF086  }
0x25: {  	[simem:s6], [sflag:s4] =	dma.local [hbm:s3], $0xF7A  }
0x26: {  	[smem:$0x3F9D] =	sst s1;
	(tag) =	ssettag s2;
	_ =	strace s9  }
0x27: {  	s1 =	sld [smem:$0x3FAD]  }
0x28: {  	s2 =	sld [smem:$0x3FAE]  }
0x29: {  	s4 =	sld [smem:$0x3FB0]  }
0x2a: {  	p0 =	seq.s32 s5, $0x0;
	s5 =	sld [smem:$0x3FB1]  }
0x2b: {  	s6 =	sld [smem:$0x3FB2]  }
0x2c: {  	s7 =	sld [smem:$0x3FB3]  }
0x2d: {  	s3 =	simm.s32 $0x108;
	s8 =	sld [smem:$0x3FB4]  }
0x2e: {  	s3 =	simm.s32 @!p0 $0x1082;
	s9 =	sld [smem:$0x3FB5]  }
0x2f: {  	lr =	sadd.s32 s0, s3;
	s0 =	sld [smem:$0x3FAC]  }
0x30: {  	s3 =	sld [smem:$0x3FAF]  }
0x31: {  	[smem:$0x3FB8] =	sst s10  }
0x32: {  	s10 =	sld [smem:$0x3FB6];
	_ =	sdelay $0x3  }
0x33: {  	p0 =	seq.s32 s10, $0x1;
	s10 =	sld [smem:$0x3FB8];
	_ =	sdelay $0x3  }
0x34: {  	[smem:$0x3FB8] =	sst s10  }
0x35: {  	s10 =	sld [smem:$0x3FB7];
	_ =	sdelay $0x3  }
0x36: {  	p1 =	seq.s32 s10, $0x1;
	s10 =	sld [smem:$0x3FB8];
	_ =	sdelay $0x3  }
0x37: {  	[smem:$0x3FB8] =	sst s10  }
0x38: {  	s10 =	sld [smem:$0x3FB9]  }
0x39: {  	_ = 	snop;
	(pc) =	sbr.ind lr, $3  }
0x3a: {  	_ = 	snop  }
0x3b: {  	_ = 	snop  }
0x3c: {  	p2 =	seq.s32 s10, $0x1;
	s10 =	sld [smem:$0x3FB8]  }
0x3d: {  	_ =	shalt  }
0x3e: {  	_ =	shalt  }
0x3f: {  	_ =	shalt  }
0x40: {  	_ =	shalt  }
0x41: {  	_ =	shalt  }
0x42: {  	_ =	shalt  }
0x43: {  	_ =	shalt  }
0x44: {  	_ =	shalt  }
0x45: {  	_ =	shalt  }
0x46: {  	_ =	shalt  }
0x47: {  	_ =	shalt  }
0x48: {  	_ =	shalt  }
0x49: {  	_ =	shalt  }
0x4a: {  	_ =	shalt  }
0x4b: {  	_ =	shalt  }
0x4c: {  	_ =	shalt  }
0x4d: {  	_ =	shalt  }
0x4e: {  	_ =	shalt  }
0x4f: {  	_ =	shalt  }
0x50: {  	_ =	shalt  }
0x51: {  	_ =	shalt  }
0x52: {  	_ =	shalt  }
0x53: {  	_ =	shalt  }
0x54: {  	_ =	shalt  }
0x55: {  	_ =	shalt  }
0x56: {  	_ =	shalt  }
0x57: {  	_ =	shalt  }
0x58: {  	_ =	shalt  }
0x59: {  	_ =	shalt  }
0x5a: {  	_ =	shalt  }
0x5b: {  	_ =	shalt  }
0x5c: {  	_ =	shalt  }
0x5d: {  	_ =	shalt  }
0x5e: {  	_ =	shalt  }
0x5f: {  	_ =	shalt  }
0x60: {  	_ =	shalt  }
0x61: {  	_ =	shalt  }
0x62: {  	_ =	shalt  }
0x63: {  	_ =	shalt  }
0x64: {  	_ =	shalt  }
0x65: {  	_ =	shalt  }
0x66: {  	_ =	shalt  }
0x67: {  	_ =	shalt  }
0x68: {  	_ =	shalt  }
0x69: {  	_ =	shalt  }
0x6a: {  	_ =	shalt  }
0x6b: {  	_ =	shalt  }
0x6c: {  	_ =	shalt  }
0x6d: {  	_ =	shalt  }
0x6e: {  	_ =	shalt  }
0x6f: {  	_ =	shalt  }
0x70: {  	_ =	shalt  }
0x71: {  	_ =	shalt  }
0x72: {  	_ =	shalt  }
0x73: {  	_ =	shalt  }
0x74: {  	_ =	shalt  }
0x75: {  	_ =	shalt  }
0x76: {  	_ =	shalt  }
0x77: {  	_ =	shalt  }
0x78: {  	_ =	shalt  }
0x79: {  	_ =	shalt  }
0x7a: {  	_ =	shalt  }
0x7b: {  	_ =	shalt  }
0x7c: {  	_ =	shalt  }
0x7d: {  	_ =	shalt  }
0x7e: {  	_ =	shalt  }
0x7f: {  	_ =	shalt  }
0x80: {  	_ =	shalt  }
0x81: {  	_ =	shalt  }
0x82: {  	_ =	shalt  }
0x83: {  	_ =	shalt  }
0x84: {  	_ =	shalt  }
0x85: {  	_ =	shalt  }
0x86: {  	_ =	shalt  }
0x87: {  	_ =	shalt  }
.Lfunc_end0:
.L_simem_size_0:
called_computation.4_lowered:
.L_overlay_start_0:
0x88: {  	s2 =	sld [smem:$0x3FD9]  }
0x89: {  	s3 =	sld [smem:$0x3FFE];
	_ =	sdelay $0x1  }
0x8a: {  	s1 =	srdreg.scid  }
0x8b: {  	s0 =	sand.u32 $0x1, s1  }
0x8c: {  	s17 =	sshll.u32 s0, $0xA;
	s2 =	sadd.s32 s3, s2  }
0x8d: {  	s2 =	sadd.s32 s2, s17  }
0x8e: {  	[smem:$0x3FC4] =	sst s2  }
0x8f: {  	_ = 	snop  }
0x90: {  	s2 =	sld [smem:$0x3FD0];
	(tm) =	ssettm $0x1  }
0x91: {  	s18 =	sld [smem:$0x3FFB];
	_ =	sdelay $0x3  }
0x92: {  	_ =	strace s18  }
0x93: {  	s3 =	sld [smem:$0x3FFC];
	_ =	sdelay $0x3  }
0x94: {  	_ =	strace s3  }
0x95: {  	s3 =	sld [smem:$0x3FFD];
	_ =	sdelay $0x3  }
0x96: {  	_ =	strace s3  }
0x97: {  	_ =	strace $0x8FFFFFFF  }
0x98: {  	s19 =	sld [smem:$0x3FDB];
	_ =	sdelay $0x1  }
0x99: {  	s4 =	simm.s32 $_scs_section_size  }
0x9a: {  	s5 =	simm.s32 $_size__tile_overlayer_lowered;
	s6 =	simm.s32 $_tile_overlayer_lowered  }
0x9b: {  	s22 =	simm.s32 $0x1BFF;
	s21 =	sshll.u32 s6, $0x1;
	s3 =	sadd.s32 s4, s19  }
0x9c: {  	s7 =	simm.s32 $0x0;
	s20 =	sshll.u32 s5, $0x1;
	s5 =	sadd.s32 s21, s3  }
0x9d: {  	[timem:s7], [sflag:s22] =	dma.local [hbm:s5], s20  }
0x9e: {  	_ =	swait.ge [sflag:s22], s20  }
0x9f: {  	s4 =	ssub.s32 $0x0, s20;
	[sflag:s22] =	ssyncset.done $0x0  }
0xa0: {  	[sflag:s22] =	ssyncadd.s32 s4;
	_ =	sdelay $0x1  }
0xa1: {  	s23 =	simm.s32 $0x1B8B  }
0xa2: {  	_ =	swait.ge [sflag:s23], $0x1  }
0xa3: {  	[sflag:s23] =	ssyncset.done $0x0  }
0xa4: {  	s25 =	simm.s32 $0x1B8E;
	s24 =	sld [smem:$0x3FFE];
	[sflag:s23] =	ssyncadd.s32 $0xFFFFFFFF  }
0xa5: {  	s26 =	simm.s32 $execute0_lowered;
	[smem:$0x3FD2] =	sst s25  }
0xa6: {  	s5 =	sshll.u32 s26, $0x1;
	_ =	strace $0x80000052;
	[dreg:$0x1] =	wrdreg $0xFFFFFFFF  }
0xa7: {  	s28 =	simm.s32 $_size_execute0_lowered;
	s3 =	sadd.s32 s3, s5;
	[dreg:$0x0] =	wrdreg $0x0  }
0xa8: {  	s5 =	sshll.u32 s28, $0x1;
	[dreg:$0x2] =	wrdreg s3  }
0xa9: {  	[dreg:$0x3] =	wrdreg s5  }
0xaa: {  	[dreg:$0x4] =	wrdreg $0xC0  }
0xab: {  	_ =	task [dreg:s7], $0x5FFFF  }
0xac: {  	[dreg:$0x1] =	wrdreg $0xFFFFFFFF  }
0xad: {  	[dreg:$0x0] =	wrdreg $0x60  }
0xae: {  	[dreg:$0x2] =	wrdreg s2  }
0xaf: {  	[dreg:$0x3] =	wrdreg s24  }
0xb0: {  	[dreg:$0x4] =	wrdreg $0x29000  }
0xb1: {  	[dreg:$0x5] =	wrdreg $0x9  }
0xb2: {  	_ =	task.clear_ibuf [dreg:s7], $0x6FFFF;
	_ =	strace $0x90000052  }
0xb3: {  	s29 =	simm.s32 $0x9;
	_ =	strace $0x80000054  }
0xb4: {  	_ =	swait.ge [sflag:s29], $0x1  }
0xb5: {  	[sflag:s29] =	ssyncadd.s32 $0xFFFFFFFF  }
0xb6: {  	_ =	strace $0x90000054  }
0xb7: {  	_ =	sfence  }
0xb8: {  	s30 =	sld [smem:$0x0];
	_ =	sdelay $0x2  }
0xb9: {  	s31 =	sshll.u32 s1, $0xD;
	s1 =	sshrl.u32 s1, $0x2  }
0xba: {  	s3 =	sand.u32 $0x4000, s31;
	s1 =	sadd.s32 s1, s30  }
0xbb: {  	s0 =	sor.u32 s3, s0;
	s1 =	sshll.u32 s1, $0x11  }
0xbc: {  	s0 =	sor.u32 s1, s0  }
0xbd: {  	s0 =	sadd.s32 $0x8F2B, s0  }
0xbe: {  	[sflag:s0] =	ssyncadd.remote.s32 $0x1  }
0xbf: {  	_ =	sfence.sel $0xFFFF  }
0xc0: {  	[dreg:$0x0] =	wrdreg $0xFFFFFFFF;
	(pc) =	sbr.abs _section_cstart, $3  }
0xc1: {  	[dreg:$0x1] =	wrdreg $0xFFFFFFFF  }
0xc2: {  	_ =	task.clear_ibuf [dreg:s7], $0x2FFFF;
	_ =	strace $0x9FFFFFFF  }
0xc3: {  	(tm) =	ssettm $0x7FFFFFFF  }
tec
execute0_lowered:
.L_overlay_start_1:
0x0: {  	(tag) =	ssettag $0x1  }
0x1: {  	s1 =	srdreg.scid;
	s0 =	rddreg [dreg:$0x0]  }
0x2: {  	s12 =	stileid.u32;
	s6 =	rddreg [dreg:$0x1]  }
0x3: {  	s2 =	rddreg [dreg:$0x2];
	s3 =	simm.s32 $0x0;
	s16 =	simm.s32 $0x50  }
0x4: {  	s17 =	simm.s32 $0x100;
	s18 =	simm.s32 $0x1;
	s5 =	smul.u32 $0x4E20, s12  }
0x5: {  	s4 =	sand.u32 $0x1, s1;
	s1 =	rddreg [dreg:$0x3];
	s25 =	smul.u32 $0x13800, s12  }
0x6: {  	s19 =	simm.s32 $0x0;
	[smem:$0x7FF] =	sst s3;
	s9 =	smul.u32 $0x4E000, s12  }
0x7: {  	s10 =	sadd.s32 $0x40800, s6;
	s30 =	sshll.u32 s12, $0x6;
	s15 =	sadd.s32 $0x138000, s2  }
0x8: {  	p0 =	sne.s32 s12, $0x0;
	s7 =	smul.u32 $0x2710, s4;
	_ =	strace $0x80000053  }
0x9: {  	s8 =	ssub.s32 $0x2, s4;
	s29 =	smul.u32 $0x138800, s4;
	s26 =	sshrl.u32 s25, $0x3  }
0xa: {  	s13 =	sshrl.u32 s8, $0x1;
	s28 =	sshrl.u32 s9, $0x2;
	s5 =	sadd.s32 s7, s5  }
0xb: {  	s13 =	ssub.s32 s8, s13;
	s14 =	sadd.s32 s28, s2;
	s7 =	sadd.s32 s25, s29  }
0xc: {  	s31 =	sshrl.u32 s29, $0x3;
	s5 =	sshrl.u32 s5, $0x3;
	s7 =	sshrl.u32 s7, $0x3  }
0xd: {  	s8 =	sadd.s32 s10, s31;
	s9 =	smax.u32 s13, $0x1;
	s12 =	sshrl.u32 s14, $0x3  }
0xe: {  	s13 =	simm.s32 $0x2;
	s14 =	sshrl.u32 @!p0 s15, $0x3;
	s15 =	simm.s32 $0x80  }
0xf: {  	s11 =	sadd.s32 s5, s6;
	s5 =	sadd.s32 s26, s6;
	s6 =	sadd.s32 $0x40600, s6  }
0x10: {  	s7 =	sadd.s32 s10, s7;
	s8 =	sadd.s32 $0x27000, s8;
	s4 =	sadd.s32 $0x19600, s5  }
0x11: {  	s5 =	sor.u32 $0x1C02, s30;
	s10 =	sadd.s32 $0x5A00, s11;
	s11 =	sadd.s32 $0xF800, s11  }
.LBB2_1:
0x12: {  	[spmem:s12], [sflag:s5] =	dma.local [hbm:s4], $0x2700  }
0x13: {  	_ =	swait.ge [sflag:s13], $0x2700  }
0x14: {  	[sflag:s13] =	ssyncset.done $0x0  }
0x15: {  	s20 =	simm.s32 @!p0 $0x2;
	[sflag:s13] =	ssyncadd.s32 $0xFFFFD900  }
0x16: {  	[spmem:s14], [sflag:s5] =	dma.local @!p0 [hbm:s6], $0x100  }
0x17: {  	_ =	swait.ge @!p0 [sflag:s20], $0x100  }
0x18: {  	[sflag:s20] =	ssyncset.done @!p0 $0x0  }
0x19: {  	[sflag:s20] =	ssyncadd.s32 @!p0 $0xFFFFFF00  }
0x1a: {  	s30 =	sadd.s32 $0x0, s11;
	[bflag:$0x0] =	sbarrier.arrive $0xFFFF  }
0x1b: {  	[tilespmem:s3], [sflag:$0x2] =	stream.linear.gather [hbm4b:s30+s3], $0x50, $0x38;
	[tilespmem:$0x16180] =	vst v63  }
0x1c: {  	_ =	swait.ge [sflag:s13], $0x50  }
0x1d: {  	[sflag:s13] =	ssyncset.done $0x0  }
0x1e: {  	s31 =	sadd.s32 $0x0, s10;
	[sflag:s13] =	ssyncadd.s32 $0xFFFFFFB0  }
0x1f: {  	[tilespmem:s15], [sflag:$0x2] =	stream.linear.gather [hbm4b:s31+s3], $0x50, $0x38;
	[tilespmem:$0x16180] =	vst v63  }
0x20: {  	_ =	swait.ge [sflag:s13], $0x50  }
0x21: {  	[sflag:s13] =	ssyncset.done $0x0  }
0x22: {  	[sflag:s13] =	ssyncadd.s32 $0xFFFFFFB0  }
0x23: {  	[tilespmem:s17], [sflag:$0x1] =	stream.indirect.gather [hbm4b:s0+s16], $0x80, s3, s16, $0xb8;
	[tilespmem:$0x16180] =	vst v63  }
0x24: {  	_ =	swait.ge [sflag:s18], $0x2800  }
0x25: {  	[sflag:s18] =	ssyncset.done $0x0  }
0x26: {  	[sflag:s18] =	ssyncadd.s32 $0xFFFFD800  }
0x27: {  	[spmem:s2] =	stream.indirect.scatter.add.f32 [tilespmem:s17], [sflag:$0x2], $0x80, s15, s16, $0xb8;
	[tilespmem:$0x16180] =	vst v63  }
0x28: {  	_ =	swait.ge [sflag:s13], $0x2800  }
0x29: {  	s21 =	simm.s32 $0x14;
	s20 =	simm.s32 $0xA;
	[sflag:s13] =	ssyncset.done $0x0  }
.LBB2_2:
0x2a: {  	s22 =	sadd.s32 s20, s11  }
0x2b: {  	[sflag:s13] =	ssyncadd.s32 $0xFFFFD800;
	s23 =	smov.u32 s21;
	s24 =	sadd.s32 $0xA, s21  }
0x2c: {  	[tilespmem:s3], [sflag:$0x2] =	stream.linear.gather [hbm4b:s22+s3], $0x50, $0x38;
	[tilespmem:$0x16180] =	vst v63  }
0x2d: {  	p1 =	sne.s32 s21, $0x4D8;
	_ =	swait.ge [sflag:s13], $0x50  }
0x2e: {  	[sflag:s13] =	ssyncset.done $0x0  }
0x2f: {  	s21 =	sadd.s32 s20, s10;
	s20 =	smov.u32 s23;
	[sflag:s13] =	ssyncadd.s32 $0xFFFFFFB0  }
0x30: {  	[tilespmem:s15], [sflag:$0x2] =	stream.linear.gather [hbm4b:s21+s3], $0x50, $0x38;
	[tilespmem:$0x16180] =	vst v63  }
0x31: {  	_ =	swait.ge [sflag:s13], $0x50  }
0x32: {  	[sflag:s13] =	ssyncset.done $0x0  }
0x33: {  	[sflag:s13] =	ssyncadd.s32 $0xFFFFFFB0  }
0x34: {  	[tilespmem:s17], [sflag:$0x1] =	stream.indirect.gather [hbm4b:s0+s16], $0x80, s3, s16, $0xb8;
	[tilespmem:$0x16180] =	vst v63  }
0x35: {  	_ =	swait.ge [sflag:s18], $0x2800  }
.Ltmp0:
0x36: {  	[sflag:s18] =	ssyncset.done $0x0;
	(pc) =	sbr.rel @p1 .LBB2_2-.Ltmp0, $4  }
0x37: {  	[sflag:s18] =	ssyncadd.s32 $0xFFFFD800  }
0x38: {  	[spmem:s2] =	stream.indirect.scatter.add.f32 [tilespmem:s17], [sflag:$0x2], $0x80, s15, s16, $0xb8;
	[tilespmem:$0x16180] =	vst v63  }
0x39: {  	_ =	swait.ge [sflag:s13], $0x2800  }
0x3a: {  	s21 =	smov.u32 s24;
	[sflag:s13] =	ssyncset.done $0x0  }
0x3b: {  	s21 =	sadd.s32 s20, s11;
	[sflag:s13] =	ssyncadd.s32 $0xFFFFD800  }
0x3c: {  	[tilespmem:s3], [sflag:$0x2] =	stream.linear.gather [hbm4b:s21+s3], $0x50, $0x38;
	[tilespmem:$0x16180] =	vst v63  }
0x3d: {  	_ =	swait.ge [sflag:s13], $0x50  }
0x3e: {  	[sflag:s13] =	ssyncset.done $0x0  }
0x3f: {  	s31 =	sadd.s32 s20, s10;
	[sflag:s13] =	ssyncadd.s32 $0xFFFFFFB0  }
0x40: {  	[tilespmem:s15], [sflag:$0x2] =	stream.linear.gather [hbm4b:s31+s3], $0x50, $0x38;
	[tilespmem:$0x16180] =	vst v63  }
0x41: {  	_ =	swait.ge [sflag:s13], $0x50  }
0x42: {  	[sflag:s13] =	ssyncset.done $0x0  }
0x43: {  	[sflag:s13] =	ssyncadd.s32 $0xFFFFFFB0  }
0x44: {  	[tilespmem:s17], [sflag:$0x1] =	stream.indirect.gather [hbm4b:s0+s16], $0x80, s3, s16, $0xb8;
	[tilespmem:$0x16180] =	vst v63  }
0x45: {  	_ =	swait.ge [sflag:s18], $0x2800  }
0x46: {  	[sflag:s18] =	ssyncset.done $0x0  }
0x47: {  	[sflag:s18] =	ssyncadd.s32 $0xFFFFD800  }
0x48: {  	[spmem:s2] =	stream.indirect.scatter.add.f32 [tilespmem:s17], [sflag:$0x2], $0x80, s15, s16, $0xb8;
	[tilespmem:$0x16180] =	vst v63  }
0x49: {  	_ =	swait.ge [sflag:s13], $0x2800  }
0x4a: {  	[sflag:s13] =	ssyncset.done $0x0  }
0x4b: {  	[sflag:s13] =	ssyncadd.s32 $0xFFFFD800  }
0x4c: {  	[bflag:$0x0] =	sbarrier.arrive $0xFFFF  }
0x4d: {  	[hbm:s7], [sflag:s5] =	dma.local [spmem:s12], $0x2700  }
0x4e: {  	s19 =	sadd.s32 $0x1, s19;
	_ =	swait.ge [sflag:s13], $0x2700  }
0x4f: {  	p1 =	sne.s32 s19, s9;
	[sflag:s13] =	ssyncset.done $0x0  }
.Ltmp1:
0x50: {  	s20 =	simm.s32 @!p0 $0x2;
	[sflag:s13] =	ssyncadd.s32 $0xFFFFD900;
	(pc) =	sbr.rel @p1 .LBB2_1-.Ltmp1, $4  }
0x51: {  	[hbm:s8], [sflag:s5] =	dma.local @!p0 [spmem:s14], $0x100  }
0x52: {  	_ =	swait.ge @!p0 [sflag:s20], $0x100  }
0x53: {  	[sflag:s20] =	ssyncset.done @!p0 $0x0  }
0x54: {  	[sflag:s20] =	ssyncadd.s32 @!p0 $0xFFFFFF00  }
0x55: {  	_ =	sfence.sel $0x180000  }
0x56: {  	[bflag:$0x0] =	sbarrier.arrive $0xFFFF  }
0x57: {  	_ =	strace $0x90000053  }
0x58: {  	s0 =	sadd.s32 @!p0 $0x100000, s1;
	[bflag:$0x2] =	sbarrier.arrive $0xFFFF  }
0x59: {  	[sflag:s0] =	ssyncadd.tile.s32 @!p0 $0x1;
	_ =	shalt  }
.Lfunc_end2:
_tile_overlayer_lowered:
.L_overlay_start_2:
0x5a: {  	(tag) =	ssettag $0x2  }
0x5b: {  	s0 =	rddreg [dreg:$0x0];
	s2 =	stileid.u32  }
0x5c: {  	s1 =	rddreg [dreg:$0x1];
	p0 =	sne.s32 s2, $0x0  }
0x5d: {  	s3 =	rddreg [dreg:$0x2];
	[bflag:$0x3] =	sbarrier.arrive $0xFFFF;
	s2 =	simm.s32 @!p0 $0x1C02  }
0x5e: {  	[timem:s3], [sflag:s2] =	dma.local @!p0 [hbm:s0], s1  }
0x5f: {  	s0 =	simm.s32 @!p0 $0x2  }
0x60: {  	_ =	swait.ge @!p0 [sflag:s0], s1  }
0x61: {  	s1 =	ssub.s32 @!p0 $0x0, s1;
	[sflag:s0] =	ssyncset.done @!p0 $0x0  }
0x62: {  	[sflag:s0] =	ssyncadd.s32 @!p0 s1  }
0x63: {  	[bflag:$0x3] =	sbarrier.arrive $0xFFFF  }
0x64: {  	_ =	shalt  }

// kernel: kernel.39.cloned.1.call-start
scs
__scs_entry_jumppad:
0x0: {  	(pc) =	sbr.rel $0x88, $3  }
0x1: {  	(tag) =	ssettag $0x0;
	lr =	simm.s32 $0x1  }
0x2: {  	[smem:$0x3F9D] =	sst lr;
	_ =	strace $0xD0000000  }
0x3: {  	_ = 	snop  }
0x4: {  	_ = 	snop  }
0x5: {  	_ = 	snop  }
0x6: {  	_ = 	snop  }
0x7: {  	_ = 	snop  }
__scs_overlays_trampoline_lowered:
0x8: {  	[smem:$0x3FAC] =	sst s0  }
0x9: {  	[smem:$0x3FAD] =	sst s1  }
0xa: {  	[smem:$0x3FAE] =	sst s2  }
0xb: {  	[smem:$0x3FAF] =	sst s3  }
0xc: {  	[smem:$0x3FB0] =	sst s4  }
0xd: {  	[smem:$0x3FB1] =	sst s5  }
0xe: {  	[smem:$0x3FB2] =	sst s6  }
0xf: {  	[smem:$0x3FB3] =	sst s7  }
0x10: {  	[smem:$0x3FB4] =	sst s8  }
0x11: {  	[smem:$0x3FB5] =	sst s9;
	s0 =	simm.s32 @!p0 $0x0  }
0x12: {  	s1 =	sld [smem:$0x3F9B];
	s0 =	simm.s32 @p0 $0x1  }
0x13: {  	[smem:$0x3FB6] =	sst s0;
	s0 =	simm.s32 @!p1 $0x0  }
0x14: {  	s2 =	sld [smem:$0x3F9A];
	s0 =	simm.s32 @p1 $0x1  }
0x15: {  	[smem:$0x3FB7] =	sst s0;
	s0 =	simm.s32 @!p2 $0x0  }
0x16: {  	s3 =	sld [smem:$0x3FDB];
	s0 =	simm.s32 @p2 $0x1  }
0x17: {  	s4 =	simm.s32 $0x1BF5;
	[smem:$0x3FB9] =	sst s0  }
0x18: {  	s0 =	sld [smem:$0x3F9C];
	_ =	swait.ge [sflag:s4], $0x0  }
0x19: {  	s7 =	sld [smem:$0x3F9D]  }
0x1a: {  	s8 =	sadd.s32 $0xFFFFE003, lr  }
0x1b: {  	s9 =	sadd.s32 $0xFFFFFEF7, lr;
	s5 =	simm.s32 $0xFFFFFFFF;
	p2 =	slt.u32 s8, $0xFFFFF086  }
0x1c: {  	p1 =	slt.u32 s9, $0xF7A;
	s5 =	simm.s32 @!p2 $0x0  }
0x1d: {  	s5 =	simm.s32 @p1 $0x1;
	p0 =	seq.s32 s7, s2  }
0x1e: {  	s7 =	smul.u32 @!p0 $0xF7A, s2;
	p2 =	seq.s32 @!p0 s5, $0x0  }
0x1f: {  	s9 =	smul.u32 $0xF7A, s1;
	s8 =	simm.s32 @!p0 $0x1BF5;
	p2 =	por !p2, p0  }
0x20: {  	[sflag:s8] =	ssyncset.s32 @!p0 $0xFFFFF086;
	s6 =	sadd.s32 @!p0 s3, s7;
	s7 =	simm.s32 @!p0 $0x108  }
0x21: {  	s3 =	sadd.s32 s3, s9;
	s6 =	sadd.s32 @!p0 $0x88, s6;
	s7 =	simm.s32 @p2 $0x1082  }
0x22: {  	[simem:s7], [sflag:s8] =	dma.local @!p0 [hbm:s6], $0xF7A  }
0x23: {  	s9 =	sor.u32 $0xD0000000, s2;
	s6 =	simm.s32 $0x108;
	_ =	swait.ge @!p0 [sflag:s8], $0x0  }
0x24: {  	s3 =	sadd.s32 $0x88, s3;
	s6 =	simm.s32 @!p1 $0x1082;
	[sflag:s4] =	ssyncset.s32 $0xFFFFF086  }
0x25: {  	[simem:s6], [sflag:s4] =	dma.local [hbm:s3], $0xF7A  }
0x26: {  	[smem:$0x3F9D] =	sst s1;
	(tag) =	ssettag s2;
	_ =	strace s9  }
0x27: {  	s1 =	sld [smem:$0x3FAD]  }
0x28: {  	s2 =	sld [smem:$0x3FAE]  }
0x29: {  	s4 =	sld [smem:$0x3FB0]  }
0x2a: {  	p0 =	seq.s32 s5, $0x0;
	s5 =	sld [smem:$0x3FB1]  }
0x2b: {  	s6 =	sld [smem:$0x3FB2]  }
0x2c: {  	s7 =	sld [smem:$0x3FB3]  }
0x2d: {  	s3 =	simm.s32 $0x108;
	s8 =	sld [smem:$0x3FB4]  }
0x2e: {  	s3 =	simm.s32 @!p0 $0x1082;
	s9 =	sld [smem:$0x3FB5]  }
0x2f: {  	lr =	sadd.s32 s0, s3;
	s0 =	sld [smem:$0x3FAC]  }
0x30: {  	s3 =	sld [smem:$0x3FAF]  }
0x31: {  	[smem:$0x3FB8] =	sst s10  }
0x32: {  	s10 =	sld [smem:$0x3FB6];
	_ =	sdelay $0x3  }
0x33: {  	p0 =	seq.s32 s10, $0x1;
	s10 =	sld [smem:$0x3FB8];
	_ =	sdelay $0x3  }
0x34: {  	[smem:$0x3FB8] =	sst s10  }
0x35: {  	s10 =	sld [smem:$0x3FB7];
	_ =	sdelay $0x3  }
0x36: {  	p1 =	seq.s32 s10, $0x1;
	s10 =	sld [smem:$0x3FB8];
	_ =	sdelay $0x3  }
0x37: {  	[smem:$0x3FB8] =	sst s10  }
0x38: {  	s10 =	sld [smem:$0x3FB9]  }
0x39: {  	_ = 	snop;
	(pc) =	sbr.ind lr, $3  }
0x3a: {  	_ = 	snop  }
0x3b: {  	_ = 	snop  }
0x3c: {  	p2 =	seq.s32 s10, $0x1;
	s10 =	sld [smem:$0x3FB8]  }
0x3d: {  	_ =	shalt  }
0x3e: {  	_ =	shalt  }
0x3f: {  	_ =	shalt  }
0x40: {  	_ =	shalt  }
0x41: {  	_ =	shalt  }
0x42: {  	_ =	shalt  }
0x43: {  	_ =	shalt  }
0x44: {  	_ =	shalt  }
0x45: {  	_ =	shalt  }
0x46: {  	_ =	shalt  }
0x47: {  	_ =	shalt  }
0x48: {  	_ =	shalt  }
0x49: {  	_ =	shalt  }
0x4a: {  	_ =	shalt  }
0x4b: {  	_ =	shalt  }
0x4c: {  	_ =	shalt  }
0x4d: {  	_ =	shalt  }
0x4e: {  	_ =	shalt  }
0x4f: {  	_ =	shalt  }
0x50: {  	_ =	shalt  }
0x51: {  	_ =	shalt  }
0x52: {  	_ =	shalt  }
0x53: {  	_ =	shalt  }
0x54: {  	_ =	shalt  }
0x55: {  	_ =	shalt  }
0x56: {  	_ =	shalt  }
0x57: {  	_ =	shalt  }
0x58: {  	_ =	shalt  }
0x59: {  	_ =	shalt  }
0x5a: {  	_ =	shalt  }
0x5b: {  	_ =	shalt  }
0x5c: {  	_ =	shalt  }
0x5d: {  	_ =	shalt  }
0x5e: {  	_ =	shalt  }
0x5f: {  	_ =	shalt  }
0x60: {  	_ =	shalt  }
0x61: {  	_ =	shalt  }
0x62: {  	_ =	shalt  }
0x63: {  	_ =	shalt  }
0x64: {  	_ =	shalt  }
0x65: {  	_ =	shalt  }
0x66: {  	_ =	shalt  }
0x67: {  	_ =	shalt  }
0x68: {  	_ =	shalt  }
0x69: {  	_ =	shalt  }
0x6a: {  	_ =	shalt  }
0x6b: {  	_ =	shalt  }
0x6c: {  	_ =	shalt  }
0x6d: {  	_ =	shalt  }
0x6e: {  	_ =	shalt  }
0x6f: {  	_ =	shalt  }
0x70: {  	_ =	shalt  }
0x71: {  	_ =	shalt  }
0x72: {  	_ =	shalt  }
0x73: {  	_ =	shalt  }
0x74: {  	_ =	shalt  }
0x75: {  	_ =	shalt  }
0x76: {  	_ =	shalt  }
0x77: {  	_ =	shalt  }
0x78: {  	_ =	shalt  }
0x79: {  	_ =	shalt  }
0x7a: {  	_ =	shalt  }
0x7b: {  	_ =	shalt  }
0x7c: {  	_ =	shalt  }
0x7d: {  	_ =	shalt  }
0x7e: {  	_ =	shalt  }
0x7f: {  	_ =	shalt  }
0x80: {  	_ =	shalt  }
0x81: {  	_ =	shalt  }
0x82: {  	_ =	shalt  }
0x83: {  	_ =	shalt  }
0x84: {  	_ =	shalt  }
0x85: {  	_ =	shalt  }
0x86: {  	_ =	shalt  }
0x87: {  	_ =	shalt  }
.Lfunc_end0:
.L_simem_size_0:
called_computation.5_lowered:
.L_overlay_start_0:
0x88: {  	s2 =	sld [smem:$0x3FD9]  }
0x89: {  	s3 =	sld [smem:$0x3FFE];
	_ =	sdelay $0x1  }
0x8a: {  	s1 =	srdreg.scid  }
0x8b: {  	s0 =	sand.u32 $0x1, s1  }
0x8c: {  	s17 =	sshll.u32 s0, $0xA;
	s2 =	sadd.s32 s3, s2  }
0x8d: {  	s2 =	sadd.s32 s2, s17  }
0x8e: {  	[smem:$0x3FC4] =	sst s2  }
0x8f: {  	_ = 	snop  }
0x90: {  	s2 =	sld [smem:$0x3FD0];
	(tm) =	ssettm $0x1  }
0x91: {  	s18 =	sld [smem:$0x3FFB];
	_ =	sdelay $0x3  }
0x92: {  	_ =	strace s18  }
0x93: {  	s3 =	sld [smem:$0x3FFC];
	_ =	sdelay $0x3  }
0x94: {  	_ =	strace s3  }
0x95: {  	s3 =	sld [smem:$0x3FFD];
	_ =	sdelay $0x3  }
0x96: {  	_ =	strace s3  }
0x97: {  	_ =	strace $0x8FFFFFFF  }
0x98: {  	s19 =	sld [smem:$0x3FDB];
	_ =	sdelay $0x1  }
0x99: {  	s4 =	simm.s32 $_scs_section_size  }
0x9a: {  	s5 =	simm.s32 $_size__tile_overlayer_lowered;
	s6 =	simm.s32 $_tile_overlayer_lowered  }
0x9b: {  	s22 =	simm.s32 $0x1BFF;
	s21 =	sshll.u32 s6, $0x1;
	s3 =	sadd.s32 s4, s19  }
0x9c: {  	s7 =	simm.s32 $0x0;
	s20 =	sshll.u32 s5, $0x1;
	s5 =	sadd.s32 s21, s3  }
0x9d: {  	[timem:s7], [sflag:s22] =	dma.local [hbm:s5], s20  }
0x9e: {  	_ =	swait.ge [sflag:s22], s20  }
0x9f: {  	s4 =	ssub.s32 $0x0, s20;
	[sflag:s22] =	ssyncset.done $0x0  }
0xa0: {  	[sflag:s22] =	ssyncadd.s32 s4;
	_ =	sdelay $0x1  }
0xa1: {  	s23 =	simm.s32 $0x1B8B  }
0xa2: {  	_ =	swait.ge [sflag:s23], $0x1  }
0xa3: {  	[sflag:s23] =	ssyncset.done $0x0  }
0xa4: {  	s25 =	simm.s32 $0x1B8E;
	s24 =	sld [smem:$0x3FFE];
	[sflag:s23] =	ssyncadd.s32 $0xFFFFFFFF  }
0xa5: {  	s26 =	simm.s32 $execute0_lowered;
	[smem:$0x3FD2] =	sst s25  }
0xa6: {  	s5 =	sshll.u32 s26, $0x1;
	_ =	strace $0x80000055;
	[dreg:$0x1] =	wrdreg $0xFFFFFFFF  }
0xa7: {  	s28 =	simm.s32 $_size_execute0_lowered;
	s3 =	sadd.s32 s3, s5;
	[dreg:$0x0] =	wrdreg $0x0  }
0xa8: {  	s5 =	sshll.u32 s28, $0x1;
	[dreg:$0x2] =	wrdreg s3  }
0xa9: {  	[dreg:$0x3] =	wrdreg s5  }
0xaa: {  	[dreg:$0x4] =	wrdreg $0xC0  }
0xab: {  	_ =	task [dreg:s7], $0x5FFFF  }
0xac: {  	[dreg:$0x1] =	wrdreg $0xFFFFFFFF  }
0xad: {  	[dreg:$0x0] =	wrdreg $0x60  }
0xae: {  	[dreg:$0x2] =	wrdreg s2  }
0xaf: {  	[dreg:$0x3] =	wrdreg s24  }
0xb0: {  	[dreg:$0x4] =	wrdreg $0x29000  }
0xb1: {  	[dreg:$0x5] =	wrdreg $0x9  }
0xb2: {  	_ =	task.clear_ibuf [dreg:s7], $0x6FFFF;
	_ =	strace $0x90000055  }
0xb3: {  	s29 =	simm.s32 $0x9;
	_ =	strace $0x80000057  }
0xb4: {  	_ =	swait.ge [sflag:s29], $0x1  }
0xb5: {  	[sflag:s29] =	ssyncadd.s32 $0xFFFFFFFF  }
0xb6: {  	_ =	strace $0x90000057  }
0xb7: {  	_ =	sfence  }
0xb8: {  	s30 =	sld [smem:$0x0];
	_ =	sdelay $0x2  }
0xb9: {  	s31 =	sshll.u32 s1, $0xD;
	s1 =	sshrl.u32 s1, $0x2  }
0xba: {  	s3 =	sand.u32 $0x4000, s31;
	s1 =	sadd.s32 s1, s30  }
0xbb: {  	s0 =	sor.u32 s3, s0;
	s1 =	sshll.u32 s1, $0x11  }
0xbc: {  	s0 =	sor.u32 s1, s0  }
0xbd: {  	s0 =	sadd.s32 $0x8F2B, s0  }
0xbe: {  	[sflag:s0] =	ssyncadd.remote.s32 $0x1  }
0xbf: {  	_ =	sfence.sel $0xFFFF  }
0xc0: {  	[dreg:$0x0] =	wrdreg $0xFFFFFFFF;
	(pc) =	sbr.abs _section_cstart, $3  }
0xc1: {  	[dreg:$0x1] =	wrdreg $0xFFFFFFFF  }
0xc2: {  	_ =	task.clear_ibuf [dreg:s7], $0x2FFFF;
	_ =	strace $0x9FFFFFFF  }
0xc3: {  	(tm) =	ssettm $0x7FFFFFFF  }
tec
execute0_lowered:
.L_overlay_start_1:
0x0: {  	(tag) =	ssettag $0x1  }
0x1: {  	s1 =	srdreg.scid;
	s0 =	rddreg [dreg:$0x0]  }
0x2: {  	s12 =	stileid.u32;
	s6 =	rddreg [dreg:$0x1]  }
0x3: {  	s2 =	rddreg [dreg:$0x2];
	s3 =	simm.s32 $0x0;
	s16 =	simm.s32 $0x50  }
0x4: {  	s17 =	simm.s32 $0x100;
	s18 =	simm.s32 $0x1;
	s5 =	smul.u32 $0x4E20, s12  }
0x5: {  	s4 =	sand.u32 $0x1, s1;
	s1 =	rddreg [dreg:$0x3];
	s25 =	smul.u32 $0x13800, s12  }
0x6: {  	s19 =	simm.s32 $0x0;
	[smem:$0x7FF] =	sst s3;
	s9 =	smul.u32 $0x4E000, s12  }
0x7: {  	s10 =	sadd.s32 $0x40800, s6;
	s30 =	sshll.u32 s12, $0x6;
	s15 =	sadd.s32 $0x138000, s2  }
0x8: {  	p0 =	sne.s32 s12, $0x0;
	s7 =	smul.u32 $0x2710, s4;
	_ =	strace $0x80000056  }
0x9: {  	s8 =	ssub.s32 $0x2, s4;
	s29 =	smul.u32 $0x138800, s4;
	s26 =	sshrl.u32 s25, $0x3  }
0xa: {  	s13 =	sshrl.u32 s8, $0x1;
	s28 =	sshrl.u32 s9, $0x2;
	s5 =	sadd.s32 s7, s5  }
0xb: {  	s13 =	ssub.s32 s8, s13;
	s14 =	sadd.s32 s28, s2;
	s7 =	sadd.s32 s25, s29  }
0xc: {  	s31 =	sshrl.u32 s29, $0x3;
	s5 =	sshrl.u32 s5, $0x3;
	s7 =	sshrl.u32 s7, $0x3  }
0xd: {  	s8 =	sadd.s32 s10, s31;
	s9 =	smax.u32 s13, $0x1;
	s12 =	sshrl.u32 s14, $0x3  }
0xe: {  	s13 =	simm.s32 $0x2;
	s14 =	sshrl.u32 @!p0 s15, $0x3;
	s15 =	simm.s32 $0x80  }
0xf: {  	s11 =	sadd.s32 s5, s6;
	s5 =	sadd.s32 s26, s6;
	s6 =	sadd.s32 $0x40600, s6  }
0x10: {  	s7 =	sadd.s32 s10, s7;
	s8 =	sadd.s32 $0x27000, s8;
	s4 =	sadd.s32 $0x19600, s5  }
0x11: {  	s5 =	sor.u32 $0x1C02, s30;
	s10 =	sadd.s32 $0x5A00, s11;
	s11 =	sadd.s32 $0xF800, s11  }
.LBB2_1:
0x12: {  	[spmem:s12], [sflag:s5] =	dma.local [hbm:s4], $0x2700  }
0x13: {  	_ =	swait.ge [sflag:s13], $0x2700  }
0x14: {  	[sflag:s13] =	ssyncset.done $0x0  }
0x15: {  	s20 =	simm.s32 @!p0 $0x2;
	[sflag:s13] =	ssyncadd.s32 $0xFFFFD900  }
0x16: {  	[spmem:s14], [sflag:s5] =	dma.local @!p0 [hbm:s6], $0x100  }
0x17: {  	_ =	swait.ge @!p0 [sflag:s20], $0x100  }
0x18: {  	[sflag:s20] =	ssyncset.done @!p0 $0x0  }
0x19: {  	[sflag:s20] =	ssyncadd.s32 @!p0 $0xFFFFFF00  }
0x1a: {  	s30 =	sadd.s32 $0x0, s11;
	[bflag:$0x0] =	sbarrier.arrive $0xFFFF  }
0x1b: {  	[tilespmem:s3], [sflag:$0x2] =	stream.linear.gather [hbm4b:s30+s3], $0x50, $0x38;
	[tilespmem:$0x16180] =	vst v63  }
0x1c: {  	_ =	swait.ge [sflag:s13], $0x50  }
0x1d: {  	[sflag:s13] =	ssyncset.done $0x0  }
0x1e: {  	s31 =	sadd.s32 $0x0, s10;
	[sflag:s13] =	ssyncadd.s32 $0xFFFFFFB0  }
0x1f: {  	[tilespmem:s15], [sflag:$0x2] =	stream.linear.gather [hbm4b:s31+s3], $0x50, $0x38;
	[tilespmem:$0x16180] =	vst v63  }
0x20: {  	_ =	swait.ge [sflag:s13], $0x50  }
0x21: {  	[sflag:s13] =	ssyncset.done $0x0  }
0x22: {  	[sflag:s13] =	ssyncadd.s32 $0xFFFFFFB0  }
0x23: {  	[tilespmem:s17], [sflag:$0x1] =	stream.indirect.gather [hbm4b:s0+s16], $0x80, s3, s16, $0xb8;
	[tilespmem:$0x16180] =	vst v63  }
0x24: {  	_ =	swait.ge [sflag:s18], $0x2800  }
0x25: {  	[sflag:s18] =	ssyncset.done $0x0  }
0x26: {  	[sflag:s18] =	ssyncadd.s32 $0xFFFFD800  }
0x27: {  	[spmem:s2] =	stream.indirect.scatter.add.f32 [tilespmem:s17], [sflag:$0x2], $0x80, s15, s16, $0xb8;
	[tilespmem:$0x16180] =	vst v63  }
0x28: {  	_ =	swait.ge [sflag:s13], $0x2800  }
0x29: {  	s21 =	simm.s32 $0x14;
	s20 =	simm.s32 $0xA;
	[sflag:s13] =	ssyncset.done $0x0  }
.LBB2_2:
0x2a: {  	s22 =	sadd.s32 s20, s11  }
0x2b: {  	[sflag:s13] =	ssyncadd.s32 $0xFFFFD800;
	s23 =	smov.u32 s21;
	s24 =	sadd.s32 $0xA, s21  }
0x2c: {  	[tilespmem:s3], [sflag:$0x2] =	stream.linear.gather [hbm4b:s22+s3], $0x50, $0x38;
	[tilespmem:$0x16180] =	vst v63  }
0x2d: {  	p1 =	sne.s32 s21, $0x4D8;
	_ =	swait.ge [sflag:s13], $0x50  }
0x2e: {  	[sflag:s13] =	ssyncset.done $0x0  }
0x2f: {  	s21 =	sadd.s32 s20, s10;
	s20 =	smov.u32 s23;
	[sflag:s13] =	ssyncadd.s32 $0xFFFFFFB0  }
0x30: {  	[tilespmem:s15], [sflag:$0x2] =	stream.linear.gather [hbm4b:s21+s3], $0x50, $0x38;
	[tilespmem:$0x16180] =	vst v63  }
0x31: {  	_ =	swait.ge [sflag:s13], $0x50  }
0x32: {  	[sflag:s13] =	ssyncset.done $0x0  }
0x33: {  	[sflag:s13] =	ssyncadd.s32 $0xFFFFFFB0  }
0x34: {  	[tilespmem:s17], [sflag:$0x1] =	stream.indirect.gather [hbm4b:s0+s16], $0x80, s3, s16, $0xb8;
	[tilespmem:$0x16180] =	vst v63  }
0x35: {  	_ =	swait.ge [sflag:s18], $0x2800  }
.Ltmp0:
0x36: {  	[sflag:s18] =	ssyncset.done $0x0;
	(pc) =	sbr.rel @p1 .LBB2_2-.Ltmp0, $4  }
0x37: {  	[sflag:s18] =	ssyncadd.s32 $0xFFFFD800  }
0x38: {  	[spmem:s2] =	stream.indirect.scatter.add.f32 [tilespmem:s17], [sflag:$0x2], $0x80, s15, s16, $0xb8;
	[tilespmem:$0x16180] =	vst v63  }
0x39: {  	_ =	swait.ge [sflag:s13], $0x2800  }
0x3a: {  	s21 =	smov.u32 s24;
	[sflag:s13] =	ssyncset.done $0x0  }
0x3b: {  	s21 =	sadd.s32 s20, s11;
	[sflag:s13] =	ssyncadd.s32 $0xFFFFD800  }
0x3c: {  	[tilespmem:s3], [sflag:$0x2] =	stream.linear.gather [hbm4b:s21+s3], $0x50, $0x38;
	[tilespmem:$0x16180] =	vst v63  }
0x3d: {  	_ =	swait.ge [sflag:s13], $0x50  }
0x3e: {  	[sflag:s13] =	ssyncset.done $0x0  }
0x3f: {  	s31 =	sadd.s32 s20, s10;
	[sflag:s13] =	ssyncadd.s32 $0xFFFFFFB0  }
0x40: {  	[tilespmem:s15], [sflag:$0x2] =	stream.linear.gather [hbm4b:s31+s3], $0x50, $0x38;
	[tilespmem:$0x16180] =	vst v63  }
0x41: {  	_ =	swait.ge [sflag:s13], $0x50  }
0x42: {  	[sflag:s13] =	ssyncset.done $0x0  }
0x43: {  	[sflag:s13] =	ssyncadd.s32 $0xFFFFFFB0  }
0x44: {  	[tilespmem:s17], [sflag:$0x1] =	stream.indirect.gather [hbm4b:s0+s16], $0x80, s3, s16, $0xb8;
	[tilespmem:$0x16180] =	vst v63  }
0x45: {  	_ =	swait.ge [sflag:s18], $0x2800  }
0x46: {  	[sflag:s18] =	ssyncset.done $0x0  }
0x47: {  	[sflag:s18] =	ssyncadd.s32 $0xFFFFD800  }
0x48: {  	[spmem:s2] =	stream.indirect.scatter.add.f32 [tilespmem:s17], [sflag:$0x2], $0x80, s15, s16, $0xb8;
	[tilespmem:$0x16180] =	vst v63  }
0x49: {  	_ =	swait.ge [sflag:s13], $0x2800  }
0x4a: {  	[sflag:s13] =	ssyncset.done $0x0  }
0x4b: {  	[sflag:s13] =	ssyncadd.s32 $0xFFFFD800  }
0x4c: {  	[bflag:$0x0] =	sbarrier.arrive $0xFFFF  }
0x4d: {  	[hbm:s7], [sflag:s5] =	dma.local [spmem:s12], $0x2700  }
0x4e: {  	s19 =	sadd.s32 $0x1, s19;
	_ =	swait.ge [sflag:s13], $0x2700  }
0x4f: {  	p1 =	sne.s32 s19, s9;
	[sflag:s13] =	ssyncset.done $0x0  }
.Ltmp1:
0x50: {  	s20 =	simm.s32 @!p0 $0x2;
	[sflag:s13] =	ssyncadd.s32 $0xFFFFD900;
	(pc) =	sbr.rel @p1 .LBB2_1-.Ltmp1, $4  }
0x51: {  	[hbm:s8], [sflag:s5] =	dma.local @!p0 [spmem:s14], $0x100  }
0x52: {  	_ =	swait.ge @!p0 [sflag:s20], $0x100  }
0x53: {  	[sflag:s20] =	ssyncset.done @!p0 $0x0  }
0x54: {  	[sflag:s20] =	ssyncadd.s32 @!p0 $0xFFFFFF00  }
0x55: {  	_ =	sfence.sel $0x180000  }
0x56: {  	[bflag:$0x0] =	sbarrier.arrive $0xFFFF  }
0x57: {  	_ =	strace $0x90000056  }
0x58: {  	s0 =	sadd.s32 @!p0 $0x100000, s1;
	[bflag:$0x2] =	sbarrier.arrive $0xFFFF  }
0x59: {  	[sflag:s0] =	ssyncadd.tile.s32 @!p0 $0x1;
	_ =	shalt  }
.Lfunc_end2:
_tile_overlayer_lowered:
.L_overlay_start_2:
0x5a: {  	(tag) =	ssettag $0x2  }
0x5b: {  	s0 =	rddreg [dreg:$0x0];
	s2 =	stileid.u32  }
0x5c: {  	s1 =	rddreg [dreg:$0x1];
	p0 =	sne.s32 s2, $0x0  }
0x5d: {  	s3 =	rddreg [dreg:$0x2];
	[bflag:$0x3] =	sbarrier.arrive $0xFFFF;
	s2 =	simm.s32 @!p0 $0x1C02  }
0x5e: {  	[timem:s3], [sflag:s2] =	dma.local @!p0 [hbm:s0], s1  }
0x5f: {  	s0 =	simm.s32 @!p0 $0x2  }
0x60: {  	_ =	swait.ge @!p0 [sflag:s0], s1  }
0x61: {  	s1 =	ssub.s32 @!p0 $0x0, s1;
	[sflag:s0] =	ssyncset.done @!p0 $0x0  }
0x62: {  	[sflag:s0] =	ssyncadd.s32 @!p0 s1  }
0x63: {  	[bflag:$0x3] =	sbarrier.arrive $0xFFFF  }
0x64: {  	_ =	shalt  }

// kernel: kernel.42.cloned.1.call-start
scs
__scs_entry_jumppad:
0x0: {  	(pc) =	sbr.rel $0x88, $3  }
0x1: {  	(tag) =	ssettag $0x0;
	lr =	simm.s32 $0x1  }
0x2: {  	[smem:$0x3F9D] =	sst lr;
	_ =	strace $0xD0000000  }
0x3: {  	_ = 	snop  }
0x4: {  	_ = 	snop  }
0x5: {  	_ = 	snop  }
0x6: {  	_ = 	snop  }
0x7: {  	_ = 	snop  }
__scs_overlays_trampoline_lowered:
0x8: {  	[smem:$0x3FAC] =	sst s0  }
0x9: {  	[smem:$0x3FAD] =	sst s1  }
0xa: {  	[smem:$0x3FAE] =	sst s2  }
0xb: {  	[smem:$0x3FAF] =	sst s3  }
0xc: {  	[smem:$0x3FB0] =	sst s4  }
0xd: {  	[smem:$0x3FB1] =	sst s5  }
0xe: {  	[smem:$0x3FB2] =	sst s6  }
0xf: {  	[smem:$0x3FB3] =	sst s7  }
0x10: {  	[smem:$0x3FB4] =	sst s8  }
0x11: {  	[smem:$0x3FB5] =	sst s9;
	s0 =	simm.s32 @!p0 $0x0  }
0x12: {  	s1 =	sld [smem:$0x3F9B];
	s0 =	simm.s32 @p0 $0x1  }
0x13: {  	[smem:$0x3FB6] =	sst s0;
	s0 =	simm.s32 @!p1 $0x0  }
0x14: {  	s2 =	sld [smem:$0x3F9A];
	s0 =	simm.s32 @p1 $0x1  }
0x15: {  	[smem:$0x3FB7] =	sst s0;
	s0 =	simm.s32 @!p2 $0x0  }
0x16: {  	s3 =	sld [smem:$0x3FDB];
	s0 =	simm.s32 @p2 $0x1  }
0x17: {  	s4 =	simm.s32 $0x1BF5;
	[smem:$0x3FB9] =	sst s0  }
0x18: {  	s0 =	sld [smem:$0x3F9C];
	_ =	swait.ge [sflag:s4], $0x0  }
0x19: {  	s7 =	sld [smem:$0x3F9D]  }
0x1a: {  	s8 =	sadd.s32 $0xFFFFE003, lr  }
0x1b: {  	s9 =	sadd.s32 $0xFFFFFEF7, lr;
	s5 =	simm.s32 $0xFFFFFFFF;
	p2 =	slt.u32 s8, $0xFFFFF086  }
0x1c: {  	p1 =	slt.u32 s9, $0xF7A;
	s5 =	simm.s32 @!p2 $0x0  }
0x1d: {  	s5 =	simm.s32 @p1 $0x1;
	p0 =	seq.s32 s7, s2  }
0x1e: {  	s7 =	smul.u32 @!p0 $0xF7A, s2;
	p2 =	seq.s32 @!p0 s5, $0x0  }
0x1f: {  	s9 =	smul.u32 $0xF7A, s1;
	s8 =	simm.s32 @!p0 $0x1BF5;
	p2 =	por !p2, p0  }
0x20: {  	[sflag:s8] =	ssyncset.s32 @!p0 $0xFFFFF086;
	s6 =	sadd.s32 @!p0 s3, s7;
	s7 =	simm.s32 @!p0 $0x108  }
0x21: {  	s3 =	sadd.s32 s3, s9;
	s6 =	sadd.s32 @!p0 $0x88, s6;
	s7 =	simm.s32 @p2 $0x1082  }
0x22: {  	[simem:s7], [sflag:s8] =	dma.local @!p0 [hbm:s6], $0xF7A  }
0x23: {  	s9 =	sor.u32 $0xD0000000, s2;
	s6 =	simm.s32 $0x108;
	_ =	swait.ge @!p0 [sflag:s8], $0x0  }
0x24: {  	s3 =	sadd.s32 $0x88, s3;
	s6 =	simm.s32 @!p1 $0x1082;
	[sflag:s4] =	ssyncset.s32 $0xFFFFF086  }
0x25: {  	[simem:s6], [sflag:s4] =	dma.local [hbm:s3], $0xF7A  }
0x26: {  	[smem:$0x3F9D] =	sst s1;
	(tag) =	ssettag s2;
	_ =	strace s9  }
0x27: {  	s1 =	sld [smem:$0x3FAD]  }
0x28: {  	s2 =	sld [smem:$0x3FAE]  }
0x29: {  	s4 =	sld [smem:$0x3FB0]  }
0x2a: {  	p0 =	seq.s32 s5, $0x0;
	s5 =	sld [smem:$0x3FB1]  }
0x2b: {  	s6 =	sld [smem:$0x3FB2]  }
0x2c: {  	s7 =	sld [smem:$0x3FB3]  }
0x2d: {  	s3 =	simm.s32 $0x108;
	s8 =	sld [smem:$0x3FB4]  }
0x2e: {  	s3 =	simm.s32 @!p0 $0x1082;
	s9 =	sld [smem:$0x3FB5]  }
0x2f: {  	lr =	sadd.s32 s0, s3;
	s0 =	sld [smem:$0x3FAC]  }
0x30: {  	s3 =	sld [smem:$0x3FAF]  }
0x31: {  	[smem:$0x3FB8] =	sst s10  }
0x32: {  	s10 =	sld [smem:$0x3FB6];
	_ =	sdelay $0x3  }
0x33: {  	p0 =	seq.s32 s10, $0x1;
	s10 =	sld [smem:$0x3FB8];
	_ =	sdelay $0x3  }
0x34: {  	[smem:$0x3FB8] =	sst s10  }
0x35: {  	s10 =	sld [smem:$0x3FB7];
	_ =	sdelay $0x3  }
0x36: {  	p1 =	seq.s32 s10, $0x1;
	s10 =	sld [smem:$0x3FB8];
	_ =	sdelay $0x3  }
0x37: {  	[smem:$0x3FB8] =	sst s10  }
0x38: {  	s10 =	sld [smem:$0x3FB9]  }
0x39: {  	_ = 	snop;
	(pc) =	sbr.ind lr, $3  }
0x3a: {  	_ = 	snop  }
0x3b: {  	_ = 	snop  }
0x3c: {  	p2 =	seq.s32 s10, $0x1;
	s10 =	sld [smem:$0x3FB8]  }
0x3d: {  	_ =	shalt  }
0x3e: {  	_ =	shalt  }
0x3f: {  	_ =	shalt  }
0x40: {  	_ =	shalt  }
0x41: {  	_ =	shalt  }
0x42: {  	_ =	shalt  }
0x43: {  	_ =	shalt  }
0x44: {  	_ =	shalt  }
0x45: {  	_ =	shalt  }
0x46: {  	_ =	shalt  }
0x47: {  	_ =	shalt  }
0x48: {  	_ =	shalt  }
0x49: {  	_ =	shalt  }
0x4a: {  	_ =	shalt  }
0x4b: {  	_ =	shalt  }
0x4c: {  	_ =	shalt  }
0x4d: {  	_ =	shalt  }
0x4e: {  	_ =	shalt  }
0x4f: {  	_ =	shalt  }
0x50: {  	_ =	shalt  }
0x51: {  	_ =	shalt  }
0x52: {  	_ =	shalt  }
0x53: {  	_ =	shalt  }
0x54: {  	_ =	shalt  }
0x55: {  	_ =	shalt  }
0x56: {  	_ =	shalt  }
0x57: {  	_ =	shalt  }
0x58: {  	_ =	shalt  }
0x59: {  	_ =	shalt  }
0x5a: {  	_ =	shalt  }
0x5b: {  	_ =	shalt  }
0x5c: {  	_ =	shalt  }
0x5d: {  	_ =	shalt  }
0x5e: {  	_ =	shalt  }
0x5f: {  	_ =	shalt  }
0x60: {  	_ =	shalt  }
0x61: {  	_ =	shalt  }
0x62: {  	_ =	shalt  }
0x63: {  	_ =	shalt  }
0x64: {  	_ =	shalt  }
0x65: {  	_ =	shalt  }
0x66: {  	_ =	shalt  }
0x67: {  	_ =	shalt  }
0x68: {  	_ =	shalt  }
0x69: {  	_ =	shalt  }
0x6a: {  	_ =	shalt  }
0x6b: {  	_ =	shalt  }
0x6c: {  	_ =	shalt  }
0x6d: {  	_ =	shalt  }
0x6e: {  	_ =	shalt  }
0x6f: {  	_ =	shalt  }
0x70: {  	_ =	shalt  }
0x71: {  	_ =	shalt  }
0x72: {  	_ =	shalt  }
0x73: {  	_ =	shalt  }
0x74: {  	_ =	shalt  }
0x75: {  	_ =	shalt  }
0x76: {  	_ =	shalt  }
0x77: {  	_ =	shalt  }
0x78: {  	_ =	shalt  }
0x79: {  	_ =	shalt  }
0x7a: {  	_ =	shalt  }
0x7b: {  	_ =	shalt  }
0x7c: {  	_ =	shalt  }
0x7d: {  	_ =	shalt  }
0x7e: {  	_ =	shalt  }
0x7f: {  	_ =	shalt  }
0x80: {  	_ =	shalt  }
0x81: {  	_ =	shalt  }
0x82: {  	_ =	shalt  }
0x83: {  	_ =	shalt  }
0x84: {  	_ =	shalt  }
0x85: {  	_ =	shalt  }
0x86: {  	_ =	shalt  }
0x87: {  	_ =	shalt  }
.Lfunc_end0:
.L_simem_size_0:
called_computation.6_lowered:
.L_overlay_start_0:
0x88: {  	s2 =	sld [smem:$0x3FD9]  }
0x89: {  	s3 =	sld [smem:$0x3FFE];
	_ =	sdelay $0x1  }
0x8a: {  	s1 =	srdreg.scid  }
0x8b: {  	s0 =	sand.u32 $0x1, s1  }
0x8c: {  	s17 =	sshll.u32 s0, $0xA;
	s2 =	sadd.s32 s3, s2  }
0x8d: {  	s2 =	sadd.s32 s2, s17  }
0x8e: {  	[smem:$0x3FC4] =	sst s2  }
0x8f: {  	_ = 	snop  }
0x90: {  	s2 =	sld [smem:$0x3FD0];
	(tm) =	ssettm $0x1  }
0x91: {  	s18 =	sld [smem:$0x3FFB];
	_ =	sdelay $0x3  }
0x92: {  	_ =	strace s18  }
0x93: {  	s3 =	sld [smem:$0x3FFC];
	_ =	sdelay $0x3  }
0x94: {  	_ =	strace s3  }
0x95: {  	s3 =	sld [smem:$0x3FFD];
	_ =	sdelay $0x3  }
0x96: {  	_ =	strace s3  }
0x97: {  	_ =	strace $0x8FFFFFFF  }
0x98: {  	s19 =	sld [smem:$0x3FDB];
	_ =	sdelay $0x1  }
0x99: {  	s4 =	simm.s32 $_scs_section_size  }
0x9a: {  	s5 =	simm.s32 $_size__tile_overlayer_lowered;
	s6 =	simm.s32 $_tile_overlayer_lowered  }
0x9b: {  	s22 =	simm.s32 $0x1BFF;
	s21 =	sshll.u32 s6, $0x1;
	s3 =	sadd.s32 s4, s19  }
0x9c: {  	s7 =	simm.s32 $0x0;
	s20 =	sshll.u32 s5, $0x1;
	s5 =	sadd.s32 s21, s3  }
0x9d: {  	[timem:s7], [sflag:s22] =	dma.local [hbm:s5], s20  }
0x9e: {  	_ =	swait.ge [sflag:s22], s20  }
0x9f: {  	s4 =	ssub.s32 $0x0, s20;
	[sflag:s22] =	ssyncset.done $0x0  }
0xa0: {  	[sflag:s22] =	ssyncadd.s32 s4;
	_ =	sdelay $0x1  }
0xa1: {  	s23 =	simm.s32 $0x1B8B  }
0xa2: {  	_ =	swait.ge [sflag:s23], $0x1  }
0xa3: {  	[sflag:s23] =	ssyncset.done $0x0  }
0xa4: {  	s25 =	simm.s32 $0x1B8E;
	s24 =	sld [smem:$0x3FFE];
	[sflag:s23] =	ssyncadd.s32 $0xFFFFFFFF  }
0xa5: {  	s26 =	simm.s32 $execute0_lowered;
	[smem:$0x3FD2] =	sst s25  }
0xa6: {  	s5 =	sshll.u32 s26, $0x1;
	_ =	strace $0x80000058;
	[dreg:$0x1] =	wrdreg $0xFFFFFFFF  }
0xa7: {  	s28 =	simm.s32 $_size_execute0_lowered;
	s3 =	sadd.s32 s3, s5;
	[dreg:$0x0] =	wrdreg $0x0  }
0xa8: {  	s5 =	sshll.u32 s28, $0x1;
	[dreg:$0x2] =	wrdreg s3  }
0xa9: {  	[dreg:$0x3] =	wrdreg s5  }
0xaa: {  	[dreg:$0x4] =	wrdreg $0xC0  }
0xab: {  	_ =	task [dreg:s7], $0x5FFFF  }
0xac: {  	[dreg:$0x1] =	wrdreg $0xFFFFFFFF  }
0xad: {  	[dreg:$0x0] =	wrdreg $0x60  }
0xae: {  	[dreg:$0x2] =	wrdreg s2  }
0xaf: {  	[dreg:$0x3] =	wrdreg s24  }
0xb0: {  	[dreg:$0x4] =	wrdreg $0x29000  }
0xb1: {  	[dreg:$0x5] =	wrdreg $0x9  }
0xb2: {  	_ =	task.clear_ibuf [dreg:s7], $0x6FFFF;
	_ =	strace $0x90000058  }
0xb3: {  	s29 =	simm.s32 $0x9;
	_ =	strace $0x8000005A  }
0xb4: {  	_ =	swait.ge [sflag:s29], $0x1  }
0xb5: {  	[sflag:s29] =	ssyncadd.s32 $0xFFFFFFFF  }
0xb6: {  	_ =	strace $0x9000005A  }
0xb7: {  	_ =	sfence  }
0xb8: {  	s30 =	sld [smem:$0x0];
	_ =	sdelay $0x2  }
0xb9: {  	s31 =	sshll.u32 s1, $0xD;
	s1 =	sshrl.u32 s1, $0x2  }
0xba: {  	s3 =	sand.u32 $0x4000, s31;
	s1 =	sadd.s32 s1, s30  }
0xbb: {  	s0 =	sor.u32 s3, s0;
	s1 =	sshll.u32 s1, $0x11  }
0xbc: {  	s0 =	sor.u32 s1, s0  }
0xbd: {  	s0 =	sadd.s32 $0x8F2B, s0  }
0xbe: {  	[sflag:s0] =	ssyncadd.remote.s32 $0x1  }
0xbf: {  	_ =	sfence.sel $0xFFFF  }
0xc0: {  	[dreg:$0x0] =	wrdreg $0xFFFFFFFF;
	(pc) =	sbr.abs _section_cstart, $3  }
0xc1: {  	[dreg:$0x1] =	wrdreg $0xFFFFFFFF  }
0xc2: {  	_ =	task.clear_ibuf [dreg:s7], $0x2FFFF;
	_ =	strace $0x9FFFFFFF  }
0xc3: {  	(tm) =	ssettm $0x7FFFFFFF  }
tec
execute0_lowered:
.L_overlay_start_1:
0x0: {  	(tag) =	ssettag $0x1  }
0x1: {  	s1 =	srdreg.scid;
	s0 =	rddreg [dreg:$0x0]  }
0x2: {  	s12 =	stileid.u32;
	s6 =	rddreg [dreg:$0x1]  }
0x3: {  	s2 =	rddreg [dreg:$0x2];
	s3 =	simm.s32 $0x0;
	s16 =	simm.s32 $0x50  }
0x4: {  	s17 =	simm.s32 $0x100;
	s18 =	simm.s32 $0x1;
	s5 =	smul.u32 $0x4E20, s12  }
0x5: {  	s4 =	sand.u32 $0x1, s1;
	s1 =	rddreg [dreg:$0x3];
	s25 =	smul.u32 $0x13800, s12  }
0x6: {  	s19 =	simm.s32 $0x0;
	[smem:$0x7FF] =	sst s3;
	s9 =	smul.u32 $0x4E000, s12  }
0x7: {  	s10 =	sadd.s32 $0x40800, s6;
	s30 =	sshll.u32 s12, $0x6;
	s15 =	sadd.s32 $0x138000, s2  }
0x8: {  	p0 =	sne.s32 s12, $0x0;
	s7 =	smul.u32 $0x2710, s4;
	_ =	strace $0x80000059  }
0x9: {  	s8 =	ssub.s32 $0x2, s4;
	s29 =	smul.u32 $0x138800, s4;
	s26 =	sshrl.u32 s25, $0x3  }
0xa: {  	s13 =	sshrl.u32 s8, $0x1;
	s28 =	sshrl.u32 s9, $0x2;
	s5 =	sadd.s32 s7, s5  }
0xb: {  	s13 =	ssub.s32 s8, s13;
	s14 =	sadd.s32 s28, s2;
	s7 =	sadd.s32 s25, s29  }
0xc: {  	s31 =	sshrl.u32 s29, $0x3;
	s5 =	sshrl.u32 s5, $0x3;
	s7 =	sshrl.u32 s7, $0x3  }
0xd: {  	s8 =	sadd.s32 s10, s31;
	s9 =	smax.u32 s13, $0x1;
	s12 =	sshrl.u32 s14, $0x3  }
0xe: {  	s13 =	simm.s32 $0x2;
	s14 =	sshrl.u32 @!p0 s15, $0x3;
	s15 =	simm.s32 $0x80  }
0xf: {  	s11 =	sadd.s32 s5, s6;
	s5 =	sadd.s32 s26, s6;
	s6 =	sadd.s32 $0x40600, s6  }
0x10: {  	s7 =	sadd.s32 s10, s7;
	s8 =	sadd.s32 $0x27000, s8;
	s4 =	sadd.s32 $0x19600, s5  }
0x11: {  	s5 =	sor.u32 $0x1C02, s30;
	s10 =	sadd.s32 $0x5A00, s11;
	s11 =	sadd.s32 $0xF800, s11  }
.LBB2_1:
0x12: {  	[spmem:s12], [sflag:s5] =	dma.local [hbm:s4], $0x2700  }
0x13: {  	_ =	swait.ge [sflag:s13], $0x2700  }
0x14: {  	[sflag:s13] =	ssyncset.done $0x0  }
0x15: {  	s20 =	simm.s32 @!p0 $0x2;
	[sflag:s13] =	ssyncadd.s32 $0xFFFFD900  }
0x16: {  	[spmem:s14], [sflag:s5] =	dma.local @!p0 [hbm:s6], $0x100  }
0x17: {  	_ =	swait.ge @!p0 [sflag:s20], $0x100  }
0x18: {  	[sflag:s20] =	ssyncset.done @!p0 $0x0  }
0x19: {  	[sflag:s20] =	ssyncadd.s32 @!p0 $0xFFFFFF00  }
0x1a: {  	s30 =	sadd.s32 $0x0, s11;
	[bflag:$0x0] =	sbarrier.arrive $0xFFFF  }
0x1b: {  	[tilespmem:s3], [sflag:$0x2] =	stream.linear.gather [hbm4b:s30+s3], $0x50, $0x38;
	[tilespmem:$0x16180] =	vst v63  }
0x1c: {  	_ =	swait.ge [sflag:s13], $0x50  }
0x1d: {  	[sflag:s13] =	ssyncset.done $0x0  }
0x1e: {  	s31 =	sadd.s32 $0x0, s10;
	[sflag:s13] =	ssyncadd.s32 $0xFFFFFFB0  }
0x1f: {  	[tilespmem:s15], [sflag:$0x2] =	stream.linear.gather [hbm4b:s31+s3], $0x50, $0x38;
	[tilespmem:$0x16180] =	vst v63  }
0x20: {  	_ =	swait.ge [sflag:s13], $0x50  }
0x21: {  	[sflag:s13] =	ssyncset.done $0x0  }
0x22: {  	[sflag:s13] =	ssyncadd.s32 $0xFFFFFFB0  }
0x23: {  	[tilespmem:s17], [sflag:$0x1] =	stream.indirect.gather [hbm4b:s0+s16], $0x80, s3, s16, $0xb8;
	[tilespmem:$0x16180] =	vst v63  }
0x24: {  	_ =	swait.ge [sflag:s18], $0x2800  }
0x25: {  	[sflag:s18] =	ssyncset.done $0x0  }
0x26: {  	[sflag:s18] =	ssyncadd.s32 $0xFFFFD800  }
0x27: {  	[spmem:s2] =	stream.indirect.scatter.add.f32 [tilespmem:s17], [sflag:$0x2], $0x80, s15, s16, $0xb8;
	[tilespmem:$0x16180] =	vst v63  }
0x28: {  	_ =	swait.ge [sflag:s13], $0x2800  }
0x29: {  	s21 =	simm.s32 $0x14;
	s20 =	simm.s32 $0xA;
	[sflag:s13] =	ssyncset.done $0x0  }
.LBB2_2:
0x2a: {  	s22 =	sadd.s32 s20, s11  }
0x2b: {  	[sflag:s13] =	ssyncadd.s32 $0xFFFFD800;
	s23 =	smov.u32 s21;
	s24 =	sadd.s32 $0xA, s21  }
0x2c: {  	[tilespmem:s3], [sflag:$0x2] =	stream.linear.gather [hbm4b:s22+s3], $0x50, $0x38;
	[tilespmem:$0x16180] =	vst v63  }
0x2d: {  	p1 =	sne.s32 s21, $0x4D8;
	_ =	swait.ge [sflag:s13], $0x50  }
0x2e: {  	[sflag:s13] =	ssyncset.done $0x0  }
0x2f: {  	s21 =	sadd.s32 s20, s10;
	s20 =	smov.u32 s23;
	[sflag:s13] =	ssyncadd.s32 $0xFFFFFFB0  }
0x30: {  	[tilespmem:s15], [sflag:$0x2] =	stream.linear.gather [hbm4b:s21+s3], $0x50, $0x38;
	[tilespmem:$0x16180] =	vst v63  }
0x31: {  	_ =	swait.ge [sflag:s13], $0x50  }
0x32: {  	[sflag:s13] =	ssyncset.done $0x0  }
0x33: {  	[sflag:s13] =	ssyncadd.s32 $0xFFFFFFB0  }
0x34: {  	[tilespmem:s17], [sflag:$0x1] =	stream.indirect.gather [hbm4b:s0+s16], $0x80, s3, s16, $0xb8;
	[tilespmem:$0x16180] =	vst v63  }
0x35: {  	_ =	swait.ge [sflag:s18], $0x2800  }
.Ltmp0:
0x36: {  	[sflag:s18] =	ssyncset.done $0x0;
	(pc) =	sbr.rel @p1 .LBB2_2-.Ltmp0, $4  }
0x37: {  	[sflag:s18] =	ssyncadd.s32 $0xFFFFD800  }
0x38: {  	[spmem:s2] =	stream.indirect.scatter.add.f32 [tilespmem:s17], [sflag:$0x2], $0x80, s15, s16, $0xb8;
	[tilespmem:$0x16180] =	vst v63  }
0x39: {  	_ =	swait.ge [sflag:s13], $0x2800  }
0x3a: {  	s21 =	smov.u32 s24;
	[sflag:s13] =	ssyncset.done $0x0  }
0x3b: {  	s21 =	sadd.s32 s20, s11;
	[sflag:s13] =	ssyncadd.s32 $0xFFFFD800  }
0x3c: {  	[tilespmem:s3], [sflag:$0x2] =	stream.linear.gather [hbm4b:s21+s3], $0x50, $0x38;
	[tilespmem:$0x16180] =	vst v63  }
0x3d: {  	_ =	swait.ge [sflag:s13], $0x50  }
0x3e: {  	[sflag:s13] =	ssyncset.done $0x0  }
0x3f: {  	s31 =	sadd.s32 s20, s10;
	[sflag:s13] =	ssyncadd.s32 $0xFFFFFFB0  }
0x40: {  	[tilespmem:s15], [sflag:$0x2] =	stream.linear.gather [hbm4b:s31+s3], $0x50, $0x38;
	[tilespmem:$0x16180] =	vst v63  }
0x41: {  	_ =	swait.ge [sflag:s13], $0x50  }
0x42: {  	[sflag:s13] =	ssyncset.done $0x0  }
0x43: {  	[sflag:s13] =	ssyncadd.s32 $0xFFFFFFB0  }
0x44: {  	[tilespmem:s17], [sflag:$0x1] =	stream.indirect.gather [hbm4b:s0+s16], $0x80, s3, s16, $0xb8;
	[tilespmem:$0x16180] =	vst v63  }
0x45: {  	_ =	swait.ge [sflag:s18], $0x2800  }
0x46: {  	[sflag:s18] =	ssyncset.done $0x0  }
0x47: {  	[sflag:s18] =	ssyncadd.s32 $0xFFFFD800  }
0x48: {  	[spmem:s2] =	stream.indirect.scatter.add.f32 [tilespmem:s17], [sflag:$0x2], $0x80, s15, s16, $0xb8;
	[tilespmem:$0x16180] =	vst v63  }
0x49: {  	_ =	swait.ge [sflag:s13], $0x2800  }
0x4a: {  	[sflag:s13] =	ssyncset.done $0x0  }
0x4b: {  	[sflag:s13] =	ssyncadd.s32 $0xFFFFD800  }
0x4c: {  	[bflag:$0x0] =	sbarrier.arrive $0xFFFF  }
0x4d: {  	[hbm:s7], [sflag:s5] =	dma.local [spmem:s12], $0x2700  }
0x4e: {  	s19 =	sadd.s32 $0x1, s19;
	_ =	swait.ge [sflag:s13], $0x2700  }
0x4f: {  	p1 =	sne.s32 s19, s9;
	[sflag:s13] =	ssyncset.done $0x0  }
.Ltmp1:
0x50: {  	s20 =	simm.s32 @!p0 $0x2;
	[sflag:s13] =	ssyncadd.s32 $0xFFFFD900;
	(pc) =	sbr.rel @p1 .LBB2_1-.Ltmp1, $4  }
0x51: {  	[hbm:s8], [sflag:s5] =	dma.local @!p0 [spmem:s14], $0x100  }
0x52: {  	_ =	swait.ge @!p0 [sflag:s20], $0x100  }
0x53: {  	[sflag:s20] =	ssyncset.done @!p0 $0x0  }
0x54: {  	[sflag:s20] =	ssyncadd.s32 @!p0 $0xFFFFFF00  }
0x55: {  	_ =	sfence.sel $0x180000  }
0x56: {  	[bflag:$0x0] =	sbarrier.arrive $0xFFFF  }
0x57: {  	_ =	strace $0x90000059  }
0x58: {  	s0 =	sadd.s32 @!p0 $0x100000, s1;
	[bflag:$0x2] =	sbarrier.arrive $0xFFFF  }
0x59: {  	[sflag:s0] =	ssyncadd.tile.s32 @!p0 $0x1;
	_ =	shalt  }
.Lfunc_end2:
_tile_overlayer_lowered:
.L_overlay_start_2:
0x5a: {  	(tag) =	ssettag $0x2  }
0x5b: {  	s0 =	rddreg [dreg:$0x0];
	s2 =	stileid.u32  }
0x5c: {  	s1 =	rddreg [dreg:$0x1];
	p0 =	sne.s32 s2, $0x0  }
0x5d: {  	s3 =	rddreg [dreg:$0x2];
	[bflag:$0x3] =	sbarrier.arrive $0xFFFF;
	s2 =	simm.s32 @!p0 $0x1C02  }
0x5e: {  	[timem:s3], [sflag:s2] =	dma.local @!p0 [hbm:s0], s1  }
0x5f: {  	s0 =	simm.s32 @!p0 $0x2  }
0x60: {  	_ =	swait.ge @!p0 [sflag:s0], s1  }
0x61: {  	s1 =	ssub.s32 @!p0 $0x0, s1;
	[sflag:s0] =	ssyncset.done @!p0 $0x0  }
0x62: {  	[sflag:s0] =	ssyncadd.s32 @!p0 s1  }
0x63: {  	[bflag:$0x3] =	sbarrier.arrive $0xFFFF  }
0x64: {  	_ =	shalt  }

// kernel: kernel.45.cloned.1.call-start
scs
__scs_entry_jumppad:
0x0: {  	(pc) =	sbr.rel $0x88, $3  }
0x1: {  	(tag) =	ssettag $0x0;
	lr =	simm.s32 $0x1  }
0x2: {  	[smem:$0x3F9D] =	sst lr;
	_ =	strace $0xD0000000  }
0x3: {  	_ = 	snop  }
0x4: {  	_ = 	snop  }
0x5: {  	_ = 	snop  }
0x6: {  	_ = 	snop  }
0x7: {  	_ = 	snop  }
__scs_overlays_trampoline_lowered:
0x8: {  	[smem:$0x3FAC] =	sst s0  }
0x9: {  	[smem:$0x3FAD] =	sst s1  }
0xa: {  	[smem:$0x3FAE] =	sst s2  }
0xb: {  	[smem:$0x3FAF] =	sst s3  }
0xc: {  	[smem:$0x3FB0] =	sst s4  }
0xd: {  	[smem:$0x3FB1] =	sst s5  }
0xe: {  	[smem:$0x3FB2] =	sst s6  }
0xf: {  	[smem:$0x3FB3] =	sst s7  }
0x10: {  	[smem:$0x3FB4] =	sst s8  }
0x11: {  	[smem:$0x3FB5] =	sst s9;
	s0 =	simm.s32 @!p0 $0x0  }
0x12: {  	s1 =	sld [smem:$0x3F9B];
	s0 =	simm.s32 @p0 $0x1  }
0x13: {  	[smem:$0x3FB6] =	sst s0;
	s0 =	simm.s32 @!p1 $0x0  }
0x14: {  	s2 =	sld [smem:$0x3F9A];
	s0 =	simm.s32 @p1 $0x1  }
0x15: {  	[smem:$0x3FB7] =	sst s0;
	s0 =	simm.s32 @!p2 $0x0  }
0x16: {  	s3 =	sld [smem:$0x3FDB];
	s0 =	simm.s32 @p2 $0x1  }
0x17: {  	s4 =	simm.s32 $0x1BF5;
	[smem:$0x3FB9] =	sst s0  }
0x18: {  	s0 =	sld [smem:$0x3F9C];
	_ =	swait.ge [sflag:s4], $0x0  }
0x19: {  	s7 =	sld [smem:$0x3F9D]  }
0x1a: {  	s8 =	sadd.s32 $0xFFFFE003, lr  }
0x1b: {  	s9 =	sadd.s32 $0xFFFFFEF7, lr;
	s5 =	simm.s32 $0xFFFFFFFF;
	p2 =	slt.u32 s8, $0xFFFFF086  }
0x1c: {  	p1 =	slt.u32 s9, $0xF7A;
	s5 =	simm.s32 @!p2 $0x0  }
0x1d: {  	s5 =	simm.s32 @p1 $0x1;
	p0 =	seq.s32 s7, s2  }
0x1e: {  	s7 =	smul.u32 @!p0 $0xF7A, s2;
	p2 =	seq.s32 @!p0 s5, $0x0  }
0x1f: {  	s9 =	smul.u32 $0xF7A, s1;
	s8 =	simm.s32 @!p0 $0x1BF5;
	p2 =	por !p2, p0  }
0x20: {  	[sflag:s8] =	ssyncset.s32 @!p0 $0xFFFFF086;
	s6 =	sadd.s32 @!p0 s3, s7;
	s7 =	simm.s32 @!p0 $0x108  }
0x21: {  	s3 =	sadd.s32 s3, s9;
	s6 =	sadd.s32 @!p0 $0x88, s6;
	s7 =	simm.s32 @p2 $0x1082  }
0x22: {  	[simem:s7], [sflag:s8] =	dma.local @!p0 [hbm:s6], $0xF7A  }
0x23: {  	s9 =	sor.u32 $0xD0000000, s2;
	s6 =	simm.s32 $0x108;
	_ =	swait.ge @!p0 [sflag:s8], $0x0  }
0x24: {  	s3 =	sadd.s32 $0x88, s3;
	s6 =	simm.s32 @!p1 $0x1082;
	[sflag:s4] =	ssyncset.s32 $0xFFFFF086  }
0x25: {  	[simem:s6], [sflag:s4] =	dma.local [hbm:s3], $0xF7A  }
0x26: {  	[smem:$0x3F9D] =	sst s1;
	(tag) =	ssettag s2;
	_ =	strace s9  }
0x27: {  	s1 =	sld [smem:$0x3FAD]  }
0x28: {  	s2 =	sld [smem:$0x3FAE]  }
0x29: {  	s4 =	sld [smem:$0x3FB0]  }
0x2a: {  	p0 =	seq.s32 s5, $0x0;
	s5 =	sld [smem:$0x3FB1]  }
0x2b: {  	s6 =	sld [smem:$0x3FB2]  }
0x2c: {  	s7 =	sld [smem:$0x3FB3]  }
0x2d: {  	s3 =	simm.s32 $0x108;
	s8 =	sld [smem:$0x3FB4]  }
0x2e: {  	s3 =	simm.s32 @!p0 $0x1082;
	s9 =	sld [smem:$0x3FB5]  }
0x2f: {  	lr =	sadd.s32 s0, s3;
	s0 =	sld [smem:$0x3FAC]  }
0x30: {  	s3 =	sld [smem:$0x3FAF]  }
0x31: {  	[smem:$0x3FB8] =	sst s10  }
0x32: {  	s10 =	sld [smem:$0x3FB6];
	_ =	sdelay $0x3  }
0x33: {  	p0 =	seq.s32 s10, $0x1;
	s10 =	sld [smem:$0x3FB8];
	_ =	sdelay $0x3  }
0x34: {  	[smem:$0x3FB8] =	sst s10  }
0x35: {  	s10 =	sld [smem:$0x3FB7];
	_ =	sdelay $0x3  }
0x36: {  	p1 =	seq.s32 s10, $0x1;
	s10 =	sld [smem:$0x3FB8];
	_ =	sdelay $0x3  }
0x37: {  	[smem:$0x3FB8] =	sst s10  }
0x38: {  	s10 =	sld [smem:$0x3FB9]  }
0x39: {  	_ = 	snop;
	(pc) =	sbr.ind lr, $3  }
0x3a: {  	_ = 	snop  }
0x3b: {  	_ = 	snop  }
0x3c: {  	p2 =	seq.s32 s10, $0x1;
	s10 =	sld [smem:$0x3FB8]  }
0x3d: {  	_ =	shalt  }
0x3e: {  	_ =	shalt  }
0x3f: {  	_ =	shalt  }
0x40: {  	_ =	shalt  }
0x41: {  	_ =	shalt  }
0x42: {  	_ =	shalt  }
0x43: {  	_ =	shalt  }
0x44: {  	_ =	shalt  }
0x45: {  	_ =	shalt  }
0x46: {  	_ =	shalt  }
0x47: {  	_ =	shalt  }
0x48: {  	_ =	shalt  }
0x49: {  	_ =	shalt  }
0x4a: {  	_ =	shalt  }
0x4b: {  	_ =	shalt  }
0x4c: {  	_ =	shalt  }
0x4d: {  	_ =	shalt  }
0x4e: {  	_ =	shalt  }
0x4f: {  	_ =	shalt  }
0x50: {  	_ =	shalt  }
0x51: {  	_ =	shalt  }
0x52: {  	_ =	shalt  }
0x53: {  	_ =	shalt  }
0x54: {  	_ =	shalt  }
0x55: {  	_ =	shalt  }
0x56: {  	_ =	shalt  }
0x57: {  	_ =	shalt  }
0x58: {  	_ =	shalt  }
0x59: {  	_ =	shalt  }
0x5a: {  	_ =	shalt  }
0x5b: {  	_ =	shalt  }
0x5c: {  	_ =	shalt  }
0x5d: {  	_ =	shalt  }
0x5e: {  	_ =	shalt  }
0x5f: {  	_ =	shalt  }
0x60: {  	_ =	shalt  }
0x61: {  	_ =	shalt  }
0x62: {  	_ =	shalt  }
0x63: {  	_ =	shalt  }
0x64: {  	_ =	shalt  }
0x65: {  	_ =	shalt  }
0x66: {  	_ =	shalt  }
0x67: {  	_ =	shalt  }
0x68: {  	_ =	shalt  }
0x69: {  	_ =	shalt  }
0x6a: {  	_ =	shalt  }
0x6b: {  	_ =	shalt  }
0x6c: {  	_ =	shalt  }
0x6d: {  	_ =	shalt  }
0x6e: {  	_ =	shalt  }
0x6f: {  	_ =	shalt  }
0x70: {  	_ =	shalt  }
0x71: {  	_ =	shalt  }
0x72: {  	_ =	shalt  }
0x73: {  	_ =	shalt  }
0x74: {  	_ =	shalt  }
0x75: {  	_ =	shalt  }
0x76: {  	_ =	shalt  }
0x77: {  	_ =	shalt  }
0x78: {  	_ =	shalt  }
0x79: {  	_ =	shalt  }
0x7a: {  	_ =	shalt  }
0x7b: {  	_ =	shalt  }
0x7c: {  	_ =	shalt  }
0x7d: {  	_ =	shalt  }
0x7e: {  	_ =	shalt  }
0x7f: {  	_ =	shalt  }
0x80: {  	_ =	shalt  }
0x81: {  	_ =	shalt  }
0x82: {  	_ =	shalt  }
0x83: {  	_ =	shalt  }
0x84: {  	_ =	shalt  }
0x85: {  	_ =	shalt  }
0x86: {  	_ =	shalt  }
0x87: {  	_ =	shalt  }
.Lfunc_end0:
.L_simem_size_0:
called_computation.7_lowered:
.L_overlay_start_0:
0x88: {  	s2 =	sld [smem:$0x3FD9]  }
0x89: {  	s3 =	sld [smem:$0x3FFE];
	_ =	sdelay $0x1  }
0x8a: {  	s1 =	srdreg.scid  }
0x8b: {  	s0 =	sand.u32 $0x1, s1  }
0x8c: {  	s17 =	sshll.u32 s0, $0xA;
	s2 =	sadd.s32 s3, s2  }
0x8d: {  	s2 =	sadd.s32 s2, s17  }
0x8e: {  	[smem:$0x3FC4] =	sst s2  }
0x8f: {  	_ = 	snop  }
0x90: {  	s2 =	sld [smem:$0x3FD0];
	(tm) =	ssettm $0x1  }
0x91: {  	s18 =	sld [smem:$0x3FFB];
	_ =	sdelay $0x3  }
0x92: {  	_ =	strace s18  }
0x93: {  	s3 =	sld [smem:$0x3FFC];
	_ =	sdelay $0x3  }
0x94: {  	_ =	strace s3  }
0x95: {  	s3 =	sld [smem:$0x3FFD];
	_ =	sdelay $0x3  }
0x96: {  	_ =	strace s3  }
0x97: {  	_ =	strace $0x8FFFFFFF  }
0x98: {  	s19 =	sld [smem:$0x3FDB];
	_ =	sdelay $0x1  }
0x99: {  	s4 =	simm.s32 $_scs_section_size  }
0x9a: {  	s5 =	simm.s32 $_size__tile_overlayer_lowered;
	s6 =	simm.s32 $_tile_overlayer_lowered  }
0x9b: {  	s22 =	simm.s32 $0x1BFF;
	s21 =	sshll.u32 s6, $0x1;
	s3 =	sadd.s32 s4, s19  }
0x9c: {  	s7 =	simm.s32 $0x0;
	s20 =	sshll.u32 s5, $0x1;
	s5 =	sadd.s32 s21, s3  }
0x9d: {  	[timem:s7], [sflag:s22] =	dma.local [hbm:s5], s20  }
0x9e: {  	_ =	swait.ge [sflag:s22], s20  }
0x9f: {  	s4 =	ssub.s32 $0x0, s20;
	[sflag:s22] =	ssyncset.done $0x0  }
0xa0: {  	[sflag:s22] =	ssyncadd.s32 s4;
	_ =	sdelay $0x1  }
0xa1: {  	s23 =	simm.s32 $0x1B8B  }
0xa2: {  	_ =	swait.ge [sflag:s23], $0x1  }
0xa3: {  	[sflag:s23] =	ssyncset.done $0x0  }
0xa4: {  	s25 =	simm.s32 $0x1B8E;
	s24 =	sld [smem:$0x3FFE];
	[sflag:s23] =	ssyncadd.s32 $0xFFFFFFFF  }
0xa5: {  	s26 =	simm.s32 $execute0_lowered;
	[smem:$0x3FD2] =	sst s25  }
0xa6: {  	s5 =	sshll.u32 s26, $0x1;
	_ =	strace $0x8000005B;
	[dreg:$0x1] =	wrdreg $0xFFFFFFFF  }
0xa7: {  	s28 =	simm.s32 $_size_execute0_lowered;
	s3 =	sadd.s32 s3, s5;
	[dreg:$0x0] =	wrdreg $0x0  }
0xa8: {  	s5 =	sshll.u32 s28, $0x1;
	[dreg:$0x2] =	wrdreg s3  }
0xa9: {  	[dreg:$0x3] =	wrdreg s5  }
0xaa: {  	[dreg:$0x4] =	wrdreg $0xC0  }
0xab: {  	_ =	task [dreg:s7], $0x5FFFF  }
0xac: {  	[dreg:$0x1] =	wrdreg $0xFFFFFFFF  }
0xad: {  	[dreg:$0x0] =	wrdreg $0x60  }
0xae: {  	[dreg:$0x2] =	wrdreg s2  }
0xaf: {  	[dreg:$0x3] =	wrdreg s24  }
0xb0: {  	[dreg:$0x4] =	wrdreg $0x29000  }
0xb1: {  	[dreg:$0x5] =	wrdreg $0x9  }
0xb2: {  	_ =	task.clear_ibuf [dreg:s7], $0x6FFFF;
	_ =	strace $0x9000005B  }
0xb3: {  	s29 =	simm.s32 $0x9;
	_ =	strace $0x8000005D  }
0xb4: {  	_ =	swait.ge [sflag:s29], $0x1  }
0xb5: {  	[sflag:s29] =	ssyncadd.s32 $0xFFFFFFFF  }
0xb6: {  	_ =	strace $0x9000005D  }
0xb7: {  	_ =	sfence  }
0xb8: {  	s30 =	sld [smem:$0x0];
	_ =	sdelay $0x2  }
0xb9: {  	s31 =	sshll.u32 s1, $0xD;
	s1 =	sshrl.u32 s1, $0x2  }
0xba: {  	s3 =	sand.u32 $0x4000, s31;
	s1 =	sadd.s32 s1, s30  }
0xbb: {  	s0 =	sor.u32 s3, s0;
	s1 =	sshll.u32 s1, $0x11  }
0xbc: {  	s0 =	sor.u32 s1, s0  }
0xbd: {  	s0 =	sadd.s32 $0x8F2B, s0  }
0xbe: {  	[sflag:s0] =	ssyncadd.remote.s32 $0x1  }
0xbf: {  	_ =	sfence.sel $0xFFFF  }
0xc0: {  	[dreg:$0x0] =	wrdreg $0xFFFFFFFF;
	(pc) =	sbr.abs _section_cstart, $3  }
0xc1: {  	[dreg:$0x1] =	wrdreg $0xFFFFFFFF  }
0xc2: {  	_ =	task.clear_ibuf [dreg:s7], $0x2FFFF;
	_ =	strace $0x9FFFFFFF  }
0xc3: {  	(tm) =	ssettm $0x7FFFFFFF  }
tec
execute0_lowered:
.L_overlay_start_1:
0x0: {  	(tag) =	ssettag $0x1  }
0x1: {  	s1 =	srdreg.scid;
	s0 =	rddreg [dreg:$0x0]  }
0x2: {  	s12 =	stileid.u32;
	s6 =	rddreg [dreg:$0x1]  }
0x3: {  	s2 =	rddreg [dreg:$0x2];
	s3 =	simm.s32 $0x0;
	s16 =	simm.s32 $0x50  }
0x4: {  	s17 =	simm.s32 $0x100;
	s18 =	simm.s32 $0x1;
	s5 =	smul.u32 $0x4E20, s12  }
0x5: {  	s4 =	sand.u32 $0x1, s1;
	s1 =	rddreg [dreg:$0x3];
	s25 =	smul.u32 $0x13800, s12  }
0x6: {  	s19 =	simm.s32 $0x0;
	[smem:$0x7FF] =	sst s3;
	s9 =	smul.u32 $0x4E000, s12  }
0x7: {  	s10 =	sadd.s32 $0x40800, s6;
	s30 =	sshll.u32 s12, $0x6;
	s15 =	sadd.s32 $0x138000, s2  }
0x8: {  	p0 =	sne.s32 s12, $0x0;
	s7 =	smul.u32 $0x2710, s4;
	_ =	strace $0x8000005C  }
0x9: {  	s8 =	ssub.s32 $0x2, s4;
	s29 =	smul.u32 $0x138800, s4;
	s26 =	sshrl.u32 s25, $0x3  }
0xa: {  	s13 =	sshrl.u32 s8, $0x1;
	s28 =	sshrl.u32 s9, $0x2;
	s5 =	sadd.s32 s7, s5  }
0xb: {  	s13 =	ssub.s32 s8, s13;
	s14 =	sadd.s32 s28, s2;
	s7 =	sadd.s32 s25, s29  }
0xc: {  	s31 =	sshrl.u32 s29, $0x3;
	s5 =	sshrl.u32 s5, $0x3;
	s7 =	sshrl.u32 s7, $0x3  }
0xd: {  	s8 =	sadd.s32 s10, s31;
	s9 =	smax.u32 s13, $0x1;
	s12 =	sshrl.u32 s14, $0x3  }
0xe: {  	s13 =	simm.s32 $0x2;
	s14 =	sshrl.u32 @!p0 s15, $0x3;
	s15 =	simm.s32 $0x80  }
0xf: {  	s11 =	sadd.s32 s5, s6;
	s5 =	sadd.s32 s26, s6;
	s6 =	sadd.s32 $0x40600, s6  }
0x10: {  	s7 =	sadd.s32 s10, s7;
	s8 =	sadd.s32 $0x27000, s8;
	s4 =	sadd.s32 $0x19600, s5  }
0x11: {  	s5 =	sor.u32 $0x1C02, s30;
	s10 =	sadd.s32 $0x5A00, s11;
	s11 =	sadd.s32 $0xF800, s11  }
.LBB2_1:
0x12: {  	[spmem:s12], [sflag:s5] =	dma.local [hbm:s4], $0x2700  }
0x13: {  	_ =	swait.ge [sflag:s13], $0x2700  }
0x14: {  	[sflag:s13] =	ssyncset.done $0x0  }
0x15: {  	s20 =	simm.s32 @!p0 $0x2;
	[sflag:s13] =	ssyncadd.s32 $0xFFFFD900  }
0x16: {  	[spmem:s14], [sflag:s5] =	dma.local @!p0 [hbm:s6], $0x100  }
0x17: {  	_ =	swait.ge @!p0 [sflag:s20], $0x100  }
0x18: {  	[sflag:s20] =	ssyncset.done @!p0 $0x0  }
0x19: {  	[sflag:s20] =	ssyncadd.s32 @!p0 $0xFFFFFF00  }
0x1a: {  	s30 =	sadd.s32 $0x0, s11;
	[bflag:$0x0] =	sbarrier.arrive $0xFFFF  }
0x1b: {  	[tilespmem:s3], [sflag:$0x2] =	stream.linear.gather [hbm4b:s30+s3], $0x50, $0x38;
	[tilespmem:$0x16180] =	vst v63  }
0x1c: {  	_ =	swait.ge [sflag:s13], $0x50  }
0x1d: {  	[sflag:s13] =	ssyncset.done $0x0  }
0x1e: {  	s31 =	sadd.s32 $0x0, s10;
	[sflag:s13] =	ssyncadd.s32 $0xFFFFFFB0  }
0x1f: {  	[tilespmem:s15], [sflag:$0x2] =	stream.linear.gather [hbm4b:s31+s3], $0x50, $0x38;
	[tilespmem:$0x16180] =	vst v63  }
0x20: {  	_ =	swait.ge [sflag:s13], $0x50  }
0x21: {  	[sflag:s13] =	ssyncset.done $0x0  }
0x22: {  	[sflag:s13] =	ssyncadd.s32 $0xFFFFFFB0  }
0x23: {  	[tilespmem:s17], [sflag:$0x1] =	stream.indirect.gather [hbm4b:s0+s16], $0x80, s3, s16, $0xb8;
	[tilespmem:$0x16180] =	vst v63  }
0x24: {  	_ =	swait.ge [sflag:s18], $0x2800  }
0x25: {  	[sflag:s18] =	ssyncset.done $0x0  }
0x26: {  	[sflag:s18] =	ssyncadd.s32 $0xFFFFD800  }
0x27: {  	[spmem:s2] =	stream.indirect.scatter.add.f32 [tilespmem:s17], [sflag:$0x2], $0x80, s15, s16, $0xb8;
	[tilespmem:$0x16180] =	vst v63  }
0x28: {  	_ =	swait.ge [sflag:s13], $0x2800  }
0x29: {  	s21 =	simm.s32 $0x14;
	s20 =	simm.s32 $0xA;
	[sflag:s13] =	ssyncset.done $0x0  }
.LBB2_2:
0x2a: {  	s22 =	sadd.s32 s20, s11  }
0x2b: {  	[sflag:s13] =	ssyncadd.s32 $0xFFFFD800;
	s23 =	smov.u32 s21;
	s24 =	sadd.s32 $0xA, s21  }
0x2c: {  	[tilespmem:s3], [sflag:$0x2] =	stream.linear.gather [hbm4b:s22+s3], $0x50, $0x38;
	[tilespmem:$0x16180] =	vst v63  }
0x2d: {  	p1 =	sne.s32 s21, $0x4D8;
	_ =	swait.ge [sflag:s13], $0x50  }
0x2e: {  	[sflag:s13] =	ssyncset.done $0x0  }
0x2f: {  	s21 =	sadd.s32 s20, s10;
	s20 =	smov.u32 s23;
	[sflag:s13] =	ssyncadd.s32 $0xFFFFFFB0  }
0x30: {  	[tilespmem:s15], [sflag:$0x2] =	stream.linear.gather [hbm4b:s21+s3], $0x50, $0x38;
	[tilespmem:$0x16180] =	vst v63  }
0x31: {  	_ =	swait.ge [sflag:s13], $0x50  }
0x32: {  	[sflag:s13] =	ssyncset.done $0x0  }
0x33: {  	[sflag:s13] =	ssyncadd.s32 $0xFFFFFFB0  }
0x34: {  	[tilespmem:s17], [sflag:$0x1] =	stream.indirect.gather [hbm4b:s0+s16], $0x80, s3, s16, $0xb8;
	[tilespmem:$0x16180] =	vst v63  }
0x35: {  	_ =	swait.ge [sflag:s18], $0x2800  }
.Ltmp0:
0x36: {  	[sflag:s18] =	ssyncset.done $0x0;
	(pc) =	sbr.rel @p1 .LBB2_2-.Ltmp0, $4  }
0x37: {  	[sflag:s18] =	ssyncadd.s32 $0xFFFFD800  }
0x38: {  	[spmem:s2] =	stream.indirect.scatter.add.f32 [tilespmem:s17], [sflag:$0x2], $0x80, s15, s16, $0xb8;
	[tilespmem:$0x16180] =	vst v63  }
0x39: {  	_ =	swait.ge [sflag:s13], $0x2800  }
0x3a: {  	s21 =	smov.u32 s24;
	[sflag:s13] =	ssyncset.done $0x0  }
0x3b: {  	s21 =	sadd.s32 s20, s11;
	[sflag:s13] =	ssyncadd.s32 $0xFFFFD800  }
0x3c: {  	[tilespmem:s3], [sflag:$0x2] =	stream.linear.gather [hbm4b:s21+s3], $0x50, $0x38;
	[tilespmem:$0x16180] =	vst v63  }
0x3d: {  	_ =	swait.ge [sflag:s13], $0x50  }
0x3e: {  	[sflag:s13] =	ssyncset.done $0x0  }
0x3f: {  	s31 =	sadd.s32 s20, s10;
	[sflag:s13] =	ssyncadd.s32 $0xFFFFFFB0  }
0x40: {  	[tilespmem:s15], [sflag:$0x2] =	stream.linear.gather [hbm4b:s31+s3], $0x50, $0x38;
	[tilespmem:$0x16180] =	vst v63  }
0x41: {  	_ =	swait.ge [sflag:s13], $0x50  }
0x42: {  	[sflag:s13] =	ssyncset.done $0x0  }
0x43: {  	[sflag:s13] =	ssyncadd.s32 $0xFFFFFFB0  }
0x44: {  	[tilespmem:s17], [sflag:$0x1] =	stream.indirect.gather [hbm4b:s0+s16], $0x80, s3, s16, $0xb8;
	[tilespmem:$0x16180] =	vst v63  }
0x45: {  	_ =	swait.ge [sflag:s18], $0x2800  }
0x46: {  	[sflag:s18] =	ssyncset.done $0x0  }
0x47: {  	[sflag:s18] =	ssyncadd.s32 $0xFFFFD800  }
0x48: {  	[spmem:s2] =	stream.indirect.scatter.add.f32 [tilespmem:s17], [sflag:$0x2], $0x80, s15, s16, $0xb8;
	[tilespmem:$0x16180] =	vst v63  }
0x49: {  	_ =	swait.ge [sflag:s13], $0x2800  }
0x4a: {  	[sflag:s13] =	ssyncset.done $0x0  }
0x4b: {  	[sflag:s13] =	ssyncadd.s32 $0xFFFFD800  }
0x4c: {  	[bflag:$0x0] =	sbarrier.arrive $0xFFFF  }
0x4d: {  	[hbm:s7], [sflag:s5] =	dma.local [spmem:s12], $0x2700  }
0x4e: {  	s19 =	sadd.s32 $0x1, s19;
	_ =	swait.ge [sflag:s13], $0x2700  }
0x4f: {  	p1 =	sne.s32 s19, s9;
	[sflag:s13] =	ssyncset.done $0x0  }
.Ltmp1:
0x50: {  	s20 =	simm.s32 @!p0 $0x2;
	[sflag:s13] =	ssyncadd.s32 $0xFFFFD900;
	(pc) =	sbr.rel @p1 .LBB2_1-.Ltmp1, $4  }
0x51: {  	[hbm:s8], [sflag:s5] =	dma.local @!p0 [spmem:s14], $0x100  }
0x52: {  	_ =	swait.ge @!p0 [sflag:s20], $0x100  }
0x53: {  	[sflag:s20] =	ssyncset.done @!p0 $0x0  }
0x54: {  	[sflag:s20] =	ssyncadd.s32 @!p0 $0xFFFFFF00  }
0x55: {  	_ =	sfence.sel $0x180000  }
0x56: {  	[bflag:$0x0] =	sbarrier.arrive $0xFFFF  }
0x57: {  	_ =	strace $0x9000005C  }
0x58: {  	s0 =	sadd.s32 @!p0 $0x100000, s1;
	[bflag:$0x2] =	sbarrier.arrive $0xFFFF  }
0x59: {  	[sflag:s0] =	ssyncadd.tile.s32 @!p0 $0x1;
	_ =	shalt  }
.Lfunc_end2:
_tile_overlayer_lowered:
.L_overlay_start_2:
0x5a: {  	(tag) =	ssettag $0x2  }
0x5b: {  	s0 =	rddreg [dreg:$0x0];
	s2 =	stileid.u32  }
0x5c: {  	s1 =	rddreg [dreg:$0x1];
	p0 =	sne.s32 s2, $0x0  }
0x5d: {  	s3 =	rddreg [dreg:$0x2];
	[bflag:$0x3] =	sbarrier.arrive $0xFFFF;
	s2 =	simm.s32 @!p0 $0x1C02  }
0x5e: {  	[timem:s3], [sflag:s2] =	dma.local @!p0 [hbm:s0], s1  }
0x5f: {  	s0 =	simm.s32 @!p0 $0x2  }
0x60: {  	_ =	swait.ge @!p0 [sflag:s0], s1  }
0x61: {  	s1 =	ssub.s32 @!p0 $0x0, s1;
	[sflag:s0] =	ssyncset.done @!p0 $0x0  }
0x62: {  	[sflag:s0] =	ssyncadd.s32 @!p0 s1  }
0x63: {  	[bflag:$0x3] =	sbarrier.arrive $0xFFFF  }
0x64: {  	_ =	shalt  }

// kernel: kernel.48.cloned.1.call-start
scs
__scs_entry_jumppad:
0x0: {  	(pc) =	sbr.rel $0x88, $3  }
0x1: {  	(tag) =	ssettag $0x0;
	lr =	simm.s32 $0x1  }
0x2: {  	[smem:$0x3F9D] =	sst lr;
	_ =	strace $0xD0000000  }
0x3: {  	_ = 	snop  }
0x4: {  	_ = 	snop  }
0x5: {  	_ = 	snop  }
0x6: {  	_ = 	snop  }
0x7: {  	_ = 	snop  }
__scs_overlays_trampoline_lowered:
0x8: {  	[smem:$0x3FAC] =	sst s0  }
0x9: {  	[smem:$0x3FAD] =	sst s1  }
0xa: {  	[smem:$0x3FAE] =	sst s2  }
0xb: {  	[smem:$0x3FAF] =	sst s3  }
0xc: {  	[smem:$0x3FB0] =	sst s4  }
0xd: {  	[smem:$0x3FB1] =	sst s5  }
0xe: {  	[smem:$0x3FB2] =	sst s6  }
0xf: {  	[smem:$0x3FB3] =	sst s7  }
0x10: {  	[smem:$0x3FB4] =	sst s8  }
0x11: {  	[smem:$0x3FB5] =	sst s9;
	s0 =	simm.s32 @!p0 $0x0  }
0x12: {  	s1 =	sld [smem:$0x3F9B];
	s0 =	simm.s32 @p0 $0x1  }
0x13: {  	[smem:$0x3FB6] =	sst s0;
	s0 =	simm.s32 @!p1 $0x0  }
0x14: {  	s2 =	sld [smem:$0x3F9A];
	s0 =	simm.s32 @p1 $0x1  }
0x15: {  	[smem:$0x3FB7] =	sst s0;
	s0 =	simm.s32 @!p2 $0x0  }
0x16: {  	s3 =	sld [smem:$0x3FDB];
	s0 =	simm.s32 @p2 $0x1  }
0x17: {  	s4 =	simm.s32 $0x1BF5;
	[smem:$0x3FB9] =	sst s0  }
0x18: {  	s0 =	sld [smem:$0x3F9C];
	_ =	swait.ge [sflag:s4], $0x0  }
0x19: {  	s7 =	sld [smem:$0x3F9D]  }
0x1a: {  	s8 =	sadd.s32 $0xFFFFE003, lr  }
0x1b: {  	s9 =	sadd.s32 $0xFFFFFEF7, lr;
	s5 =	simm.s32 $0xFFFFFFFF;
	p2 =	slt.u32 s8, $0xFFFFF086  }
0x1c: {  	p1 =	slt.u32 s9, $0xF7A;
	s5 =	simm.s32 @!p2 $0x0  }
0x1d: {  	s5 =	simm.s32 @p1 $0x1;
	p0 =	seq.s32 s7, s2  }
0x1e: {  	s7 =	smul.u32 @!p0 $0xF7A, s2;
	p2 =	seq.s32 @!p0 s5, $0x0  }
0x1f: {  	s9 =	smul.u32 $0xF7A, s1;
	s8 =	simm.s32 @!p0 $0x1BF5;
	p2 =	por !p2, p0  }
0x20: {  	[sflag:s8] =	ssyncset.s32 @!p0 $0xFFFFF086;
	s6 =	sadd.s32 @!p0 s3, s7;
	s7 =	simm.s32 @!p0 $0x108  }
0x21: {  	s3 =	sadd.s32 s3, s9;
	s6 =	sadd.s32 @!p0 $0x88, s6;
	s7 =	simm.s32 @p2 $0x1082  }
0x22: {  	[simem:s7], [sflag:s8] =	dma.local @!p0 [hbm:s6], $0xF7A  }
0x23: {  	s9 =	sor.u32 $0xD0000000, s2;
	s6 =	simm.s32 $0x108;
	_ =	swait.ge @!p0 [sflag:s8], $0x0  }
0x24: {  	s3 =	sadd.s32 $0x88, s3;
	s6 =	simm.s32 @!p1 $0x1082;
	[sflag:s4] =	ssyncset.s32 $0xFFFFF086  }
0x25: {  	[simem:s6], [sflag:s4] =	dma.local [hbm:s3], $0xF7A  }
0x26: {  	[smem:$0x3F9D] =	sst s1;
	(tag) =	ssettag s2;
	_ =	strace s9  }
0x27: {  	s1 =	sld [smem:$0x3FAD]  }
0x28: {  	s2 =	sld [smem:$0x3FAE]  }
0x29: {  	s4 =	sld [smem:$0x3FB0]  }
0x2a: {  	p0 =	seq.s32 s5, $0x0;
	s5 =	sld [smem:$0x3FB1]  }
0x2b: {  	s6 =	sld [smem:$0x3FB2]  }
0x2c: {  	s7 =	sld [smem:$0x3FB3]  }
0x2d: {  	s3 =	simm.s32 $0x108;
	s8 =	sld [smem:$0x3FB4]  }
0x2e: {  	s3 =	simm.s32 @!p0 $0x1082;
	s9 =	sld [smem:$0x3FB5]  }
0x2f: {  	lr =	sadd.s32 s0, s3;
	s0 =	sld [smem:$0x3FAC]  }
0x30: {  	s3 =	sld [smem:$0x3FAF]  }
0x31: {  	[smem:$0x3FB8] =	sst s10  }
0x32: {  	s10 =	sld [smem:$0x3FB6];
	_ =	sdelay $0x3  }
0x33: {  	p0 =	seq.s32 s10, $0x1;
	s10 =	sld [smem:$0x3FB8];
	_ =	sdelay $0x3  }
0x34: {  	[smem:$0x3FB8] =	sst s10  }
0x35: {  	s10 =	sld [smem:$0x3FB7];
	_ =	sdelay $0x3  }
0x36: {  	p1 =	seq.s32 s10, $0x1;
	s10 =	sld [smem:$0x3FB8];
	_ =	sdelay $0x3  }
0x37: {  	[smem:$0x3FB8] =	sst s10  }
0x38: {  	s10 =	sld [smem:$0x3FB9]  }
0x39: {  	_ = 	snop;
	(pc) =	sbr.ind lr, $3  }
0x3a: {  	_ = 	snop  }
0x3b: {  	_ = 	snop  }
0x3c: {  	p2 =	seq.s32 s10, $0x1;
	s10 =	sld [smem:$0x3FB8]  }
0x3d: {  	_ =	shalt  }
0x3e: {  	_ =	shalt  }
0x3f: {  	_ =	shalt  }
0x40: {  	_ =	shalt  }
0x41: {  	_ =	shalt  }
0x42: {  	_ =	shalt  }
0x43: {  	_ =	shalt  }
0x44: {  	_ =	shalt  }
0x45: {  	_ =	shalt  }
0x46: {  	_ =	shalt  }
0x47: {  	_ =	shalt  }
0x48: {  	_ =	shalt  }
0x49: {  	_ =	shalt  }
0x4a: {  	_ =	shalt  }
0x4b: {  	_ =	shalt  }
0x4c: {  	_ =	shalt  }
0x4d: {  	_ =	shalt  }
0x4e: {  	_ =	shalt  }
0x4f: {  	_ =	shalt  }
0x50: {  	_ =	shalt  }
0x51: {  	_ =	shalt  }
0x52: {  	_ =	shalt  }
0x53: {  	_ =	shalt  }
0x54: {  	_ =	shalt  }
0x55: {  	_ =	shalt  }
0x56: {  	_ =	shalt  }
0x57: {  	_ =	shalt  }
0x58: {  	_ =	shalt  }
0x59: {  	_ =	shalt  }
0x5a: {  	_ =	shalt  }
0x5b: {  	_ =	shalt  }
0x5c: {  	_ =	shalt  }
0x5d: {  	_ =	shalt  }
0x5e: {  	_ =	shalt  }
0x5f: {  	_ =	shalt  }
0x60: {  	_ =	shalt  }
0x61: {  	_ =	shalt  }
0x62: {  	_ =	shalt  }
0x63: {  	_ =	shalt  }
0x64: {  	_ =	shalt  }
0x65: {  	_ =	shalt  }
0x66: {  	_ =	shalt  }
0x67: {  	_ =	shalt  }
0x68: {  	_ =	shalt  }
0x69: {  	_ =	shalt  }
0x6a: {  	_ =	shalt  }
0x6b: {  	_ =	shalt  }
0x6c: {  	_ =	shalt  }
0x6d: {  	_ =	shalt  }
0x6e: {  	_ =	shalt  }
0x6f: {  	_ =	shalt  }
0x70: {  	_ =	shalt  }
0x71: {  	_ =	shalt  }
0x72: {  	_ =	shalt  }
0x73: {  	_ =	shalt  }
0x74: {  	_ =	shalt  }
0x75: {  	_ =	shalt  }
0x76: {  	_ =	shalt  }
0x77: {  	_ =	shalt  }
0x78: {  	_ =	shalt  }
0x79: {  	_ =	shalt  }
0x7a: {  	_ =	shalt  }
0x7b: {  	_ =	shalt  }
0x7c: {  	_ =	shalt  }
0x7d: {  	_ =	shalt  }
0x7e: {  	_ =	shalt  }
0x7f: {  	_ =	shalt  }
0x80: {  	_ =	shalt  }
0x81: {  	_ =	shalt  }
0x82: {  	_ =	shalt  }
0x83: {  	_ =	shalt  }
0x84: {  	_ =	shalt  }
0x85: {  	_ =	shalt  }
0x86: {  	_ =	shalt  }
0x87: {  	_ =	shalt  }
.Lfunc_end0:
.L_simem_size_0:
called_computation.8_lowered:
.L_overlay_start_0:
0x88: {  	s2 =	sld [smem:$0x3FD9]  }
0x89: {  	s3 =	sld [smem:$0x3FFE];
	_ =	sdelay $0x1  }
0x8a: {  	s1 =	srdreg.scid  }
0x8b: {  	s0 =	sand.u32 $0x1, s1  }
0x8c: {  	s17 =	sshll.u32 s0, $0xA;
	s2 =	sadd.s32 s3, s2  }
0x8d: {  	s2 =	sadd.s32 s2, s17  }
0x8e: {  	[smem:$0x3FC4] =	sst s2  }
0x8f: {  	_ = 	snop  }
0x90: {  	s2 =	sld [smem:$0x3FD0];
	(tm) =	ssettm $0x1  }
0x91: {  	s18 =	sld [smem:$0x3FFB];
	_ =	sdelay $0x3  }
0x92: {  	_ =	strace s18  }
0x93: {  	s3 =	sld [smem:$0x3FFC];
	_ =	sdelay $0x3  }
0x94: {  	_ =	strace s3  }
0x95: {  	s3 =	sld [smem:$0x3FFD];
	_ =	sdelay $0x3  }
0x96: {  	_ =	strace s3  }
0x97: {  	_ =	strace $0x8FFFFFFF  }
0x98: {  	s19 =	sld [smem:$0x3FDB];
	_ =	sdelay $0x1  }
0x99: {  	s4 =	simm.s32 $_scs_section_size  }
0x9a: {  	s5 =	simm.s32 $_size__tile_overlayer_lowered;
	s6 =	simm.s32 $_tile_overlayer_lowered  }
0x9b: {  	s22 =	simm.s32 $0x1BFF;
	s21 =	sshll.u32 s6, $0x1;
	s3 =	sadd.s32 s4, s19  }
0x9c: {  	s7 =	simm.s32 $0x0;
	s20 =	sshll.u32 s5, $0x1;
	s5 =	sadd.s32 s21, s3  }
0x9d: {  	[timem:s7], [sflag:s22] =	dma.local [hbm:s5], s20  }
0x9e: {  	_ =	swait.ge [sflag:s22], s20  }
0x9f: {  	s4 =	ssub.s32 $0x0, s20;
	[sflag:s22] =	ssyncset.done $0x0  }
0xa0: {  	[sflag:s22] =	ssyncadd.s32 s4;
	_ =	sdelay $0x1  }
0xa1: {  	s23 =	simm.s32 $0x1B8B  }
0xa2: {  	_ =	swait.ge [sflag:s23], $0x1  }
0xa3: {  	[sflag:s23] =	ssyncset.done $0x0  }
0xa4: {  	s25 =	simm.s32 $0x1B8E;
	s24 =	sld [smem:$0x3FFE];
	[sflag:s23] =	ssyncadd.s32 $0xFFFFFFFF  }
0xa5: {  	s26 =	simm.s32 $execute0_lowered;
	[smem:$0x3FD2] =	sst s25  }
0xa6: {  	s5 =	sshll.u32 s26, $0x1;
	_ =	strace $0x8000005E;
	[dreg:$0x1] =	wrdreg $0xFFFFFFFF  }
0xa7: {  	s28 =	simm.s32 $_size_execute0_lowered;
	s3 =	sadd.s32 s3, s5;
	[dreg:$0x0] =	wrdreg $0x0  }
0xa8: {  	s5 =	sshll.u32 s28, $0x1;
	[dreg:$0x2] =	wrdreg s3  }
0xa9: {  	[dreg:$0x3] =	wrdreg s5  }
0xaa: {  	[dreg:$0x4] =	wrdreg $0xC0  }
0xab: {  	_ =	task [dreg:s7], $0x5FFFF  }
0xac: {  	[dreg:$0x1] =	wrdreg $0xFFFFFFFF  }
0xad: {  	[dreg:$0x0] =	wrdreg $0x60  }
0xae: {  	[dreg:$0x2] =	wrdreg s2  }
0xaf: {  	[dreg:$0x3] =	wrdreg s24  }
0xb0: {  	[dreg:$0x4] =	wrdreg $0x29000  }
0xb1: {  	[dreg:$0x5] =	wrdreg $0x9  }
0xb2: {  	_ =	task.clear_ibuf [dreg:s7], $0x6FFFF;
	_ =	strace $0x9000005E  }
0xb3: {  	s29 =	simm.s32 $0x9;
	_ =	strace $0x80000060  }
0xb4: {  	_ =	swait.ge [sflag:s29], $0x1  }
0xb5: {  	[sflag:s29] =	ssyncadd.s32 $0xFFFFFFFF  }
0xb6: {  	_ =	strace $0x90000060  }
0xb7: {  	_ =	sfence  }
0xb8: {  	s30 =	sld [smem:$0x0];
	_ =	sdelay $0x2  }
0xb9: {  	s31 =	sshll.u32 s1, $0xD;
	s1 =	sshrl.u32 s1, $0x2  }
0xba: {  	s3 =	sand.u32 $0x4000, s31;
	s1 =	sadd.s32 s1, s30  }
0xbb: {  	s0 =	sor.u32 s3, s0;
	s1 =	sshll.u32 s1, $0x11  }
0xbc: {  	s0 =	sor.u32 s1, s0  }
0xbd: {  	s0 =	sadd.s32 $0x8F2B, s0  }
0xbe: {  	[sflag:s0] =	ssyncadd.remote.s32 $0x1  }
0xbf: {  	_ =	sfence.sel $0xFFFF  }
0xc0: {  	[dreg:$0x0] =	wrdreg $0xFFFFFFFF;
	(pc) =	sbr.abs _section_cstart, $3  }
0xc1: {  	[dreg:$0x1] =	wrdreg $0xFFFFFFFF  }
0xc2: {  	_ =	task.clear_ibuf [dreg:s7], $0x2FFFF;
	_ =	strace $0x9FFFFFFF  }
0xc3: {  	(tm) =	ssettm $0x7FFFFFFF  }
tec
execute0_lowered:
.L_overlay_start_1:
0x0: {  	(tag) =	ssettag $0x1  }
0x1: {  	s1 =	srdreg.scid;
	s0 =	rddreg [dreg:$0x0]  }
0x2: {  	s12 =	stileid.u32;
	s6 =	rddreg [dreg:$0x1]  }
0x3: {  	s2 =	rddreg [dreg:$0x2];
	s3 =	simm.s32 $0x0;
	s16 =	simm.s32 $0x50  }
0x4: {  	s17 =	simm.s32 $0x100;
	s18 =	simm.s32 $0x1;
	s5 =	smul.u32 $0x4E20, s12  }
0x5: {  	s4 =	sand.u32 $0x1, s1;
	s1 =	rddreg [dreg:$0x3];
	s25 =	smul.u32 $0x13800, s12  }
0x6: {  	s19 =	simm.s32 $0x0;
	[smem:$0x7FF] =	sst s3;
	s9 =	smul.u32 $0x4E000, s12  }
0x7: {  	s10 =	sadd.s32 $0x40800, s6;
	s30 =	sshll.u32 s12, $0x6;
	s15 =	sadd.s32 $0x138000, s2  }
0x8: {  	p0 =	sne.s32 s12, $0x0;
	s7 =	smul.u32 $0x2710, s4;
	_ =	strace $0x8000005F  }
0x9: {  	s8 =	ssub.s32 $0x2, s4;
	s29 =	smul.u32 $0x138800, s4;
	s26 =	sshrl.u32 s25, $0x3  }
0xa: {  	s13 =	sshrl.u32 s8, $0x1;
	s28 =	sshrl.u32 s9, $0x2;
	s5 =	sadd.s32 s7, s5  }
0xb: {  	s13 =	ssub.s32 s8, s13;
	s14 =	sadd.s32 s28, s2;
	s7 =	sadd.s32 s25, s29  }
0xc: {  	s31 =	sshrl.u32 s29, $0x3;
	s5 =	sshrl.u32 s5, $0x3;
	s7 =	sshrl.u32 s7, $0x3  }
0xd: {  	s8 =	sadd.s32 s10, s31;
	s9 =	smax.u32 s13, $0x1;
	s12 =	sshrl.u32 s14, $0x3  }
0xe: {  	s13 =	simm.s32 $0x2;
	s14 =	sshrl.u32 @!p0 s15, $0x3;
	s15 =	simm.s32 $0x80  }
0xf: {  	s11 =	sadd.s32 s5, s6;
	s5 =	sadd.s32 s26, s6;
	s6 =	sadd.s32 $0x40600, s6  }
0x10: {  	s7 =	sadd.s32 s10, s7;
	s8 =	sadd.s32 $0x27000, s8;
	s4 =	sadd.s32 $0x19600, s5  }
0x11: {  	s5 =	sor.u32 $0x1C02, s30;
	s10 =	sadd.s32 $0x5A00, s11;
	s11 =	sadd.s32 $0xF800, s11  }
.LBB2_1:
0x12: {  	[spmem:s12], [sflag:s5] =	dma.local [hbm:s4], $0x2700  }
0x13: {  	_ =	swait.ge [sflag:s13], $0x2700  }
0x14: {  	[sflag:s13] =	ssyncset.done $0x0  }
0x15: {  	s20 =	simm.s32 @!p0 $0x2;
	[sflag:s13] =	ssyncadd.s32 $0xFFFFD900  }
0x16: {  	[spmem:s14], [sflag:s5] =	dma.local @!p0 [hbm:s6], $0x100  }
0x17: {  	_ =	swait.ge @!p0 [sflag:s20], $0x100  }
0x18: {  	[sflag:s20] =	ssyncset.done @!p0 $0x0  }
0x19: {  	[sflag:s20] =	ssyncadd.s32 @!p0 $0xFFFFFF00  }
0x1a: {  	s30 =	sadd.s32 $0x0, s11;
	[bflag:$0x0] =	sbarrier.arrive $0xFFFF  }
0x1b: {  	[tilespmem:s3], [sflag:$0x2] =	stream.linear.gather [hbm4b:s30+s3], $0x50, $0x38;
	[tilespmem:$0x16180] =	vst v63  }
0x1c: {  	_ =	swait.ge [sflag:s13], $0x50  }
0x1d: {  	[sflag:s13] =	ssyncset.done $0x0  }
0x1e: {  	s31 =	sadd.s32 $0x0, s10;
	[sflag:s13] =	ssyncadd.s32 $0xFFFFFFB0  }
0x1f: {  	[tilespmem:s15], [sflag:$0x2] =	stream.linear.gather [hbm4b:s31+s3], $0x50, $0x38;
	[tilespmem:$0x16180] =	vst v63  }
0x20: {  	_ =	swait.ge [sflag:s13], $0x50  }
0x21: {  	[sflag:s13] =	ssyncset.done $0x0  }
0x22: {  	[sflag:s13] =	ssyncadd.s32 $0xFFFFFFB0  }
0x23: {  	[tilespmem:s17], [sflag:$0x1] =	stream.indirect.gather [hbm4b:s0+s16], $0x80, s3, s16, $0xb8;
	[tilespmem:$0x16180] =	vst v63  }
0x24: {  	_ =	swait.ge [sflag:s18], $0x2800  }
0x25: {  	[sflag:s18] =	ssyncset.done $0x0  }
0x26: {  	[sflag:s18] =	ssyncadd.s32 $0xFFFFD800  }
0x27: {  	[spmem:s2] =	stream.indirect.scatter.add.f32 [tilespmem:s17], [sflag:$0x2], $0x80, s15, s16, $0xb8;
	[tilespmem:$0x16180] =	vst v63  }
0x28: {  	_ =	swait.ge [sflag:s13], $0x2800  }
0x29: {  	s21 =	simm.s32 $0x14;
	s20 =	simm.s32 $0xA;
	[sflag:s13] =	ssyncset.done $0x0  }
.LBB2_2:
0x2a: {  	s22 =	sadd.s32 s20, s11  }
0x2b: {  	[sflag:s13] =	ssyncadd.s32 $0xFFFFD800;
	s23 =	smov.u32 s21;
	s24 =	sadd.s32 $0xA, s21  }
0x2c: {  	[tilespmem:s3], [sflag:$0x2] =	stream.linear.gather [hbm4b:s22+s3], $0x50, $0x38;
	[tilespmem:$0x16180] =	vst v63  }
0x2d: {  	p1 =	sne.s32 s21, $0x4D8;
	_ =	swait.ge [sflag:s13], $0x50  }
0x2e: {  	[sflag:s13] =	ssyncset.done $0x0  }
0x2f: {  	s21 =	sadd.s32 s20, s10;
	s20 =	smov.u32 s23;
	[sflag:s13] =	ssyncadd.s32 $0xFFFFFFB0  }
0x30: {  	[tilespmem:s15], [sflag:$0x2] =	stream.linear.gather [hbm4b:s21+s3], $0x50, $0x38;
	[tilespmem:$0x16180] =	vst v63  }
0x31: {  	_ =	swait.ge [sflag:s13], $0x50  }
0x32: {  	[sflag:s13] =	ssyncset.done $0x0  }
0x33: {  	[sflag:s13] =	ssyncadd.s32 $0xFFFFFFB0  }
0x34: {  	[tilespmem:s17], [sflag:$0x1] =	stream.indirect.gather [hbm4b:s0+s16], $0x80, s3, s16, $0xb8;
	[tilespmem:$0x16180] =	vst v63  }
0x35: {  	_ =	swait.ge [sflag:s18], $0x2800  }
.Ltmp0:
0x36: {  	[sflag:s18] =	ssyncset.done $0x0;
	(pc) =	sbr.rel @p1 .LBB2_2-.Ltmp0, $4  }
0x37: {  	[sflag:s18] =	ssyncadd.s32 $0xFFFFD800  }
0x38: {  	[spmem:s2] =	stream.indirect.scatter.add.f32 [tilespmem:s17], [sflag:$0x2], $0x80, s15, s16, $0xb8;
	[tilespmem:$0x16180] =	vst v63  }
0x39: {  	_ =	swait.ge [sflag:s13], $0x2800  }
0x3a: {  	s21 =	smov.u32 s24;
	[sflag:s13] =	ssyncset.done $0x0  }
0x3b: {  	s21 =	sadd.s32 s20, s11;
	[sflag:s13] =	ssyncadd.s32 $0xFFFFD800  }
0x3c: {  	[tilespmem:s3], [sflag:$0x2] =	stream.linear.gather [hbm4b:s21+s3], $0x50, $0x38;
	[tilespmem:$0x16180] =	vst v63  }
0x3d: {  	_ =	swait.ge [sflag:s13], $0x50  }
0x3e: {  	[sflag:s13] =	ssyncset.done $0x0  }
0x3f: {  	s31 =	sadd.s32 s20, s10;
	[sflag:s13] =	ssyncadd.s32 $0xFFFFFFB0  }
0x40: {  	[tilespmem:s15], [sflag:$0x2] =	stream.linear.gather [hbm4b:s31+s3], $0x50, $0x38;
	[tilespmem:$0x16180] =	vst v63  }
0x41: {  	_ =	swait.ge [sflag:s13], $0x50  }
0x42: {  	[sflag:s13] =	ssyncset.done $0x0  }
0x43: {  	[sflag:s13] =	ssyncadd.s32 $0xFFFFFFB0  }
0x44: {  	[tilespmem:s17], [sflag:$0x1] =	stream.indirect.gather [hbm4b:s0+s16], $0x80, s3, s16, $0xb8;
	[tilespmem:$0x16180] =	vst v63  }
0x45: {  	_ =	swait.ge [sflag:s18], $0x2800  }
0x46: {  	[sflag:s18] =	ssyncset.done $0x0  }
0x47: {  	[sflag:s18] =	ssyncadd.s32 $0xFFFFD800  }
0x48: {  	[spmem:s2] =	stream.indirect.scatter.add.f32 [tilespmem:s17], [sflag:$0x2], $0x80, s15, s16, $0xb8;
	[tilespmem:$0x16180] =	vst v63  }
0x49: {  	_ =	swait.ge [sflag:s13], $0x2800  }
0x4a: {  	[sflag:s13] =	ssyncset.done $0x0  }
0x4b: {  	[sflag:s13] =	ssyncadd.s32 $0xFFFFD800  }
0x4c: {  	[bflag:$0x0] =	sbarrier.arrive $0xFFFF  }
0x4d: {  	[hbm:s7], [sflag:s5] =	dma.local [spmem:s12], $0x2700  }
0x4e: {  	s19 =	sadd.s32 $0x1, s19;
	_ =	swait.ge [sflag:s13], $0x2700  }
0x4f: {  	p1 =	sne.s32 s19, s9;
	[sflag:s13] =	ssyncset.done $0x0  }
.Ltmp1:
0x50: {  	s20 =	simm.s32 @!p0 $0x2;
	[sflag:s13] =	ssyncadd.s32 $0xFFFFD900;
	(pc) =	sbr.rel @p1 .LBB2_1-.Ltmp1, $4  }
0x51: {  	[hbm:s8], [sflag:s5] =	dma.local @!p0 [spmem:s14], $0x100  }
0x52: {  	_ =	swait.ge @!p0 [sflag:s20], $0x100  }
0x53: {  	[sflag:s20] =	ssyncset.done @!p0 $0x0  }
0x54: {  	[sflag:s20] =	ssyncadd.s32 @!p0 $0xFFFFFF00  }
0x55: {  	_ =	sfence.sel $0x180000  }
0x56: {  	[bflag:$0x0] =	sbarrier.arrive $0xFFFF  }
0x57: {  	_ =	strace $0x9000005F  }
0x58: {  	s0 =	sadd.s32 @!p0 $0x100000, s1;
	[bflag:$0x2] =	sbarrier.arrive $0xFFFF  }
0x59: {  	[sflag:s0] =	ssyncadd.tile.s32 @!p0 $0x1;
	_ =	shalt  }
.Lfunc_end2:
_tile_overlayer_lowered:
.L_overlay_start_2:
0x5a: {  	(tag) =	ssettag $0x2  }
0x5b: {  	s0 =	rddreg [dreg:$0x0];
	s2 =	stileid.u32  }
0x5c: {  	s1 =	rddreg [dreg:$0x1];
	p0 =	sne.s32 s2, $0x0  }
0x5d: {  	s3 =	rddreg [dreg:$0x2];
	[bflag:$0x3] =	sbarrier.arrive $0xFFFF;
	s2 =	simm.s32 @!p0 $0x1C02  }
0x5e: {  	[timem:s3], [sflag:s2] =	dma.local @!p0 [hbm:s0], s1  }
0x5f: {  	s0 =	simm.s32 @!p0 $0x2  }
0x60: {  	_ =	swait.ge @!p0 [sflag:s0], s1  }
0x61: {  	s1 =	ssub.s32 @!p0 $0x0, s1;
	[sflag:s0] =	ssyncset.done @!p0 $0x0  }
0x62: {  	[sflag:s0] =	ssyncadd.s32 @!p0 s1  }
0x63: {  	[bflag:$0x3] =	sbarrier.arrive $0xFFFF  }
0x64: {  	_ =	shalt  }

// kernel: kernel.51.cloned.1.call-start
scs
__scs_entry_jumppad:
0x0: {  	(pc) =	sbr.rel $0x88, $3  }
0x1: {  	(tag) =	ssettag $0x0;
	lr =	simm.s32 $0x1  }
0x2: {  	[smem:$0x3F9D] =	sst lr;
	_ =	strace $0xD0000000  }
0x3: {  	_ = 	snop  }
0x4: {  	_ = 	snop  }
0x5: {  	_ = 	snop  }
0x6: {  	_ = 	snop  }
0x7: {  	_ = 	snop  }
__scs_overlays_trampoline_lowered:
0x8: {  	[smem:$0x3FAC] =	sst s0  }
0x9: {  	[smem:$0x3FAD] =	sst s1  }
0xa: {  	[smem:$0x3FAE] =	sst s2  }
0xb: {  	[smem:$0x3FAF] =	sst s3  }
0xc: {  	[smem:$0x3FB0] =	sst s4  }
0xd: {  	[smem:$0x3FB1] =	sst s5  }
0xe: {  	[smem:$0x3FB2] =	sst s6  }
0xf: {  	[smem:$0x3FB3] =	sst s7  }
0x10: {  	[smem:$0x3FB4] =	sst s8  }
0x11: {  	[smem:$0x3FB5] =	sst s9;
	s0 =	simm.s32 @!p0 $0x0  }
0x12: {  	s1 =	sld [smem:$0x3F9B];
	s0 =	simm.s32 @p0 $0x1  }
0x13: {  	[smem:$0x3FB6] =	sst s0;
	s0 =	simm.s32 @!p1 $0x0  }
0x14: {  	s2 =	sld [smem:$0x3F9A];
	s0 =	simm.s32 @p1 $0x1  }
0x15: {  	[smem:$0x3FB7] =	sst s0;
	s0 =	simm.s32 @!p2 $0x0  }
0x16: {  	s3 =	sld [smem:$0x3FDB];
	s0 =	simm.s32 @p2 $0x1  }
0x17: {  	s4 =	simm.s32 $0x1BF5;
	[smem:$0x3FB9] =	sst s0  }
0x18: {  	s0 =	sld [smem:$0x3F9C];
	_ =	swait.ge [sflag:s4], $0x0  }
0x19: {  	s7 =	sld [smem:$0x3F9D]  }
0x1a: {  	s8 =	sadd.s32 $0xFFFFE003, lr  }
0x1b: {  	s9 =	sadd.s32 $0xFFFFFEF7, lr;
	s5 =	simm.s32 $0xFFFFFFFF;
	p2 =	slt.u32 s8, $0xFFFFF086  }
0x1c: {  	p1 =	slt.u32 s9, $0xF7A;
	s5 =	simm.s32 @!p2 $0x0  }
0x1d: {  	s5 =	simm.s32 @p1 $0x1;
	p0 =	seq.s32 s7, s2  }
0x1e: {  	s7 =	smul.u32 @!p0 $0xF7A, s2;
	p2 =	seq.s32 @!p0 s5, $0x0  }
0x1f: {  	s9 =	smul.u32 $0xF7A, s1;
	s8 =	simm.s32 @!p0 $0x1BF5;
	p2 =	por !p2, p0  }
0x20: {  	[sflag:s8] =	ssyncset.s32 @!p0 $0xFFFFF086;
	s6 =	sadd.s32 @!p0 s3, s7;
	s7 =	simm.s32 @!p0 $0x108  }
0x21: {  	s3 =	sadd.s32 s3, s9;
	s6 =	sadd.s32 @!p0 $0x88, s6;
	s7 =	simm.s32 @p2 $0x1082  }
0x22: {  	[simem:s7], [sflag:s8] =	dma.local @!p0 [hbm:s6], $0xF7A  }
0x23: {  	s9 =	sor.u32 $0xD0000000, s2;
	s6 =	simm.s32 $0x108;
	_ =	swait.ge @!p0 [sflag:s8], $0x0  }
0x24: {  	s3 =	sadd.s32 $0x88, s3;
	s6 =	simm.s32 @!p1 $0x1082;
	[sflag:s4] =	ssyncset.s32 $0xFFFFF086  }
0x25: {  	[simem:s6], [sflag:s4] =	dma.local [hbm:s3], $0xF7A  }
0x26: {  	[smem:$0x3F9D] =	sst s1;
	(tag) =	ssettag s2;
	_ =	strace s9  }
0x27: {  	s1 =	sld [smem:$0x3FAD]  }
0x28: {  	s2 =	sld [smem:$0x3FAE]  }
0x29: {  	s4 =	sld [smem:$0x3FB0]  }
0x2a: {  	p0 =	seq.s32 s5, $0x0;
	s5 =	sld [smem:$0x3FB1]  }
0x2b: {  	s6 =	sld [smem:$0x3FB2]  }
0x2c: {  	s7 =	sld [smem:$0x3FB3]  }
0x2d: {  	s3 =	simm.s32 $0x108;
	s8 =	sld [smem:$0x3FB4]  }
0x2e: {  	s3 =	simm.s32 @!p0 $0x1082;
	s9 =	sld [smem:$0x3FB5]  }
0x2f: {  	lr =	sadd.s32 s0, s3;
	s0 =	sld [smem:$0x3FAC]  }
0x30: {  	s3 =	sld [smem:$0x3FAF]  }
0x31: {  	[smem:$0x3FB8] =	sst s10  }
0x32: {  	s10 =	sld [smem:$0x3FB6];
	_ =	sdelay $0x3  }
0x33: {  	p0 =	seq.s32 s10, $0x1;
	s10 =	sld [smem:$0x3FB8];
	_ =	sdelay $0x3  }
0x34: {  	[smem:$0x3FB8] =	sst s10  }
0x35: {  	s10 =	sld [smem:$0x3FB7];
	_ =	sdelay $0x3  }
0x36: {  	p1 =	seq.s32 s10, $0x1;
	s10 =	sld [smem:$0x3FB8];
	_ =	sdelay $0x3  }
0x37: {  	[smem:$0x3FB8] =	sst s10  }
0x38: {  	s10 =	sld [smem:$0x3FB9]  }
0x39: {  	_ = 	snop;
	(pc) =	sbr.ind lr, $3  }
0x3a: {  	_ = 	snop  }
0x3b: {  	_ = 	snop  }
0x3c: {  	p2 =	seq.s32 s10, $0x1;
	s10 =	sld [smem:$0x3FB8]  }
0x3d: {  	_ =	shalt  }
0x3e: {  	_ =	shalt  }
0x3f: {  	_ =	shalt  }
0x40: {  	_ =	shalt  }
0x41: {  	_ =	shalt  }
0x42: {  	_ =	shalt  }
0x43: {  	_ =	shalt  }
0x44: {  	_ =	shalt  }
0x45: {  	_ =	shalt  }
0x46: {  	_ =	shalt  }
0x47: {  	_ =	shalt  }
0x48: {  	_ =	shalt  }
0x49: {  	_ =	shalt  }
0x4a: {  	_ =	shalt  }
0x4b: {  	_ =	shalt  }
0x4c: {  	_ =	shalt  }
0x4d: {  	_ =	shalt  }
0x4e: {  	_ =	shalt  }
0x4f: {  	_ =	shalt  }
0x50: {  	_ =	shalt  }
0x51: {  	_ =	shalt  }
0x52: {  	_ =	shalt  }
0x53: {  	_ =	shalt  }
0x54: {  	_ =	shalt  }
0x55: {  	_ =	shalt  }
0x56: {  	_ =	shalt  }
0x57: {  	_ =	shalt  }
0x58: {  	_ =	shalt  }
0x59: {  	_ =	shalt  }
0x5a: {  	_ =	shalt  }
0x5b: {  	_ =	shalt  }
0x5c: {  	_ =	shalt  }
0x5d: {  	_ =	shalt  }
0x5e: {  	_ =	shalt  }
0x5f: {  	_ =	shalt  }
0x60: {  	_ =	shalt  }
0x61: {  	_ =	shalt  }
0x62: {  	_ =	shalt  }
0x63: {  	_ =	shalt  }
0x64: {  	_ =	shalt  }
0x65: {  	_ =	shalt  }
0x66: {  	_ =	shalt  }
0x67: {  	_ =	shalt  }
0x68: {  	_ =	shalt  }
0x69: {  	_ =	shalt  }
0x6a: {  	_ =	shalt  }
0x6b: {  	_ =	shalt  }
0x6c: {  	_ =	shalt  }
0x6d: {  	_ =	shalt  }
0x6e: {  	_ =	shalt  }
0x6f: {  	_ =	shalt  }
0x70: {  	_ =	shalt  }
0x71: {  	_ =	shalt  }
0x72: {  	_ =	shalt  }
0x73: {  	_ =	shalt  }
0x74: {  	_ =	shalt  }
0x75: {  	_ =	shalt  }
0x76: {  	_ =	shalt  }
0x77: {  	_ =	shalt  }
0x78: {  	_ =	shalt  }
0x79: {  	_ =	shalt  }
0x7a: {  	_ =	shalt  }
0x7b: {  	_ =	shalt  }
0x7c: {  	_ =	shalt  }
0x7d: {  	_ =	shalt  }
0x7e: {  	_ =	shalt  }
0x7f: {  	_ =	shalt  }
0x80: {  	_ =	shalt  }
0x81: {  	_ =	shalt  }
0x82: {  	_ =	shalt  }
0x83: {  	_ =	shalt  }
0x84: {  	_ =	shalt  }
0x85: {  	_ =	shalt  }
0x86: {  	_ =	shalt  }
0x87: {  	_ =	shalt  }
.Lfunc_end0:
.L_simem_size_0:
called_computation.9_lowered:
.L_overlay_start_0:
0x88: {  	s2 =	sld [smem:$0x3FD9]  }
0x89: {  	s3 =	sld [smem:$0x3FFE];
	_ =	sdelay $0x1  }
0x8a: {  	s1 =	srdreg.scid  }
0x8b: {  	s0 =	sand.u32 $0x1, s1  }
0x8c: {  	s17 =	sshll.u32 s0, $0xA;
	s2 =	sadd.s32 s3, s2  }
0x8d: {  	s2 =	sadd.s32 s2, s17  }
0x8e: {  	[smem:$0x3FC4] =	sst s2  }
0x8f: {  	_ = 	snop  }
0x90: {  	s2 =	sld [smem:$0x3FD0];
	(tm) =	ssettm $0x1  }
0x91: {  	s18 =	sld [smem:$0x3FFB];
	_ =	sdelay $0x3  }
0x92: {  	_ =	strace s18  }
0x93: {  	s3 =	sld [smem:$0x3FFC];
	_ =	sdelay $0x3  }
0x94: {  	_ =	strace s3  }
0x95: {  	s3 =	sld [smem:$0x3FFD];
	_ =	sdelay $0x3  }
0x96: {  	_ =	strace s3  }
0x97: {  	_ =	strace $0x8FFFFFFF  }
0x98: {  	s19 =	sld [smem:$0x3FDB];
	_ =	sdelay $0x1  }
0x99: {  	s4 =	simm.s32 $_scs_section_size  }
0x9a: {  	s5 =	simm.s32 $_size__tile_overlayer_lowered;
	s6 =	simm.s32 $_tile_overlayer_lowered  }
0x9b: {  	s22 =	simm.s32 $0x1BFF;
	s21 =	sshll.u32 s6, $0x1;
	s3 =	sadd.s32 s4, s19  }
0x9c: {  	s7 =	simm.s32 $0x0;
	s20 =	sshll.u32 s5, $0x1;
	s5 =	sadd.s32 s21, s3  }
0x9d: {  	[timem:s7], [sflag:s22] =	dma.local [hbm:s5], s20  }
0x9e: {  	_ =	swait.ge [sflag:s22], s20  }
0x9f: {  	s4 =	ssub.s32 $0x0, s20;
	[sflag:s22] =	ssyncset.done $0x0  }
0xa0: {  	[sflag:s22] =	ssyncadd.s32 s4;
	_ =	sdelay $0x1  }
0xa1: {  	s23 =	simm.s32 $0x1B8B  }
0xa2: {  	_ =	swait.ge [sflag:s23], $0x1  }
0xa3: {  	[sflag:s23] =	ssyncset.done $0x0  }
0xa4: {  	s25 =	simm.s32 $0x1B8E;
	s24 =	sld [smem:$0x3FFE];
	[sflag:s23] =	ssyncadd.s32 $0xFFFFFFFF  }
0xa5: {  	s26 =	simm.s32 $execute0_lowered;
	[smem:$0x3FD2] =	sst s25  }
0xa6: {  	s5 =	sshll.u32 s26, $0x1;
	_ =	strace $0x80000061;
	[dreg:$0x1] =	wrdreg $0xFFFFFFFF  }
0xa7: {  	s28 =	simm.s32 $_size_execute0_lowered;
	s3 =	sadd.s32 s3, s5;
	[dreg:$0x0] =	wrdreg $0x0  }
0xa8: {  	s5 =	sshll.u32 s28, $0x1;
	[dreg:$0x2] =	wrdreg s3  }
0xa9: {  	[dreg:$0x3] =	wrdreg s5  }
0xaa: {  	[dreg:$0x4] =	wrdreg $0xC0  }
0xab: {  	_ =	task [dreg:s7], $0x5FFFF  }
0xac: {  	[dreg:$0x1] =	wrdreg $0xFFFFFFFF  }
0xad: {  	[dreg:$0x0] =	wrdreg $0x60  }
0xae: {  	[dreg:$0x2] =	wrdreg s2  }
0xaf: {  	[dreg:$0x3] =	wrdreg s24  }
0xb0: {  	[dreg:$0x4] =	wrdreg $0x29000  }
0xb1: {  	[dreg:$0x5] =	wrdreg $0x9  }
0xb2: {  	_ =	task.clear_ibuf [dreg:s7], $0x6FFFF;
	_ =	strace $0x90000061  }
0xb3: {  	s29 =	simm.s32 $0x9;
	_ =	strace $0x80000063  }
0xb4: {  	_ =	swait.ge [sflag:s29], $0x1  }
0xb5: {  	[sflag:s29] =	ssyncadd.s32 $0xFFFFFFFF  }
0xb6: {  	_ =	strace $0x90000063  }
0xb7: {  	_ =	sfence  }
0xb8: {  	s30 =	sld [smem:$0x0];
	_ =	sdelay $0x2  }
0xb9: {  	s31 =	sshll.u32 s1, $0xD;
	s1 =	sshrl.u32 s1, $0x2  }
0xba: {  	s3 =	sand.u32 $0x4000, s31;
	s1 =	sadd.s32 s1, s30  }
0xbb: {  	s0 =	sor.u32 s3, s0;
	s1 =	sshll.u32 s1, $0x11  }
0xbc: {  	s0 =	sor.u32 s1, s0  }
0xbd: {  	s0 =	sadd.s32 $0x8F2B, s0  }
0xbe: {  	[sflag:s0] =	ssyncadd.remote.s32 $0x1  }
0xbf: {  	_ =	sfence.sel $0xFFFF  }
0xc0: {  	[dreg:$0x0] =	wrdreg $0xFFFFFFFF;
	(pc) =	sbr.abs _section_cstart, $3  }
0xc1: {  	[dreg:$0x1] =	wrdreg $0xFFFFFFFF  }
0xc2: {  	_ =	task.clear_ibuf [dreg:s7], $0x2FFFF;
	_ =	strace $0x9FFFFFFF  }
0xc3: {  	(tm) =	ssettm $0x7FFFFFFF  }
tec
execute0_lowered:
.L_overlay_start_1:
0x0: {  	(tag) =	ssettag $0x1  }
0x1: {  	s1 =	srdreg.scid;
	s0 =	rddreg [dreg:$0x0]  }
0x2: {  	s12 =	stileid.u32;
	s6 =	rddreg [dreg:$0x1]  }
0x3: {  	s2 =	rddreg [dreg:$0x2];
	s3 =	simm.s32 $0x0;
	s16 =	simm.s32 $0x50  }
0x4: {  	s17 =	simm.s32 $0x100;
	s18 =	simm.s32 $0x1;
	s5 =	smul.u32 $0x4E20, s12  }
0x5: {  	s4 =	sand.u32 $0x1, s1;
	s1 =	rddreg [dreg:$0x3];
	s25 =	smul.u32 $0x13800, s12  }
0x6: {  	s19 =	simm.s32 $0x0;
	[smem:$0x7FF] =	sst s3;
	s9 =	smul.u32 $0x4E000, s12  }
0x7: {  	s10 =	sadd.s32 $0x40800, s6;
	s30 =	sshll.u32 s12, $0x6;
	s15 =	sadd.s32 $0x138000, s2  }
0x8: {  	p0 =	sne.s32 s12, $0x0;
	s7 =	smul.u32 $0x2710, s4;
	_ =	strace $0x80000062  }
0x9: {  	s8 =	ssub.s32 $0x2, s4;
	s29 =	smul.u32 $0x138800, s4;
	s26 =	sshrl.u32 s25, $0x3  }
0xa: {  	s13 =	sshrl.u32 s8, $0x1;
	s28 =	sshrl.u32 s9, $0x2;
	s5 =	sadd.s32 s7, s5  }
0xb: {  	s13 =	ssub.s32 s8, s13;
	s14 =	sadd.s32 s28, s2;
	s7 =	sadd.s32 s25, s29  }
0xc: {  	s31 =	sshrl.u32 s29, $0x3;
	s5 =	sshrl.u32 s5, $0x3;
	s7 =	sshrl.u32 s7, $0x3  }
0xd: {  	s8 =	sadd.s32 s10, s31;
	s9 =	smax.u32 s13, $0x1;
	s12 =	sshrl.u32 s14, $0x3  }
0xe: {  	s13 =	simm.s32 $0x2;
	s14 =	sshrl.u32 @!p0 s15, $0x3;
	s15 =	simm.s32 $0x80  }
0xf: {  	s11 =	sadd.s32 s5, s6;
	s5 =	sadd.s32 s26, s6;
	s6 =	sadd.s32 $0x40600, s6  }
0x10: {  	s7 =	sadd.s32 s10, s7;
	s8 =	sadd.s32 $0x27000, s8;
	s4 =	sadd.s32 $0x19600, s5  }
0x11: {  	s5 =	sor.u32 $0x1C02, s30;
	s10 =	sadd.s32 $0x5A00, s11;
	s11 =	sadd.s32 $0xF800, s11  }
.LBB2_1:
0x12: {  	[spmem:s12], [sflag:s5] =	dma.local [hbm:s4], $0x2700  }
0x13: {  	_ =	swait.ge [sflag:s13], $0x2700  }
0x14: {  	[sflag:s13] =	ssyncset.done $0x0  }
0x15: {  	s20 =	simm.s32 @!p0 $0x2;
	[sflag:s13] =	ssyncadd.s32 $0xFFFFD900  }
0x16: {  	[spmem:s14], [sflag:s5] =	dma.local @!p0 [hbm:s6], $0x100  }
0x17: {  	_ =	swait.ge @!p0 [sflag:s20], $0x100  }
0x18: {  	[sflag:s20] =	ssyncset.done @!p0 $0x0  }
0x19: {  	[sflag:s20] =	ssyncadd.s32 @!p0 $0xFFFFFF00  }
0x1a: {  	s30 =	sadd.s32 $0x0, s11;
	[bflag:$0x0] =	sbarrier.arrive $0xFFFF  }
0x1b: {  	[tilespmem:s3], [sflag:$0x2] =	stream.linear.gather [hbm4b:s30+s3], $0x50, $0x38;
	[tilespmem:$0x16180] =	vst v63  }
0x1c: {  	_ =	swait.ge [sflag:s13], $0x50  }
0x1d: {  	[sflag:s13] =	ssyncset.done $0x0  }
0x1e: {  	s31 =	sadd.s32 $0x0, s10;
	[sflag:s13] =	ssyncadd.s32 $0xFFFFFFB0  }
0x1f: {  	[tilespmem:s15], [sflag:$0x2] =	stream.linear.gather [hbm4b:s31+s3], $0x50, $0x38;
	[tilespmem:$0x16180] =	vst v63  }
0x20: {  	_ =	swait.ge [sflag:s13], $0x50  }
0x21: {  	[sflag:s13] =	ssyncset.done $0x0  }
0x22: {  	[sflag:s13] =	ssyncadd.s32 $0xFFFFFFB0  }
0x23: {  	[tilespmem:s17], [sflag:$0x1] =	stream.indirect.gather [hbm4b:s0+s16], $0x80, s3, s16, $0xb8;
	[tilespmem:$0x16180] =	vst v63  }
0x24: {  	_ =	swait.ge [sflag:s18], $0x2800  }
0x25: {  	[sflag:s18] =	ssyncset.done $0x0  }
0x26: {  	[sflag:s18] =	ssyncadd.s32 $0xFFFFD800  }
0x27: {  	[spmem:s2] =	stream.indirect.scatter.add.f32 [tilespmem:s17], [sflag:$0x2], $0x80, s15, s16, $0xb8;
	[tilespmem:$0x16180] =	vst v63  }
0x28: {  	_ =	swait.ge [sflag:s13], $0x2800  }
0x29: {  	s21 =	simm.s32 $0x14;
	s20 =	simm.s32 $0xA;
	[sflag:s13] =	ssyncset.done $0x0  }
.LBB2_2:
0x2a: {  	s22 =	sadd.s32 s20, s11  }
0x2b: {  	[sflag:s13] =	ssyncadd.s32 $0xFFFFD800;
	s23 =	smov.u32 s21;
	s24 =	sadd.s32 $0xA, s21  }
0x2c: {  	[tilespmem:s3], [sflag:$0x2] =	stream.linear.gather [hbm4b:s22+s3], $0x50, $0x38;
	[tilespmem:$0x16180] =	vst v63  }
0x2d: {  	p1 =	sne.s32 s21, $0x4D8;
	_ =	swait.ge [sflag:s13], $0x50  }
0x2e: {  	[sflag:s13] =	ssyncset.done $0x0  }
0x2f: {  	s21 =	sadd.s32 s20, s10;
	s20 =	smov.u32 s23;
	[sflag:s13] =	ssyncadd.s32 $0xFFFFFFB0  }
0x30: {  	[tilespmem:s15], [sflag:$0x2] =	stream.linear.gather [hbm4b:s21+s3], $0x50, $0x38;
	[tilespmem:$0x16180] =	vst v63  }
0x31: {  	_ =	swait.ge [sflag:s13], $0x50  }
0x32: {  	[sflag:s13] =	ssyncset.done $0x0  }
0x33: {  	[sflag:s13] =	ssyncadd.s32 $0xFFFFFFB0  }
0x34: {  	[tilespmem:s17], [sflag:$0x1] =	stream.indirect.gather [hbm4b:s0+s16], $0x80, s3, s16, $0xb8;
	[tilespmem:$0x16180] =	vst v63  }
0x35: {  	_ =	swait.ge [sflag:s18], $0x2800  }
.Ltmp0:
0x36: {  	[sflag:s18] =	ssyncset.done $0x0;
	(pc) =	sbr.rel @p1 .LBB2_2-.Ltmp0, $4  }
0x37: {  	[sflag:s18] =	ssyncadd.s32 $0xFFFFD800  }
0x38: {  	[spmem:s2] =	stream.indirect.scatter.add.f32 [tilespmem:s17], [sflag:$0x2], $0x80, s15, s16, $0xb8;
	[tilespmem:$0x16180] =	vst v63  }
0x39: {  	_ =	swait.ge [sflag:s13], $0x2800  }
0x3a: {  	s21 =	smov.u32 s24;
	[sflag:s13] =	ssyncset.done $0x0  }
0x3b: {  	s21 =	sadd.s32 s20, s11;
	[sflag:s13] =	ssyncadd.s32 $0xFFFFD800  }
0x3c: {  	[tilespmem:s3], [sflag:$0x2] =	stream.linear.gather [hbm4b:s21+s3], $0x50, $0x38;
	[tilespmem:$0x16180] =	vst v63  }
0x3d: {  	_ =	swait.ge [sflag:s13], $0x50  }
0x3e: {  	[sflag:s13] =	ssyncset.done $0x0  }
0x3f: {  	s31 =	sadd.s32 s20, s10;
	[sflag:s13] =	ssyncadd.s32 $0xFFFFFFB0  }
0x40: {  	[tilespmem:s15], [sflag:$0x2] =	stream.linear.gather [hbm4b:s31+s3], $0x50, $0x38;
	[tilespmem:$0x16180] =	vst v63  }
0x41: {  	_ =	swait.ge [sflag:s13], $0x50  }
0x42: {  	[sflag:s13] =	ssyncset.done $0x0  }
0x43: {  	[sflag:s13] =	ssyncadd.s32 $0xFFFFFFB0  }
0x44: {  	[tilespmem:s17], [sflag:$0x1] =	stream.indirect.gather [hbm4b:s0+s16], $0x80, s3, s16, $0xb8;
	[tilespmem:$0x16180] =	vst v63  }
0x45: {  	_ =	swait.ge [sflag:s18], $0x2800  }
0x46: {  	[sflag:s18] =	ssyncset.done $0x0  }
0x47: {  	[sflag:s18] =	ssyncadd.s32 $0xFFFFD800  }
0x48: {  	[spmem:s2] =	stream.indirect.scatter.add.f32 [tilespmem:s17], [sflag:$0x2], $0x80, s15, s16, $0xb8;
	[tilespmem:$0x16180] =	vst v63  }
0x49: {  	_ =	swait.ge [sflag:s13], $0x2800  }
0x4a: {  	[sflag:s13] =	ssyncset.done $0x0  }
0x4b: {  	[sflag:s13] =	ssyncadd.s32 $0xFFFFD800  }
0x4c: {  	[bflag:$0x0] =	sbarrier.arrive $0xFFFF  }
0x4d: {  	[hbm:s7], [sflag:s5] =	dma.local [spmem:s12], $0x2700  }
0x4e: {  	s19 =	sadd.s32 $0x1, s19;
	_ =	swait.ge [sflag:s13], $0x2700  }
0x4f: {  	p1 =	sne.s32 s19, s9;
	[sflag:s13] =	ssyncset.done $0x0  }
.Ltmp1:
0x50: {  	s20 =	simm.s32 @!p0 $0x2;
	[sflag:s13] =	ssyncadd.s32 $0xFFFFD900;
	(pc) =	sbr.rel @p1 .LBB2_1-.Ltmp1, $4  }
0x51: {  	[hbm:s8], [sflag:s5] =	dma.local @!p0 [spmem:s14], $0x100  }
0x52: {  	_ =	swait.ge @!p0 [sflag:s20], $0x100  }
0x53: {  	[sflag:s20] =	ssyncset.done @!p0 $0x0  }
0x54: {  	[sflag:s20] =	ssyncadd.s32 @!p0 $0xFFFFFF00  }
0x55: {  	_ =	sfence.sel $0x180000  }
0x56: {  	[bflag:$0x0] =	sbarrier.arrive $0xFFFF  }
0x57: {  	_ =	strace $0x90000062  }
0x58: {  	s0 =	sadd.s32 @!p0 $0x100000, s1;
	[bflag:$0x2] =	sbarrier.arrive $0xFFFF  }
0x59: {  	[sflag:s0] =	ssyncadd.tile.s32 @!p0 $0x1;
	_ =	shalt  }
.Lfunc_end2:
_tile_overlayer_lowered:
.L_overlay_start_2:
0x5a: {  	(tag) =	ssettag $0x2  }
0x5b: {  	s0 =	rddreg [dreg:$0x0];
	s2 =	stileid.u32  }
0x5c: {  	s1 =	rddreg [dreg:$0x1];
	p0 =	sne.s32 s2, $0x0  }
0x5d: {  	s3 =	rddreg [dreg:$0x2];
	[bflag:$0x3] =	sbarrier.arrive $0xFFFF;
	s2 =	simm.s32 @!p0 $0x1C02  }
0x5e: {  	[timem:s3], [sflag:s2] =	dma.local @!p0 [hbm:s0], s1  }
0x5f: {  	s0 =	simm.s32 @!p0 $0x2  }
0x60: {  	_ =	swait.ge @!p0 [sflag:s0], s1  }
0x61: {  	s1 =	ssub.s32 @!p0 $0x0, s1;
	[sflag:s0] =	ssyncset.done @!p0 $0x0  }
0x62: {  	[sflag:s0] =	ssyncadd.s32 @!p0 s1  }
0x63: {  	[bflag:$0x3] =	sbarrier.arrive $0xFFFF  }
0x64: {  	_ =	shalt  }

// kernel: kernel.54.cloned.1.call-start
scs
__scs_entry_jumppad:
0x0: {  	(pc) =	sbr.rel $0x88, $3  }
0x1: {  	(tag) =	ssettag $0x0;
	lr =	simm.s32 $0x1  }
0x2: {  	[smem:$0x3F9D] =	sst lr;
	_ =	strace $0xD0000000  }
0x3: {  	_ = 	snop  }
0x4: {  	_ = 	snop  }
0x5: {  	_ = 	snop  }
0x6: {  	_ = 	snop  }
0x7: {  	_ = 	snop  }
__scs_overlays_trampoline_lowered:
0x8: {  	[smem:$0x3FAC] =	sst s0  }
0x9: {  	[smem:$0x3FAD] =	sst s1  }
0xa: {  	[smem:$0x3FAE] =	sst s2  }
0xb: {  	[smem:$0x3FAF] =	sst s3  }
0xc: {  	[smem:$0x3FB0] =	sst s4  }
0xd: {  	[smem:$0x3FB1] =	sst s5  }
0xe: {  	[smem:$0x3FB2] =	sst s6  }
0xf: {  	[smem:$0x3FB3] =	sst s7  }
0x10: {  	[smem:$0x3FB4] =	sst s8  }
0x11: {  	[smem:$0x3FB5] =	sst s9;
	s0 =	simm.s32 @!p0 $0x0  }
0x12: {  	s1 =	sld [smem:$0x3F9B];
	s0 =	simm.s32 @p0 $0x1  }
0x13: {  	[smem:$0x3FB6] =	sst s0;
	s0 =	simm.s32 @!p1 $0x0  }
0x14: {  	s2 =	sld [smem:$0x3F9A];
	s0 =	simm.s32 @p1 $0x1  }
0x15: {  	[smem:$0x3FB7] =	sst s0;
	s0 =	simm.s32 @!p2 $0x0  }
0x16: {  	s3 =	sld [smem:$0x3FDB];
	s0 =	simm.s32 @p2 $0x1  }
0x17: {  	s4 =	simm.s32 $0x1BF5;
	[smem:$0x3FB9] =	sst s0  }
0x18: {  	s0 =	sld [smem:$0x3F9C];
	_ =	swait.ge [sflag:s4], $0x0  }
0x19: {  	s7 =	sld [smem:$0x3F9D]  }
0x1a: {  	s8 =	sadd.s32 $0xFFFFE003, lr  }
0x1b: {  	s9 =	sadd.s32 $0xFFFFFEF7, lr;
	s5 =	simm.s32 $0xFFFFFFFF;
	p2 =	slt.u32 s8, $0xFFFFF086  }
0x1c: {  	p1 =	slt.u32 s9, $0xF7A;
	s5 =	simm.s32 @!p2 $0x0  }
0x1d: {  	s5 =	simm.s32 @p1 $0x1;
	p0 =	seq.s32 s7, s2  }
0x1e: {  	s7 =	smul.u32 @!p0 $0xF7A, s2;
	p2 =	seq.s32 @!p0 s5, $0x0  }
0x1f: {  	s9 =	smul.u32 $0xF7A, s1;
	s8 =	simm.s32 @!p0 $0x1BF5;
	p2 =	por !p2, p0  }
0x20: {  	[sflag:s8] =	ssyncset.s32 @!p0 $0xFFFFF086;
	s6 =	sadd.s32 @!p0 s3, s7;
	s7 =	simm.s32 @!p0 $0x108  }
0x21: {  	s3 =	sadd.s32 s3, s9;
	s6 =	sadd.s32 @!p0 $0x88, s6;
	s7 =	simm.s32 @p2 $0x1082  }
0x22: {  	[simem:s7], [sflag:s8] =	dma.local @!p0 [hbm:s6], $0xF7A  }
0x23: {  	s9 =	sor.u32 $0xD0000000, s2;
	s6 =	simm.s32 $0x108;
	_ =	swait.ge @!p0 [sflag:s8], $0x0  }
0x24: {  	s3 =	sadd.s32 $0x88, s3;
	s6 =	simm.s32 @!p1 $0x1082;
	[sflag:s4] =	ssyncset.s32 $0xFFFFF086  }
0x25: {  	[simem:s6], [sflag:s4] =	dma.local [hbm:s3], $0xF7A  }
0x26: {  	[smem:$0x3F9D] =	sst s1;
	(tag) =	ssettag s2;
	_ =	strace s9  }
0x27: {  	s1 =	sld [smem:$0x3FAD]  }
0x28: {  	s2 =	sld [smem:$0x3FAE]  }
0x29: {  	s4 =	sld [smem:$0x3FB0]  }
0x2a: {  	p0 =	seq.s32 s5, $0x0;
	s5 =	sld [smem:$0x3FB1]  }
0x2b: {  	s6 =	sld [smem:$0x3FB2]  }
0x2c: {  	s7 =	sld [smem:$0x3FB3]  }
0x2d: {  	s3 =	simm.s32 $0x108;
	s8 =	sld [smem:$0x3FB4]  }
0x2e: {  	s3 =	simm.s32 @!p0 $0x1082;
	s9 =	sld [smem:$0x3FB5]  }
0x2f: {  	lr =	sadd.s32 s0, s3;
	s0 =	sld [smem:$0x3FAC]  }
0x30: {  	s3 =	sld [smem:$0x3FAF]  }
0x31: {  	[smem:$0x3FB8] =	sst s10  }
0x32: {  	s10 =	sld [smem:$0x3FB6];
	_ =	sdelay $0x3  }
0x33: {  	p0 =	seq.s32 s10, $0x1;
	s10 =	sld [smem:$0x3FB8];
	_ =	sdelay $0x3  }
0x34: {  	[smem:$0x3FB8] =	sst s10  }
0x35: {  	s10 =	sld [smem:$0x3FB7];
	_ =	sdelay $0x3  }
0x36: {  	p1 =	seq.s32 s10, $0x1;
	s10 =	sld [smem:$0x3FB8];
	_ =	sdelay $0x3  }
0x37: {  	[smem:$0x3FB8] =	sst s10  }
0x38: {  	s10 =	sld [smem:$0x3FB9]  }
0x39: {  	_ = 	snop;
	(pc) =	sbr.ind lr, $3  }
0x3a: {  	_ = 	snop  }
0x3b: {  	_ = 	snop  }
0x3c: {  	p2 =	seq.s32 s10, $0x1;
	s10 =	sld [smem:$0x3FB8]  }
0x3d: {  	_ =	shalt  }
0x3e: {  	_ =	shalt  }
0x3f: {  	_ =	shalt  }
0x40: {  	_ =	shalt  }
0x41: {  	_ =	shalt  }
0x42: {  	_ =	shalt  }
0x43: {  	_ =	shalt  }
0x44: {  	_ =	shalt  }
0x45: {  	_ =	shalt  }
0x46: {  	_ =	shalt  }
0x47: {  	_ =	shalt  }
0x48: {  	_ =	shalt  }
0x49: {  	_ =	shalt  }
0x4a: {  	_ =	shalt  }
0x4b: {  	_ =	shalt  }
0x4c: {  	_ =	shalt  }
0x4d: {  	_ =	shalt  }
0x4e: {  	_ =	shalt  }
0x4f: {  	_ =	shalt  }
0x50: {  	_ =	shalt  }
0x51: {  	_ =	shalt  }
0x52: {  	_ =	shalt  }
0x53: {  	_ =	shalt  }
0x54: {  	_ =	shalt  }
0x55: {  	_ =	shalt  }
0x56: {  	_ =	shalt  }
0x57: {  	_ =	shalt  }
0x58: {  	_ =	shalt  }
0x59: {  	_ =	shalt  }
0x5a: {  	_ =	shalt  }
0x5b: {  	_ =	shalt  }
0x5c: {  	_ =	shalt  }
0x5d: {  	_ =	shalt  }
0x5e: {  	_ =	shalt  }
0x5f: {  	_ =	shalt  }
0x60: {  	_ =	shalt  }
0x61: {  	_ =	shalt  }
0x62: {  	_ =	shalt  }
0x63: {  	_ =	shalt  }
0x64: {  	_ =	shalt  }
0x65: {  	_ =	shalt  }
0x66: {  	_ =	shalt  }
0x67: {  	_ =	shalt  }
0x68: {  	_ =	shalt  }
0x69: {  	_ =	shalt  }
0x6a: {  	_ =	shalt  }
0x6b: {  	_ =	shalt  }
0x6c: {  	_ =	shalt  }
0x6d: {  	_ =	shalt  }
0x6e: {  	_ =	shalt  }
0x6f: {  	_ =	shalt  }
0x70: {  	_ =	shalt  }
0x71: {  	_ =	shalt  }
0x72: {  	_ =	shalt  }
0x73: {  	_ =	shalt  }
0x74: {  	_ =	shalt  }
0x75: {  	_ =	shalt  }
0x76: {  	_ =	shalt  }
0x77: {  	_ =	shalt  }
0x78: {  	_ =	shalt  }
0x79: {  	_ =	shalt  }
0x7a: {  	_ =	shalt  }
0x7b: {  	_ =	shalt  }
0x7c: {  	_ =	shalt  }
0x7d: {  	_ =	shalt  }
0x7e: {  	_ =	shalt  }
0x7f: {  	_ =	shalt  }
0x80: {  	_ =	shalt  }
0x81: {  	_ =	shalt  }
0x82: {  	_ =	shalt  }
0x83: {  	_ =	shalt  }
0x84: {  	_ =	shalt  }
0x85: {  	_ =	shalt  }
0x86: {  	_ =	shalt  }
0x87: {  	_ =	shalt  }
.Lfunc_end0:
.L_simem_size_0:
called_computation.10_lowered:
.L_overlay_start_0:
0x88: {  	s2 =	sld [smem:$0x3FD9]  }
0x89: {  	s3 =	sld [smem:$0x3FFE];
	_ =	sdelay $0x1  }
0x8a: {  	s1 =	srdreg.scid  }
0x8b: {  	s0 =	sand.u32 $0x1, s1  }
0x8c: {  	s17 =	sshll.u32 s0, $0xA;
	s2 =	sadd.s32 s3, s2  }
0x8d: {  	s2 =	sadd.s32 s2, s17  }
0x8e: {  	[smem:$0x3FC4] =	sst s2  }
0x8f: {  	_ = 	snop  }
0x90: {  	s2 =	sld [smem:$0x3FD0];
	(tm) =	ssettm $0x1  }
0x91: {  	s18 =	sld [smem:$0x3FFB];
	_ =	sdelay $0x3  }
0x92: {  	_ =	strace s18  }
0x93: {  	s3 =	sld [smem:$0x3FFC];
	_ =	sdelay $0x3  }
0x94: {  	_ =	strace s3  }
0x95: {  	s3 =	sld [smem:$0x3FFD];
	_ =	sdelay $0x3  }
0x96: {  	_ =	strace s3  }
0x97: {  	_ =	strace $0x8FFFFFFF  }
0x98: {  	s19 =	sld [smem:$0x3FDB];
	_ =	sdelay $0x1  }
0x99: {  	s4 =	simm.s32 $_scs_section_size  }
0x9a: {  	s5 =	simm.s32 $_size__tile_overlayer_lowered;
	s6 =	simm.s32 $_tile_overlayer_lowered  }
0x9b: {  	s22 =	simm.s32 $0x1BFF;
	s21 =	sshll.u32 s6, $0x1;
	s3 =	sadd.s32 s4, s19  }
0x9c: {  	s7 =	simm.s32 $0x0;
	s20 =	sshll.u32 s5, $0x1;
	s5 =	sadd.s32 s21, s3  }
0x9d: {  	[timem:s7], [sflag:s22] =	dma.local [hbm:s5], s20  }
0x9e: {  	_ =	swait.ge [sflag:s22], s20  }
0x9f: {  	s4 =	ssub.s32 $0x0, s20;
	[sflag:s22] =	ssyncset.done $0x0  }
0xa0: {  	[sflag:s22] =	ssyncadd.s32 s4;
	_ =	sdelay $0x1  }
0xa1: {  	s23 =	simm.s32 $0x1B8B  }
0xa2: {  	_ =	swait.ge [sflag:s23], $0x1  }
0xa3: {  	[sflag:s23] =	ssyncset.done $0x0  }
0xa4: {  	s25 =	simm.s32 $0x1B8E;
	s24 =	sld [smem:$0x3FFE];
	[sflag:s23] =	ssyncadd.s32 $0xFFFFFFFF  }
0xa5: {  	s26 =	simm.s32 $execute0_lowered;
	[smem:$0x3FD2] =	sst s25  }
0xa6: {  	s5 =	sshll.u32 s26, $0x1;
	_ =	strace $0x80000064;
	[dreg:$0x1] =	wrdreg $0xFFFFFFFF  }
0xa7: {  	s28 =	simm.s32 $_size_execute0_lowered;
	s3 =	sadd.s32 s3, s5;
	[dreg:$0x0] =	wrdreg $0x0  }
0xa8: {  	s5 =	sshll.u32 s28, $0x1;
	[dreg:$0x2] =	wrdreg s3  }
0xa9: {  	[dreg:$0x3] =	wrdreg s5  }
0xaa: {  	[dreg:$0x4] =	wrdreg $0xC0  }
0xab: {  	_ =	task [dreg:s7], $0x5FFFF  }
0xac: {  	[dreg:$0x1] =	wrdreg $0xFFFFFFFF  }
0xad: {  	[dreg:$0x0] =	wrdreg $0x60  }
0xae: {  	[dreg:$0x2] =	wrdreg s2  }
0xaf: {  	[dreg:$0x3] =	wrdreg s24  }
0xb0: {  	[dreg:$0x4] =	wrdreg $0x29000  }
0xb1: {  	[dreg:$0x5] =	wrdreg $0x9  }
0xb2: {  	_ =	task.clear_ibuf [dreg:s7], $0x6FFFF;
	_ =	strace $0x90000064  }
0xb3: {  	s29 =	simm.s32 $0x9;
	_ =	strace $0x80000066  }
0xb4: {  	_ =	swait.ge [sflag:s29], $0x1  }
0xb5: {  	[sflag:s29] =	ssyncadd.s32 $0xFFFFFFFF  }
0xb6: {  	_ =	strace $0x90000066  }
0xb7: {  	_ =	sfence  }
0xb8: {  	s30 =	sld [smem:$0x0];
	_ =	sdelay $0x2  }
0xb9: {  	s31 =	sshll.u32 s1, $0xD;
	s1 =	sshrl.u32 s1, $0x2  }
0xba: {  	s3 =	sand.u32 $0x4000, s31;
	s1 =	sadd.s32 s1, s30  }
0xbb: {  	s0 =	sor.u32 s3, s0;
	s1 =	sshll.u32 s1, $0x11  }
0xbc: {  	s0 =	sor.u32 s1, s0  }
0xbd: {  	s0 =	sadd.s32 $0x8F2B, s0  }
0xbe: {  	[sflag:s0] =	ssyncadd.remote.s32 $0x1  }
0xbf: {  	_ =	sfence.sel $0xFFFF  }
0xc0: {  	[dreg:$0x0] =	wrdreg $0xFFFFFFFF;
	(pc) =	sbr.abs _section_cstart, $3  }
0xc1: {  	[dreg:$0x1] =	wrdreg $0xFFFFFFFF  }
0xc2: {  	_ =	task.clear_ibuf [dreg:s7], $0x2FFFF;
	_ =	strace $0x9FFFFFFF  }
0xc3: {  	(tm) =	ssettm $0x7FFFFFFF  }
tec
execute0_lowered:
.L_overlay_start_1:
0x0: {  	(tag) =	ssettag $0x1  }
0x1: {  	s1 =	srdreg.scid;
	s0 =	rddreg [dreg:$0x0]  }
0x2: {  	s12 =	stileid.u32;
	s6 =	rddreg [dreg:$0x1]  }
0x3: {  	s2 =	rddreg [dreg:$0x2];
	s3 =	simm.s32 $0x0;
	s16 =	simm.s32 $0x50  }
0x4: {  	s17 =	simm.s32 $0x100;
	s18 =	simm.s32 $0x1;
	s5 =	smul.u32 $0x4E20, s12  }
0x5: {  	s4 =	sand.u32 $0x1, s1;
	s1 =	rddreg [dreg:$0x3];
	s25 =	smul.u32 $0x13800, s12  }
0x6: {  	s19 =	simm.s32 $0x0;
	[smem:$0x7FF] =	sst s3;
	s9 =	smul.u32 $0x4E000, s12  }
0x7: {  	s10 =	sadd.s32 $0x40800, s6;
	s30 =	sshll.u32 s12, $0x6;
	s15 =	sadd.s32 $0x138000, s2  }
0x8: {  	p0 =	sne.s32 s12, $0x0;
	s7 =	smul.u32 $0x2710, s4;
	_ =	strace $0x80000065  }
0x9: {  	s8 =	ssub.s32 $0x2, s4;
	s29 =	smul.u32 $0x138800, s4;
	s26 =	sshrl.u32 s25, $0x3  }
0xa: {  	s13 =	sshrl.u32 s8, $0x1;
	s28 =	sshrl.u32 s9, $0x2;
	s5 =	sadd.s32 s7, s5  }
0xb: {  	s13 =	ssub.s32 s8, s13;
	s14 =	sadd.s32 s28, s2;
	s7 =	sadd.s32 s25, s29  }
0xc: {  	s31 =	sshrl.u32 s29, $0x3;
	s5 =	sshrl.u32 s5, $0x3;
	s7 =	sshrl.u32 s7, $0x3  }
0xd: {  	s8 =	sadd.s32 s10, s31;
	s9 =	smax.u32 s13, $0x1;
	s12 =	sshrl.u32 s14, $0x3  }
0xe: {  	s13 =	simm.s32 $0x2;
	s14 =	sshrl.u32 @!p0 s15, $0x3;
	s15 =	simm.s32 $0x80  }
0xf: {  	s11 =	sadd.s32 s5, s6;
	s5 =	sadd.s32 s26, s6;
	s6 =	sadd.s32 $0x40600, s6  }
0x10: {  	s7 =	sadd.s32 s10, s7;
	s8 =	sadd.s32 $0x27000, s8;
	s4 =	sadd.s32 $0x19600, s5  }
0x11: {  	s5 =	sor.u32 $0x1C02, s30;
	s10 =	sadd.s32 $0x5A00, s11;
	s11 =	sadd.s32 $0xF800, s11  }
.LBB2_1:
0x12: {  	[spmem:s12], [sflag:s5] =	dma.local [hbm:s4], $0x2700  }
0x13: {  	_ =	swait.ge [sflag:s13], $0x2700  }
0x14: {  	[sflag:s13] =	ssyncset.done $0x0  }
0x15: {  	s20 =	simm.s32 @!p0 $0x2;
	[sflag:s13] =	ssyncadd.s32 $0xFFFFD900  }
0x16: {  	[spmem:s14], [sflag:s5] =	dma.local @!p0 [hbm:s6], $0x100  }
0x17: {  	_ =	swait.ge @!p0 [sflag:s20], $0x100  }
0x18: {  	[sflag:s20] =	ssyncset.done @!p0 $0x0  }
0x19: {  	[sflag:s20] =	ssyncadd.s32 @!p0 $0xFFFFFF00  }
0x1a: {  	s30 =	sadd.s32 $0x0, s11;
	[bflag:$0x0] =	sbarrier.arrive $0xFFFF  }
0x1b: {  	[tilespmem:s3], [sflag:$0x2] =	stream.linear.gather [hbm4b:s30+s3], $0x50, $0x38;
	[tilespmem:$0x16180] =	vst v63  }
0x1c: {  	_ =	swait.ge [sflag:s13], $0x50  }
0x1d: {  	[sflag:s13] =	ssyncset.done $0x0  }
0x1e: {  	s31 =	sadd.s32 $0x0, s10;
	[sflag:s13] =	ssyncadd.s32 $0xFFFFFFB0  }
0x1f: {  	[tilespmem:s15], [sflag:$0x2] =	stream.linear.gather [hbm4b:s31+s3], $0x50, $0x38;
	[tilespmem:$0x16180] =	vst v63  }
0x20: {  	_ =	swait.ge [sflag:s13], $0x50  }
0x21: {  	[sflag:s13] =	ssyncset.done $0x0  }
0x22: {  	[sflag:s13] =	ssyncadd.s32 $0xFFFFFFB0  }
0x23: {  	[tilespmem:s17], [sflag:$0x1] =	stream.indirect.gather [hbm4b:s0+s16], $0x80, s3, s16, $0xb8;
	[tilespmem:$0x16180] =	vst v63  }
0x24: {  	_ =	swait.ge [sflag:s18], $0x2800  }
0x25: {  	[sflag:s18] =	ssyncset.done $0x0  }
0x26: {  	[sflag:s18] =	ssyncadd.s32 $0xFFFFD800  }
0x27: {  	[spmem:s2] =	stream.indirect.scatter.add.f32 [tilespmem:s17], [sflag:$0x2], $0x80, s15, s16, $0xb8;
	[tilespmem:$0x16180] =	vst v63  }
0x28: {  	_ =	swait.ge [sflag:s13], $0x2800  }
0x29: {  	s21 =	simm.s32 $0x14;
	s20 =	simm.s32 $0xA;
	[sflag:s13] =	ssyncset.done $0x0  }
.LBB2_2:
0x2a: {  	s22 =	sadd.s32 s20, s11  }
0x2b: {  	[sflag:s13] =	ssyncadd.s32 $0xFFFFD800;
	s23 =	smov.u32 s21;
	s24 =	sadd.s32 $0xA, s21  }
0x2c: {  	[tilespmem:s3], [sflag:$0x2] =	stream.linear.gather [hbm4b:s22+s3], $0x50, $0x38;
	[tilespmem:$0x16180] =	vst v63  }
0x2d: {  	p1 =	sne.s32 s21, $0x4D8;
	_ =	swait.ge [sflag:s13], $0x50  }
0x2e: {  	[sflag:s13] =	ssyncset.done $0x0  }
0x2f: {  	s21 =	sadd.s32 s20, s10;
	s20 =	smov.u32 s23;
	[sflag:s13] =	ssyncadd.s32 $0xFFFFFFB0  }
0x30: {  	[tilespmem:s15], [sflag:$0x2] =	stream.linear.gather [hbm4b:s21+s3], $0x50, $0x38;
	[tilespmem:$0x16180] =	vst v63  }
0x31: {  	_ =	swait.ge [sflag:s13], $0x50  }
0x32: {  	[sflag:s13] =	ssyncset.done $0x0  }
0x33: {  	[sflag:s13] =	ssyncadd.s32 $0xFFFFFFB0  }
0x34: {  	[tilespmem:s17], [sflag:$0x1] =	stream.indirect.gather [hbm4b:s0+s16], $0x80, s3, s16, $0xb8;
	[tilespmem:$0x16180] =	vst v63  }
0x35: {  	_ =	swait.ge [sflag:s18], $0x2800  }
.Ltmp0:
0x36: {  	[sflag:s18] =	ssyncset.done $0x0;
	(pc) =	sbr.rel @p1 .LBB2_2-.Ltmp0, $4  }
0x37: {  	[sflag:s18] =	ssyncadd.s32 $0xFFFFD800  }
0x38: {  	[spmem:s2] =	stream.indirect.scatter.add.f32 [tilespmem:s17], [sflag:$0x2], $0x80, s15, s16, $0xb8;
	[tilespmem:$0x16180] =	vst v63  }
0x39: {  	_ =	swait.ge [sflag:s13], $0x2800  }
0x3a: {  	s21 =	smov.u32 s24;
	[sflag:s13] =	ssyncset.done $0x0  }
0x3b: {  	s21 =	sadd.s32 s20, s11;
	[sflag:s13] =	ssyncadd.s32 $0xFFFFD800  }
0x3c: {  	[tilespmem:s3], [sflag:$0x2] =	stream.linear.gather [hbm4b:s21+s3], $0x50, $0x38;
	[tilespmem:$0x16180] =	vst v63  }
0x3d: {  	_ =	swait.ge [sflag:s13], $0x50  }
0x3e: {  	[sflag:s13] =	ssyncset.done $0x0  }
0x3f: {  	s31 =	sadd.s32 s20, s10;
	[sflag:s13] =	ssyncadd.s32 $0xFFFFFFB0  }
0x40: {  	[tilespmem:s15], [sflag:$0x2] =	stream.linear.gather [hbm4b:s31+s3], $0x50, $0x38;
	[tilespmem:$0x16180] =	vst v63  }
0x41: {  	_ =	swait.ge [sflag:s13], $0x50  }
0x42: {  	[sflag:s13] =	ssyncset.done $0x0  }
0x43: {  	[sflag:s13] =	ssyncadd.s32 $0xFFFFFFB0  }
0x44: {  	[tilespmem:s17], [sflag:$0x1] =	stream.indirect.gather [hbm4b:s0+s16], $0x80, s3, s16, $0xb8;
	[tilespmem:$0x16180] =	vst v63  }
0x45: {  	_ =	swait.ge [sflag:s18], $0x2800  }
0x46: {  	[sflag:s18] =	ssyncset.done $0x0  }
0x47: {  	[sflag:s18] =	ssyncadd.s32 $0xFFFFD800  }
0x48: {  	[spmem:s2] =	stream.indirect.scatter.add.f32 [tilespmem:s17], [sflag:$0x2], $0x80, s15, s16, $0xb8;
	[tilespmem:$0x16180] =	vst v63  }
0x49: {  	_ =	swait.ge [sflag:s13], $0x2800  }
0x4a: {  	[sflag:s13] =	ssyncset.done $0x0  }
0x4b: {  	[sflag:s13] =	ssyncadd.s32 $0xFFFFD800  }
0x4c: {  	[bflag:$0x0] =	sbarrier.arrive $0xFFFF  }
0x4d: {  	[hbm:s7], [sflag:s5] =	dma.local [spmem:s12], $0x2700  }
0x4e: {  	s19 =	sadd.s32 $0x1, s19;
	_ =	swait.ge [sflag:s13], $0x2700  }
0x4f: {  	p1 =	sne.s32 s19, s9;
	[sflag:s13] =	ssyncset.done $0x0  }
.Ltmp1:
0x50: {  	s20 =	simm.s32 @!p0 $0x2;
	[sflag:s13] =	ssyncadd.s32 $0xFFFFD900;
	(pc) =	sbr.rel @p1 .LBB2_1-.Ltmp1, $4  }
0x51: {  	[hbm:s8], [sflag:s5] =	dma.local @!p0 [spmem:s14], $0x100  }
0x52: {  	_ =	swait.ge @!p0 [sflag:s20], $0x100  }
0x53: {  	[sflag:s20] =	ssyncset.done @!p0 $0x0  }
0x54: {  	[sflag:s20] =	ssyncadd.s32 @!p0 $0xFFFFFF00  }
0x55: {  	_ =	sfence.sel $0x180000  }
0x56: {  	[bflag:$0x0] =	sbarrier.arrive $0xFFFF  }
0x57: {  	_ =	strace $0x90000065  }
0x58: {  	s0 =	sadd.s32 @!p0 $0x100000, s1;
	[bflag:$0x2] =	sbarrier.arrive $0xFFFF  }
0x59: {  	[sflag:s0] =	ssyncadd.tile.s32 @!p0 $0x1;
	_ =	shalt  }
.Lfunc_end2:
_tile_overlayer_lowered:
.L_overlay_start_2:
0x5a: {  	(tag) =	ssettag $0x2  }
0x5b: {  	s0 =	rddreg [dreg:$0x0];
	s2 =	stileid.u32  }
0x5c: {  	s1 =	rddreg [dreg:$0x1];
	p0 =	sne.s32 s2, $0x0  }
0x5d: {  	s3 =	rddreg [dreg:$0x2];
	[bflag:$0x3] =	sbarrier.arrive $0xFFFF;
	s2 =	simm.s32 @!p0 $0x1C02  }
0x5e: {  	[timem:s3], [sflag:s2] =	dma.local @!p0 [hbm:s0], s1  }
0x5f: {  	s0 =	simm.s32 @!p0 $0x2  }
0x60: {  	_ =	swait.ge @!p0 [sflag:s0], s1  }
0x61: {  	s1 =	ssub.s32 @!p0 $0x0, s1;
	[sflag:s0] =	ssyncset.done @!p0 $0x0  }
0x62: {  	[sflag:s0] =	ssyncadd.s32 @!p0 s1  }
0x63: {  	[bflag:$0x3] =	sbarrier.arrive $0xFFFF  }
0x64: {  	_ =	shalt  }

</sc_bundles>
